<compile_context>
chip_gen: v7x
topology: tpu7x:2x2x1
jax: 0.10.2.dev20260603
libtpu: 0.0.44.dev20260713+nightly
codegen_flags: <defaults>
</compile_context>

<pallas_src>
import functools

import jax
import jax.numpy as jnp
from jax import lax
from jax.experimental import pallas as pl
from jax.experimental.pallas import tpu as pltpu
from jax.experimental.pallas import tpu_sc as plsc

B, L1, L2, D = 1024, 50, 20, 64
V_MED, V_UNITS = 100000, 100
NC, NS = 2, 16
NW = NC * NS
B_PER_W = B // NW
EPB = L1 * L2
EPB_PAD = 1024
GCHUNK = 128
NG = EPB_PAD // GCHUNK
L2P = 32


def _sc_body(b_per_w, pk_hbm, dose_hbm, med_tab_hbm, utab_hbm,
             out_hbm, pooled_hbm, *refs):
    B_PER_W = b_per_w
    (pk0, pk1, idx0, idx1, ub0, ub1, stag_d0, stag_d1,
     rows0, rows1, oacc0, oacc1,
     utab_v, pooled_v,
     sem_ids0, sem_ids1, sem_inp0, sem_inp1,
     sem_g0, sem_g1, sem_out0, sem_out1) = refs
    bufs = [
        dict(pk=pk0, idx=idx0, ub=ub0, stag_d=stag_d0,
             rows=rows0, oacc=oacc0, sem_ids=sem_ids0,
             sem_inp=sem_inp0, sem_g=sem_g0, sem_out=sem_out0),
        dict(pk=pk1, idx=idx1, ub=ub1, stag_d=stag_d1,
             rows=rows1, oacc=oacc1, sem_ids=sem_ids1,
             sem_inp=sem_inp1, sem_g=sem_g1, sem_out=sem_out1),
    ]
    wid = lax.axis_index("s") * NC + lax.axis_index("c")
    b0 = wid * B_PER_W
    col16 = lax.iota(jnp.int32, 16)
    col2 = col16 * 2
    zeros16 = jnp.zeros((16,), jnp.float32)
    zeros16i = jnp.zeros((16,), jnp.int32)
    himask = jnp.full((16,), -65536, jnp.int32)
    idmask = jnp.full((16,), 0x1FFFF, jnp.int32)
    ubmask = jnp.full((16,), 0x7F << 6, jnp.int32)
    cp = [[col16 + (32 * c + 16 * p) for p in range(2)] for c in range(2)]

    def unpack(bf):
        @pl.loop(0, EPB_PAD // 16)
        def _u(w):
            p = bf["pk"][pl.ds(w * 16, 16)]
            bf["idx"][pl.ds(w * 16, 16)] = p & idmask
            bf["ub"][pl.ds(w * 16, 16)] = (
                lax.shift_right_logical(p, 11) & ubmask)
        bf["idx"][pl.ds(EPB, 16)] = zeros16i
        bf["idx"][pl.ds(EPB + 8, 16)] = zeros16i

    pltpu.sync_copy(utab_hbm, utab_v)
    d_ids0 = pltpu.async_copy(pk_hbm.at[pl.ds(b0 * EPB, EPB)],
                              pk0.at[pl.ds(0, EPB)], sem_ids0)
    pltpu.async_copy(pk_hbm.at[pl.ds((b0 + 1) * EPB, EPB)],
                     pk1.at[pl.ds(0, EPB)], sem_ids1)
    d_ids0.wait()
    unpack(bufs[0])
    for j in range(NG):
        pltpu.async_copy(
            med_tab_hbm.at[idx0.at[pl.ds(j * GCHUNK, GCHUNK)]],
            rows0.at[pl.ds(j * GCHUNK, GCHUNK)], sem_g0)
    pltpu.async_copy(dose_hbm.at[pl.ds(b0 * EPB, EPB)],
                     stag_d0.at[pl.ds(0, EPB)], sem_inp0)
    pltpu.async_copy(oacc0, out_hbm.at[pl.ds(b0 * L1 * D, L1 * D)],
                     sem_out0)
    pltpu.async_copy(oacc1, out_hbm.at[pl.ds((b0 + 1) * L1 * D, L1 * D)],
                     sem_out1)

    def stage(lb, cur, nxt):
        b = b0 + lb
        @pl.when(lb + 1 < B_PER_W)
        def _prefetch():
            bn = b + 1
            pltpu.make_async_copy(
                pk_hbm.at[pl.ds(bn * EPB, EPB)],
                nxt["pk"].at[pl.ds(0, EPB)], nxt["sem_ids"]).wait()
            unpack(nxt)
            for j in range(NG):
                pltpu.async_copy(
                    med_tab_hbm.at[nxt["idx"].at[pl.ds(j * GCHUNK, GCHUNK)]],
                    nxt["rows"].at[pl.ds(j * GCHUNK, GCHUNK)], nxt["sem_g"])
            pltpu.async_copy(dose_hbm.at[pl.ds(bn * EPB, EPB)],
                             nxt["stag_d"].at[pl.ds(0, EPB)], nxt["sem_inp"])

        pltpu.make_async_copy(dose_hbm.at[pl.ds(b * EPB, EPB)],
                              cur["stag_d"].at[pl.ds(0, EPB)],
                              cur["sem_inp"]).wait()

        for j in range(NG):
            pltpu.make_async_copy(
                med_tab_hbm.at[cur["idx"].at[pl.ds(j * GCHUNK, GCHUNK)]],
                cur["rows"].at[pl.ds(j * GCHUNK, GCHUNK)], cur["sem_g"]).wait()
        pltpu.make_async_copy(
            cur["oacc"], out_hbm.at[pl.ds(b * L1 * D, L1 * D)],
            cur["sem_out"]).wait()

        def l1_body(l1, pooled):
            acc = [zeros16, zeros16, zeros16, zeros16]
            for l2 in range(L2):
                k = l1 * L2 + l2
                eli = jnp.full((16,), k, jnp.int32)
                dvec = plsc.load_gather(cur["stag_d"], [eli])
                ubase = plsc.load_gather(cur["ub"], [eli])
                for c in range(2):
                    v = plsc.bitcast(cur["rows"][k, pl.ds(32 * c, 32)],
                                     jnp.int32)
                    m_e = plsc.bitcast(lax.shift_left(v, 16), jnp.float32)
                    m_o = plsc.bitcast(v & himask, jnp.float32)
                    u_e = plsc.load_gather(utab_v, [ubase + cp[c][0]])
                    u_o = plsc.load_gather(utab_v, [ubase + cp[c][1]])
                    acc[2 * c] = acc[2 * c] + m_e * u_e * dvec
                    acc[2 * c + 1] = acc[2 * c + 1] + m_o * u_o * dvec
            base = l1 * D
            for c in range(2):
                for par in range(2):
                    plsc.store_scatter(
                        cur["oacc"],
                        [jnp.full((16,), base + 32 * c + par, jnp.int32)
                         + col2],
                        acc[2 * c + par])
            return [pooled[i] + acc[i] for i in range(4)]

        pooled = lax.fori_loop(0, L1, l1_body,
                               [zeros16, zeros16, zeros16, zeros16])
        pbase = lb * D
        for c in range(2):
            for par in range(2):
                plsc.store_scatter(
                    pooled_v,
                    [jnp.full((16,), pbase + 32 * c + par, jnp.int32) + col2],
                    pooled[2 * c + par])

        pltpu.async_copy(cur["oacc"],
                         out_hbm.at[pl.ds(b * L1 * D, L1 * D)],
                         cur["sem_out"])

        @pl.when(lb + 2 < B_PER_W)
        def _ids_next():
            pltpu.async_copy(pk_hbm.at[pl.ds((b + 2) * EPB, EPB)],
                             cur["pk"].at[pl.ds(0, EPB)], cur["sem_ids"])

    @pl.loop(0, B_PER_W // 2)
    def _pair_loop(t):
        stage(2 * t, bufs[0], bufs[1])
        stage(2 * t + 1, bufs[1], bufs[0])

    for par, bf in enumerate(bufs):
        pltpu.make_async_copy(
            bf["oacc"],
            out_hbm.at[pl.ds((b0 + B_PER_W - 2 + par) * L1 * D, L1 * D)],
            bf["sem_out"]).wait()
    pltpu.sync_copy(pooled_v,
                    pooled_hbm.at[pl.ds(wid * B_PER_W * D, B_PER_W * D)])


def _head_body(pooled_ref, w_ref, b_ref, out_ref):
    logits = jnp.dot(pooled_ref[...], w_ref[...].T,
                     preferred_element_type=jnp.float32) + b_ref[0, 0]
    out_ref[...] = jax.nn.sigmoid(logits)


_HEAD_PAD = 8


_NSPLIT = 1


def kernel(medication_ids, dose, units, med_table, units_table, W, b):
    med_bf16 = med_table.astype(jnp.bfloat16)
    utab_de = (units_table.reshape(V_UNITS + 1, 2, 16, 2)
               .transpose(0, 1, 3, 2).reshape((V_UNITS + 1) * D))

    BS = B // _NSPLIT
    sc = pl.kernel(
        functools.partial(_sc_body, BS // NW),
        out_type=[
            jax.ShapeDtypeStruct((BS * L1 * D,), jnp.float32),
            jax.ShapeDtypeStruct((BS * D,), jnp.float32),
        ],
        mesh=plsc.VectorSubcoreMesh(core_axis_name="c", subcore_axis_name="s"),
        compiler_params=pltpu.CompilerParams(use_tc_tiling_on_sc=False,
                                             needs_layout_passes=False),
        scratch_types=[
            pltpu.VMEM((EPB_PAD,), jnp.int32),
            pltpu.VMEM((EPB_PAD,), jnp.int32),
            pltpu.VMEM((EPB_PAD,), jnp.int32),
            pltpu.VMEM((EPB_PAD,), jnp.int32),
            pltpu.VMEM((EPB_PAD,), jnp.int32),
            pltpu.VMEM((EPB_PAD,), jnp.int32),
            pltpu.VMEM((EPB_PAD,), jnp.float32),
            pltpu.VMEM((EPB_PAD,), jnp.float32),
            pltpu.VMEM((EPB_PAD, D), jnp.bfloat16),
            pltpu.VMEM((EPB_PAD, D), jnp.bfloat16),
            pltpu.VMEM((L1 * D,), jnp.float32),
            pltpu.VMEM((L1 * D,), jnp.float32),
            pltpu.VMEM(((V_UNITS + 1) * D,), jnp.float32),
            pltpu.VMEM(((BS // NW) * D,), jnp.float32),
            pltpu.SemaphoreType.DMA,
            pltpu.SemaphoreType.DMA,
            pltpu.SemaphoreType.DMA,
            pltpu.SemaphoreType.DMA,
            pltpu.SemaphoreType.DMA,
            pltpu.SemaphoreType.DMA,
            pltpu.SemaphoreType.DMA,
            pltpu.SemaphoreType.DMA,
        ],
    )
    outs, pooleds = [], []
    for s in range(_NSPLIT):
        sl = slice(s * BS, (s + 1) * BS)
        pk_s = (medication_ids[sl].astype(jnp.int32)
                | (units[sl].astype(jnp.int32) << 17)).reshape(BS * L1 * L2)
        dose_s = dose[sl].reshape(BS * L1 * L2)
        out_s, pooled_s = sc(pk_s, dose_s, med_bf16, utab_de)
        outs.append(out_s.reshape(BS, L1, D))
        pooleds.append(pooled_s.reshape(BS, D))

    out_full = jnp.concatenate(outs, axis=0)
    pooled = jnp.concatenate(pooleds, axis=0)
    w_pad = jnp.pad(W, ((0, _HEAD_PAD - 1), (0, 0)))
    outcome = pl.pallas_call(
        _head_body,
        out_shape=jax.ShapeDtypeStruct((B, _HEAD_PAD), jnp.float32),
    )(pooled, w_pad, b.reshape(1, 1))

    return out_full, outcome[:, :1]

# --- scband reference (transcript-rebuilt; emitter-appended) ---
"""Pipeline reference for scband-med-embedding-12652973654540 (READ-ONLY COPY).

The authoritative reference and input builder live on the scoring server;
editing this copy changes nothing except your own understanding.
"""

import jax, jax.numpy as jnp
import numpy as np

B, L1, L2 = 1024, 50, 20
V_MED, V_UNITS, D = 100000, 100, 64

def setup_inputs(seed: int = 0) -> dict:
    key = jax.random.key(seed)
    ks = jax.random.split(key, 7)
    medication_ids = jax.random.randint(ks[0], (B, L1, L2), 0, V_MED + 1, dtype=jnp.int64 if jax.config.jax_enable_x64 else jnp.int32)
    units = jax.random.randint(ks[1], (B, L1, L2), 0, V_UNITS + 1, dtype=jnp.int64 if jax.config.jax_enable_x64 else jnp.int32)
    dose = jax.random.uniform(ks[2], (B, L1, L2), dtype=jnp.float32)
    med_table = jax.random.normal(ks[3], (V_MED + 1, D), dtype=jnp.float32) * 0.02
    med_table = med_table.at[0].set(0.0)  # padding_idx=0
    units_table = jax.random.normal(ks[4], (V_UNITS + 1, D), dtype=jnp.float32) * 0.02
    units_table = units_table.at[0].set(0.0)  # padding_idx=0
    W = jax.random.normal(ks[5], (1, D), dtype=jnp.float32) * (1.0 / np.sqrt(D))
    b = jnp.zeros((1,), dtype=jnp.float32)
    return {"medication_ids": medication_ids, "dose": dose, "units": units,
            "med_table": med_table, "units_table": units_table, "W": W, "b": b}

def reference(medication_ids, dose, units, med_table, units_table, W, b):
    units_embedding = jnp.take(units_table, units, axis=0)          # [B, L1, L2, D]
    med_ids_temp_embedding = jnp.take(med_table, medication_ids, axis=0)  # [B, L1, L2, D]
    med_combined_embed = units_embedding * dose[..., None] * med_ids_temp_embedding
    med_combined_embed = jnp.sum(med_combined_embed, axis=2)        # [B, L1, D]
    pooled = jnp.sum(med_combined_embed, axis=1)                    # [B, D]
    outcome_pred = jax.nn.sigmoid(pooled @ W.T + b)                 # [B, 1]
    return med_combined_embed, outcome_pred

if __name__ == "__main__":
    import jax
    _d = setup_inputs()
    print(jax.jit(kernel)(*tuple(_d.values())))

</pallas_src>

<mosaic_0001>
#map = affine_map<(d0, d1) -> (0)>
#map1 = affine_map<(d0, d1) -> (0, 0)>
module attributes {stable_mosaic.version = 14 : i64} {
  func.func @_sc_body(%arg0: i32, %arg1: i32, %arg2: memref<1024000xi32, #tpu.memory_space<hbm>>, %arg3: memref<1024000xf32, #tpu.memory_space<hbm>>, %arg4: memref<100001x64xbf16, #tpu.memory_space<hbm>>, %arg5: memref<6464xf32, #tpu.memory_space<hbm>>, %arg6: memref<3276800xf32, #tpu.memory_space<hbm>>, %arg7: memref<65536xf32, #tpu.memory_space<hbm>>, %arg8: memref<1024xi32, #tpu.memory_space<vmem>>, %arg9: memref<1024xi32, #tpu.memory_space<vmem>>, %arg10: memref<1024xi32, #tpu.memory_space<vmem>>, %arg11: memref<1024xi32, #tpu.memory_space<vmem>>, %arg12: memref<1024xi32, #tpu.memory_space<vmem>>, %arg13: memref<1024xi32, #tpu.memory_space<vmem>>, %arg14: memref<1024xf32, #tpu.memory_space<vmem>>, %arg15: memref<1024xf32, #tpu.memory_space<vmem>>, %arg16: memref<1024x64xbf16, #tpu.memory_space<vmem>>, %arg17: memref<1024x64xbf16, #tpu.memory_space<vmem>>, %arg18: memref<3200xf32, #tpu.memory_space<vmem>>, %arg19: memref<3200xf32, #tpu.memory_space<vmem>>, %arg20: memref<6464xf32, #tpu.memory_space<vmem>>, %arg21: memref<2048xf32, #tpu.memory_space<vmem>>, %arg22: memref<!tpu.dma_semaphore, #tpu.memory_space<semaphore_mem>>, %arg23: memref<!tpu.dma_semaphore, #tpu.memory_space<semaphore_mem>>, %arg24: memref<!tpu.dma_semaphore, #tpu.memory_space<semaphore_mem>>, %arg25: memref<!tpu.dma_semaphore, #tpu.memory_space<semaphore_mem>>, %arg26: memref<!tpu.dma_semaphore, #tpu.memory_space<semaphore_mem>>, %arg27: memref<!tpu.dma_semaphore, #tpu.memory_space<semaphore_mem>>, %arg28: memref<!tpu.dma_semaphore, #tpu.memory_space<semaphore_mem>>, %arg29: memref<!tpu.dma_semaphore, #tpu.memory_space<semaphore_mem>>) attributes {dimension_semantics = [#tpu.dimension_semantics<core_parallel>, #tpu.dimension_semantics<subcore_parallel>], iteration_bounds = array<i64: 2, 16>, scalar_prefetch = 0 : i64, scratch_operands = 22 : i64, tpu.core_type = #tpu.core_type<sc_vector_subcore>, window_params = [{transform_indices = #map}, {transform_indices = #map}, {transform_indices = #map1}, {transform_indices = #map}, {transform_indices = #map}, {transform_indices = #map}]} {
    %mul3A = arith.constant 2 : i32
    %mul3A_0 = arith.muli %arg1, %mul3A : i32
    %add3A = arith.addi %mul3A_0, %arg0 : i32
    %mul3A_1 = arith.constant 32 : i32
    %mul3A_2 = arith.muli %add3A, %mul3A_1 : i32
    %iota3A = tpu.iota {dimensions = array<i32: 0>} : vector<16xi32>
    %mul3A_3 = arith.constant 2 : i32
    %mul3A_4 = vector.broadcast %mul3A_3 : i32 to vector<16xi32>
    %mul3A_5 = arith.muli %iota3A, %mul3A_4 : vector<16xi32>
    %broadcast_in_dim3A = arith.constant 0.000000e+00 : f32
    %broadcast_in_dim3A_6 = vector.broadcast %broadcast_in_dim3A : f32 to vector<16xf32>
    %broadcast_in_dim3A_7 = arith.constant 0 : i32
    %broadcast_in_dim3A_8 = vector.broadcast %broadcast_in_dim3A_7 : i32 to vector<16xi32>
    %broadcast_in_dim3A_9 = arith.constant -65536 : i32
    %broadcast_in_dim3A_10 = vector.broadcast %broadcast_in_dim3A_9 : i32 to vector<16xi32>
    %broadcast_in_dim3A_11 = arith.constant 131071 : i32
    %broadcast_in_dim3A_12 = vector.broadcast %broadcast_in_dim3A_11 : i32 to vector<16xi32>
    %broadcast_in_dim3A_13 = arith.constant 8128 : i32
    %broadcast_in_dim3A_14 = vector.broadcast %broadcast_in_dim3A_13 : i32 to vector<16xi32>
    %add3A_15 = arith.constant 0 : i32
    %add3A_16 = vector.broadcast %add3A_15 : i32 to vector<16xi32>
    %add3A_17 = arith.addi %iota3A, %add3A_16 : vector<16xi32>
    %add3A_18 = arith.constant 16 : i32
    %add3A_19 = vector.broadcast %add3A_18 : i32 to vector<16xi32>
    %add3A_20 = arith.addi %iota3A, %add3A_19 : vector<16xi32>
    %add3A_21 = arith.constant 32 : i32
    %add3A_22 = vector.broadcast %add3A_21 : i32 to vector<16xi32>
    %add3A_23 = arith.addi %iota3A, %add3A_22 : vector<16xi32>
    %add3A_24 = arith.constant 48 : i32
    %add3A_25 = vector.broadcast %add3A_24 : i32 to vector<16xi32>
    %add3A_26 = arith.addi %iota3A, %add3A_25 : vector<16xi32>
    "tpu.region"() ({
      %run_scoped3A = tpu.sem_alloc : memref<!tpu.dma_semaphore, #tpu.memory_space<semaphore_mem>>
      tpu.enqueue_dma source(%arg5 : memref<6464xf32, #tpu.memory_space<hbm>>) target(%arg20 : memref<6464xf32, #tpu.memory_space<vmem>>) target_semaphore(%run_scoped3A : memref<!tpu.dma_semaphore, #tpu.memory_space<semaphore_mem>>)
      tpu.wait_dma2 semaphore(%run_scoped3A : memref<!tpu.dma_semaphore, #tpu.memory_space<semaphore_mem>>) src(%arg5 : memref<6464xf32, #tpu.memory_space<hbm>>) dst(%arg20 : memref<6464xf32, #tpu.memory_space<vmem>>)
      tpu.yield
    }) : () -> ()
    %mul3A_27 = arith.constant 1000 : i32
    %mul3A_28 = arith.muli %mul3A_2, %mul3A_27 : i32
    %dma_start3A = arith.constant 0 : i32
    %dma_start3A_29 = tpu.memref_slice %arg8[%dma_start3A] : memref<1024xi32, #tpu.memory_space<vmem>> -> memref<1000xi32, #tpu.memory_space<vmem>>
    %dma_start3A_30 = tpu.memref_slice %arg2[%mul3A_28] : memref<1024000xi32, #tpu.memory_space<hbm>> -> memref<1000xi32, #tpu.memory_space<hbm>>
    %dma_start3A_31 = arith.constant 0 : i32
    %dma_start3A_32 = tpu.memref_slice %arg8[%dma_start3A_31] : memref<1024xi32, #tpu.memory_space<vmem>> -> memref<1000xi32, #tpu.memory_space<vmem>>
    %dma_start3A_33 = tpu.memref_slice %arg2[%mul3A_28] : memref<1024000xi32, #tpu.memory_space<hbm>> -> memref<1000xi32, #tpu.memory_space<hbm>>
    tpu.enqueue_dma source(%dma_start3A_33 : memref<1000xi32, #tpu.memory_space<hbm>>) target(%dma_start3A_32 : memref<1000xi32, #tpu.memory_space<vmem>>) target_semaphore(%arg22 : memref<!tpu.dma_semaphore, #tpu.memory_space<semaphore_mem>>)
    %add3A_34 = arith.constant 1 : i32
    %add3A_35 = arith.addi %mul3A_2, %add3A_34 : i32
    %mul3A_36 = arith.constant 1000 : i32
    %mul3A_37 = arith.muli %add3A_35, %mul3A_36 : i32
    %dma_start3A_38 = arith.constant 0 : i32
    %dma_start3A_39 = tpu.memref_slice %arg9[%dma_start3A_38] : memref<1024xi32, #tpu.memory_space<vmem>> -> memref<1000xi32, #tpu.memory_space<vmem>>
    %dma_start3A_40 = tpu.memref_slice %arg2[%mul3A_37] : memref<1024000xi32, #tpu.memory_space<hbm>> -> memref<1000xi32, #tpu.memory_space<hbm>>
    %dma_start3A_41 = arith.constant 0 : i32
    %dma_start3A_42 = tpu.memref_slice %arg9[%dma_start3A_41] : memref<1024xi32, #tpu.memory_space<vmem>> -> memref<1000xi32, #tpu.memory_space<vmem>>
    %dma_start3A_43 = tpu.memref_slice %arg2[%mul3A_37] : memref<1024000xi32, #tpu.memory_space<hbm>> -> memref<1000xi32, #tpu.memory_space<hbm>>
    tpu.enqueue_dma source(%dma_start3A_43 : memref<1000xi32, #tpu.memory_space<hbm>>) target(%dma_start3A_42 : memref<1000xi32, #tpu.memory_space<vmem>>) target_semaphore(%arg23 : memref<!tpu.dma_semaphore, #tpu.memory_space<semaphore_mem>>)
    %dma_wait3A = arith.constant 0 : i32
    %dma_wait3A_44 = tpu.memref_slice %arg8[%dma_wait3A] : memref<1024xi32, #tpu.memory_space<vmem>> -> memref<1000xi32, #tpu.memory_space<vmem>>
    %dma_wait3A_45 = tpu.memref_slice %arg2[%mul3A_28] : memref<1024000xi32, #tpu.memory_space<hbm>> -> memref<1000xi32, #tpu.memory_space<hbm>>
    %dma_wait3A_46 = arith.constant 0 : i32
    %dma_wait3A_47 = tpu.memref_slice %arg8[%dma_wait3A_46] : memref<1024xi32, #tpu.memory_space<vmem>> -> memref<1000xi32, #tpu.memory_space<vmem>>
    %dma_wait3A_48 = tpu.memref_slice %arg2[%mul3A_28] : memref<1024000xi32, #tpu.memory_space<hbm>> -> memref<1000xi32, #tpu.memory_space<hbm>>
    tpu.wait_dma2 semaphore(%arg22 : memref<!tpu.dma_semaphore, #tpu.memory_space<semaphore_mem>>) src(%dma_wait3A_48 : memref<1000xi32, #tpu.memory_space<hbm>>) dst(%dma_wait3A_47 : memref<1000xi32, #tpu.memory_space<vmem>>)
    %scan3A = arith.constant 0 : i32
    %scan3A_49 = arith.constant 64 : i32
    %scan3A_50 = arith.addi %scan3A, %scan3A_49 : i32
    %scan3A_51 = arith.constant 1 : i32
    scf.for %scan3A_174 = %scan3A to %scan3A_50 step %scan3A_51  : i32 {
      %mul3A_175 = arith.constant 1 : i32
      %mul3A_176 = arith.muli %scan3A_174, %mul3A_175 : i32
      %add3A_177 = arith.constant 0 : i32
      %add3A_178 = arith.addi %add3A_177, %mul3A_176 : i32
      %mul3A_179 = arith.constant 16 : i32
      %mul3A_180 = arith.muli %add3A_178, %mul3A_179 : i32
      %get3A = arith.index_cast %mul3A_180 : i32 to index
      %get3A_181 = tpu.vector_load %arg8[%get3A] {strides = array<i32>} : memref<1024xi32, #tpu.memory_space<vmem>>, vector<16xi32>,
      %and3A = arith.andi %get3A_181, %broadcast_in_dim3A_12 : vector<16xi32>
      %mul3A_182 = arith.constant 16 : i32
      %mul3A_183 = arith.muli %add3A_178, %mul3A_182 : i32
      %swap3A_184 = arith.index_cast %mul3A_183 : i32 to index
      %swap3A_185 = tpu.vector_load %arg10[%swap3A_184] {strides = array<i32>} : memref<1024xi32, #tpu.memory_space<vmem>>, vector<16xi32>,
      tpu.vector_store %arg10[%swap3A_184], %and3A {strides = array<i32>} : memref<1024xi32, #tpu.memory_space<vmem>>, vector<16xi32>,
      %shift_right_logical3A = arith.constant 11 : i32
      %shift_right_logical3A_186 = vector.broadcast %shift_right_logical3A : i32 to vector<16xi32>
      %shift_right_logical3A_187 = arith.shrui %get3A_181, %shift_right_logical3A_186 : vector<16xi32>
      %and3A_188 = arith.andi %shift_right_logical3A_187, %broadcast_in_dim3A_14 : vector<16xi32>
      %mul3A_189 = arith.constant 16 : i32
      %mul3A_190 = arith.muli %add3A_178, %mul3A_189 : i32
      %swap3A_191 = arith.index_cast %mul3A_190 : i32 to index
      %swap3A_192 = tpu.vector_load %arg12[%swap3A_191] {strides = array<i32>} : memref<1024xi32, #tpu.memory_space<vmem>>, vector<16xi32>,
      tpu.vector_store %arg12[%swap3A_191], %and3A_188 {strides = array<i32>} : memref<1024xi32, #tpu.memory_space<vmem>>, vector<16xi32>,
    }
    %scan3A_52 = arith.constant 64 : i32
    %swap3A = arith.constant 1000 : index
    %swap3A_53 = tpu.vector_load %arg10[%swap3A] {strides = array<i32>} : memref<1024xi32, #tpu.memory_space<vmem>>, vector<16xi32>,
    tpu.vector_store %arg10[%swap3A], %broadcast_in_dim3A_8 {strides = array<i32>} : memref<1024xi32, #tpu.memory_space<vmem>>, vector<16xi32>,
    %swap3A_54 = arith.constant 1008 : index
    %swap3A_55 = tpu.vector_load %arg10[%swap3A_54] {strides = array<i32>} : memref<1024xi32, #tpu.memory_space<vmem>>, vector<16xi32>,
    tpu.vector_store %arg10[%swap3A_54], %broadcast_in_dim3A_8 {strides = array<i32>} : memref<1024xi32, #tpu.memory_space<vmem>>, vector<16xi32>,
    %dma_start3A_56 = arith.constant 0 : i32
    %dma_start3A_57 = arith.constant 0 : i32
    %dma_start3A_58 = tpu.memref_slice %arg16[%dma_start3A_56, %dma_start3A_57] : memref<1024x64xbf16, #tpu.memory_space<vmem>> -> memref<128x64xbf16, #tpu.memory_space<vmem>>
    %dma_start3A_59 = arith.constant 0 : i32
    %dma_start3A_60 = tpu.memref_slice %arg10[%dma_start3A_59] : memref<1024xi32, #tpu.memory_space<vmem>> -> memref<128xi32, #tpu.memory_space<vmem>>
    %dma_start3A_61 = arith.constant 0 : i32
    %dma_start3A_62 = arith.constant 0 : i32
    %dma_start3A_63 = tpu.memref_slice %arg4[%dma_start3A_61, %dma_start3A_62] : memref<100001x64xbf16, #tpu.memory_space<hbm>> -> memref<100001x64xbf16, #tpu.memory_space<hbm>>
    tpu.enqueue_indirect_dma source(%dma_start3A_63 : memref<100001x64xbf16, #tpu.memory_space<hbm>>) target(%dma_start3A_58 : memref<128x64xbf16, #tpu.memory_space<vmem>>) offsets(%dma_start3A_60 : memref<128xi32, #tpu.memory_space<vmem>>) semaphore(%arg26 : memref<!tpu.dma_semaphore, #tpu.memory_space<semaphore_mem>>)
    %dma_start3A_64 = arith.constant 128 : i32
    %dma_start3A_65 = arith.constant 0 : i32
    %dma_start3A_66 = tpu.memref_slice %arg16[%dma_start3A_64, %dma_start3A_65] : memref<1024x64xbf16, #tpu.memory_space<vmem>> -> memref<128x64xbf16, #tpu.memory_space<vmem>>
    %dma_start3A_67 = arith.constant 128 : i32
    %dma_start3A_68 = tpu.memref_slice %arg10[%dma_start3A_67] : memref<1024xi32, #tpu.memory_space<vmem>> -> memref<128xi32, #tpu.memory_space<vmem>>
    %dma_start3A_69 = arith.constant 0 : i32
    %dma_start3A_70 = arith.constant 0 : i32
    %dma_start3A_71 = tpu.memref_slice %arg4[%dma_start3A_69, %dma_start3A_70] : memref<100001x64xbf16, #tpu.memory_space<hbm>> -> memref<100001x64xbf16, #tpu.memory_space<hbm>>
    tpu.enqueue_indirect_dma source(%dma_start3A_71 : memref<100001x64xbf16, #tpu.memory_space<hbm>>) target(%dma_start3A_66 : memref<128x64xbf16, #tpu.memory_space<vmem>>) offsets(%dma_start3A_68 : memref<128xi32, #tpu.memory_space<vmem>>) semaphore(%arg26 : memref<!tpu.dma_semaphore, #tpu.memory_space<semaphore_mem>>)
    %dma_start3A_72 = arith.constant 256 : i32
    %dma_start3A_73 = arith.constant 0 : i32
    %dma_start3A_74 = tpu.memref_slice %arg16[%dma_start3A_72, %dma_start3A_73] : memref<1024x64xbf16, #tpu.memory_space<vmem>> -> memref<128x64xbf16, #tpu.memory_space<vmem>>
    %dma_start3A_75 = arith.constant 256 : i32
    %dma_start3A_76 = tpu.memref_slice %arg10[%dma_start3A_75] : memref<1024xi32, #tpu.memory_space<vmem>> -> memref<128xi32, #tpu.memory_space<vmem>>
    %dma_start3A_77 = arith.constant 0 : i32
    %dma_start3A_78 = arith.constant 0 : i32
    %dma_start3A_79 = tpu.memref_slice %arg4[%dma_start3A_77, %dma_start3A_78] : memref<100001x64xbf16, #tpu.memory_space<hbm>> -> memref<100001x64xbf16, #tpu.memory_space<hbm>>
    tpu.enqueue_indirect_dma source(%dma_start3A_79 : memref<100001x64xbf16, #tpu.memory_space<hbm>>) target(%dma_start3A_74 : memref<128x64xbf16, #tpu.memory_space<vmem>>) offsets(%dma_start3A_76 : memref<128xi32, #tpu.memory_space<vmem>>) semaphore(%arg26 : memref<!tpu.dma_semaphore, #tpu.memory_space<semaphore_mem>>)
    %dma_start3A_80 = arith.constant 384 : i32
    %dma_start3A_81 = arith.constant 0 : i32
    %dma_start3A_82 = tpu.memref_slice %arg16[%dma_start3A_80, %dma_start3A_81] : memref<1024x64xbf16, #tpu.memory_space<vmem>> -> memref<128x64xbf16, #tpu.memory_space<vmem>>
    %dma_start3A_83 = arith.constant 384 : i32
    %dma_start3A_84 = tpu.memref_slice %arg10[%dma_start3A_83] : memref<1024xi32, #tpu.memory_space<vmem>> -> memref<128xi32, #tpu.memory_space<vmem>>
    %dma_start3A_85 = arith.constant 0 : i32
    %dma_start3A_86 = arith.constant 0 : i32
    %dma_start3A_87 = tpu.memref_slice %arg4[%dma_start3A_85, %dma_start3A_86] : memref<100001x64xbf16, #tpu.memory_space<hbm>> -> memref<100001x64xbf16, #tpu.memory_space<hbm>>
    tpu.enqueue_indirect_dma source(%dma_start3A_87 : memref<100001x64xbf16, #tpu.memory_space<hbm>>) target(%dma_start3A_82 : memref<128x64xbf16, #tpu.memory_space<vmem>>) offsets(%dma_start3A_84 : memref<128xi32, #tpu.memory_space<vmem>>) semaphore(%arg26 : memref<!tpu.dma_semaphore, #tpu.memory_space<semaphore_mem>>)
    %dma_start3A_88 = arith.constant 512 : i32
    %dma_start3A_89 = arith.constant 0 : i32
    %dma_start3A_90 = tpu.memref_slice %arg16[%dma_start3A_88, %dma_start3A_89] : memref<1024x64xbf16, #tpu.memory_space<vmem>> -> memref<128x64xbf16, #tpu.memory_space<vmem>>
    %dma_start3A_91 = arith.constant 512 : i32
    %dma_start3A_92 = tpu.memref_slice %arg10[%dma_start3A_91] : memref<1024xi32, #tpu.memory_space<vmem>> -> memref<128xi32, #tpu.memory_space<vmem>>
    %dma_start3A_93 = arith.constant 0 : i32
    %dma_start3A_94 = arith.constant 0 : i32
    %dma_start3A_95 = tpu.memref_slice %arg4[%dma_start3A_93, %dma_start3A_94] : memref<100001x64xbf16, #tpu.memory_space<hbm>> -> memref<100001x64xbf16, #tpu.memory_space<hbm>>
    tpu.enqueue_indirect_dma source(%dma_start3A_95 : memref<100001x64xbf16, #tpu.memory_space<hbm>>) target(%dma_start3A_90 : memref<128x64xbf16, #tpu.memory_space<vmem>>) offsets(%dma_start3A_92 : memref<128xi32, #tpu.memory_space<vmem>>) semaphore(%arg26 : memref<!tpu.dma_semaphore, #tpu.memory_space<semaphore_mem>>)
    %dma_start3A_96 = arith.constant 640 : i32
    %dma_start3A_97 = arith.constant 0 : i32
    %dma_start3A_98 = tpu.memref_slice %arg16[%dma_start3A_96, %dma_start3A_97] : memref<1024x64xbf16, #tpu.memory_space<vmem>> -> memref<128x64xbf16, #tpu.memory_space<vmem>>
    %dma_start3A_99 = arith.constant 640 : i32
    %dma_start3A_100 = tpu.memref_slice %arg10[%dma_start3A_99] : memref<1024xi32, #tpu.memory_space<vmem>> -> memref<128xi32, #tpu.memory_space<vmem>>
    %dma_start3A_101 = arith.constant 0 : i32
    %dma_start3A_102 = arith.constant 0 : i32
    %dma_start3A_103 = tpu.memref_slice %arg4[%dma_start3A_101, %dma_start3A_102] : memref<100001x64xbf16, #tpu.memory_space<hbm>> -> memref<100001x64xbf16, #tpu.memory_space<hbm>>
    tpu.enqueue_indirect_dma source(%dma_start3A_103 : memref<100001x64xbf16, #tpu.memory_space<hbm>>) target(%dma_start3A_98 : memref<128x64xbf16, #tpu.memory_space<vmem>>) offsets(%dma_start3A_100 : memref<128xi32, #tpu.memory_space<vmem>>) semaphore(%arg26 : memref<!tpu.dma_semaphore, #tpu.memory_space<semaphore_mem>>)
    %dma_start3A_104 = arith.constant 768 : i32
    %dma_start3A_105 = arith.constant 0 : i32
    %dma_start3A_106 = tpu.memref_slice %arg16[%dma_start3A_104, %dma_start3A_105] : memref<1024x64xbf16, #tpu.memory_space<vmem>> -> memref<128x64xbf16, #tpu.memory_space<vmem>>
    %dma_start3A_107 = arith.constant 768 : i32
    %dma_start3A_108 = tpu.memref_slice %arg10[%dma_start3A_107] : memref<1024xi32, #tpu.memory_space<vmem>> -> memref<128xi32, #tpu.memory_space<vmem>>
    %dma_start3A_109 = arith.constant 0 : i32
    %dma_start3A_110 = arith.constant 0 : i32
    %dma_start3A_111 = tpu.memref_slice %arg4[%dma_start3A_109, %dma_start3A_110] : memref<100001x64xbf16, #tpu.memory_space<hbm>> -> memref<100001x64xbf16, #tpu.memory_space<hbm>>
    tpu.enqueue_indirect_dma source(%dma_start3A_111 : memref<100001x64xbf16, #tpu.memory_space<hbm>>) target(%dma_start3A_106 : memref<128x64xbf16, #tpu.memory_space<vmem>>) offsets(%dma_start3A_108 : memref<128xi32, #tpu.memory_space<vmem>>) semaphore(%arg26 : memref<!tpu.dma_semaphore, #tpu.memory_space<semaphore_mem>>)
    %dma_start3A_112 = arith.constant 896 : i32
    %dma_start3A_113 = arith.constant 0 : i32
    %dma_start3A_114 = tpu.memref_slice %arg16[%dma_start3A_112, %dma_start3A_113] : memref<1024x64xbf16, #tpu.memory_space<vmem>> -> memref<128x64xbf16, #tpu.memory_space<vmem>>
    %dma_start3A_115 = arith.constant 896 : i32
    %dma_start3A_116 = tpu.memref_slice %arg10[%dma_start3A_115] : memref<1024xi32, #tpu.memory_space<vmem>> -> memref<128xi32, #tpu.memory_space<vmem>>
    %dma_start3A_117 = arith.constant 0 : i32
    %dma_start3A_118 = arith.constant 0 : i32
    %dma_start3A_119 = tpu.memref_slice %arg4[%dma_start3A_117, %dma_start3A_118] : memref<100001x64xbf16, #tpu.memory_space<hbm>> -> memref<100001x64xbf16, #tpu.memory_space<hbm>>
    tpu.enqueue_indirect_dma source(%dma_start3A_119 : memref<100001x64xbf16, #tpu.memory_space<hbm>>) target(%dma_start3A_114 : memref<128x64xbf16, #tpu.memory_space<vmem>>) offsets(%dma_start3A_116 : memref<128xi32, #tpu.memory_space<vmem>>) semaphore(%arg26 : memref<!tpu.dma_semaphore, #tpu.memory_space<semaphore_mem>>)
    %mul3A_120 = arith.constant 1000 : i32
    %mul3A_121 = arith.muli %mul3A_2, %mul3A_120 : i32
    %dma_start3A_122 = arith.constant 0 : i32
    %dma_start3A_123 = tpu.memref_slice %arg14[%dma_start3A_122] : memref<1024xf32, #tpu.memory_space<vmem>> -> memref<1000xf32, #tpu.memory_space<vmem>>
    %dma_start3A_124 = tpu.memref_slice %arg3[%mul3A_121] : memref<1024000xf32, #tpu.memory_space<hbm>> -> memref<1000xf32, #tpu.memory_space<hbm>>
    %dma_start3A_125 = arith.constant 0 : i32
    %dma_start3A_126 = tpu.memref_slice %arg14[%dma_start3A_125] : memref<1024xf32, #tpu.memory_space<vmem>> -> memref<1000xf32, #tpu.memory_space<vmem>>
    %dma_start3A_127 = tpu.memref_slice %arg3[%mul3A_121] : memref<1024000xf32, #tpu.memory_space<hbm>> -> memref<1000xf32, #tpu.memory_space<hbm>>
    tpu.enqueue_dma source(%dma_start3A_127 : memref<1000xf32, #tpu.memory_space<hbm>>) target(%dma_start3A_126 : memref<1000xf32, #tpu.memory_space<vmem>>) target_semaphore(%arg24 : memref<!tpu.dma_semaphore, #tpu.memory_space<semaphore_mem>>)
    %mul3A_128 = arith.constant 50 : i32
    %mul3A_129 = arith.muli %mul3A_2, %mul3A_128 : i32
    %mul3A_130 = arith.constant 64 : i32
    %mul3A_131 = arith.muli %mul3A_129, %mul3A_130 : i32
    %dma_start3A_132 = tpu.memref_slice %arg6[%mul3A_131] : memref<3276800xf32, #tpu.memory_space<hbm>> -> memref<3200xf32, #tpu.memory_space<hbm>>
    %dma_start3A_133 = tpu.memref_slice %arg6[%mul3A_131] : memref<3276800xf32, #tpu.memory_space<hbm>> -> memref<3200xf32, #tpu.memory_space<hbm>>
    tpu.enqueue_dma source(%arg18 : memref<3200xf32, #tpu.memory_space<vmem>>) target(%dma_start3A_133 : memref<3200xf32, #tpu.memory_space<hbm>>) target_semaphore(%arg28 : memref<!tpu.dma_semaphore, #tpu.memory_space<semaphore_mem>>)
    %add3A_134 = arith.constant 1 : i32
    %add3A_135 = arith.addi %mul3A_2, %add3A_134 : i32
    %mul3A_136 = arith.constant 50 : i32
    %mul3A_137 = arith.muli %add3A_135, %mul3A_136 : i32
    %mul3A_138 = arith.constant 64 : i32
    %mul3A_139 = arith.muli %mul3A_137, %mul3A_138 : i32
    %dma_start3A_140 = tpu.memref_slice %arg6[%mul3A_139] : memref<3276800xf32, #tpu.memory_space<hbm>> -> memref<3200xf32, #tpu.memory_space<hbm>>
    %dma_start3A_141 = tpu.memref_slice %arg6[%mul3A_139] : memref<3276800xf32, #tpu.memory_space<hbm>> -> memref<3200xf32, #tpu.memory_space<hbm>>
    tpu.enqueue_dma source(%arg19 : memref<3200xf32, #tpu.memory_space<vmem>>) target(%dma_start3A_141 : memref<3200xf32, #tpu.memory_space<hbm>>) target_semaphore(%arg29 : memref<!tpu.dma_semaphore, #tpu.memory_space<semaphore_mem>>)
    %scan3A_142 = arith.constant 0 : i32
    %scan3A_143 = arith.constant 16 : i32
    %scan3A_144 = arith.addi %scan3A_142, %scan3A_143 : i32
    %scan3A_145 = arith.constant 1 : i32
    scf.for %scan3A_174 = %scan3A_142 to %scan3A_144 step %scan3A_145  : i32 {
      %mul3A_175 = arith.constant 1 : i32
      %mul3A_176 = arith.muli %scan3A_174, %mul3A_175 : i32
      %add3A_177 = arith.constant 0 : i32
      %add3A_178 = arith.addi %add3A_177, %mul3A_176 : i32
      %mul3A_179 = arith.constant 2 : i32
      %mul3A_180 = arith.muli %mul3A_179, %add3A_178 : i32
      %add3A_181 = arith.addi %mul3A_2, %mul3A_180 : i32
      %add3A_182 = arith.constant 1 : i32
      %add3A_183 = arith.addi %mul3A_180, %add3A_182 : i32
      %lt3A = arith.constant 32 : i32
      %lt3A_184 = arith.cmpi slt, %add3A_183, %lt3A : i32
      %convert_element_type3A = arith.extui %lt3A_184 : i1 to i32
      %cond3A = arith.constant 0 : i32
      %cond3A_185 = arith.cmpi ne, %convert_element_type3A, %cond3A : i32
      scf.if %cond3A_185 {
        %add3A_444 = arith.constant 1 : i32
        %add3A_445 = arith.addi %add3A_181, %add3A_444 : i32
        %mul3A_446 = arith.constant 1000 : i32
        %mul3A_447 = arith.muli %add3A_445, %mul3A_446 : i32
        %dma_wait3A_448 = arith.constant 0 : i32
        %dma_wait3A_449 = tpu.memref_slice %arg9[%dma_wait3A_448] : memref<1024xi32, #tpu.memory_space<vmem>> -> memref<1000xi32, #tpu.memory_space<vmem>>
        %dma_wait3A_450 = tpu.memref_slice %arg2[%mul3A_447] : memref<1024000xi32, #tpu.memory_space<hbm>> -> memref<1000xi32, #tpu.memory_space<hbm>>
        %dma_wait3A_451 = arith.constant 0 : i32
        %dma_wait3A_452 = tpu.memref_slice %arg9[%dma_wait3A_451] : memref<1024xi32, #tpu.memory_space<vmem>> -> memref<1000xi32, #tpu.memory_space<vmem>>
        %dma_wait3A_453 = tpu.memref_slice %arg2[%mul3A_447] : memref<1024000xi32, #tpu.memory_space<hbm>> -> memref<1000xi32, #tpu.memory_space<hbm>>
        tpu.wait_dma2 semaphore(%arg23 : memref<!tpu.dma_semaphore, #tpu.memory_space<semaphore_mem>>) src(%dma_wait3A_453 : memref<1000xi32, #tpu.memory_space<hbm>>) dst(%dma_wait3A_452 : memref<1000xi32, #tpu.memory_space<vmem>>)
        %scan3A_454 = arith.constant 0 : i32
        %scan3A_455 = arith.constant 64 : i32
        %scan3A_456 = arith.addi %scan3A_454, %scan3A_455 : i32
        %scan3A_457 = arith.constant 1 : i32
        scf.for %scan3A_535 = %scan3A_454 to %scan3A_456 step %scan3A_457  : i32 {
          %mul3A_536 = arith.constant 1 : i32
          %mul3A_537 = arith.muli %scan3A_535, %mul3A_536 : i32
          %add3A_538 = arith.constant 0 : i32
          %add3A_539 = arith.addi %add3A_538, %mul3A_537 : i32
          %mul3A_540 = arith.constant 16 : i32
          %mul3A_541 = arith.muli %add3A_539, %mul3A_540 : i32
          %get3A = arith.index_cast %mul3A_541 : i32 to index
          %get3A_542 = tpu.vector_load %arg9[%get3A] {strides = array<i32>} : memref<1024xi32, #tpu.memory_space<vmem>>, vector<16xi32>,
          %and3A = arith.andi %get3A_542, %broadcast_in_dim3A_12 : vector<16xi32>
          %mul3A_543 = arith.constant 16 : i32
          %mul3A_544 = arith.muli %add3A_539, %mul3A_543 : i32
          %swap3A_545 = arith.index_cast %mul3A_544 : i32 to index
          %swap3A_546 = tpu.vector_load %arg11[%swap3A_545] {strides = array<i32>} : memref<1024xi32, #tpu.memory_space<vmem>>, vector<16xi32>,
          tpu.vector_store %arg11[%swap3A_545], %and3A {strides = array<i32>} : memref<1024xi32, #tpu.memory_space<vmem>>, vector<16xi32>,
          %shift_right_logical3A = arith.constant 11 : i32
          %shift_right_logical3A_547 = vector.broadcast %shift_right_logical3A : i32 to vector<16xi32>
          %shift_right_logical3A_548 = arith.shrui %get3A_542, %shift_right_logical3A_547 : vector<16xi32>
          %and3A_549 = arith.andi %shift_right_logical3A_548, %broadcast_in_dim3A_14 : vector<16xi32>
          %mul3A_550 = arith.constant 16 : i32
          %mul3A_551 = arith.muli %add3A_539, %mul3A_550 : i32
          %swap3A_552 = arith.index_cast %mul3A_551 : i32 to index
          %swap3A_553 = tpu.vector_load %arg13[%swap3A_552] {strides = array<i32>} : memref<1024xi32, #tpu.memory_space<vmem>>, vector<16xi32>,
          tpu.vector_store %arg13[%swap3A_552], %and3A_549 {strides = array<i32>} : memref<1024xi32, #tpu.memory_space<vmem>>, vector<16xi32>,
        }
        %scan3A_458 = arith.constant 64 : i32
        %swap3A_459 = arith.constant 1000 : index
        %swap3A_460 = tpu.vector_load %arg11[%swap3A_459] {strides = array<i32>} : memref<1024xi32, #tpu.memory_space<vmem>>, vector<16xi32>,
        tpu.vector_store %arg11[%swap3A_459], %broadcast_in_dim3A_8 {strides = array<i32>} : memref<1024xi32, #tpu.memory_space<vmem>>, vector<16xi32>,
        %swap3A_461 = arith.constant 1008 : index
        %swap3A_462 = tpu.vector_load %arg11[%swap3A_461] {strides = array<i32>} : memref<1024xi32, #tpu.memory_space<vmem>>, vector<16xi32>,
        tpu.vector_store %arg11[%swap3A_461], %broadcast_in_dim3A_8 {strides = array<i32>} : memref<1024xi32, #tpu.memory_space<vmem>>, vector<16xi32>,
        %dma_start3A_463 = arith.constant 0 : i32
        %dma_start3A_464 = arith.constant 0 : i32
        %dma_start3A_465 = tpu.memref_slice %arg17[%dma_start3A_463, %dma_start3A_464] : memref<1024x64xbf16, #tpu.memory_space<vmem>> -> memref<128x64xbf16, #tpu.memory_space<vmem>>
        %dma_start3A_466 = arith.constant 0 : i32
        %dma_start3A_467 = tpu.memref_slice %arg11[%dma_start3A_466] : memref<1024xi32, #tpu.memory_space<vmem>> -> memref<128xi32, #tpu.memory_space<vmem>>
        %dma_start3A_468 = arith.constant 0 : i32
        %dma_start3A_469 = arith.constant 0 : i32
        %dma_start3A_470 = tpu.memref_slice %arg4[%dma_start3A_468, %dma_start3A_469] : memref<100001x64xbf16, #tpu.memory_space<hbm>> -> memref<100001x64xbf16, #tpu.memory_space<hbm>>
        tpu.enqueue_indirect_dma source(%dma_start3A_470 : memref<100001x64xbf16, #tpu.memory_space<hbm>>) target(%dma_start3A_465 : memref<128x64xbf16, #tpu.memory_space<vmem>>) offsets(%dma_start3A_467 : memref<128xi32, #tpu.memory_space<vmem>>) semaphore(%arg27 : memref<!tpu.dma_semaphore, #tpu.memory_space<semaphore_mem>>)
        %dma_start3A_471 = arith.constant 128 : i32
        %dma_start3A_472 = arith.constant 0 : i32
        %dma_start3A_473 = tpu.memref_slice %arg17[%dma_start3A_471, %dma_start3A_472] : memref<1024x64xbf16, #tpu.memory_space<vmem>> -> memref<128x64xbf16, #tpu.memory_space<vmem>>
        %dma_start3A_474 = arith.constant 128 : i32
        %dma_start3A_475 = tpu.memref_slice %arg11[%dma_start3A_474] : memref<1024xi32, #tpu.memory_space<vmem>> -> memref<128xi32, #tpu.memory_space<vmem>>
        %dma_start3A_476 = arith.constant 0 : i32
        %dma_start3A_477 = arith.constant 0 : i32
        %dma_start3A_478 = tpu.memref_slice %arg4[%dma_start3A_476, %dma_start3A_477] : memref<100001x64xbf16, #tpu.memory_space<hbm>> -> memref<100001x64xbf16, #tpu.memory_space<hbm>>
        tpu.enqueue_indirect_dma source(%dma_start3A_478 : memref<100001x64xbf16, #tpu.memory_space<hbm>>) target(%dma_start3A_473 : memref<128x64xbf16, #tpu.memory_space<vmem>>) offsets(%dma_start3A_475 : memref<128xi32, #tpu.memory_space<vmem>>) semaphore(%arg27 : memref<!tpu.dma_semaphore, #tpu.memory_space<semaphore_mem>>)
        %dma_start3A_479 = arith.constant 256 : i32
        %dma_start3A_480 = arith.constant 0 : i32
        %dma_start3A_481 = tpu.memref_slice %arg17[%dma_start3A_479, %dma_start3A_480] : memref<1024x64xbf16, #tpu.memory_space<vmem>> -> memref<128x64xbf16, #tpu.memory_space<vmem>>
        %dma_start3A_482 = arith.constant 256 : i32
        %dma_start3A_483 = tpu.memref_slice %arg11[%dma_start3A_482] : memref<1024xi32, #tpu.memory_space<vmem>> -> memref<128xi32, #tpu.memory_space<vmem>>
        %dma_start3A_484 = arith.constant 0 : i32
        %dma_start3A_485 = arith.constant 0 : i32
        %dma_start3A_486 = tpu.memref_slice %arg4[%dma_start3A_484, %dma_start3A_485] : memref<100001x64xbf16, #tpu.memory_space<hbm>> -> memref<100001x64xbf16, #tpu.memory_space<hbm>>
        tpu.enqueue_indirect_dma source(%dma_start3A_486 : memref<100001x64xbf16, #tpu.memory_space<hbm>>) target(%dma_start3A_481 : memref<128x64xbf16, #tpu.memory_space<vmem>>) offsets(%dma_start3A_483 : memref<128xi32, #tpu.memory_space<vmem>>) semaphore(%arg27 : memref<!tpu.dma_semaphore, #tpu.memory_space<semaphore_mem>>)
        %dma_start3A_487 = arith.constant 384 : i32
        %dma_start3A_488 = arith.constant 0 : i32
        %dma_start3A_489 = tpu.memref_slice %arg17[%dma_start3A_487, %dma_start3A_488] : memref<1024x64xbf16, #tpu.memory_space<vmem>> -> memref<128x64xbf16, #tpu.memory_space<vmem>>
        %dma_start3A_490 = arith.constant 384 : i32
        %dma_start3A_491 = tpu.memref_slice %arg11[%dma_start3A_490] : memref<1024xi32, #tpu.memory_space<vmem>> -> memref<128xi32, #tpu.memory_space<vmem>>
        %dma_start3A_492 = arith.constant 0 : i32
        %dma_start3A_493 = arith.constant 0 : i32
        %dma_start3A_494 = tpu.memref_slice %arg4[%dma_start3A_492, %dma_start3A_493] : memref<100001x64xbf16, #tpu.memory_space<hbm>> -> memref<100001x64xbf16, #tpu.memory_space<hbm>>
        tpu.enqueue_indirect_dma source(%dma_start3A_494 : memref<100001x64xbf16, #tpu.memory_space<hbm>>) target(%dma_start3A_489 : memref<128x64xbf16, #tpu.memory_space<vmem>>) offsets(%dma_start3A_491 : memref<128xi32, #tpu.memory_space<vmem>>) semaphore(%arg27 : memref<!tpu.dma_semaphore, #tpu.memory_space<semaphore_mem>>)
        %dma_start3A_495 = arith.constant 512 : i32
        %dma_start3A_496 = arith.constant 0 : i32
        %dma_start3A_497 = tpu.memref_slice %arg17[%dma_start3A_495, %dma_start3A_496] : memref<1024x64xbf16, #tpu.memory_space<vmem>> -> memref<128x64xbf16, #tpu.memory_space<vmem>>
        %dma_start3A_498 = arith.constant 512 : i32
        %dma_start3A_499 = tpu.memref_slice %arg11[%dma_start3A_498] : memref<1024xi32, #tpu.memory_space<vmem>> -> memref<128xi32, #tpu.memory_space<vmem>>
        %dma_start3A_500 = arith.constant 0 : i32
        %dma_start3A_501 = arith.constant 0 : i32
        %dma_start3A_502 = tpu.memref_slice %arg4[%dma_start3A_500, %dma_start3A_501] : memref<100001x64xbf16, #tpu.memory_space<hbm>> -> memref<100001x64xbf16, #tpu.memory_space<hbm>>
        tpu.enqueue_indirect_dma source(%dma_start3A_502 : memref<100001x64xbf16, #tpu.memory_space<hbm>>) target(%dma_start3A_497 : memref<128x64xbf16, #tpu.memory_space<vmem>>) offsets(%dma_start3A_499 : memref<128xi32, #tpu.memory_space<vmem>>) semaphore(%arg27 : memref<!tpu.dma_semaphore, #tpu.memory_space<semaphore_mem>>)
        %dma_start3A_503 = arith.constant 640 : i32
        %dma_start3A_504 = arith.constant 0 : i32
        %dma_start3A_505 = tpu.memref_slice %arg17[%dma_start3A_503, %dma_start3A_504] : memref<1024x64xbf16, #tpu.memory_space<vmem>> -> memref<128x64xbf16, #tpu.memory_space<vmem>>
        %dma_start3A_506 = arith.constant 640 : i32
        %dma_start3A_507 = tpu.memref_slice %arg11[%dma_start3A_506] : memref<1024xi32, #tpu.memory_space<vmem>> -> memref<128xi32, #tpu.memory_space<vmem>>
        %dma_start3A_508 = arith.constant 0 : i32
        %dma_start3A_509 = arith.constant 0 : i32
        %dma_start3A_510 = tpu.memref_slice %arg4[%dma_start3A_508, %dma_start3A_509] : memref<100001x64xbf16, #tpu.memory_space<hbm>> -> memref<100001x64xbf16, #tpu.memory_space<hbm>>
        tpu.enqueue_indirect_dma source(%dma_start3A_510 : memref<100001x64xbf16, #tpu.memory_space<hbm>>) target(%dma_start3A_505 : memref<128x64xbf16, #tpu.memory_space<vmem>>) offsets(%dma_start3A_507 : memref<128xi32, #tpu.memory_space<vmem>>) semaphore(%arg27 : memref<!tpu.dma_semaphore, #tpu.memory_space<semaphore_mem>>)
        %dma_start3A_511 = arith.constant 768 : i32
        %dma_start3A_512 = arith.constant 0 : i32
        %dma_start3A_513 = tpu.memref_slice %arg17[%dma_start3A_511, %dma_start3A_512] : memref<1024x64xbf16, #tpu.memory_space<vmem>> -> memref<128x64xbf16, #tpu.memory_space<vmem>>
        %dma_start3A_514 = arith.constant 768 : i32
        %dma_start3A_515 = tpu.memref_slice %arg11[%dma_start3A_514] : memref<1024xi32, #tpu.memory_space<vmem>> -> memref<128xi32, #tpu.memory_space<vmem>>
        %dma_start3A_516 = arith.constant 0 : i32
        %dma_start3A_517 = arith.constant 0 : i32
        %dma_start3A_518 = tpu.memref_slice %arg4[%dma_start3A_516, %dma_start3A_517] : memref<100001x64xbf16, #tpu.memory_space<hbm>> -> memref<100001x64xbf16, #tpu.memory_space<hbm>>
        tpu.enqueue_indirect_dma source(%dma_start3A_518 : memref<100001x64xbf16, #tpu.memory_space<hbm>>) target(%dma_start3A_513 : memref<128x64xbf16, #tpu.memory_space<vmem>>) offsets(%dma_start3A_515 : memref<128xi32, #tpu.memory_space<vmem>>) semaphore(%arg27 : memref<!tpu.dma_semaphore, #tpu.memory_space<semaphore_mem>>)
        %dma_start3A_519 = arith.constant 896 : i32
        %dma_start3A_520 = arith.constant 0 : i32
        %dma_start3A_521 = tpu.memref_slice %arg17[%dma_start3A_519, %dma_start3A_520] : memref<1024x64xbf16, #tpu.memory_space<vmem>> -> memref<128x64xbf16, #tpu.memory_space<vmem>>
        %dma_start3A_522 = arith.constant 896 : i32
        %dma_start3A_523 = tpu.memref_slice %arg11[%dma_start3A_522] : memref<1024xi32, #tpu.memory_space<vmem>> -> memref<128xi32, #tpu.memory_space<vmem>>
        %dma_start3A_524 = arith.constant 0 : i32
        %dma_start3A_525 = arith.constant 0 : i32
        %dma_start3A_526 = tpu.memref_slice %arg4[%dma_start3A_524, %dma_start3A_525] : memref<100001x64xbf16, #tpu.memory_space<hbm>> -> memref<100001x64xbf16, #tpu.memory_space<hbm>>
        tpu.enqueue_indirect_dma source(%dma_start3A_526 : memref<100001x64xbf16, #tpu.memory_space<hbm>>) target(%dma_start3A_521 : memref<128x64xbf16, #tpu.memory_space<vmem>>) offsets(%dma_start3A_523 : memref<128xi32, #tpu.memory_space<vmem>>) semaphore(%arg27 : memref<!tpu.dma_semaphore, #tpu.memory_space<semaphore_mem>>)
        %mul3A_527 = arith.constant 1000 : i32
        %mul3A_528 = arith.muli %add3A_445, %mul3A_527 : i32
        %dma_start3A_529 = arith.constant 0 : i32
        %dma_start3A_530 = tpu.memref_slice %arg15[%dma_start3A_529] : memref<1024xf32, #tpu.memory_space<vmem>> -> memref<1000xf32, #tpu.memory_space<vmem>>
        %dma_start3A_531 = tpu.memref_slice %arg3[%mul3A_528] : memref<1024000xf32, #tpu.memory_space<hbm>> -> memref<1000xf32, #tpu.memory_space<hbm>>
        %dma_start3A_532 = arith.constant 0 : i32
        %dma_start3A_533 = tpu.memref_slice %arg15[%dma_start3A_532] : memref<1024xf32, #tpu.memory_space<vmem>> -> memref<1000xf32, #tpu.memory_space<vmem>>
        %dma_start3A_534 = tpu.memref_slice %arg3[%mul3A_528] : memref<1024000xf32, #tpu.memory_space<hbm>> -> memref<1000xf32, #tpu.memory_space<hbm>>
        tpu.enqueue_dma source(%dma_start3A_534 : memref<1000xf32, #tpu.memory_space<hbm>>) target(%dma_start3A_533 : memref<1000xf32, #tpu.memory_space<vmem>>) target_semaphore(%arg25 : memref<!tpu.dma_semaphore, #tpu.memory_space<semaphore_mem>>)
      } else {
      }
      %mul3A_186 = arith.constant 1000 : i32
      %mul3A_187 = arith.muli %add3A_181, %mul3A_186 : i32
      %dma_wait3A_188 = arith.constant 0 : i32
      %dma_wait3A_189 = tpu.memref_slice %arg14[%dma_wait3A_188] : memref<1024xf32, #tpu.memory_space<vmem>> -> memref<1000xf32, #tpu.memory_space<vmem>>
      %dma_wait3A_190 = tpu.memref_slice %arg3[%mul3A_187] : memref<1024000xf32, #tpu.memory_space<hbm>> -> memref<1000xf32, #tpu.memory_space<hbm>>
      %dma_wait3A_191 = arith.constant 0 : i32
      %dma_wait3A_192 = tpu.memref_slice %arg14[%dma_wait3A_191] : memref<1024xf32, #tpu.memory_space<vmem>> -> memref<1000xf32, #tpu.memory_space<vmem>>
      %dma_wait3A_193 = tpu.memref_slice %arg3[%mul3A_187] : memref<1024000xf32, #tpu.memory_space<hbm>> -> memref<1000xf32, #tpu.memory_space<hbm>>
      tpu.wait_dma2 semaphore(%arg24 : memref<!tpu.dma_semaphore, #tpu.memory_space<semaphore_mem>>) src(%dma_wait3A_193 : memref<1000xf32, #tpu.memory_space<hbm>>) dst(%dma_wait3A_192 : memref<1000xf32, #tpu.memory_space<vmem>>)
      %dma_wait3A_194 = arith.constant 0 : i32
      %dma_wait3A_195 = arith.constant 0 : i32
      %dma_wait3A_196 = tpu.memref_slice %arg16[%dma_wait3A_194, %dma_wait3A_195] : memref<1024x64xbf16, #tpu.memory_space<vmem>> -> memref<128x64xbf16, #tpu.memory_space<vmem>>
      %dma_wait3A_197 = arith.constant 0 : i32
      %dma_wait3A_198 = tpu.memref_slice %arg10[%dma_wait3A_197] : memref<1024xi32, #tpu.memory_space<vmem>> -> memref<128xi32, #tpu.memory_space<vmem>>
      %dma_wait3A_199 = arith.constant 0 : i32
      %dma_wait3A_200 = arith.constant 0 : i32
      %dma_wait3A_201 = tpu.memref_slice %arg4[%dma_wait3A_199, %dma_wait3A_200] : memref<100001x64xbf16, #tpu.memory_space<hbm>> -> memref<100001x64xbf16, #tpu.memory_space<hbm>>
      tpu.wait_indirect_dma semaphore(%arg26 : memref<!tpu.dma_semaphore, #tpu.memory_space<semaphore_mem>>) src(%dma_wait3A_201 : memref<100001x64xbf16, #tpu.memory_space<hbm>>) dst(%dma_wait3A_196 : memref<128x64xbf16, #tpu.memory_space<vmem>>)
      %dma_wait3A_202 = arith.constant 128 : i32
      %dma_wait3A_203 = arith.constant 0 : i32
      %dma_wait3A_204 = tpu.memref_slice %arg16[%dma_wait3A_202, %dma_wait3A_203] : memref<1024x64xbf16, #tpu.memory_space<vmem>> -> memref<128x64xbf16, #tpu.memory_space<vmem>>
      %dma_wait3A_205 = arith.constant 128 : i32
      %dma_wait3A_206 = tpu.memref_slice %arg10[%dma_wait3A_205] : memref<1024xi32, #tpu.memory_space<vmem>> -> memref<128xi32, #tpu.memory_space<vmem>>
      %dma_wait3A_207 = arith.constant 0 : i32
      %dma_wait3A_208 = arith.constant 0 : i32
      %dma_wait3A_209 = tpu.memref_slice %arg4[%dma_wait3A_207, %dma_wait3A_208] : memref<100001x64xbf16, #tpu.memory_space<hbm>> -> memref<100001x64xbf16, #tpu.memory_space<hbm>>
      tpu.wait_indirect_dma semaphore(%arg26 : memref<!tpu.dma_semaphore, #tpu.memory_space<semaphore_mem>>) src(%dma_wait3A_209 : memref<100001x64xbf16, #tpu.memory_space<hbm>>) dst(%dma_wait3A_204 : memref<128x64xbf16, #tpu.memory_space<vmem>>)
      %dma_wait3A_210 = arith.constant 256 : i32
      %dma_wait3A_211 = arith.constant 0 : i32
      %dma_wait3A_212 = tpu.memref_slice %arg16[%dma_wait3A_210, %dma_wait3A_211] : memref<1024x64xbf16, #tpu.memory_space<vmem>> -> memref<128x64xbf16, #tpu.memory_space<vmem>>
      %dma_wait3A_213 = arith.constant 256 : i32
      %dma_wait3A_214 = tpu.memref_slice %arg10[%dma_wait3A_213] : memref<1024xi32, #tpu.memory_space<vmem>> -> memref<128xi32, #tpu.memory_space<vmem>>
      %dma_wait3A_215 = arith.constant 0 : i32
      %dma_wait3A_216 = arith.constant 0 : i32
      %dma_wait3A_217 = tpu.memref_slice %arg4[%dma_wait3A_215, %dma_wait3A_216] : memref<100001x64xbf16, #tpu.memory_space<hbm>> -> memref<100001x64xbf16, #tpu.memory_space<hbm>>
      tpu.wait_indirect_dma semaphore(%arg26 : memref<!tpu.dma_semaphore, #tpu.memory_space<semaphore_mem>>) src(%dma_wait3A_217 : memref<100001x64xbf16, #tpu.memory_space<hbm>>) dst(%dma_wait3A_212 : memref<128x64xbf16, #tpu.memory_space<vmem>>)
      %dma_wait3A_218 = arith.constant 384 : i32
      %dma_wait3A_219 = arith.constant 0 : i32
      %dma_wait3A_220 = tpu.memref_slice %arg16[%dma_wait3A_218, %dma_wait3A_219] : memref<1024x64xbf16, #tpu.memory_space<vmem>> -> memref<128x64xbf16, #tpu.memory_space<vmem>>
      %dma_wait3A_221 = arith.constant 384 : i32
      %dma_wait3A_222 = tpu.memref_slice %arg10[%dma_wait3A_221] : memref<1024xi32, #tpu.memory_space<vmem>> -> memref<128xi32, #tpu.memory_space<vmem>>
      %dma_wait3A_223 = arith.constant 0 : i32
      %dma_wait3A_224 = arith.constant 0 : i32
      %dma_wait3A_225 = tpu.memref_slice %arg4[%dma_wait3A_223, %dma_wait3A_224] : memref<100001x64xbf16, #tpu.memory_space<hbm>> -> memref<100001x64xbf16, #tpu.memory_space<hbm>>
      tpu.wait_indirect_dma semaphore(%arg26 : memref<!tpu.dma_semaphore, #tpu.memory_space<semaphore_mem>>) src(%dma_wait3A_225 : memref<100001x64xbf16, #tpu.memory_space<hbm>>) dst(%dma_wait3A_220 : memref<128x64xbf16, #tpu.memory_space<vmem>>)
      %dma_wait3A_226 = arith.constant 512 : i32
      %dma_wait3A_227 = arith.constant 0 : i32
      %dma_wait3A_228 = tpu.memref_slice %arg16[%dma_wait3A_226, %dma_wait3A_227] : memref<1024x64xbf16, #tpu.memory_space<vmem>> -> memref<128x64xbf16, #tpu.memory_space<vmem>>
      %dma_wait3A_229 = arith.constant 512 : i32
      %dma_wait3A_230 = tpu.memref_slice %arg10[%dma_wait3A_229] : memref<1024xi32, #tpu.memory_space<vmem>> -> memref<128xi32, #tpu.memory_space<vmem>>
      %dma_wait3A_231 = arith.constant 0 : i32
      %dma_wait3A_232 = arith.constant 0 : i32
      %dma_wait3A_233 = tpu.memref_slice %arg4[%dma_wait3A_231, %dma_wait3A_232] : memref<100001x64xbf16, #tpu.memory_space<hbm>> -> memref<100001x64xbf16, #tpu.memory_space<hbm>>
      tpu.wait_indirect_dma semaphore(%arg26 : memref<!tpu.dma_semaphore, #tpu.memory_space<semaphore_mem>>) src(%dma_wait3A_233 : memref<100001x64xbf16, #tpu.memory_space<hbm>>) dst(%dma_wait3A_228 : memref<128x64xbf16, #tpu.memory_space<vmem>>)
      %dma_wait3A_234 = arith.constant 640 : i32
      %dma_wait3A_235 = arith.constant 0 : i32
      %dma_wait3A_236 = tpu.memref_slice %arg16[%dma_wait3A_234, %dma_wait3A_235] : memref<1024x64xbf16, #tpu.memory_space<vmem>> -> memref<128x64xbf16, #tpu.memory_space<vmem>>
      %dma_wait3A_237 = arith.constant 640 : i32
      %dma_wait3A_238 = tpu.memref_slice %arg10[%dma_wait3A_237] : memref<1024xi32, #tpu.memory_space<vmem>> -> memref<128xi32, #tpu.memory_space<vmem>>
      %dma_wait3A_239 = arith.constant 0 : i32
      %dma_wait3A_240 = arith.constant 0 : i32
      %dma_wait3A_241 = tpu.memref_slice %arg4[%dma_wait3A_239, %dma_wait3A_240] : memref<100001x64xbf16, #tpu.memory_space<hbm>> -> memref<100001x64xbf16, #tpu.memory_space<hbm>>
      tpu.wait_indirect_dma semaphore(%arg26 : memref<!tpu.dma_semaphore, #tpu.memory_space<semaphore_mem>>) src(%dma_wait3A_241 : memref<100001x64xbf16, #tpu.memory_space<hbm>>) dst(%dma_wait3A_236 : memref<128x64xbf16, #tpu.memory_space<vmem>>)
      %dma_wait3A_242 = arith.constant 768 : i32
      %dma_wait3A_243 = arith.constant 0 : i32
      %dma_wait3A_244 = tpu.memref_slice %arg16[%dma_wait3A_242, %dma_wait3A_243] : memref<1024x64xbf16, #tpu.memory_space<vmem>> -> memref<128x64xbf16, #tpu.memory_space<vmem>>
      %dma_wait3A_245 = arith.constant 768 : i32
      %dma_wait3A_246 = tpu.memref_slice %arg10[%dma_wait3A_245] : memref<1024xi32, #tpu.memory_space<vmem>> -> memref<128xi32, #tpu.memory_space<vmem>>
      %dma_wait3A_247 = arith.constant 0 : i32
      %dma_wait3A_248 = arith.constant 0 : i32
      %dma_wait3A_249 = tpu.memref_slice %arg4[%dma_wait3A_247, %dma_wait3A_248] : memref<100001x64xbf16, #tpu.memory_space<hbm>> -> memref<100001x64xbf16, #tpu.memory_space<hbm>>
      tpu.wait_indirect_dma semaphore(%arg26 : memref<!tpu.dma_semaphore, #tpu.memory_space<semaphore_mem>>) src(%dma_wait3A_249 : memref<100001x64xbf16, #tpu.memory_space<hbm>>) dst(%dma_wait3A_244 : memref<128x64xbf16, #tpu.memory_space<vmem>>)
      %dma_wait3A_250 = arith.constant 896 : i32
      %dma_wait3A_251 = arith.constant 0 : i32
      %dma_wait3A_252 = tpu.memref_slice %arg16[%dma_wait3A_250, %dma_wait3A_251] : memref<1024x64xbf16, #tpu.memory_space<vmem>> -> memref<128x64xbf16, #tpu.memory_space<vmem>>
      %dma_wait3A_253 = arith.constant 896 : i32
      %dma_wait3A_254 = tpu.memref_slice %arg10[%dma_wait3A_253] : memref<1024xi32, #tpu.memory_space<vmem>> -> memref<128xi32, #tpu.memory_space<vmem>>
      %dma_wait3A_255 = arith.constant 0 : i32
      %dma_wait3A_256 = arith.constant 0 : i32
      %dma_wait3A_257 = tpu.memref_slice %arg4[%dma_wait3A_255, %dma_wait3A_256] : memref<100001x64xbf16, #tpu.memory_space<hbm>> -> memref<100001x64xbf16, #tpu.memory_space<hbm>>
      tpu.wait_indirect_dma semaphore(%arg26 : memref<!tpu.dma_semaphore, #tpu.memory_space<semaphore_mem>>) src(%dma_wait3A_257 : memref<100001x64xbf16, #tpu.memory_space<hbm>>) dst(%dma_wait3A_252 : memref<128x64xbf16, #tpu.memory_space<vmem>>)
      %mul3A_258 = arith.constant 50 : i32
      %mul3A_259 = arith.muli %add3A_181, %mul3A_258 : i32
      %mul3A_260 = arith.constant 64 : i32
      %mul3A_261 = arith.muli %mul3A_259, %mul3A_260 : i32
      %dma_wait3A_262 = tpu.memref_slice %arg6[%mul3A_261] : memref<3276800xf32, #tpu.memory_space<hbm>> -> memref<3200xf32, #tpu.memory_space<hbm>>
      %dma_wait3A_263 = tpu.memref_slice %arg6[%mul3A_261] : memref<3276800xf32, #tpu.memory_space<hbm>> -> memref<3200xf32, #tpu.memory_space<hbm>>
      tpu.wait_dma2 semaphore(%arg28 : memref<!tpu.dma_semaphore, #tpu.memory_space<semaphore_mem>>) src(%arg18 : memref<3200xf32, #tpu.memory_space<vmem>>) dst(%dma_wait3A_263 : memref<3200xf32, #tpu.memory_space<hbm>>)
      %scan3A_264 = arith.constant 0 : i32
      %scan3A_265 = arith.constant 50 : i32
      %scan3A_266 = arith.addi %scan3A_264, %scan3A_265 : i32
      %scan3A_267 = arith.constant 1 : i32
      %scan3A_268:4 = scf.for %scan3A_444 = %scan3A_264 to %scan3A_266 step %scan3A_267 iter_args(%scan3A_445 = %broadcast_in_dim3A_6, %scan3A_446 = %broadcast_in_dim3A_6, %scan3A_447 = %broadcast_in_dim3A_6, %scan3A_448 = %broadcast_in_dim3A_6) -> (vector<16xf32>, vector<16xf32>, vector<16xf32>, vector<16xf32>)  : i32 {
        %mul3A_449 = arith.constant 20 : i32
        %mul3A_450 = arith.muli %scan3A_444, %mul3A_449 : i32
        %add3A_451 = arith.constant 0 : i32
        %add3A_452 = arith.addi %mul3A_450, %add3A_451 : i32
        %broadcast_in_dim3A_453 = vector.broadcast %add3A_452 : i32 to vector<16xi32>
        %gather3A = tpu.vector_load_idx %arg14[%broadcast_in_dim3A_453] : memref<1024xf32, #tpu.memory_space<vmem>>[vector<16xi32>], vector<16xf32>,
        %gather3A_454 = tpu.vector_load_idx %arg12[%broadcast_in_dim3A_453] : memref<1024xi32, #tpu.memory_space<vmem>>[vector<16xi32>], vector<16xi32>,
        %get3A = arith.index_cast %add3A_452 : i32 to index
        %get3A_455 = arith.constant 0 : index
        %get3A_456 = tpu.vector_load %arg16[%get3A, %get3A_455] {strides = array<i32>} : memref<1024x64xbf16, #tpu.memory_space<vmem>>, vector<32xbf16>,
        %bitcast3A = vector.bitcast %get3A_456 : vector<32xbf16> to vector<16xi32>
        %shift_left3A = arith.constant 16 : i32
        %shift_left3A_457 = vector.broadcast %shift_left3A : i32 to vector<16xi32>
        %shift_left3A_458 = arith.shli %bitcast3A, %shift_left3A_457 : vector<16xi32>
        %bitcast3A_459 = vector.bitcast %shift_left3A_458 : vector<16xi32> to vector<16xf32>
        %and3A = arith.andi %bitcast3A, %broadcast_in_dim3A_10 : vector<16xi32>
        %bitcast3A_460 = vector.bitcast %and3A : vector<16xi32> to vector<16xf32>
        %add3A_461 = arith.addi %gather3A_454, %add3A_17 : vector<16xi32>
        %gather3A_462 = tpu.vector_load_idx %arg20[%add3A_461] : memref<6464xf32, #tpu.memory_space<vmem>>[vector<16xi32>], vector<16xf32>,
        %add3A_463 = arith.addi %gather3A_454, %add3A_20 : vector<16xi32>
        %gather3A_464 = tpu.vector_load_idx %arg20[%add3A_463] : memref<6464xf32, #tpu.memory_space<vmem>>[vector<16xi32>], vector<16xf32>,
        %mul3A_465 = arith.mulf %bitcast3A_459, %gather3A_462 : vector<16xf32>
        %mul3A_466 = arith.mulf %mul3A_465, %gather3A : vector<16xf32>
        %add3A_467 = arith.addf %broadcast_in_dim3A_6, %mul3A_466 : vector<16xf32>
        %mul3A_468 = arith.mulf %bitcast3A_460, %gather3A_464 : vector<16xf32>
        %mul3A_469 = arith.mulf %mul3A_468, %gather3A : vector<16xf32>
        %add3A_470 = arith.addf %broadcast_in_dim3A_6, %mul3A_469 : vector<16xf32>
        %get3A_471 = arith.index_cast %add3A_452 : i32 to index
        %get3A_472 = arith.constant 32 : index
        %get3A_473 = tpu.vector_load %arg16[%get3A_471, %get3A_472] {strides = array<i32>} : memref<1024x64xbf16, #tpu.memory_space<vmem>>, vector<32xbf16>,
        %bitcast3A_474 = vector.bitcast %get3A_473 : vector<32xbf16> to vector<16xi32>
        %shift_left3A_475 = arith.constant 16 : i32
        %shift_left3A_476 = vector.broadcast %shift_left3A_475 : i32 to vector<16xi32>
        %shift_left3A_477 = arith.shli %bitcast3A_474, %shift_left3A_476 : vector<16xi32>
        %bitcast3A_478 = vector.bitcast %shift_left3A_477 : vector<16xi32> to vector<16xf32>
        %and3A_479 = arith.andi %bitcast3A_474, %broadcast_in_dim3A_10 : vector<16xi32>
        %bitcast3A_480 = vector.bitcast %and3A_479 : vector<16xi32> to vector<16xf32>
        %add3A_481 = arith.addi %gather3A_454, %add3A_23 : vector<16xi32>
        %gather3A_482 = tpu.vector_load_idx %arg20[%add3A_481] : memref<6464xf32, #tpu.memory_space<vmem>>[vector<16xi32>], vector<16xf32>,
        %add3A_483 = arith.addi %gather3A_454, %add3A_26 : vector<16xi32>
        %gather3A_484 = tpu.vector_load_idx %arg20[%add3A_483] : memref<6464xf32, #tpu.memory_space<vmem>>[vector<16xi32>], vector<16xf32>,
        %mul3A_485 = arith.mulf %bitcast3A_478, %gather3A_482 : vector<16xf32>
        %mul3A_486 = arith.mulf %mul3A_485, %gather3A : vector<16xf32>
        %add3A_487 = arith.addf %broadcast_in_dim3A_6, %mul3A_486 : vector<16xf32>
        %mul3A_488 = arith.mulf %bitcast3A_480, %gather3A_484 : vector<16xf32>
        %mul3A_489 = arith.mulf %mul3A_488, %gather3A : vector<16xf32>
        %add3A_490 = arith.addf %broadcast_in_dim3A_6, %mul3A_489 : vector<16xf32>
        %mul3A_491 = arith.constant 20 : i32
        %mul3A_492 = arith.muli %scan3A_444, %mul3A_491 : i32
        %add3A_493 = arith.constant 1 : i32
        %add3A_494 = arith.addi %mul3A_492, %add3A_493 : i32
        %broadcast_in_dim3A_495 = vector.broadcast %add3A_494 : i32 to vector<16xi32>
        %gather3A_496 = tpu.vector_load_idx %arg14[%broadcast_in_dim3A_495] : memref<1024xf32, #tpu.memory_space<vmem>>[vector<16xi32>], vector<16xf32>,
        %gather3A_497 = tpu.vector_load_idx %arg12[%broadcast_in_dim3A_495] : memref<1024xi32, #tpu.memory_space<vmem>>[vector<16xi32>], vector<16xi32>,
        %get3A_498 = arith.index_cast %add3A_494 : i32 to index
        %get3A_499 = arith.constant 0 : index
        %get3A_500 = tpu.vector_load %arg16[%get3A_498, %get3A_499] {strides = array<i32>} : memref<1024x64xbf16, #tpu.memory_space<vmem>>, vector<32xbf16>,
        %bitcast3A_501 = vector.bitcast %get3A_500 : vector<32xbf16> to vector<16xi32>
        %shift_left3A_502 = arith.constant 16 : i32
        %shift_left3A_503 = vector.broadcast %shift_left3A_502 : i32 to vector<16xi32>
        %shift_left3A_504 = arith.shli %bitcast3A_501, %shift_left3A_503 : vector<16xi32>
        %bitcast3A_505 = vector.bitcast %shift_left3A_504 : vector<16xi32> to vector<16xf32>
        %and3A_506 = arith.andi %bitcast3A_501, %broadcast_in_dim3A_10 : vector<16xi32>
        %bitcast3A_507 = vector.bitcast %and3A_506 : vector<16xi32> to vector<16xf32>
        %add3A_508 = arith.addi %gather3A_497, %add3A_17 : vector<16xi32>
        %gather3A_509 = tpu.vector_load_idx %arg20[%add3A_508] : memref<6464xf32, #tpu.memory_space<vmem>>[vector<16xi32>], vector<16xf32>,
        %add3A_510 = arith.addi %gather3A_497, %add3A_20 : vector<16xi32>
        %gather3A_511 = tpu.vector_load_idx %arg20[%add3A_510] : memref<6464xf32, #tpu.memory_space<vmem>>[vector<16xi32>], vector<16xf32>,
        %mul3A_512 = arith.mulf %bitcast3A_505, %gather3A_509 : vector<16xf32>
        %mul3A_513 = arith.mulf %mul3A_512, %gather3A_496 : vector<16xf32>
        %add3A_514 = arith.addf %add3A_467, %mul3A_513 : vector<16xf32>
        %mul3A_515 = arith.mulf %bitcast3A_507, %gather3A_511 : vector<16xf32>
        %mul3A_516 = arith.mulf %mul3A_515, %gather3A_496 : vector<16xf32>
        %add3A_517 = arith.addf %add3A_470, %mul3A_516 : vector<16xf32>
        %get3A_518 = arith.index_cast %add3A_494 : i32 to index
        %get3A_519 = arith.constant 32 : index
        %get3A_520 = tpu.vector_load %arg16[%get3A_518, %get3A_519] {strides = array<i32>} : memref<1024x64xbf16, #tpu.memory_space<vmem>>, vector<32xbf16>,
        %bitcast3A_521 = vector.bitcast %get3A_520 : vector<32xbf16> to vector<16xi32>
        %shift_left3A_522 = arith.constant 16 : i32
        %shift_left3A_523 = vector.broadcast %shift_left3A_522 : i32 to vector<16xi32>
        %shift_left3A_524 = arith.shli %bitcast3A_521, %shift_left3A_523 : vector<16xi32>
        %bitcast3A_525 = vector.bitcast %shift_left3A_524 : vector<16xi32> to vector<16xf32>
        %and3A_526 = arith.andi %bitcast3A_521, %broadcast_in_dim3A_10 : vector<16xi32>
        %bitcast3A_527 = vector.bitcast %and3A_526 : vector<16xi32> to vector<16xf32>
        %add3A_528 = arith.addi %gather3A_497, %add3A_23 : vector<16xi32>
        %gather3A_529 = tpu.vector_load_idx %arg20[%add3A_528] : memref<6464xf32, #tpu.memory_space<vmem>>[vector<16xi32>], vector<16xf32>,
        %add3A_530 = arith.addi %gather3A_497, %add3A_26 : vector<16xi32>
        %gather3A_531 = tpu.vector_load_idx %arg20[%add3A_530] : memref<6464xf32, #tpu.memory_space<vmem>>[vector<16xi32>], vector<16xf32>,
        %mul3A_532 = arith.mulf %bitcast3A_525, %gather3A_529 : vector<16xf32>
        %mul3A_533 = arith.mulf %mul3A_532, %gather3A_496 : vector<16xf32>
        %add3A_534 = arith.addf %add3A_487, %mul3A_533 : vector<16xf32>
        %mul3A_535 = arith.mulf %bitcast3A_527, %gather3A_531 : vector<16xf32>
        %mul3A_536 = arith.mulf %mul3A_535, %gather3A_496 : vector<16xf32>
        %add3A_537 = arith.addf %add3A_490, %mul3A_536 : vector<16xf32>
        %mul3A_538 = arith.constant 20 : i32
        %mul3A_539 = arith.muli %scan3A_444, %mul3A_538 : i32
        %add3A_540 = arith.constant 2 : i32
        %add3A_541 = arith.addi %mul3A_539, %add3A_540 : i32
        %broadcast_in_dim3A_542 = vector.broadcast %add3A_541 : i32 to vector<16xi32>
        %gather3A_543 = tpu.vector_load_idx %arg14[%broadcast_in_dim3A_542] : memref<1024xf32, #tpu.memory_space<vmem>>[vector<16xi32>], vector<16xf32>,
        %gather3A_544 = tpu.vector_load_idx %arg12[%broadcast_in_dim3A_542] : memref<1024xi32, #tpu.memory_space<vmem>>[vector<16xi32>], vector<16xi32>,
        %get3A_545 = arith.index_cast %add3A_541 : i32 to index
        %get3A_546 = arith.constant 0 : index
        %get3A_547 = tpu.vector_load %arg16[%get3A_545, %get3A_546] {strides = array<i32>} : memref<1024x64xbf16, #tpu.memory_space<vmem>>, vector<32xbf16>,
        %bitcast3A_548 = vector.bitcast %get3A_547 : vector<32xbf16> to vector<16xi32>
        %shift_left3A_549 = arith.constant 16 : i32
        %shift_left3A_550 = vector.broadcast %shift_left3A_549 : i32 to vector<16xi32>
        %shift_left3A_551 = arith.shli %bitcast3A_548, %shift_left3A_550 : vector<16xi32>
        %bitcast3A_552 = vector.bitcast %shift_left3A_551 : vector<16xi32> to vector<16xf32>
        %and3A_553 = arith.andi %bitcast3A_548, %broadcast_in_dim3A_10 : vector<16xi32>
        %bitcast3A_554 = vector.bitcast %and3A_553 : vector<16xi32> to vector<16xf32>
        %add3A_555 = arith.addi %gather3A_544, %add3A_17 : vector<16xi32>
        %gather3A_556 = tpu.vector_load_idx %arg20[%add3A_555] : memref<6464xf32, #tpu.memory_space<vmem>>[vector<16xi32>], vector<16xf32>,
        %add3A_557 = arith.addi %gather3A_544, %add3A_20 : vector<16xi32>
        %gather3A_558 = tpu.vector_load_idx %arg20[%add3A_557] : memref<6464xf32, #tpu.memory_space<vmem>>[vector<16xi32>], vector<16xf32>,
        %mul3A_559 = arith.mulf %bitcast3A_552, %gather3A_556 : vector<16xf32>
        %mul3A_560 = arith.mulf %mul3A_559, %gather3A_543 : vector<16xf32>
        %add3A_561 = arith.addf %add3A_514, %mul3A_560 : vector<16xf32>
        %mul3A_562 = arith.mulf %bitcast3A_554, %gather3A_558 : vector<16xf32>
        %mul3A_563 = arith.mulf %mul3A_562, %gather3A_543 : vector<16xf32>
        %add3A_564 = arith.addf %add3A_517, %mul3A_563 : vector<16xf32>
        %get3A_565 = arith.index_cast %add3A_541 : i32 to index
        %get3A_566 = arith.constant 32 : index
        %get3A_567 = tpu.vector_load %arg16[%get3A_565, %get3A_566] {strides = array<i32>} : memref<1024x64xbf16, #tpu.memory_space<vmem>>, vector<32xbf16>,
        %bitcast3A_568 = vector.bitcast %get3A_567 : vector<32xbf16> to vector<16xi32>
        %shift_left3A_569 = arith.constant 16 : i32
        %shift_left3A_570 = vector.broadcast %shift_left3A_569 : i32 to vector<16xi32>
        %shift_left3A_571 = arith.shli %bitcast3A_568, %shift_left3A_570 : vector<16xi32>
        %bitcast3A_572 = vector.bitcast %shift_left3A_571 : vector<16xi32> to vector<16xf32>
        %and3A_573 = arith.andi %bitcast3A_568, %broadcast_in_dim3A_10 : vector<16xi32>
        %bitcast3A_574 = vector.bitcast %and3A_573 : vector<16xi32> to vector<16xf32>
        %add3A_575 = arith.addi %gather3A_544, %add3A_23 : vector<16xi32>
        %gather3A_576 = tpu.vector_load_idx %arg20[%add3A_575] : memref<6464xf32, #tpu.memory_space<vmem>>[vector<16xi32>], vector<16xf32>,
        %add3A_577 = arith.addi %gather3A_544, %add3A_26 : vector<16xi32>
        %gather3A_578 = tpu.vector_load_idx %arg20[%add3A_577] : memref<6464xf32, #tpu.memory_space<vmem>>[vector<16xi32>], vector<16xf32>,
        %mul3A_579 = arith.mulf %bitcast3A_572, %gather3A_576 : vector<16xf32>
        %mul3A_580 = arith.mulf %mul3A_579, %gather3A_543 : vector<16xf32>
        %add3A_581 = arith.addf %add3A_534, %mul3A_580 : vector<16xf32>
        %mul3A_582 = arith.mulf %bitcast3A_574, %gather3A_578 : vector<16xf32>
        %mul3A_583 = arith.mulf %mul3A_582, %gather3A_543 : vector<16xf32>
        %add3A_584 = arith.addf %add3A_537, %mul3A_583 : vector<16xf32>
        %mul3A_585 = arith.constant 20 : i32
        %mul3A_586 = arith.muli %scan3A_444, %mul3A_585 : i32
        %add3A_587 = arith.constant 3 : i32
        %add3A_588 = arith.addi %mul3A_586, %add3A_587 : i32
        %broadcast_in_dim3A_589 = vector.broadcast %add3A_588 : i32 to vector<16xi32>
        %gather3A_590 = tpu.vector_load_idx %arg14[%broadcast_in_dim3A_589] : memref<1024xf32, #tpu.memory_space<vmem>>[vector<16xi32>], vector<16xf32>,
        %gather3A_591 = tpu.vector_load_idx %arg12[%broadcast_in_dim3A_589] : memref<1024xi32, #tpu.memory_space<vmem>>[vector<16xi32>], vector<16xi32>,
        %get3A_592 = arith.index_cast %add3A_588 : i32 to index
        %get3A_593 = arith.constant 0 : index
        %get3A_594 = tpu.vector_load %arg16[%get3A_592, %get3A_593] {strides = array<i32>} : memref<1024x64xbf16, #tpu.memory_space<vmem>>, vector<32xbf16>,
        %bitcast3A_595 = vector.bitcast %get3A_594 : vector<32xbf16> to vector<16xi32>
        %shift_left3A_596 = arith.constant 16 : i32
        %shift_left3A_597 = vector.broadcast %shift_left3A_596 : i32 to vector<16xi32>
        %shift_left3A_598 = arith.shli %bitcast3A_595, %shift_left3A_597 : vector<16xi32>
        %bitcast3A_599 = vector.bitcast %shift_left3A_598 : vector<16xi32> to vector<16xf32>
        %and3A_600 = arith.andi %bitcast3A_595, %broadcast_in_dim3A_10 : vector<16xi32>
        %bitcast3A_601 = vector.bitcast %and3A_600 : vector<16xi32> to vector<16xf32>
        %add3A_602 = arith.addi %gather3A_591, %add3A_17 : vector<16xi32>
        %gather3A_603 = tpu.vector_load_idx %arg20[%add3A_602] : memref<6464xf32, #tpu.memory_space<vmem>>[vector<16xi32>], vector<16xf32>,
        %add3A_604 = arith.addi %gather3A_591, %add3A_20 : vector<16xi32>
        %gather3A_605 = tpu.vector_load_idx %arg20[%add3A_604] : memref<6464xf32, #tpu.memory_space<vmem>>[vector<16xi32>], vector<16xf32>,
        %mul3A_606 = arith.mulf %bitcast3A_599, %gather3A_603 : vector<16xf32>
        %mul3A_607 = arith.mulf %mul3A_606, %gather3A_590 : vector<16xf32>
        %add3A_608 = arith.addf %add3A_561, %mul3A_607 : vector<16xf32>
        %mul3A_609 = arith.mulf %bitcast3A_601, %gather3A_605 : vector<16xf32>
        %mul3A_610 = arith.mulf %mul3A_609, %gather3A_590 : vector<16xf32>
        %add3A_611 = arith.addf %add3A_564, %mul3A_610 : vector<16xf32>
        %get3A_612 = arith.index_cast %add3A_588 : i32 to index
        %get3A_613 = arith.constant 32 : index
        %get3A_614 = tpu.vector_load %arg16[%get3A_612, %get3A_613] {strides = array<i32>} : memref<1024x64xbf16, #tpu.memory_space<vmem>>, vector<32xbf16>,
        %bitcast3A_615 = vector.bitcast %get3A_614 : vector<32xbf16> to vector<16xi32>
        %shift_left3A_616 = arith.constant 16 : i32
        %shift_left3A_617 = vector.broadcast %shift_left3A_616 : i32 to vector<16xi32>
        %shift_left3A_618 = arith.shli %bitcast3A_615, %shift_left3A_617 : vector<16xi32>
        %bitcast3A_619 = vector.bitcast %shift_left3A_618 : vector<16xi32> to vector<16xf32>
        %and3A_620 = arith.andi %bitcast3A_615, %broadcast_in_dim3A_10 : vector<16xi32>
        %bitcast3A_621 = vector.bitcast %and3A_620 : vector<16xi32> to vector<16xf32>
        %add3A_622 = arith.addi %gather3A_591, %add3A_23 : vector<16xi32>
        %gather3A_623 = tpu.vector_load_idx %arg20[%add3A_622] : memref<6464xf32, #tpu.memory_space<vmem>>[vector<16xi32>], vector<16xf32>,
        %add3A_624 = arith.addi %gather3A_591, %add3A_26 : vector<16xi32>
        %gather3A_625 = tpu.vector_load_idx %arg20[%add3A_624] : memref<6464xf32, #tpu.memory_space<vmem>>[vector<16xi32>], vector<16xf32>,
        %mul3A_626 = arith.mulf %bitcast3A_619, %gather3A_623 : vector<16xf32>
        %mul3A_627 = arith.mulf %mul3A_626, %gather3A_590 : vector<16xf32>
        %add3A_628 = arith.addf %add3A_581, %mul3A_627 : vector<16xf32>
        %mul3A_629 = arith.mulf %bitcast3A_621, %gather3A_625 : vector<16xf32>
        %mul3A_630 = arith.mulf %mul3A_629, %gather3A_590 : vector<16xf32>
        %add3A_631 = arith.addf %add3A_584, %mul3A_630 : vector<16xf32>
        %mul3A_632 = arith.constant 20 : i32
        %mul3A_633 = arith.muli %scan3A_444, %mul3A_632 : i32
        %add3A_634 = arith.constant 4 : i32
        %add3A_635 = arith.addi %mul3A_633, %add3A_634 : i32
        %broadcast_in_dim3A_636 = vector.broadcast %add3A_635 : i32 to vector<16xi32>
        %gather3A_637 = tpu.vector_load_idx %arg14[%broadcast_in_dim3A_636] : memref<1024xf32, #tpu.memory_space<vmem>>[vector<16xi32>], vector<16xf32>,
        %gather3A_638 = tpu.vector_load_idx %arg12[%broadcast_in_dim3A_636] : memref<1024xi32, #tpu.memory_space<vmem>>[vector<16xi32>], vector<16xi32>,
        %get3A_639 = arith.index_cast %add3A_635 : i32 to index
        %get3A_640 = arith.constant 0 : index
        %get3A_641 = tpu.vector_load %arg16[%get3A_639, %get3A_640] {strides = array<i32>} : memref<1024x64xbf16, #tpu.memory_space<vmem>>, vector<32xbf16>,
        %bitcast3A_642 = vector.bitcast %get3A_641 : vector<32xbf16> to vector<16xi32>
        %shift_left3A_643 = arith.constant 16 : i32
        %shift_left3A_644 = vector.broadcast %shift_left3A_643 : i32 to vector<16xi32>
        %shift_left3A_645 = arith.shli %bitcast3A_642, %shift_left3A_644 : vector<16xi32>
        %bitcast3A_646 = vector.bitcast %shift_left3A_645 : vector<16xi32> to vector<16xf32>
        %and3A_647 = arith.andi %bitcast3A_642, %broadcast_in_dim3A_10 : vector<16xi32>
        %bitcast3A_648 = vector.bitcast %and3A_647 : vector<16xi32> to vector<16xf32>
        %add3A_649 = arith.addi %gather3A_638, %add3A_17 : vector<16xi32>
        %gather3A_650 = tpu.vector_load_idx %arg20[%add3A_649] : memref<6464xf32, #tpu.memory_space<vmem>>[vector<16xi32>], vector<16xf32>,
        %add3A_651 = arith.addi %gather3A_638, %add3A_20 : vector<16xi32>
        %gather3A_652 = tpu.vector_load_idx %arg20[%add3A_651] : memref<6464xf32, #tpu.memory_space<vmem>>[vector<16xi32>], vector<16xf32>,
        %mul3A_653 = arith.mulf %bitcast3A_646, %gather3A_650 : vector<16xf32>
        %mul3A_654 = arith.mulf %mul3A_653, %gather3A_637 : vector<16xf32>
        %add3A_655 = arith.addf %add3A_608, %mul3A_654 : vector<16xf32>
        %mul3A_656 = arith.mulf %bitcast3A_648, %gather3A_652 : vector<16xf32>
        %mul3A_657 = arith.mulf %mul3A_656, %gather3A_637 : vector<16xf32>
        %add3A_658 = arith.addf %add3A_611, %mul3A_657 : vector<16xf32>
        %get3A_659 = arith.index_cast %add3A_635 : i32 to index
        %get3A_660 = arith.constant 32 : index
        %get3A_661 = tpu.vector_load %arg16[%get3A_659, %get3A_660] {strides = array<i32>} : memref<1024x64xbf16, #tpu.memory_space<vmem>>, vector<32xbf16>,
        %bitcast3A_662 = vector.bitcast %get3A_661 : vector<32xbf16> to vector<16xi32>
        %shift_left3A_663 = arith.constant 16 : i32
        %shift_left3A_664 = vector.broadcast %shift_left3A_663 : i32 to vector<16xi32>
        %shift_left3A_665 = arith.shli %bitcast3A_662, %shift_left3A_664 : vector<16xi32>
        %bitcast3A_666 = vector.bitcast %shift_left3A_665 : vector<16xi32> to vector<16xf32>
        %and3A_667 = arith.andi %bitcast3A_662, %broadcast_in_dim3A_10 : vector<16xi32>
        %bitcast3A_668 = vector.bitcast %and3A_667 : vector<16xi32> to vector<16xf32>
        %add3A_669 = arith.addi %gather3A_638, %add3A_23 : vector<16xi32>
        %gather3A_670 = tpu.vector_load_idx %arg20[%add3A_669] : memref<6464xf32, #tpu.memory_space<vmem>>[vector<16xi32>], vector<16xf32>,
        %add3A_671 = arith.addi %gather3A_638, %add3A_26 : vector<16xi32>
        %gather3A_672 = tpu.vector_load_idx %arg20[%add3A_671] : memref<6464xf32, #tpu.memory_space<vmem>>[vector<16xi32>], vector<16xf32>,
        %mul3A_673 = arith.mulf %bitcast3A_666, %gather3A_670 : vector<16xf32>
        %mul3A_674 = arith.mulf %mul3A_673, %gather3A_637 : vector<16xf32>
        %add3A_675 = arith.addf %add3A_628, %mul3A_674 : vector<16xf32>
        %mul3A_676 = arith.mulf %bitcast3A_668, %gather3A_672 : vector<16xf32>
        %mul3A_677 = arith.mulf %mul3A_676, %gather3A_637 : vector<16xf32>
        %add3A_678 = arith.addf %add3A_631, %mul3A_677 : vector<16xf32>
        %mul3A_679 = arith.constant 20 : i32
        %mul3A_680 = arith.muli %scan3A_444, %mul3A_679 : i32
        %add3A_681 = arith.constant 5 : i32
        %add3A_682 = arith.addi %mul3A_680, %add3A_681 : i32
        %broadcast_in_dim3A_683 = vector.broadcast %add3A_682 : i32 to vector<16xi32>
        %gather3A_684 = tpu.vector_load_idx %arg14[%broadcast_in_dim3A_683] : memref<1024xf32, #tpu.memory_space<vmem>>[vector<16xi32>], vector<16xf32>,
        %gather3A_685 = tpu.vector_load_idx %arg12[%broadcast_in_dim3A_683] : memref<1024xi32, #tpu.memory_space<vmem>>[vector<16xi32>], vector<16xi32>,
        %get3A_686 = arith.index_cast %add3A_682 : i32 to index
        %get3A_687 = arith.constant 0 : index
        %get3A_688 = tpu.vector_load %arg16[%get3A_686, %get3A_687] {strides = array<i32>} : memref<1024x64xbf16, #tpu.memory_space<vmem>>, vector<32xbf16>,
        %bitcast3A_689 = vector.bitcast %get3A_688 : vector<32xbf16> to vector<16xi32>
        %shift_left3A_690 = arith.constant 16 : i32
        %shift_left3A_691 = vector.broadcast %shift_left3A_690 : i32 to vector<16xi32>
        %shift_left3A_692 = arith.shli %bitcast3A_689, %shift_left3A_691 : vector<16xi32>
        %bitcast3A_693 = vector.bitcast %shift_left3A_692 : vector<16xi32> to vector<16xf32>
        %and3A_694 = arith.andi %bitcast3A_689, %broadcast_in_dim3A_10 : vector<16xi32>
        %bitcast3A_695 = vector.bitcast %and3A_694 : vector<16xi32> to vector<16xf32>
        %add3A_696 = arith.addi %gather3A_685, %add3A_17 : vector<16xi32>
        %gather3A_697 = tpu.vector_load_idx %arg20[%add3A_696] : memref<6464xf32, #tpu.memory_space<vmem>>[vector<16xi32>], vector<16xf32>,
        %add3A_698 = arith.addi %gather3A_685, %add3A_20 : vector<16xi32>
        %gather3A_699 = tpu.vector_load_idx %arg20[%add3A_698] : memref<6464xf32, #tpu.memory_space<vmem>>[vector<16xi32>], vector<16xf32>,
        %mul3A_700 = arith.mulf %bitcast3A_693, %gather3A_697 : vector<16xf32>
        %mul3A_701 = arith.mulf %mul3A_700, %gather3A_684 : vector<16xf32>
        %add3A_702 = arith.addf %add3A_655, %mul3A_701 : vector<16xf32>
        %mul3A_703 = arith.mulf %bitcast3A_695, %gather3A_699 : vector<16xf32>
        %mul3A_704 = arith.mulf %mul3A_703, %gather3A_684 : vector<16xf32>
        %add3A_705 = arith.addf %add3A_658, %mul3A_704 : vector<16xf32>
        %get3A_706 = arith.index_cast %add3A_682 : i32 to index
        %get3A_707 = arith.constant 32 : index
        %get3A_708 = tpu.vector_load %arg16[%get3A_706, %get3A_707] {strides = array<i32>} : memref<1024x64xbf16, #tpu.memory_space<vmem>>, vector<32xbf16>,
        %bitcast3A_709 = vector.bitcast %get3A_708 : vector<32xbf16> to vector<16xi32>
        %shift_left3A_710 = arith.constant 16 : i32
        %shift_left3A_711 = vector.broadcast %shift_left3A_710 : i32 to vector<16xi32>
        %shift_left3A_712 = arith.shli %bitcast3A_709, %shift_left3A_711 : vector<16xi32>
        %bitcast3A_713 = vector.bitcast %shift_left3A_712 : vector<16xi32> to vector<16xf32>
        %and3A_714 = arith.andi %bitcast3A_709, %broadcast_in_dim3A_10 : vector<16xi32>
        %bitcast3A_715 = vector.bitcast %and3A_714 : vector<16xi32> to vector<16xf32>
        %add3A_716 = arith.addi %gather3A_685, %add3A_23 : vector<16xi32>
        %gather3A_717 = tpu.vector_load_idx %arg20[%add3A_716] : memref<6464xf32, #tpu.memory_space<vmem>>[vector<16xi32>], vector<16xf32>,
        %add3A_718 = arith.addi %gather3A_685, %add3A_26 : vector<16xi32>
        %gather3A_719 = tpu.vector_load_idx %arg20[%add3A_718] : memref<6464xf32, #tpu.memory_space<vmem>>[vector<16xi32>], vector<16xf32>,
        %mul3A_720 = arith.mulf %bitcast3A_713, %gather3A_717 : vector<16xf32>
        %mul3A_721 = arith.mulf %mul3A_720, %gather3A_684 : vector<16xf32>
        %add3A_722 = arith.addf %add3A_675, %mul3A_721 : vector<16xf32>
        %mul3A_723 = arith.mulf %bitcast3A_715, %gather3A_719 : vector<16xf32>
        %mul3A_724 = arith.mulf %mul3A_723, %gather3A_684 : vector<16xf32>
        %add3A_725 = arith.addf %add3A_678, %mul3A_724 : vector<16xf32>
        %mul3A_726 = arith.constant 20 : i32
        %mul3A_727 = arith.muli %scan3A_444, %mul3A_726 : i32
        %add3A_728 = arith.constant 6 : i32
        %add3A_729 = arith.addi %mul3A_727, %add3A_728 : i32
        %broadcast_in_dim3A_730 = vector.broadcast %add3A_729 : i32 to vector<16xi32>
        %gather3A_731 = tpu.vector_load_idx %arg14[%broadcast_in_dim3A_730] : memref<1024xf32, #tpu.memory_space<vmem>>[vector<16xi32>], vector<16xf32>,
        %gather3A_732 = tpu.vector_load_idx %arg12[%broadcast_in_dim3A_730] : memref<1024xi32, #tpu.memory_space<vmem>>[vector<16xi32>], vector<16xi32>,
        %get3A_733 = arith.index_cast %add3A_729 : i32 to index
        %get3A_734 = arith.constant 0 : index
        %get3A_735 = tpu.vector_load %arg16[%get3A_733, %get3A_734] {strides = array<i32>} : memref<1024x64xbf16, #tpu.memory_space<vmem>>, vector<32xbf16>,
        %bitcast3A_736 = vector.bitcast %get3A_735 : vector<32xbf16> to vector<16xi32>
        %shift_left3A_737 = arith.constant 16 : i32
        %shift_left3A_738 = vector.broadcast %shift_left3A_737 : i32 to vector<16xi32>
        %shift_left3A_739 = arith.shli %bitcast3A_736, %shift_left3A_738 : vector<16xi32>
        %bitcast3A_740 = vector.bitcast %shift_left3A_739 : vector<16xi32> to vector<16xf32>
        %and3A_741 = arith.andi %bitcast3A_736, %broadcast_in_dim3A_10 : vector<16xi32>
        %bitcast3A_742 = vector.bitcast %and3A_741 : vector<16xi32> to vector<16xf32>
        %add3A_743 = arith.addi %gather3A_732, %add3A_17 : vector<16xi32>
        %gather3A_744 = tpu.vector_load_idx %arg20[%add3A_743] : memref<6464xf32, #tpu.memory_space<vmem>>[vector<16xi32>], vector<16xf32>,
        %add3A_745 = arith.addi %gather3A_732, %add3A_20 : vector<16xi32>
        %gather3A_746 = tpu.vector_load_idx %arg20[%add3A_745] : memref<6464xf32, #tpu.memory_space<vmem>>[vector<16xi32>], vector<16xf32>,
        %mul3A_747 = arith.mulf %bitcast3A_740, %gather3A_744 : vector<16xf32>
        %mul3A_748 = arith.mulf %mul3A_747, %gather3A_731 : vector<16xf32>
        %add3A_749 = arith.addf %add3A_702, %mul3A_748 : vector<16xf32>
        %mul3A_750 = arith.mulf %bitcast3A_742, %gather3A_746 : vector<16xf32>
        %mul3A_751 = arith.mulf %mul3A_750, %gather3A_731 : vector<16xf32>
        %add3A_752 = arith.addf %add3A_705, %mul3A_751 : vector<16xf32>
        %get3A_753 = arith.index_cast %add3A_729 : i32 to index
        %get3A_754 = arith.constant 32 : index
        %get3A_755 = tpu.vector_load %arg16[%get3A_753, %get3A_754] {strides = array<i32>} : memref<1024x64xbf16, #tpu.memory_space<vmem>>, vector<32xbf16>,
        %bitcast3A_756 = vector.bitcast %get3A_755 : vector<32xbf16> to vector<16xi32>
        %shift_left3A_757 = arith.constant 16 : i32
        %shift_left3A_758 = vector.broadcast %shift_left3A_757 : i32 to vector<16xi32>
        %shift_left3A_759 = arith.shli %bitcast3A_756, %shift_left3A_758 : vector<16xi32>
        %bitcast3A_760 = vector.bitcast %shift_left3A_759 : vector<16xi32> to vector<16xf32>
        %and3A_761 = arith.andi %bitcast3A_756, %broadcast_in_dim3A_10 : vector<16xi32>
        %bitcast3A_762 = vector.bitcast %and3A_761 : vector<16xi32> to vector<16xf32>
        %add3A_763 = arith.addi %gather3A_732, %add3A_23 : vector<16xi32>
        %gather3A_764 = tpu.vector_load_idx %arg20[%add3A_763] : memref<6464xf32, #tpu.memory_space<vmem>>[vector<16xi32>], vector<16xf32>,
        %add3A_765 = arith.addi %gather3A_732, %add3A_26 : vector<16xi32>
        %gather3A_766 = tpu.vector_load_idx %arg20[%add3A_765] : memref<6464xf32, #tpu.memory_space<vmem>>[vector<16xi32>], vector<16xf32>,
        %mul3A_767 = arith.mulf %bitcast3A_760, %gather3A_764 : vector<16xf32>
        %mul3A_768 = arith.mulf %mul3A_767, %gather3A_731 : vector<16xf32>
        %add3A_769 = arith.addf %add3A_722, %mul3A_768 : vector<16xf32>
        %mul3A_770 = arith.mulf %bitcast3A_762, %gather3A_766 : vector<16xf32>
        %mul3A_771 = arith.mulf %mul3A_770, %gather3A_731 : vector<16xf32>
        %add3A_772 = arith.addf %add3A_725, %mul3A_771 : vector<16xf32>
        %mul3A_773 = arith.constant 20 : i32
        %mul3A_774 = arith.muli %scan3A_444, %mul3A_773 : i32
        %add3A_775 = arith.constant 7 : i32
        %add3A_776 = arith.addi %mul3A_774, %add3A_775 : i32
        %broadcast_in_dim3A_777 = vector.broadcast %add3A_776 : i32 to vector<16xi32>
        %gather3A_778 = tpu.vector_load_idx %arg14[%broadcast_in_dim3A_777] : memref<1024xf32, #tpu.memory_space<vmem>>[vector<16xi32>], vector<16xf32>,
        %gather3A_779 = tpu.vector_load_idx %arg12[%broadcast_in_dim3A_777] : memref<1024xi32, #tpu.memory_space<vmem>>[vector<16xi32>], vector<16xi32>,
        %get3A_780 = arith.index_cast %add3A_776 : i32 to index
        %get3A_781 = arith.constant 0 : index
        %get3A_782 = tpu.vector_load %arg16[%get3A_780, %get3A_781] {strides = array<i32>} : memref<1024x64xbf16, #tpu.memory_space<vmem>>, vector<32xbf16>,
        %bitcast3A_783 = vector.bitcast %get3A_782 : vector<32xbf16> to vector<16xi32>
        %shift_left3A_784 = arith.constant 16 : i32
        %shift_left3A_785 = vector.broadcast %shift_left3A_784 : i32 to vector<16xi32>
        %shift_left3A_786 = arith.shli %bitcast3A_783, %shift_left3A_785 : vector<16xi32>
        %bitcast3A_787 = vector.bitcast %shift_left3A_786 : vector<16xi32> to vector<16xf32>
        %and3A_788 = arith.andi %bitcast3A_783, %broadcast_in_dim3A_10 : vector<16xi32>
        %bitcast3A_789 = vector.bitcast %and3A_788 : vector<16xi32> to vector<16xf32>
        %add3A_790 = arith.addi %gather3A_779, %add3A_17 : vector<16xi32>
        %gather3A_791 = tpu.vector_load_idx %arg20[%add3A_790] : memref<6464xf32, #tpu.memory_space<vmem>>[vector<16xi32>], vector<16xf32>,
        %add3A_792 = arith.addi %gather3A_779, %add3A_20 : vector<16xi32>
        %gather3A_793 = tpu.vector_load_idx %arg20[%add3A_792] : memref<6464xf32, #tpu.memory_space<vmem>>[vector<16xi32>], vector<16xf32>,
        %mul3A_794 = arith.mulf %bitcast3A_787, %gather3A_791 : vector<16xf32>
        %mul3A_795 = arith.mulf %mul3A_794, %gather3A_778 : vector<16xf32>
        %add3A_796 = arith.addf %add3A_749, %mul3A_795 : vector<16xf32>
        %mul3A_797 = arith.mulf %bitcast3A_789, %gather3A_793 : vector<16xf32>
        %mul3A_798 = arith.mulf %mul3A_797, %gather3A_778 : vector<16xf32>
        %add3A_799 = arith.addf %add3A_752, %mul3A_798 : vector<16xf32>
        %get3A_800 = arith.index_cast %add3A_776 : i32 to index
        %get3A_801 = arith.constant 32 : index
        %get3A_802 = tpu.vector_load %arg16[%get3A_800, %get3A_801] {strides = array<i32>} : memref<1024x64xbf16, #tpu.memory_space<vmem>>, vector<32xbf16>,
        %bitcast3A_803 = vector.bitcast %get3A_802 : vector<32xbf16> to vector<16xi32>
        %shift_left3A_804 = arith.constant 16 : i32
        %shift_left3A_805 = vector.broadcast %shift_left3A_804 : i32 to vector<16xi32>
        %shift_left3A_806 = arith.shli %bitcast3A_803, %shift_left3A_805 : vector<16xi32>
        %bitcast3A_807 = vector.bitcast %shift_left3A_806 : vector<16xi32> to vector<16xf32>
        %and3A_808 = arith.andi %bitcast3A_803, %broadcast_in_dim3A_10 : vector<16xi32>
        %bitcast3A_809 = vector.bitcast %and3A_808 : vector<16xi32> to vector<16xf32>
        %add3A_810 = arith.addi %gather3A_779, %add3A_23 : vector<16xi32>
        %gather3A_811 = tpu.vector_load_idx %arg20[%add3A_810] : memref<6464xf32, #tpu.memory_space<vmem>>[vector<16xi32>], vector<16xf32>,
        %add3A_812 = arith.addi %gather3A_779, %add3A_26 : vector<16xi32>
        %gather3A_813 = tpu.vector_load_idx %arg20[%add3A_812] : memref<6464xf32, #tpu.memory_space<vmem>>[vector<16xi32>], vector<16xf32>,
        %mul3A_814 = arith.mulf %bitcast3A_807, %gather3A_811 : vector<16xf32>
        %mul3A_815 = arith.mulf %mul3A_814, %gather3A_778 : vector<16xf32>
        %add3A_816 = arith.addf %add3A_769, %mul3A_815 : vector<16xf32>
        %mul3A_817 = arith.mulf %bitcast3A_809, %gather3A_813 : vector<16xf32>
        %mul3A_818 = arith.mulf %mul3A_817, %gather3A_778 : vector<16xf32>
        %add3A_819 = arith.addf %add3A_772, %mul3A_818 : vector<16xf32>
        %mul3A_820 = arith.constant 20 : i32
        %mul3A_821 = arith.muli %scan3A_444, %mul3A_820 : i32
        %add3A_822 = arith.constant 8 : i32
        %add3A_823 = arith.addi %mul3A_821, %add3A_822 : i32
        %broadcast_in_dim3A_824 = vector.broadcast %add3A_823 : i32 to vector<16xi32>
        %gather3A_825 = tpu.vector_load_idx %arg14[%broadcast_in_dim3A_824] : memref<1024xf32, #tpu.memory_space<vmem>>[vector<16xi32>], vector<16xf32>,
        %gather3A_826 = tpu.vector_load_idx %arg12[%broadcast_in_dim3A_824] : memref<1024xi32, #tpu.memory_space<vmem>>[vector<16xi32>], vector<16xi32>,
        %get3A_827 = arith.index_cast %add3A_823 : i32 to index
        %get3A_828 = arith.constant 0 : index
        %get3A_829 = tpu.vector_load %arg16[%get3A_827, %get3A_828] {strides = array<i32>} : memref<1024x64xbf16, #tpu.memory_space<vmem>>, vector<32xbf16>,
        %bitcast3A_830 = vector.bitcast %get3A_829 : vector<32xbf16> to vector<16xi32>
        %shift_left3A_831 = arith.constant 16 : i32
        %shift_left3A_832 = vector.broadcast %shift_left3A_831 : i32 to vector<16xi32>
        %shift_left3A_833 = arith.shli %bitcast3A_830, %shift_left3A_832 : vector<16xi32>
        %bitcast3A_834 = vector.bitcast %shift_left3A_833 : vector<16xi32> to vector<16xf32>
        %and3A_835 = arith.andi %bitcast3A_830, %broadcast_in_dim3A_10 : vector<16xi32>
        %bitcast3A_836 = vector.bitcast %and3A_835 : vector<16xi32> to vector<16xf32>
        %add3A_837 = arith.addi %gather3A_826, %add3A_17 : vector<16xi32>
        %gather3A_838 = tpu.vector_load_idx %arg20[%add3A_837] : memref<6464xf32, #tpu.memory_space<vmem>>[vector<16xi32>], vector<16xf32>,
        %add3A_839 = arith.addi %gather3A_826, %add3A_20 : vector<16xi32>
        %gather3A_840 = tpu.vector_load_idx %arg20[%add3A_839] : memref<6464xf32, #tpu.memory_space<vmem>>[vector<16xi32>], vector<16xf32>,
        %mul3A_841 = arith.mulf %bitcast3A_834, %gather3A_838 : vector<16xf32>
        %mul3A_842 = arith.mulf %mul3A_841, %gather3A_825 : vector<16xf32>
        %add3A_843 = arith.addf %add3A_796, %mul3A_842 : vector<16xf32>
        %mul3A_844 = arith.mulf %bitcast3A_836, %gather3A_840 : vector<16xf32>
        %mul3A_845 = arith.mulf %mul3A_844, %gather3A_825 : vector<16xf32>
        %add3A_846 = arith.addf %add3A_799, %mul3A_845 : vector<16xf32>
        %get3A_847 = arith.index_cast %add3A_823 : i32 to index
        %get3A_848 = arith.constant 32 : index
        %get3A_849 = tpu.vector_load %arg16[%get3A_847, %get3A_848] {strides = array<i32>} : memref<1024x64xbf16, #tpu.memory_space<vmem>>, vector<32xbf16>,
        %bitcast3A_850 = vector.bitcast %get3A_849 : vector<32xbf16> to vector<16xi32>
        %shift_left3A_851 = arith.constant 16 : i32
        %shift_left3A_852 = vector.broadcast %shift_left3A_851 : i32 to vector<16xi32>
        %shift_left3A_853 = arith.shli %bitcast3A_850, %shift_left3A_852 : vector<16xi32>
        %bitcast3A_854 = vector.bitcast %shift_left3A_853 : vector<16xi32> to vector<16xf32>
        %and3A_855 = arith.andi %bitcast3A_850, %broadcast_in_dim3A_10 : vector<16xi32>
        %bitcast3A_856 = vector.bitcast %and3A_855 : vector<16xi32> to vector<16xf32>
        %add3A_857 = arith.addi %gather3A_826, %add3A_23 : vector<16xi32>
        %gather3A_858 = tpu.vector_load_idx %arg20[%add3A_857] : memref<6464xf32, #tpu.memory_space<vmem>>[vector<16xi32>], vector<16xf32>,
        %add3A_859 = arith.addi %gather3A_826, %add3A_26 : vector<16xi32>
        %gather3A_860 = tpu.vector_load_idx %arg20[%add3A_859] : memref<6464xf32, #tpu.memory_space<vmem>>[vector<16xi32>], vector<16xf32>,
        %mul3A_861 = arith.mulf %bitcast3A_854, %gather3A_858 : vector<16xf32>
        %mul3A_862 = arith.mulf %mul3A_861, %gather3A_825 : vector<16xf32>
        %add3A_863 = arith.addf %add3A_816, %mul3A_862 : vector<16xf32>
        %mul3A_864 = arith.mulf %bitcast3A_856, %gather3A_860 : vector<16xf32>
        %mul3A_865 = arith.mulf %mul3A_864, %gather3A_825 : vector<16xf32>
        %add3A_866 = arith.addf %add3A_819, %mul3A_865 : vector<16xf32>
        %mul3A_867 = arith.constant 20 : i32
        %mul3A_868 = arith.muli %scan3A_444, %mul3A_867 : i32
        %add3A_869 = arith.constant 9 : i32
        %add3A_870 = arith.addi %mul3A_868, %add3A_869 : i32
        %broadcast_in_dim3A_871 = vector.broadcast %add3A_870 : i32 to vector<16xi32>
        %gather3A_872 = tpu.vector_load_idx %arg14[%broadcast_in_dim3A_871] : memref<1024xf32, #tpu.memory_space<vmem>>[vector<16xi32>], vector<16xf32>,
        %gather3A_873 = tpu.vector_load_idx %arg12[%broadcast_in_dim3A_871] : memref<1024xi32, #tpu.memory_space<vmem>>[vector<16xi32>], vector<16xi32>,
        %get3A_874 = arith.index_cast %add3A_870 : i32 to index
        %get3A_875 = arith.constant 0 : index
        %get3A_876 = tpu.vector_load %arg16[%get3A_874, %get3A_875] {strides = array<i32>} : memref<1024x64xbf16, #tpu.memory_space<vmem>>, vector<32xbf16>,
        %bitcast3A_877 = vector.bitcast %get3A_876 : vector<32xbf16> to vector<16xi32>
        %shift_left3A_878 = arith.constant 16 : i32
        %shift_left3A_879 = vector.broadcast %shift_left3A_878 : i32 to vector<16xi32>
        %shift_left3A_880 = arith.shli %bitcast3A_877, %shift_left3A_879 : vector<16xi32>
        %bitcast3A_881 = vector.bitcast %shift_left3A_880 : vector<16xi32> to vector<16xf32>
        %and3A_882 = arith.andi %bitcast3A_877, %broadcast_in_dim3A_10 : vector<16xi32>
        %bitcast3A_883 = vector.bitcast %and3A_882 : vector<16xi32> to vector<16xf32>
        %add3A_884 = arith.addi %gather3A_873, %add3A_17 : vector<16xi32>
        %gather3A_885 = tpu.vector_load_idx %arg20[%add3A_884] : memref<6464xf32, #tpu.memory_space<vmem>>[vector<16xi32>], vector<16xf32>,
        %add3A_886 = arith.addi %gather3A_873, %add3A_20 : vector<16xi32>
        %gather3A_887 = tpu.vector_load_idx %arg20[%add3A_886] : memref<6464xf32, #tpu.memory_space<vmem>>[vector<16xi32>], vector<16xf32>,
        %mul3A_888 = arith.mulf %bitcast3A_881, %gather3A_885 : vector<16xf32>
        %mul3A_889 = arith.mulf %mul3A_888, %gather3A_872 : vector<16xf32>
        %add3A_890 = arith.addf %add3A_843, %mul3A_889 : vector<16xf32>
        %mul3A_891 = arith.mulf %bitcast3A_883, %gather3A_887 : vector<16xf32>
        %mul3A_892 = arith.mulf %mul3A_891, %gather3A_872 : vector<16xf32>
        %add3A_893 = arith.addf %add3A_846, %mul3A_892 : vector<16xf32>
        %get3A_894 = arith.index_cast %add3A_870 : i32 to index
        %get3A_895 = arith.constant 32 : index
        %get3A_896 = tpu.vector_load %arg16[%get3A_894, %get3A_895] {strides = array<i32>} : memref<1024x64xbf16, #tpu.memory_space<vmem>>, vector<32xbf16>,
        %bitcast3A_897 = vector.bitcast %get3A_896 : vector<32xbf16> to vector<16xi32>
        %shift_left3A_898 = arith.constant 16 : i32
        %shift_left3A_899 = vector.broadcast %shift_left3A_898 : i32 to vector<16xi32>
        %shift_left3A_900 = arith.shli %bitcast3A_897, %shift_left3A_899 : vector<16xi32>
        %bitcast3A_901 = vector.bitcast %shift_left3A_900 : vector<16xi32> to vector<16xf32>
        %and3A_902 = arith.andi %bitcast3A_897, %broadcast_in_dim3A_10 : vector<16xi32>
        %bitcast3A_903 = vector.bitcast %and3A_902 : vector<16xi32> to vector<16xf32>
        %add3A_904 = arith.addi %gather3A_873, %add3A_23 : vector<16xi32>
        %gather3A_905 = tpu.vector_load_idx %arg20[%add3A_904] : memref<6464xf32, #tpu.memory_space<vmem>>[vector<16xi32>], vector<16xf32>,
        %add3A_906 = arith.addi %gather3A_873, %add3A_26 : vector<16xi32>
        %gather3A_907 = tpu.vector_load_idx %arg20[%add3A_906] : memref<6464xf32, #tpu.memory_space<vmem>>[vector<16xi32>], vector<16xf32>,
        %mul3A_908 = arith.mulf %bitcast3A_901, %gather3A_905 : vector<16xf32>
        %mul3A_909 = arith.mulf %mul3A_908, %gather3A_872 : vector<16xf32>
        %add3A_910 = arith.addf %add3A_863, %mul3A_909 : vector<16xf32>
        %mul3A_911 = arith.mulf %bitcast3A_903, %gather3A_907 : vector<16xf32>
        %mul3A_912 = arith.mulf %mul3A_911, %gather3A_872 : vector<16xf32>
        %add3A_913 = arith.addf %add3A_866, %mul3A_912 : vector<16xf32>
        %mul3A_914 = arith.constant 20 : i32
        %mul3A_915 = arith.muli %scan3A_444, %mul3A_914 : i32
        %add3A_916 = arith.constant 10 : i32
        %add3A_917 = arith.addi %mul3A_915, %add3A_916 : i32
        %broadcast_in_dim3A_918 = vector.broadcast %add3A_917 : i32 to vector<16xi32>
        %gather3A_919 = tpu.vector_load_idx %arg14[%broadcast_in_dim3A_918] : memref<1024xf32, #tpu.memory_space<vmem>>[vector<16xi32>], vector<16xf32>,
        %gather3A_920 = tpu.vector_load_idx %arg12[%broadcast_in_dim3A_918] : memref<1024xi32, #tpu.memory_space<vmem>>[vector<16xi32>], vector<16xi32>,
        %get3A_921 = arith.index_cast %add3A_917 : i32 to index
        %get3A_922 = arith.constant 0 : index
        %get3A_923 = tpu.vector_load %arg16[%get3A_921, %get3A_922] {strides = array<i32>} : memref<1024x64xbf16, #tpu.memory_space<vmem>>, vector<32xbf16>,
        %bitcast3A_924 = vector.bitcast %get3A_923 : vector<32xbf16> to vector<16xi32>
        %shift_left3A_925 = arith.constant 16 : i32
        %shift_left3A_926 = vector.broadcast %shift_left3A_925 : i32 to vector<16xi32>
        %shift_left3A_927 = arith.shli %bitcast3A_924, %shift_left3A_926 : vector<16xi32>
        %bitcast3A_928 = vector.bitcast %shift_left3A_927 : vector<16xi32> to vector<16xf32>
        %and3A_929 = arith.andi %bitcast3A_924, %broadcast_in_dim3A_10 : vector<16xi32>
        %bitcast3A_930 = vector.bitcast %and3A_929 : vector<16xi32> to vector<16xf32>
        %add3A_931 = arith.addi %gather3A_920, %add3A_17 : vector<16xi32>
        %gather3A_932 = tpu.vector_load_idx %arg20[%add3A_931] : memref<6464xf32, #tpu.memory_space<vmem>>[vector<16xi32>], vector<16xf32>,
        %add3A_933 = arith.addi %gather3A_920, %add3A_20 : vector<16xi32>
        %gather3A_934 = tpu.vector_load_idx %arg20[%add3A_933] : memref<6464xf32, #tpu.memory_space<vmem>>[vector<16xi32>], vector<16xf32>,
        %mul3A_935 = arith.mulf %bitcast3A_928, %gather3A_932 : vector<16xf32>
        %mul3A_936 = arith.mulf %mul3A_935, %gather3A_919 : vector<16xf32>
        %add3A_937 = arith.addf %add3A_890, %mul3A_936 : vector<16xf32>
        %mul3A_938 = arith.mulf %bitcast3A_930, %gather3A_934 : vector<16xf32>
        %mul3A_939 = arith.mulf %mul3A_938, %gather3A_919 : vector<16xf32>
        %add3A_940 = arith.addf %add3A_893, %mul3A_939 : vector<16xf32>
        %get3A_941 = arith.index_cast %add3A_917 : i32 to index
        %get3A_942 = arith.constant 32 : index
        %get3A_943 = tpu.vector_load %arg16[%get3A_941, %get3A_942] {strides = array<i32>} : memref<1024x64xbf16, #tpu.memory_space<vmem>>, vector<32xbf16>,
        %bitcast3A_944 = vector.bitcast %get3A_943 : vector<32xbf16> to vector<16xi32>
        %shift_left3A_945 = arith.constant 16 : i32
        %shift_left3A_946 = vector.broadcast %shift_left3A_945 : i32 to vector<16xi32>
        %shift_left3A_947 = arith.shli %bitcast3A_944, %shift_left3A_946 : vector<16xi32>
        %bitcast3A_948 = vector.bitcast %shift_left3A_947 : vector<16xi32> to vector<16xf32>
        %and3A_949 = arith.andi %bitcast3A_944, %broadcast_in_dim3A_10 : vector<16xi32>
        %bitcast3A_950 = vector.bitcast %and3A_949 : vector<16xi32> to vector<16xf32>
        %add3A_951 = arith.addi %gather3A_920, %add3A_23 : vector<16xi32>
        %gather3A_952 = tpu.vector_load_idx %arg20[%add3A_951] : memref<6464xf32, #tpu.memory_space<vmem>>[vector<16xi32>], vector<16xf32>,
        %add3A_953 = arith.addi %gather3A_920, %add3A_26 : vector<16xi32>
        %gather3A_954 = tpu.vector_load_idx %arg20[%add3A_953] : memref<6464xf32, #tpu.memory_space<vmem>>[vector<16xi32>], vector<16xf32>,
        %mul3A_955 = arith.mulf %bitcast3A_948, %gather3A_952 : vector<16xf32>
        %mul3A_956 = arith.mulf %mul3A_955, %gather3A_919 : vector<16xf32>
        %add3A_957 = arith.addf %add3A_910, %mul3A_956 : vector<16xf32>
        %mul3A_958 = arith.mulf %bitcast3A_950, %gather3A_954 : vector<16xf32>
        %mul3A_959 = arith.mulf %mul3A_958, %gather3A_919 : vector<16xf32>
        %add3A_960 = arith.addf %add3A_913, %mul3A_959 : vector<16xf32>
        %mul3A_961 = arith.constant 20 : i32
        %mul3A_962 = arith.muli %scan3A_444, %mul3A_961 : i32
        %add3A_963 = arith.constant 11 : i32
        %add3A_964 = arith.addi %mul3A_962, %add3A_963 : i32
        %broadcast_in_dim3A_965 = vector.broadcast %add3A_964 : i32 to vector<16xi32>
        %gather3A_966 = tpu.vector_load_idx %arg14[%broadcast_in_dim3A_965] : memref<1024xf32, #tpu.memory_space<vmem>>[vector<16xi32>], vector<16xf32>,
        %gather3A_967 = tpu.vector_load_idx %arg12[%broadcast_in_dim3A_965] : memref<1024xi32, #tpu.memory_space<vmem>>[vector<16xi32>], vector<16xi32>,
        %get3A_968 = arith.index_cast %add3A_964 : i32 to index
        %get3A_969 = arith.constant 0 : index
        %get3A_970 = tpu.vector_load %arg16[%get3A_968, %get3A_969] {strides = array<i32>} : memref<1024x64xbf16, #tpu.memory_space<vmem>>, vector<32xbf16>,
        %bitcast3A_971 = vector.bitcast %get3A_970 : vector<32xbf16> to vector<16xi32>
        %shift_left3A_972 = arith.constant 16 : i32
        %shift_left3A_973 = vector.broadcast %shift_left3A_972 : i32 to vector<16xi32>
        %shift_left3A_974 = arith.shli %bitcast3A_971, %shift_left3A_973 : vector<16xi32>
        %bitcast3A_975 = vector.bitcast %shift_left3A_974 : vector<16xi32> to vector<16xf32>
        %and3A_976 = arith.andi %bitcast3A_971, %broadcast_in_dim3A_10 : vector<16xi32>
        %bitcast3A_977 = vector.bitcast %and3A_976 : vector<16xi32> to vector<16xf32>
        %add3A_978 = arith.addi %gather3A_967, %add3A_17 : vector<16xi32>
        %gather3A_979 = tpu.vector_load_idx %arg20[%add3A_978] : memref<6464xf32, #tpu.memory_space<vmem>>[vector<16xi32>], vector<16xf32>,
        %add3A_980 = arith.addi %gather3A_967, %add3A_20 : vector<16xi32>
        %gather3A_981 = tpu.vector_load_idx %arg20[%add3A_980] : memref<6464xf32, #tpu.memory_space<vmem>>[vector<16xi32>], vector<16xf32>,
        %mul3A_982 = arith.mulf %bitcast3A_975, %gather3A_979 : vector<16xf32>
        %mul3A_983 = arith.mulf %mul3A_982, %gather3A_966 : vector<16xf32>
        %add3A_984 = arith.addf %add3A_937, %mul3A_983 : vector<16xf32>
        %mul3A_985 = arith.mulf %bitcast3A_977, %gather3A_981 : vector<16xf32>
        %mul3A_986 = arith.mulf %mul3A_985, %gather3A_966 : vector<16xf32>
        %add3A_987 = arith.addf %add3A_940, %mul3A_986 : vector<16xf32>
        %get3A_988 = arith.index_cast %add3A_964 : i32 to index
        %get3A_989 = arith.constant 32 : index
        %get3A_990 = tpu.vector_load %arg16[%get3A_988, %get3A_989] {strides = array<i32>} : memref<1024x64xbf16, #tpu.memory_space<vmem>>, vector<32xbf16>,
        %bitcast3A_991 = vector.bitcast %get3A_990 : vector<32xbf16> to vector<16xi32>
        %shift_left3A_992 = arith.constant 16 : i32
        %shift_left3A_993 = vector.broadcast %shift_left3A_992 : i32 to vector<16xi32>
        %shift_left3A_994 = arith.shli %bitcast3A_991, %shift_left3A_993 : vector<16xi32>
        %bitcast3A_995 = vector.bitcast %shift_left3A_994 : vector<16xi32> to vector<16xf32>
        %and3A_996 = arith.andi %bitcast3A_991, %broadcast_in_dim3A_10 : vector<16xi32>
        %bitcast3A_997 = vector.bitcast %and3A_996 : vector<16xi32> to vector<16xf32>
        %add3A_998 = arith.addi %gather3A_967, %add3A_23 : vector<16xi32>
        %gather3A_999 = tpu.vector_load_idx %arg20[%add3A_998] : memref<6464xf32, #tpu.memory_space<vmem>>[vector<16xi32>], vector<16xf32>,
        %add3A_1000 = arith.addi %gather3A_967, %add3A_26 : vector<16xi32>
        %gather3A_1001 = tpu.vector_load_idx %arg20[%add3A_1000] : memref<6464xf32, #tpu.memory_space<vmem>>[vector<16xi32>], vector<16xf32>,
        %mul3A_1002 = arith.mulf %bitcast3A_995, %gather3A_999 : vector<16xf32>
        %mul3A_1003 = arith.mulf %mul3A_1002, %gather3A_966 : vector<16xf32>
        %add3A_1004 = arith.addf %add3A_957, %mul3A_1003 : vector<16xf32>
        %mul3A_1005 = arith.mulf %bitcast3A_997, %gather3A_1001 : vector<16xf32>
        %mul3A_1006 = arith.mulf %mul3A_1005, %gather3A_966 : vector<16xf32>
        %add3A_1007 = arith.addf %add3A_960, %mul3A_1006 : vector<16xf32>
        %mul3A_1008 = arith.constant 20 : i32
        %mul3A_1009 = arith.muli %scan3A_444, %mul3A_1008 : i32
        %add3A_1010 = arith.constant 12 : i32
        %add3A_1011 = arith.addi %mul3A_1009, %add3A_1010 : i32
        %broadcast_in_dim3A_1012 = vector.broadcast %add3A_1011 : i32 to vector<16xi32>
        %gather3A_1013 = tpu.vector_load_idx %arg14[%broadcast_in_dim3A_1012] : memref<1024xf32, #tpu.memory_space<vmem>>[vector<16xi32>], vector<16xf32>,
        %gather3A_1014 = tpu.vector_load_idx %arg12[%broadcast_in_dim3A_1012] : memref<1024xi32, #tpu.memory_space<vmem>>[vector<16xi32>], vector<16xi32>,
        %get3A_1015 = arith.index_cast %add3A_1011 : i32 to index
        %get3A_1016 = arith.constant 0 : index
        %get3A_1017 = tpu.vector_load %arg16[%get3A_1015, %get3A_1016] {strides = array<i32>} : memref<1024x64xbf16, #tpu.memory_space<vmem>>, vector<32xbf16>,
        %bitcast3A_1018 = vector.bitcast %get3A_1017 : vector<32xbf16> to vector<16xi32>
        %shift_left3A_1019 = arith.constant 16 : i32
        %shift_left3A_1020 = vector.broadcast %shift_left3A_1019 : i32 to vector<16xi32>
        %shift_left3A_1021 = arith.shli %bitcast3A_1018, %shift_left3A_1020 : vector<16xi32>
        %bitcast3A_1022 = vector.bitcast %shift_left3A_1021 : vector<16xi32> to vector<16xf32>
        %and3A_1023 = arith.andi %bitcast3A_1018, %broadcast_in_dim3A_10 : vector<16xi32>
        %bitcast3A_1024 = vector.bitcast %and3A_1023 : vector<16xi32> to vector<16xf32>
        %add3A_1025 = arith.addi %gather3A_1014, %add3A_17 : vector<16xi32>
        %gather3A_1026 = tpu.vector_load_idx %arg20[%add3A_1025] : memref<6464xf32, #tpu.memory_space<vmem>>[vector<16xi32>], vector<16xf32>,
        %add3A_1027 = arith.addi %gather3A_1014, %add3A_20 : vector<16xi32>
        %gather3A_1028 = tpu.vector_load_idx %arg20[%add3A_1027] : memref<6464xf32, #tpu.memory_space<vmem>>[vector<16xi32>], vector<16xf32>,
        %mul3A_1029 = arith.mulf %bitcast3A_1022, %gather3A_1026 : vector<16xf32>
        %mul3A_1030 = arith.mulf %mul3A_1029, %gather3A_1013 : vector<16xf32>
        %add3A_1031 = arith.addf %add3A_984, %mul3A_1030 : vector<16xf32>
        %mul3A_1032 = arith.mulf %bitcast3A_1024, %gather3A_1028 : vector<16xf32>
        %mul3A_1033 = arith.mulf %mul3A_1032, %gather3A_1013 : vector<16xf32>
        %add3A_1034 = arith.addf %add3A_987, %mul3A_1033 : vector<16xf32>
        %get3A_1035 = arith.index_cast %add3A_1011 : i32 to index
        %get3A_1036 = arith.constant 32 : index
        %get3A_1037 = tpu.vector_load %arg16[%get3A_1035, %get3A_1036] {strides = array<i32>} : memref<1024x64xbf16, #tpu.memory_space<vmem>>, vector<32xbf16>,
        %bitcast3A_1038 = vector.bitcast %get3A_1037 : vector<32xbf16> to vector<16xi32>
        %shift_left3A_1039 = arith.constant 16 : i32
        %shift_left3A_1040 = vector.broadcast %shift_left3A_1039 : i32 to vector<16xi32>
        %shift_left3A_1041 = arith.shli %bitcast3A_1038, %shift_left3A_1040 : vector<16xi32>
        %bitcast3A_1042 = vector.bitcast %shift_left3A_1041 : vector<16xi32> to vector<16xf32>
        %and3A_1043 = arith.andi %bitcast3A_1038, %broadcast_in_dim3A_10 : vector<16xi32>
        %bitcast3A_1044 = vector.bitcast %and3A_1043 : vector<16xi32> to vector<16xf32>
        %add3A_1045 = arith.addi %gather3A_1014, %add3A_23 : vector<16xi32>
        %gather3A_1046 = tpu.vector_load_idx %arg20[%add3A_1045] : memref<6464xf32, #tpu.memory_space<vmem>>[vector<16xi32>], vector<16xf32>,
        %add3A_1047 = arith.addi %gather3A_1014, %add3A_26 : vector<16xi32>
        %gather3A_1048 = tpu.vector_load_idx %arg20[%add3A_1047] : memref<6464xf32, #tpu.memory_space<vmem>>[vector<16xi32>], vector<16xf32>,
        %mul3A_1049 = arith.mulf %bitcast3A_1042, %gather3A_1046 : vector<16xf32>
        %mul3A_1050 = arith.mulf %mul3A_1049, %gather3A_1013 : vector<16xf32>
        %add3A_1051 = arith.addf %add3A_1004, %mul3A_1050 : vector<16xf32>
        %mul3A_1052 = arith.mulf %bitcast3A_1044, %gather3A_1048 : vector<16xf32>
        %mul3A_1053 = arith.mulf %mul3A_1052, %gather3A_1013 : vector<16xf32>
        %add3A_1054 = arith.addf %add3A_1007, %mul3A_1053 : vector<16xf32>
        %mul3A_1055 = arith.constant 20 : i32
        %mul3A_1056 = arith.muli %scan3A_444, %mul3A_1055 : i32
        %add3A_1057 = arith.constant 13 : i32
        %add3A_1058 = arith.addi %mul3A_1056, %add3A_1057 : i32
        %broadcast_in_dim3A_1059 = vector.broadcast %add3A_1058 : i32 to vector<16xi32>
        %gather3A_1060 = tpu.vector_load_idx %arg14[%broadcast_in_dim3A_1059] : memref<1024xf32, #tpu.memory_space<vmem>>[vector<16xi32>], vector<16xf32>,
        %gather3A_1061 = tpu.vector_load_idx %arg12[%broadcast_in_dim3A_1059] : memref<1024xi32, #tpu.memory_space<vmem>>[vector<16xi32>], vector<16xi32>,
        %get3A_1062 = arith.index_cast %add3A_1058 : i32 to index
        %get3A_1063 = arith.constant 0 : index
        %get3A_1064 = tpu.vector_load %arg16[%get3A_1062, %get3A_1063] {strides = array<i32>} : memref<1024x64xbf16, #tpu.memory_space<vmem>>, vector<32xbf16>,
        %bitcast3A_1065 = vector.bitcast %get3A_1064 : vector<32xbf16> to vector<16xi32>
        %shift_left3A_1066 = arith.constant 16 : i32
        %shift_left3A_1067 = vector.broadcast %shift_left3A_1066 : i32 to vector<16xi32>
        %shift_left3A_1068 = arith.shli %bitcast3A_1065, %shift_left3A_1067 : vector<16xi32>
        %bitcast3A_1069 = vector.bitcast %shift_left3A_1068 : vector<16xi32> to vector<16xf32>
        %and3A_1070 = arith.andi %bitcast3A_1065, %broadcast_in_dim3A_10 : vector<16xi32>
        %bitcast3A_1071 = vector.bitcast %and3A_1070 : vector<16xi32> to vector<16xf32>
        %add3A_1072 = arith.addi %gather3A_1061, %add3A_17 : vector<16xi32>
        %gather3A_1073 = tpu.vector_load_idx %arg20[%add3A_1072] : memref<6464xf32, #tpu.memory_space<vmem>>[vector<16xi32>], vector<16xf32>,
        %add3A_1074 = arith.addi %gather3A_1061, %add3A_20 : vector<16xi32>
        %gather3A_1075 = tpu.vector_load_idx %arg20[%add3A_1074] : memref<6464xf32, #tpu.memory_space<vmem>>[vector<16xi32>], vector<16xf32>,
        %mul3A_1076 = arith.mulf %bitcast3A_1069, %gather3A_1073 : vector<16xf32>
        %mul3A_1077 = arith.mulf %mul3A_1076, %gather3A_1060 : vector<16xf32>
        %add3A_1078 = arith.addf %add3A_1031, %mul3A_1077 : vector<16xf32>
        %mul3A_1079 = arith.mulf %bitcast3A_1071, %gather3A_1075 : vector<16xf32>
        %mul3A_1080 = arith.mulf %mul3A_1079, %gather3A_1060 : vector<16xf32>
        %add3A_1081 = arith.addf %add3A_1034, %mul3A_1080 : vector<16xf32>
        %get3A_1082 = arith.index_cast %add3A_1058 : i32 to index
        %get3A_1083 = arith.constant 32 : index
        %get3A_1084 = tpu.vector_load %arg16[%get3A_1082, %get3A_1083] {strides = array<i32>} : memref<1024x64xbf16, #tpu.memory_space<vmem>>, vector<32xbf16>,
        %bitcast3A_1085 = vector.bitcast %get3A_1084 : vector<32xbf16> to vector<16xi32>
        %shift_left3A_1086 = arith.constant 16 : i32
        %shift_left3A_1087 = vector.broadcast %shift_left3A_1086 : i32 to vector<16xi32>
        %shift_left3A_1088 = arith.shli %bitcast3A_1085, %shift_left3A_1087 : vector<16xi32>
        %bitcast3A_1089 = vector.bitcast %shift_left3A_1088 : vector<16xi32> to vector<16xf32>
        %and3A_1090 = arith.andi %bitcast3A_1085, %broadcast_in_dim3A_10 : vector<16xi32>
        %bitcast3A_1091 = vector.bitcast %and3A_1090 : vector<16xi32> to vector<16xf32>
        %add3A_1092 = arith.addi %gather3A_1061, %add3A_23 : vector<16xi32>
        %gather3A_1093 = tpu.vector_load_idx %arg20[%add3A_1092] : memref<6464xf32, #tpu.memory_space<vmem>>[vector<16xi32>], vector<16xf32>,
        %add3A_1094 = arith.addi %gather3A_1061, %add3A_26 : vector<16xi32>
        %gather3A_1095 = tpu.vector_load_idx %arg20[%add3A_1094] : memref<6464xf32, #tpu.memory_space<vmem>>[vector<16xi32>], vector<16xf32>,
        %mul3A_1096 = arith.mulf %bitcast3A_1089, %gather3A_1093 : vector<16xf32>
        %mul3A_1097 = arith.mulf %mul3A_1096, %gather3A_1060 : vector<16xf32>
        %add3A_1098 = arith.addf %add3A_1051, %mul3A_1097 : vector<16xf32>
        %mul3A_1099 = arith.mulf %bitcast3A_1091, %gather3A_1095 : vector<16xf32>
        %mul3A_1100 = arith.mulf %mul3A_1099, %gather3A_1060 : vector<16xf32>
        %add3A_1101 = arith.addf %add3A_1054, %mul3A_1100 : vector<16xf32>
        %mul3A_1102 = arith.constant 20 : i32
        %mul3A_1103 = arith.muli %scan3A_444, %mul3A_1102 : i32
        %add3A_1104 = arith.constant 14 : i32
        %add3A_1105 = arith.addi %mul3A_1103, %add3A_1104 : i32
        %broadcast_in_dim3A_1106 = vector.broadcast %add3A_1105 : i32 to vector<16xi32>
        %gather3A_1107 = tpu.vector_load_idx %arg14[%broadcast_in_dim3A_1106] : memref<1024xf32, #tpu.memory_space<vmem>>[vector<16xi32>], vector<16xf32>,
        %gather3A_1108 = tpu.vector_load_idx %arg12[%broadcast_in_dim3A_1106] : memref<1024xi32, #tpu.memory_space<vmem>>[vector<16xi32>], vector<16xi32>,
        %get3A_1109 = arith.index_cast %add3A_1105 : i32 to index
        %get3A_1110 = arith.constant 0 : index
        %get3A_1111 = tpu.vector_load %arg16[%get3A_1109, %get3A_1110] {strides = array<i32>} : memref<1024x64xbf16, #tpu.memory_space<vmem>>, vector<32xbf16>,
        %bitcast3A_1112 = vector.bitcast %get3A_1111 : vector<32xbf16> to vector<16xi32>
        %shift_left3A_1113 = arith.constant 16 : i32
        %shift_left3A_1114 = vector.broadcast %shift_left3A_1113 : i32 to vector<16xi32>
        %shift_left3A_1115 = arith.shli %bitcast3A_1112, %shift_left3A_1114 : vector<16xi32>
        %bitcast3A_1116 = vector.bitcast %shift_left3A_1115 : vector<16xi32> to vector<16xf32>
        %and3A_1117 = arith.andi %bitcast3A_1112, %broadcast_in_dim3A_10 : vector<16xi32>
        %bitcast3A_1118 = vector.bitcast %and3A_1117 : vector<16xi32> to vector<16xf32>
        %add3A_1119 = arith.addi %gather3A_1108, %add3A_17 : vector<16xi32>
        %gather3A_1120 = tpu.vector_load_idx %arg20[%add3A_1119] : memref<6464xf32, #tpu.memory_space<vmem>>[vector<16xi32>], vector<16xf32>,
        %add3A_1121 = arith.addi %gather3A_1108, %add3A_20 : vector<16xi32>
        %gather3A_1122 = tpu.vector_load_idx %arg20[%add3A_1121] : memref<6464xf32, #tpu.memory_space<vmem>>[vector<16xi32>], vector<16xf32>,
        %mul3A_1123 = arith.mulf %bitcast3A_1116, %gather3A_1120 : vector<16xf32>
        %mul3A_1124 = arith.mulf %mul3A_1123, %gather3A_1107 : vector<16xf32>
        %add3A_1125 = arith.addf %add3A_1078, %mul3A_1124 : vector<16xf32>
        %mul3A_1126 = arith.mulf %bitcast3A_1118, %gather3A_1122 : vector<16xf32>
        %mul3A_1127 = arith.mulf %mul3A_1126, %gather3A_1107 : vector<16xf32>
        %add3A_1128 = arith.addf %add3A_1081, %mul3A_1127 : vector<16xf32>
        %get3A_1129 = arith.index_cast %add3A_1105 : i32 to index
        %get3A_1130 = arith.constant 32 : index
        %get3A_1131 = tpu.vector_load %arg16[%get3A_1129, %get3A_1130] {strides = array<i32>} : memref<1024x64xbf16, #tpu.memory_space<vmem>>, vector<32xbf16>,
        %bitcast3A_1132 = vector.bitcast %get3A_1131 : vector<32xbf16> to vector<16xi32>
        %shift_left3A_1133 = arith.constant 16 : i32
        %shift_left3A_1134 = vector.broadcast %shift_left3A_1133 : i32 to vector<16xi32>
        %shift_left3A_1135 = arith.shli %bitcast3A_1132, %shift_left3A_1134 : vector<16xi32>
        %bitcast3A_1136 = vector.bitcast %shift_left3A_1135 : vector<16xi32> to vector<16xf32>
        %and3A_1137 = arith.andi %bitcast3A_1132, %broadcast_in_dim3A_10 : vector<16xi32>
        %bitcast3A_1138 = vector.bitcast %and3A_1137 : vector<16xi32> to vector<16xf32>
        %add3A_1139 = arith.addi %gather3A_1108, %add3A_23 : vector<16xi32>
        %gather3A_1140 = tpu.vector_load_idx %arg20[%add3A_1139] : memref<6464xf32, #tpu.memory_space<vmem>>[vector<16xi32>], vector<16xf32>,
        %add3A_1141 = arith.addi %gather3A_1108, %add3A_26 : vector<16xi32>
        %gather3A_1142 = tpu.vector_load_idx %arg20[%add3A_1141] : memref<6464xf32, #tpu.memory_space<vmem>>[vector<16xi32>], vector<16xf32>,
        %mul3A_1143 = arith.mulf %bitcast3A_1136, %gather3A_1140 : vector<16xf32>
        %mul3A_1144 = arith.mulf %mul3A_1143, %gather3A_1107 : vector<16xf32>
        %add3A_1145 = arith.addf %add3A_1098, %mul3A_1144 : vector<16xf32>
        %mul3A_1146 = arith.mulf %bitcast3A_1138, %gather3A_1142 : vector<16xf32>
        %mul3A_1147 = arith.mulf %mul3A_1146, %gather3A_1107 : vector<16xf32>
        %add3A_1148 = arith.addf %add3A_1101, %mul3A_1147 : vector<16xf32>
        %mul3A_1149 = arith.constant 20 : i32
        %mul3A_1150 = arith.muli %scan3A_444, %mul3A_1149 : i32
        %add3A_1151 = arith.constant 15 : i32
        %add3A_1152 = arith.addi %mul3A_1150, %add3A_1151 : i32
        %broadcast_in_dim3A_1153 = vector.broadcast %add3A_1152 : i32 to vector<16xi32>
        %gather3A_1154 = tpu.vector_load_idx %arg14[%broadcast_in_dim3A_1153] : memref<1024xf32, #tpu.memory_space<vmem>>[vector<16xi32>], vector<16xf32>,
        %gather3A_1155 = tpu.vector_load_idx %arg12[%broadcast_in_dim3A_1153] : memref<1024xi32, #tpu.memory_space<vmem>>[vector<16xi32>], vector<16xi32>,
        %get3A_1156 = arith.index_cast %add3A_1152 : i32 to index
        %get3A_1157 = arith.constant 0 : index
        %get3A_1158 = tpu.vector_load %arg16[%get3A_1156, %get3A_1157] {strides = array<i32>} : memref<1024x64xbf16, #tpu.memory_space<vmem>>, vector<32xbf16>,
        %bitcast3A_1159 = vector.bitcast %get3A_1158 : vector<32xbf16> to vector<16xi32>
        %shift_left3A_1160 = arith.constant 16 : i32
        %shift_left3A_1161 = vector.broadcast %shift_left3A_1160 : i32 to vector<16xi32>
        %shift_left3A_1162 = arith.shli %bitcast3A_1159, %shift_left3A_1161 : vector<16xi32>
        %bitcast3A_1163 = vector.bitcast %shift_left3A_1162 : vector<16xi32> to vector<16xf32>
        %and3A_1164 = arith.andi %bitcast3A_1159, %broadcast_in_dim3A_10 : vector<16xi32>
        %bitcast3A_1165 = vector.bitcast %and3A_1164 : vector<16xi32> to vector<16xf32>
        %add3A_1166 = arith.addi %gather3A_1155, %add3A_17 : vector<16xi32>
        %gather3A_1167 = tpu.vector_load_idx %arg20[%add3A_1166] : memref<6464xf32, #tpu.memory_space<vmem>>[vector<16xi32>], vector<16xf32>,
        %add3A_1168 = arith.addi %gather3A_1155, %add3A_20 : vector<16xi32>
        %gather3A_1169 = tpu.vector_load_idx %arg20[%add3A_1168] : memref<6464xf32, #tpu.memory_space<vmem>>[vector<16xi32>], vector<16xf32>,
        %mul3A_1170 = arith.mulf %bitcast3A_1163, %gather3A_1167 : vector<16xf32>
        %mul3A_1171 = arith.mulf %mul3A_1170, %gather3A_1154 : vector<16xf32>
        %add3A_1172 = arith.addf %add3A_1125, %mul3A_1171 : vector<16xf32>
        %mul3A_1173 = arith.mulf %bitcast3A_1165, %gather3A_1169 : vector<16xf32>
        %mul3A_1174 = arith.mulf %mul3A_1173, %gather3A_1154 : vector<16xf32>
        %add3A_1175 = arith.addf %add3A_1128, %mul3A_1174 : vector<16xf32>
        %get3A_1176 = arith.index_cast %add3A_1152 : i32 to index
        %get3A_1177 = arith.constant 32 : index
        %get3A_1178 = tpu.vector_load %arg16[%get3A_1176, %get3A_1177] {strides = array<i32>} : memref<1024x64xbf16, #tpu.memory_space<vmem>>, vector<32xbf16>,
        %bitcast3A_1179 = vector.bitcast %get3A_1178 : vector<32xbf16> to vector<16xi32>
        %shift_left3A_1180 = arith.constant 16 : i32
        %shift_left3A_1181 = vector.broadcast %shift_left3A_1180 : i32 to vector<16xi32>
        %shift_left3A_1182 = arith.shli %bitcast3A_1179, %shift_left3A_1181 : vector<16xi32>
        %bitcast3A_1183 = vector.bitcast %shift_left3A_1182 : vector<16xi32> to vector<16xf32>
        %and3A_1184 = arith.andi %bitcast3A_1179, %broadcast_in_dim3A_10 : vector<16xi32>
        %bitcast3A_1185 = vector.bitcast %and3A_1184 : vector<16xi32> to vector<16xf32>
        %add3A_1186 = arith.addi %gather3A_1155, %add3A_23 : vector<16xi32>
        %gather3A_1187 = tpu.vector_load_idx %arg20[%add3A_1186] : memref<6464xf32, #tpu.memory_space<vmem>>[vector<16xi32>], vector<16xf32>,
        %add3A_1188 = arith.addi %gather3A_1155, %add3A_26 : vector<16xi32>
        %gather3A_1189 = tpu.vector_load_idx %arg20[%add3A_1188] : memref<6464xf32, #tpu.memory_space<vmem>>[vector<16xi32>], vector<16xf32>,
        %mul3A_1190 = arith.mulf %bitcast3A_1183, %gather3A_1187 : vector<16xf32>
        %mul3A_1191 = arith.mulf %mul3A_1190, %gather3A_1154 : vector<16xf32>
        %add3A_1192 = arith.addf %add3A_1145, %mul3A_1191 : vector<16xf32>
        %mul3A_1193 = arith.mulf %bitcast3A_1185, %gather3A_1189 : vector<16xf32>
        %mul3A_1194 = arith.mulf %mul3A_1193, %gather3A_1154 : vector<16xf32>
        %add3A_1195 = arith.addf %add3A_1148, %mul3A_1194 : vector<16xf32>
        %mul3A_1196 = arith.constant 20 : i32
        %mul3A_1197 = arith.muli %scan3A_444, %mul3A_1196 : i32
        %add3A_1198 = arith.constant 16 : i32
        %add3A_1199 = arith.addi %mul3A_1197, %add3A_1198 : i32
        %broadcast_in_dim3A_1200 = vector.broadcast %add3A_1199 : i32 to vector<16xi32>
        %gather3A_1201 = tpu.vector_load_idx %arg14[%broadcast_in_dim3A_1200] : memref<1024xf32, #tpu.memory_space<vmem>>[vector<16xi32>], vector<16xf32>,
        %gather3A_1202 = tpu.vector_load_idx %arg12[%broadcast_in_dim3A_1200] : memref<1024xi32, #tpu.memory_space<vmem>>[vector<16xi32>], vector<16xi32>,
        %get3A_1203 = arith.index_cast %add3A_1199 : i32 to index
        %get3A_1204 = arith.constant 0 : index
        %get3A_1205 = tpu.vector_load %arg16[%get3A_1203, %get3A_1204] {strides = array<i32>} : memref<1024x64xbf16, #tpu.memory_space<vmem>>, vector<32xbf16>,
        %bitcast3A_1206 = vector.bitcast %get3A_1205 : vector<32xbf16> to vector<16xi32>
        %shift_left3A_1207 = arith.constant 16 : i32
        %shift_left3A_1208 = vector.broadcast %shift_left3A_1207 : i32 to vector<16xi32>
        %shift_left3A_1209 = arith.shli %bitcast3A_1206, %shift_left3A_1208 : vector<16xi32>
        %bitcast3A_1210 = vector.bitcast %shift_left3A_1209 : vector<16xi32> to vector<16xf32>
        %and3A_1211 = arith.andi %bitcast3A_1206, %broadcast_in_dim3A_10 : vector<16xi32>
        %bitcast3A_1212 = vector.bitcast %and3A_1211 : vector<16xi32> to vector<16xf32>
        %add3A_1213 = arith.addi %gather3A_1202, %add3A_17 : vector<16xi32>
        %gather3A_1214 = tpu.vector_load_idx %arg20[%add3A_1213] : memref<6464xf32, #tpu.memory_space<vmem>>[vector<16xi32>], vector<16xf32>,
        %add3A_1215 = arith.addi %gather3A_1202, %add3A_20 : vector<16xi32>
        %gather3A_1216 = tpu.vector_load_idx %arg20[%add3A_1215] : memref<6464xf32, #tpu.memory_space<vmem>>[vector<16xi32>], vector<16xf32>,
        %mul3A_1217 = arith.mulf %bitcast3A_1210, %gather3A_1214 : vector<16xf32>
        %mul3A_1218 = arith.mulf %mul3A_1217, %gather3A_1201 : vector<16xf32>
        %add3A_1219 = arith.addf %add3A_1172, %mul3A_1218 : vector<16xf32>
        %mul3A_1220 = arith.mulf %bitcast3A_1212, %gather3A_1216 : vector<16xf32>
        %mul3A_1221 = arith.mulf %mul3A_1220, %gather3A_1201 : vector<16xf32>
        %add3A_1222 = arith.addf %add3A_1175, %mul3A_1221 : vector<16xf32>
        %get3A_1223 = arith.index_cast %add3A_1199 : i32 to index
        %get3A_1224 = arith.constant 32 : index
        %get3A_1225 = tpu.vector_load %arg16[%get3A_1223, %get3A_1224] {strides = array<i32>} : memref<1024x64xbf16, #tpu.memory_space<vmem>>, vector<32xbf16>,
        %bitcast3A_1226 = vector.bitcast %get3A_1225 : vector<32xbf16> to vector<16xi32>
        %shift_left3A_1227 = arith.constant 16 : i32
        %shift_left3A_1228 = vector.broadcast %shift_left3A_1227 : i32 to vector<16xi32>
        %shift_left3A_1229 = arith.shli %bitcast3A_1226, %shift_left3A_1228 : vector<16xi32>
        %bitcast3A_1230 = vector.bitcast %shift_left3A_1229 : vector<16xi32> to vector<16xf32>
        %and3A_1231 = arith.andi %bitcast3A_1226, %broadcast_in_dim3A_10 : vector<16xi32>
        %bitcast3A_1232 = vector.bitcast %and3A_1231 : vector<16xi32> to vector<16xf32>
        %add3A_1233 = arith.addi %gather3A_1202, %add3A_23 : vector<16xi32>
        %gather3A_1234 = tpu.vector_load_idx %arg20[%add3A_1233] : memref<6464xf32, #tpu.memory_space<vmem>>[vector<16xi32>], vector<16xf32>,
        %add3A_1235 = arith.addi %gather3A_1202, %add3A_26 : vector<16xi32>
        %gather3A_1236 = tpu.vector_load_idx %arg20[%add3A_1235] : memref<6464xf32, #tpu.memory_space<vmem>>[vector<16xi32>], vector<16xf32>,
        %mul3A_1237 = arith.mulf %bitcast3A_1230, %gather3A_1234 : vector<16xf32>
        %mul3A_1238 = arith.mulf %mul3A_1237, %gather3A_1201 : vector<16xf32>
        %add3A_1239 = arith.addf %add3A_1192, %mul3A_1238 : vector<16xf32>
        %mul3A_1240 = arith.mulf %bitcast3A_1232, %gather3A_1236 : vector<16xf32>
        %mul3A_1241 = arith.mulf %mul3A_1240, %gather3A_1201 : vector<16xf32>
        %add3A_1242 = arith.addf %add3A_1195, %mul3A_1241 : vector<16xf32>
        %mul3A_1243 = arith.constant 20 : i32
        %mul3A_1244 = arith.muli %scan3A_444, %mul3A_1243 : i32
        %add3A_1245 = arith.constant 17 : i32
        %add3A_1246 = arith.addi %mul3A_1244, %add3A_1245 : i32
        %broadcast_in_dim3A_1247 = vector.broadcast %add3A_1246 : i32 to vector<16xi32>
        %gather3A_1248 = tpu.vector_load_idx %arg14[%broadcast_in_dim3A_1247] : memref<1024xf32, #tpu.memory_space<vmem>>[vector<16xi32>], vector<16xf32>,
        %gather3A_1249 = tpu.vector_load_idx %arg12[%broadcast_in_dim3A_1247] : memref<1024xi32, #tpu.memory_space<vmem>>[vector<16xi32>], vector<16xi32>,
        %get3A_1250 = arith.index_cast %add3A_1246 : i32 to index
        %get3A_1251 = arith.constant 0 : index
        %get3A_1252 = tpu.vector_load %arg16[%get3A_1250, %get3A_1251] {strides = array<i32>} : memref<1024x64xbf16, #tpu.memory_space<vmem>>, vector<32xbf16>,
        %bitcast3A_1253 = vector.bitcast %get3A_1252 : vector<32xbf16> to vector<16xi32>
        %shift_left3A_1254 = arith.constant 16 : i32
        %shift_left3A_1255 = vector.broadcast %shift_left3A_1254 : i32 to vector<16xi32>
        %shift_left3A_1256 = arith.shli %bitcast3A_1253, %shift_left3A_1255 : vector<16xi32>
        %bitcast3A_1257 = vector.bitcast %shift_left3A_1256 : vector<16xi32> to vector<16xf32>
        %and3A_1258 = arith.andi %bitcast3A_1253, %broadcast_in_dim3A_10 : vector<16xi32>
        %bitcast3A_1259 = vector.bitcast %and3A_1258 : vector<16xi32> to vector<16xf32>
        %add3A_1260 = arith.addi %gather3A_1249, %add3A_17 : vector<16xi32>
        %gather3A_1261 = tpu.vector_load_idx %arg20[%add3A_1260] : memref<6464xf32, #tpu.memory_space<vmem>>[vector<16xi32>], vector<16xf32>,
        %add3A_1262 = arith.addi %gather3A_1249, %add3A_20 : vector<16xi32>
        %gather3A_1263 = tpu.vector_load_idx %arg20[%add3A_1262] : memref<6464xf32, #tpu.memory_space<vmem>>[vector<16xi32>], vector<16xf32>,
        %mul3A_1264 = arith.mulf %bitcast3A_1257, %gather3A_1261 : vector<16xf32>
        %mul3A_1265 = arith.mulf %mul3A_1264, %gather3A_1248 : vector<16xf32>
        %add3A_1266 = arith.addf %add3A_1219, %mul3A_1265 : vector<16xf32>
        %mul3A_1267 = arith.mulf %bitcast3A_1259, %gather3A_1263 : vector<16xf32>
        %mul3A_1268 = arith.mulf %mul3A_1267, %gather3A_1248 : vector<16xf32>
        %add3A_1269 = arith.addf %add3A_1222, %mul3A_1268 : vector<16xf32>
        %get3A_1270 = arith.index_cast %add3A_1246 : i32 to index
        %get3A_1271 = arith.constant 32 : index
        %get3A_1272 = tpu.vector_load %arg16[%get3A_1270, %get3A_1271] {strides = array<i32>} : memref<1024x64xbf16, #tpu.memory_space<vmem>>, vector<32xbf16>,
        %bitcast3A_1273 = vector.bitcast %get3A_1272 : vector<32xbf16> to vector<16xi32>
        %shift_left3A_1274 = arith.constant 16 : i32
        %shift_left3A_1275 = vector.broadcast %shift_left3A_1274 : i32 to vector<16xi32>
        %shift_left3A_1276 = arith.shli %bitcast3A_1273, %shift_left3A_1275 : vector<16xi32>
        %bitcast3A_1277 = vector.bitcast %shift_left3A_1276 : vector<16xi32> to vector<16xf32>
        %and3A_1278 = arith.andi %bitcast3A_1273, %broadcast_in_dim3A_10 : vector<16xi32>
        %bitcast3A_1279 = vector.bitcast %and3A_1278 : vector<16xi32> to vector<16xf32>
        %add3A_1280 = arith.addi %gather3A_1249, %add3A_23 : vector<16xi32>
        %gather3A_1281 = tpu.vector_load_idx %arg20[%add3A_1280] : memref<6464xf32, #tpu.memory_space<vmem>>[vector<16xi32>], vector<16xf32>,
        %add3A_1282 = arith.addi %gather3A_1249, %add3A_26 : vector<16xi32>
        %gather3A_1283 = tpu.vector_load_idx %arg20[%add3A_1282] : memref<6464xf32, #tpu.memory_space<vmem>>[vector<16xi32>], vector<16xf32>,
        %mul3A_1284 = arith.mulf %bitcast3A_1277, %gather3A_1281 : vector<16xf32>
        %mul3A_1285 = arith.mulf %mul3A_1284, %gather3A_1248 : vector<16xf32>
        %add3A_1286 = arith.addf %add3A_1239, %mul3A_1285 : vector<16xf32>
        %mul3A_1287 = arith.mulf %bitcast3A_1279, %gather3A_1283 : vector<16xf32>
        %mul3A_1288 = arith.mulf %mul3A_1287, %gather3A_1248 : vector<16xf32>
        %add3A_1289 = arith.addf %add3A_1242, %mul3A_1288 : vector<16xf32>
        %mul3A_1290 = arith.constant 20 : i32
        %mul3A_1291 = arith.muli %scan3A_444, %mul3A_1290 : i32
        %add3A_1292 = arith.constant 18 : i32
        %add3A_1293 = arith.addi %mul3A_1291, %add3A_1292 : i32
        %broadcast_in_dim3A_1294 = vector.broadcast %add3A_1293 : i32 to vector<16xi32>
        %gather3A_1295 = tpu.vector_load_idx %arg14[%broadcast_in_dim3A_1294] : memref<1024xf32, #tpu.memory_space<vmem>>[vector<16xi32>], vector<16xf32>,
        %gather3A_1296 = tpu.vector_load_idx %arg12[%broadcast_in_dim3A_1294] : memref<1024xi32, #tpu.memory_space<vmem>>[vector<16xi32>], vector<16xi32>,
        %get3A_1297 = arith.index_cast %add3A_1293 : i32 to index
        %get3A_1298 = arith.constant 0 : index
        %get3A_1299 = tpu.vector_load %arg16[%get3A_1297, %get3A_1298] {strides = array<i32>} : memref<1024x64xbf16, #tpu.memory_space<vmem>>, vector<32xbf16>,
        %bitcast3A_1300 = vector.bitcast %get3A_1299 : vector<32xbf16> to vector<16xi32>
        %shift_left3A_1301 = arith.constant 16 : i32
        %shift_left3A_1302 = vector.broadcast %shift_left3A_1301 : i32 to vector<16xi32>
        %shift_left3A_1303 = arith.shli %bitcast3A_1300, %shift_left3A_1302 : vector<16xi32>
        %bitcast3A_1304 = vector.bitcast %shift_left3A_1303 : vector<16xi32> to vector<16xf32>
        %and3A_1305 = arith.andi %bitcast3A_1300, %broadcast_in_dim3A_10 : vector<16xi32>
        %bitcast3A_1306 = vector.bitcast %and3A_1305 : vector<16xi32> to vector<16xf32>
        %add3A_1307 = arith.addi %gather3A_1296, %add3A_17 : vector<16xi32>
        %gather3A_1308 = tpu.vector_load_idx %arg20[%add3A_1307] : memref<6464xf32, #tpu.memory_space<vmem>>[vector<16xi32>], vector<16xf32>,
        %add3A_1309 = arith.addi %gather3A_1296, %add3A_20 : vector<16xi32>
        %gather3A_1310 = tpu.vector_load_idx %arg20[%add3A_1309] : memref<6464xf32, #tpu.memory_space<vmem>>[vector<16xi32>], vector<16xf32>,
        %mul3A_1311 = arith.mulf %bitcast3A_1304, %gather3A_1308 : vector<16xf32>
        %mul3A_1312 = arith.mulf %mul3A_1311, %gather3A_1295 : vector<16xf32>
        %add3A_1313 = arith.addf %add3A_1266, %mul3A_1312 : vector<16xf32>
        %mul3A_1314 = arith.mulf %bitcast3A_1306, %gather3A_1310 : vector<16xf32>
        %mul3A_1315 = arith.mulf %mul3A_1314, %gather3A_1295 : vector<16xf32>
        %add3A_1316 = arith.addf %add3A_1269, %mul3A_1315 : vector<16xf32>
        %get3A_1317 = arith.index_cast %add3A_1293 : i32 to index
        %get3A_1318 = arith.constant 32 : index
        %get3A_1319 = tpu.vector_load %arg16[%get3A_1317, %get3A_1318] {strides = array<i32>} : memref<1024x64xbf16, #tpu.memory_space<vmem>>, vector<32xbf16>,
        %bitcast3A_1320 = vector.bitcast %get3A_1319 : vector<32xbf16> to vector<16xi32>
        %shift_left3A_1321 = arith.constant 16 : i32
        %shift_left3A_1322 = vector.broadcast %shift_left3A_1321 : i32 to vector<16xi32>
        %shift_left3A_1323 = arith.shli %bitcast3A_1320, %shift_left3A_1322 : vector<16xi32>
        %bitcast3A_1324 = vector.bitcast %shift_left3A_1323 : vector<16xi32> to vector<16xf32>
        %and3A_1325 = arith.andi %bitcast3A_1320, %broadcast_in_dim3A_10 : vector<16xi32>
        %bitcast3A_1326 = vector.bitcast %and3A_1325 : vector<16xi32> to vector<16xf32>
        %add3A_1327 = arith.addi %gather3A_1296, %add3A_23 : vector<16xi32>
        %gather3A_1328 = tpu.vector_load_idx %arg20[%add3A_1327] : memref<6464xf32, #tpu.memory_space<vmem>>[vector<16xi32>], vector<16xf32>,
        %add3A_1329 = arith.addi %gather3A_1296, %add3A_26 : vector<16xi32>
        %gather3A_1330 = tpu.vector_load_idx %arg20[%add3A_1329] : memref<6464xf32, #tpu.memory_space<vmem>>[vector<16xi32>], vector<16xf32>,
        %mul3A_1331 = arith.mulf %bitcast3A_1324, %gather3A_1328 : vector<16xf32>
        %mul3A_1332 = arith.mulf %mul3A_1331, %gather3A_1295 : vector<16xf32>
        %add3A_1333 = arith.addf %add3A_1286, %mul3A_1332 : vector<16xf32>
        %mul3A_1334 = arith.mulf %bitcast3A_1326, %gather3A_1330 : vector<16xf32>
        %mul3A_1335 = arith.mulf %mul3A_1334, %gather3A_1295 : vector<16xf32>
        %add3A_1336 = arith.addf %add3A_1289, %mul3A_1335 : vector<16xf32>
        %mul3A_1337 = arith.constant 20 : i32
        %mul3A_1338 = arith.muli %scan3A_444, %mul3A_1337 : i32
        %add3A_1339 = arith.constant 19 : i32
        %add3A_1340 = arith.addi %mul3A_1338, %add3A_1339 : i32
        %broadcast_in_dim3A_1341 = vector.broadcast %add3A_1340 : i32 to vector<16xi32>
        %gather3A_1342 = tpu.vector_load_idx %arg14[%broadcast_in_dim3A_1341] : memref<1024xf32, #tpu.memory_space<vmem>>[vector<16xi32>], vector<16xf32>,
        %gather3A_1343 = tpu.vector_load_idx %arg12[%broadcast_in_dim3A_1341] : memref<1024xi32, #tpu.memory_space<vmem>>[vector<16xi32>], vector<16xi32>,
        %get3A_1344 = arith.index_cast %add3A_1340 : i32 to index
        %get3A_1345 = arith.constant 0 : index
        %get3A_1346 = tpu.vector_load %arg16[%get3A_1344, %get3A_1345] {strides = array<i32>} : memref<1024x64xbf16, #tpu.memory_space<vmem>>, vector<32xbf16>,
        %bitcast3A_1347 = vector.bitcast %get3A_1346 : vector<32xbf16> to vector<16xi32>
        %shift_left3A_1348 = arith.constant 16 : i32
        %shift_left3A_1349 = vector.broadcast %shift_left3A_1348 : i32 to vector<16xi32>
        %shift_left3A_1350 = arith.shli %bitcast3A_1347, %shift_left3A_1349 : vector<16xi32>
        %bitcast3A_1351 = vector.bitcast %shift_left3A_1350 : vector<16xi32> to vector<16xf32>
        %and3A_1352 = arith.andi %bitcast3A_1347, %broadcast_in_dim3A_10 : vector<16xi32>
        %bitcast3A_1353 = vector.bitcast %and3A_1352 : vector<16xi32> to vector<16xf32>
        %add3A_1354 = arith.addi %gather3A_1343, %add3A_17 : vector<16xi32>
        %gather3A_1355 = tpu.vector_load_idx %arg20[%add3A_1354] : memref<6464xf32, #tpu.memory_space<vmem>>[vector<16xi32>], vector<16xf32>,
        %add3A_1356 = arith.addi %gather3A_1343, %add3A_20 : vector<16xi32>
        %gather3A_1357 = tpu.vector_load_idx %arg20[%add3A_1356] : memref<6464xf32, #tpu.memory_space<vmem>>[vector<16xi32>], vector<16xf32>,
        %mul3A_1358 = arith.mulf %bitcast3A_1351, %gather3A_1355 : vector<16xf32>
        %mul3A_1359 = arith.mulf %mul3A_1358, %gather3A_1342 : vector<16xf32>
        %add3A_1360 = arith.addf %add3A_1313, %mul3A_1359 : vector<16xf32>
        %mul3A_1361 = arith.mulf %bitcast3A_1353, %gather3A_1357 : vector<16xf32>
        %mul3A_1362 = arith.mulf %mul3A_1361, %gather3A_1342 : vector<16xf32>
        %add3A_1363 = arith.addf %add3A_1316, %mul3A_1362 : vector<16xf32>
        %get3A_1364 = arith.index_cast %add3A_1340 : i32 to index
        %get3A_1365 = arith.constant 32 : index
        %get3A_1366 = tpu.vector_load %arg16[%get3A_1364, %get3A_1365] {strides = array<i32>} : memref<1024x64xbf16, #tpu.memory_space<vmem>>, vector<32xbf16>,
        %bitcast3A_1367 = vector.bitcast %get3A_1366 : vector<32xbf16> to vector<16xi32>
        %shift_left3A_1368 = arith.constant 16 : i32
        %shift_left3A_1369 = vector.broadcast %shift_left3A_1368 : i32 to vector<16xi32>
        %shift_left3A_1370 = arith.shli %bitcast3A_1367, %shift_left3A_1369 : vector<16xi32>
        %bitcast3A_1371 = vector.bitcast %shift_left3A_1370 : vector<16xi32> to vector<16xf32>
        %and3A_1372 = arith.andi %bitcast3A_1367, %broadcast_in_dim3A_10 : vector<16xi32>
        %bitcast3A_1373 = vector.bitcast %and3A_1372 : vector<16xi32> to vector<16xf32>
        %add3A_1374 = arith.addi %gather3A_1343, %add3A_23 : vector<16xi32>
        %gather3A_1375 = tpu.vector_load_idx %arg20[%add3A_1374] : memref<6464xf32, #tpu.memory_space<vmem>>[vector<16xi32>], vector<16xf32>,
        %add3A_1376 = arith.addi %gather3A_1343, %add3A_26 : vector<16xi32>
        %gather3A_1377 = tpu.vector_load_idx %arg20[%add3A_1376] : memref<6464xf32, #tpu.memory_space<vmem>>[vector<16xi32>], vector<16xf32>,
        %mul3A_1378 = arith.mulf %bitcast3A_1371, %gather3A_1375 : vector<16xf32>
        %mul3A_1379 = arith.mulf %mul3A_1378, %gather3A_1342 : vector<16xf32>
        %add3A_1380 = arith.addf %add3A_1333, %mul3A_1379 : vector<16xf32>
        %mul3A_1381 = arith.mulf %bitcast3A_1373, %gather3A_1377 : vector<16xf32>
        %mul3A_1382 = arith.mulf %mul3A_1381, %gather3A_1342 : vector<16xf32>
        %add3A_1383 = arith.addf %add3A_1336, %mul3A_1382 : vector<16xf32>
        %mul3A_1384 = arith.constant 64 : i32
        %mul3A_1385 = arith.muli %scan3A_444, %mul3A_1384 : i32
        %add3A_1386 = arith.constant 0 : i32
        %add3A_1387 = arith.addi %mul3A_1385, %add3A_1386 : i32
        %add3A_1388 = arith.constant 0 : i32
        %add3A_1389 = arith.addi %add3A_1387, %add3A_1388 : i32
        %broadcast_in_dim3A_1390 = vector.broadcast %add3A_1389 : i32 to vector<16xi32>
        %add3A_1391 = arith.addi %broadcast_in_dim3A_1390, %mul3A_5 : vector<16xi32>
        tpu.vector_store_idx %arg18[%add3A_1391], %add3A_1360 : memref<3200xf32, #tpu.memory_space<vmem>>[vector<16xi32>], vector<16xf32>,
        %add3A_1392 = arith.constant 0 : i32
        %add3A_1393 = arith.addi %mul3A_1385, %add3A_1392 : i32
        %add3A_1394 = arith.constant 1 : i32
        %add3A_1395 = arith.addi %add3A_1393, %add3A_1394 : i32
        %broadcast_in_dim3A_1396 = vector.broadcast %add3A_1395 : i32 to vector<16xi32>
        %add3A_1397 = arith.addi %broadcast_in_dim3A_1396, %mul3A_5 : vector<16xi32>
        tpu.vector_store_idx %arg18[%add3A_1397], %add3A_1363 : memref<3200xf32, #tpu.memory_space<vmem>>[vector<16xi32>], vector<16xf32>,
        %add3A_1398 = arith.constant 32 : i32
        %add3A_1399 = arith.addi %mul3A_1385, %add3A_1398 : i32
        %add3A_1400 = arith.constant 0 : i32
        %add3A_1401 = arith.addi %add3A_1399, %add3A_1400 : i32
        %broadcast_in_dim3A_1402 = vector.broadcast %add3A_1401 : i32 to vector<16xi32>
        %add3A_1403 = arith.addi %broadcast_in_dim3A_1402, %mul3A_5 : vector<16xi32>
        tpu.vector_store_idx %arg18[%add3A_1403], %add3A_1380 : memref<3200xf32, #tpu.memory_space<vmem>>[vector<16xi32>], vector<16xf32>,
        %add3A_1404 = arith.constant 32 : i32
        %add3A_1405 = arith.addi %mul3A_1385, %add3A_1404 : i32
        %add3A_1406 = arith.constant 1 : i32
        %add3A_1407 = arith.addi %add3A_1405, %add3A_1406 : i32
        %broadcast_in_dim3A_1408 = vector.broadcast %add3A_1407 : i32 to vector<16xi32>
        %add3A_1409 = arith.addi %broadcast_in_dim3A_1408, %mul3A_5 : vector<16xi32>
        tpu.vector_store_idx %arg18[%add3A_1409], %add3A_1383 : memref<3200xf32, #tpu.memory_space<vmem>>[vector<16xi32>], vector<16xf32>,
        %add3A_1410 = arith.addf %scan3A_445, %add3A_1360 : vector<16xf32>
        %add3A_1411 = arith.addf %scan3A_446, %add3A_1363 : vector<16xf32>
        %add3A_1412 = arith.addf %scan3A_447, %add3A_1380 : vector<16xf32>
        %add3A_1413 = arith.addf %scan3A_448, %add3A_1383 : vector<16xf32>
        scf.yield %add3A_1410, %add3A_1411, %add3A_1412, %add3A_1413 : vector<16xf32>, vector<16xf32>, vector<16xf32>, vector<16xf32>
      }
      %scan3A_269 = arith.constant 50 : i32
      %mul3A_270 = arith.constant 64 : i32
      %mul3A_271 = arith.muli %mul3A_180, %mul3A_270 : i32
      %add3A_272 = arith.constant 0 : i32
      %add3A_273 = arith.addi %mul3A_271, %add3A_272 : i32
      %add3A_274 = arith.constant 0 : i32
      %add3A_275 = arith.addi %add3A_273, %add3A_274 : i32
      %broadcast_in_dim3A_276 = vector.broadcast %add3A_275 : i32 to vector<16xi32>
      %add3A_277 = arith.addi %broadcast_in_dim3A_276, %mul3A_5 : vector<16xi32>
      tpu.vector_store_idx %arg21[%add3A_277], %scan3A_268#0 : memref<2048xf32, #tpu.memory_space<vmem>>[vector<16xi32>], vector<16xf32>,
      %add3A_278 = arith.constant 0 : i32
      %add3A_279 = arith.addi %mul3A_271, %add3A_278 : i32
      %add3A_280 = arith.constant 1 : i32
      %add3A_281 = arith.addi %add3A_279, %add3A_280 : i32
      %broadcast_in_dim3A_282 = vector.broadcast %add3A_281 : i32 to vector<16xi32>
      %add3A_283 = arith.addi %broadcast_in_dim3A_282, %mul3A_5 : vector<16xi32>
      tpu.vector_store_idx %arg21[%add3A_283], %scan3A_268#1 : memref<2048xf32, #tpu.memory_space<vmem>>[vector<16xi32>], vector<16xf32>,
      %add3A_284 = arith.constant 32 : i32
      %add3A_285 = arith.addi %mul3A_271, %add3A_284 : i32
      %add3A_286 = arith.constant 0 : i32
      %add3A_287 = arith.addi %add3A_285, %add3A_286 : i32
      %broadcast_in_dim3A_288 = vector.broadcast %add3A_287 : i32 to vector<16xi32>
      %add3A_289 = arith.addi %broadcast_in_dim3A_288, %mul3A_5 : vector<16xi32>
      tpu.vector_store_idx %arg21[%add3A_289], %scan3A_268#2 : memref<2048xf32, #tpu.memory_space<vmem>>[vector<16xi32>], vector<16xf32>,
      %add3A_290 = arith.constant 32 : i32
      %add3A_291 = arith.addi %mul3A_271, %add3A_290 : i32
      %add3A_292 = arith.constant 1 : i32
      %add3A_293 = arith.addi %add3A_291, %add3A_292 : i32
      %broadcast_in_dim3A_294 = vector.broadcast %add3A_293 : i32 to vector<16xi32>
      %add3A_295 = arith.addi %broadcast_in_dim3A_294, %mul3A_5 : vector<16xi32>
      tpu.vector_store_idx %arg21[%add3A_295], %scan3A_268#3 : memref<2048xf32, #tpu.memory_space<vmem>>[vector<16xi32>], vector<16xf32>,
      %mul3A_296 = arith.constant 50 : i32
      %mul3A_297 = arith.muli %add3A_181, %mul3A_296 : i32
      %mul3A_298 = arith.constant 64 : i32
      %mul3A_299 = arith.muli %mul3A_297, %mul3A_298 : i32
      %dma_start3A_300 = tpu.memref_slice %arg6[%mul3A_299] : memref<3276800xf32, #tpu.memory_space<hbm>> -> memref<3200xf32, #tpu.memory_space<hbm>>
      %dma_start3A_301 = tpu.memref_slice %arg6[%mul3A_299] : memref<3276800xf32, #tpu.memory_space<hbm>> -> memref<3200xf32, #tpu.memory_space<hbm>>
      tpu.enqueue_dma source(%arg18 : memref<3200xf32, #tpu.memory_space<vmem>>) target(%dma_start3A_301 : memref<3200xf32, #tpu.memory_space<hbm>>) target_semaphore(%arg28 : memref<!tpu.dma_semaphore, #tpu.memory_space<semaphore_mem>>)
      %add3A_302 = arith.constant 2 : i32
      %add3A_303 = arith.addi %mul3A_180, %add3A_302 : i32
      %lt3A_304 = arith.constant 32 : i32
      %lt3A_305 = arith.cmpi slt, %add3A_303, %lt3A_304 : i32
      %convert_element_type3A_306 = arith.extui %lt3A_305 : i1 to i32
      %cond3A_307 = arith.constant 0 : i32
      %cond3A_308 = arith.cmpi ne, %convert_element_type3A_306, %cond3A_307 : i32
      scf.if %cond3A_308 {
        %add3A_444 = arith.constant 2 : i32
        %add3A_445 = arith.addi %add3A_181, %add3A_444 : i32
        %mul3A_446 = arith.constant 1000 : i32
        %mul3A_447 = arith.muli %add3A_445, %mul3A_446 : i32
        %dma_start3A_448 = arith.constant 0 : i32
        %dma_start3A_449 = tpu.memref_slice %arg8[%dma_start3A_448] : memref<1024xi32, #tpu.memory_space<vmem>> -> memref<1000xi32, #tpu.memory_space<vmem>>
        %dma_start3A_450 = tpu.memref_slice %arg2[%mul3A_447] : memref<1024000xi32, #tpu.memory_space<hbm>> -> memref<1000xi32, #tpu.memory_space<hbm>>
        %dma_start3A_451 = arith.constant 0 : i32
        %dma_start3A_452 = tpu.memref_slice %arg8[%dma_start3A_451] : memref<1024xi32, #tpu.memory_space<vmem>> -> memref<1000xi32, #tpu.memory_space<vmem>>
        %dma_start3A_453 = tpu.memref_slice %arg2[%mul3A_447] : memref<1024000xi32, #tpu.memory_space<hbm>> -> memref<1000xi32, #tpu.memory_space<hbm>>
        tpu.enqueue_dma source(%dma_start3A_453 : memref<1000xi32, #tpu.memory_space<hbm>>) target(%dma_start3A_452 : memref<1000xi32, #tpu.memory_space<vmem>>) target_semaphore(%arg22 : memref<!tpu.dma_semaphore, #tpu.memory_space<semaphore_mem>>)
      } else {
      }
      %mul3A_309 = arith.constant 2 : i32
      %mul3A_310 = arith.muli %mul3A_309, %add3A_178 : i32
      %add3A_311 = arith.constant 1 : i32
      %add3A_312 = arith.addi %mul3A_310, %add3A_311 : i32
      %add3A_313 = arith.addi %mul3A_2, %add3A_312 : i32
      %add3A_314 = arith.constant 1 : i32
      %add3A_315 = arith.addi %add3A_312, %add3A_314 : i32
      %lt3A_316 = arith.constant 32 : i32
      %lt3A_317 = arith.cmpi slt, %add3A_315, %lt3A_316 : i32
      %convert_element_type3A_318 = arith.extui %lt3A_317 : i1 to i32
      %cond3A_319 = arith.constant 0 : i32
      %cond3A_320 = arith.cmpi ne, %convert_element_type3A_318, %cond3A_319 : i32
      scf.if %cond3A_320 {
        %add3A_444 = arith.constant 1 : i32
        %add3A_445 = arith.addi %add3A_313, %add3A_444 : i32
        %mul3A_446 = arith.constant 1000 : i32
        %mul3A_447 = arith.muli %add3A_445, %mul3A_446 : i32
        %dma_wait3A_448 = arith.constant 0 : i32
        %dma_wait3A_449 = tpu.memref_slice %arg8[%dma_wait3A_448] : memref<1024xi32, #tpu.memory_space<vmem>> -> memref<1000xi32, #tpu.memory_space<vmem>>
        %dma_wait3A_450 = tpu.memref_slice %arg2[%mul3A_447] : memref<1024000xi32, #tpu.memory_space<hbm>> -> memref<1000xi32, #tpu.memory_space<hbm>>
        %dma_wait3A_451 = arith.constant 0 : i32
        %dma_wait3A_452 = tpu.memref_slice %arg8[%dma_wait3A_451] : memref<1024xi32, #tpu.memory_space<vmem>> -> memref<1000xi32, #tpu.memory_space<vmem>>
        %dma_wait3A_453 = tpu.memref_slice %arg2[%mul3A_447] : memref<1024000xi32, #tpu.memory_space<hbm>> -> memref<1000xi32, #tpu.memory_space<hbm>>
        tpu.wait_dma2 semaphore(%arg22 : memref<!tpu.dma_semaphore, #tpu.memory_space<semaphore_mem>>) src(%dma_wait3A_453 : memref<1000xi32, #tpu.memory_space<hbm>>) dst(%dma_wait3A_452 : memref<1000xi32, #tpu.memory_space<vmem>>)
        %scan3A_454 = arith.constant 0 : i32
        %scan3A_455 = arith.constant 64 : i32
        %scan3A_456 = arith.addi %scan3A_454, %scan3A_455 : i32
        %scan3A_457 = arith.constant 1 : i32
        scf.for %scan3A_535 = %scan3A_454 to %scan3A_456 step %scan3A_457  : i32 {
          %mul3A_536 = arith.constant 1 : i32
          %mul3A_537 = arith.muli %scan3A_535, %mul3A_536 : i32
          %add3A_538 = arith.constant 0 : i32
          %add3A_539 = arith.addi %add3A_538, %mul3A_537 : i32
          %mul3A_540 = arith.constant 16 : i32
          %mul3A_541 = arith.muli %add3A_539, %mul3A_540 : i32
          %get3A = arith.index_cast %mul3A_541 : i32 to index
          %get3A_542 = tpu.vector_load %arg8[%get3A] {strides = array<i32>} : memref<1024xi32, #tpu.memory_space<vmem>>, vector<16xi32>,
          %and3A = arith.andi %get3A_542, %broadcast_in_dim3A_12 : vector<16xi32>
          %mul3A_543 = arith.constant 16 : i32
          %mul3A_544 = arith.muli %add3A_539, %mul3A_543 : i32
          %swap3A_545 = arith.index_cast %mul3A_544 : i32 to index
          %swap3A_546 = tpu.vector_load %arg10[%swap3A_545] {strides = array<i32>} : memref<1024xi32, #tpu.memory_space<vmem>>, vector<16xi32>,
          tpu.vector_store %arg10[%swap3A_545], %and3A {strides = array<i32>} : memref<1024xi32, #tpu.memory_space<vmem>>, vector<16xi32>,
          %shift_right_logical3A = arith.constant 11 : i32
          %shift_right_logical3A_547 = vector.broadcast %shift_right_logical3A : i32 to vector<16xi32>
          %shift_right_logical3A_548 = arith.shrui %get3A_542, %shift_right_logical3A_547 : vector<16xi32>
          %and3A_549 = arith.andi %shift_right_logical3A_548, %broadcast_in_dim3A_14 : vector<16xi32>
          %mul3A_550 = arith.constant 16 : i32
          %mul3A_551 = arith.muli %add3A_539, %mul3A_550 : i32
          %swap3A_552 = arith.index_cast %mul3A_551 : i32 to index
          %swap3A_553 = tpu.vector_load %arg12[%swap3A_552] {strides = array<i32>} : memref<1024xi32, #tpu.memory_space<vmem>>, vector<16xi32>,
          tpu.vector_store %arg12[%swap3A_552], %and3A_549 {strides = array<i32>} : memref<1024xi32, #tpu.memory_space<vmem>>, vector<16xi32>,
        }
        %scan3A_458 = arith.constant 64 : i32
        %swap3A_459 = arith.constant 1000 : index
        %swap3A_460 = tpu.vector_load %arg10[%swap3A_459] {strides = array<i32>} : memref<1024xi32, #tpu.memory_space<vmem>>, vector<16xi32>,
        tpu.vector_store %arg10[%swap3A_459], %broadcast_in_dim3A_8 {strides = array<i32>} : memref<1024xi32, #tpu.memory_space<vmem>>, vector<16xi32>,
        %swap3A_461 = arith.constant 1008 : index
        %swap3A_462 = tpu.vector_load %arg10[%swap3A_461] {strides = array<i32>} : memref<1024xi32, #tpu.memory_space<vmem>>, vector<16xi32>,
        tpu.vector_store %arg10[%swap3A_461], %broadcast_in_dim3A_8 {strides = array<i32>} : memref<1024xi32, #tpu.memory_space<vmem>>, vector<16xi32>,
        %dma_start3A_463 = arith.constant 0 : i32
        %dma_start3A_464 = arith.constant 0 : i32
        %dma_start3A_465 = tpu.memref_slice %arg16[%dma_start3A_463, %dma_start3A_464] : memref<1024x64xbf16, #tpu.memory_space<vmem>> -> memref<128x64xbf16, #tpu.memory_space<vmem>>
        %dma_start3A_466 = arith.constant 0 : i32
        %dma_start3A_467 = tpu.memref_slice %arg10[%dma_start3A_466] : memref<1024xi32, #tpu.memory_space<vmem>> -> memref<128xi32, #tpu.memory_space<vmem>>
        %dma_start3A_468 = arith.constant 0 : i32
        %dma_start3A_469 = arith.constant 0 : i32
        %dma_start3A_470 = tpu.memref_slice %arg4[%dma_start3A_468, %dma_start3A_469] : memref<100001x64xbf16, #tpu.memory_space<hbm>> -> memref<100001x64xbf16, #tpu.memory_space<hbm>>
        tpu.enqueue_indirect_dma source(%dma_start3A_470 : memref<100001x64xbf16, #tpu.memory_space<hbm>>) target(%dma_start3A_465 : memref<128x64xbf16, #tpu.memory_space<vmem>>) offsets(%dma_start3A_467 : memref<128xi32, #tpu.memory_space<vmem>>) semaphore(%arg26 : memref<!tpu.dma_semaphore, #tpu.memory_space<semaphore_mem>>)
        %dma_start3A_471 = arith.constant 128 : i32
        %dma_start3A_472 = arith.constant 0 : i32
        %dma_start3A_473 = tpu.memref_slice %arg16[%dma_start3A_471, %dma_start3A_472] : memref<1024x64xbf16, #tpu.memory_space<vmem>> -> memref<128x64xbf16, #tpu.memory_space<vmem>>
        %dma_start3A_474 = arith.constant 128 : i32
        %dma_start3A_475 = tpu.memref_slice %arg10[%dma_start3A_474] : memref<1024xi32, #tpu.memory_space<vmem>> -> memref<128xi32, #tpu.memory_space<vmem>>
        %dma_start3A_476 = arith.constant 0 : i32
        %dma_start3A_477 = arith.constant 0 : i32
        %dma_start3A_478 = tpu.memref_slice %arg4[%dma_start3A_476, %dma_start3A_477] : memref<100001x64xbf16, #tpu.memory_space<hbm>> -> memref<100001x64xbf16, #tpu.memory_space<hbm>>
        tpu.enqueue_indirect_dma source(%dma_start3A_478 : memref<100001x64xbf16, #tpu.memory_space<hbm>>) target(%dma_start3A_473 : memref<128x64xbf16, #tpu.memory_space<vmem>>) offsets(%dma_start3A_475 : memref<128xi32, #tpu.memory_space<vmem>>) semaphore(%arg26 : memref<!tpu.dma_semaphore, #tpu.memory_space<semaphore_mem>>)
        %dma_start3A_479 = arith.constant 256 : i32
        %dma_start3A_480 = arith.constant 0 : i32
        %dma_start3A_481 = tpu.memref_slice %arg16[%dma_start3A_479, %dma_start3A_480] : memref<1024x64xbf16, #tpu.memory_space<vmem>> -> memref<128x64xbf16, #tpu.memory_space<vmem>>
        %dma_start3A_482 = arith.constant 256 : i32
        %dma_start3A_483 = tpu.memref_slice %arg10[%dma_start3A_482] : memref<1024xi32, #tpu.memory_space<vmem>> -> memref<128xi32, #tpu.memory_space<vmem>>
        %dma_start3A_484 = arith.constant 0 : i32
        %dma_start3A_485 = arith.constant 0 : i32
        %dma_start3A_486 = tpu.memref_slice %arg4[%dma_start3A_484, %dma_start3A_485] : memref<100001x64xbf16, #tpu.memory_space<hbm>> -> memref<100001x64xbf16, #tpu.memory_space<hbm>>
        tpu.enqueue_indirect_dma source(%dma_start3A_486 : memref<100001x64xbf16, #tpu.memory_space<hbm>>) target(%dma_start3A_481 : memref<128x64xbf16, #tpu.memory_space<vmem>>) offsets(%dma_start3A_483 : memref<128xi32, #tpu.memory_space<vmem>>) semaphore(%arg26 : memref<!tpu.dma_semaphore, #tpu.memory_space<semaphore_mem>>)
        %dma_start3A_487 = arith.constant 384 : i32
        %dma_start3A_488 = arith.constant 0 : i32
        %dma_start3A_489 = tpu.memref_slice %arg16[%dma_start3A_487, %dma_start3A_488] : memref<1024x64xbf16, #tpu.memory_space<vmem>> -> memref<128x64xbf16, #tpu.memory_space<vmem>>
        %dma_start3A_490 = arith.constant 384 : i32
        %dma_start3A_491 = tpu.memref_slice %arg10[%dma_start3A_490] : memref<1024xi32, #tpu.memory_space<vmem>> -> memref<128xi32, #tpu.memory_space<vmem>>
        %dma_start3A_492 = arith.constant 0 : i32
        %dma_start3A_493 = arith.constant 0 : i32
        %dma_start3A_494 = tpu.memref_slice %arg4[%dma_start3A_492, %dma_start3A_493] : memref<100001x64xbf16, #tpu.memory_space<hbm>> -> memref<100001x64xbf16, #tpu.memory_space<hbm>>
        tpu.enqueue_indirect_dma source(%dma_start3A_494 : memref<100001x64xbf16, #tpu.memory_space<hbm>>) target(%dma_start3A_489 : memref<128x64xbf16, #tpu.memory_space<vmem>>) offsets(%dma_start3A_491 : memref<128xi32, #tpu.memory_space<vmem>>) semaphore(%arg26 : memref<!tpu.dma_semaphore, #tpu.memory_space<semaphore_mem>>)
        %dma_start3A_495 = arith.constant 512 : i32
        %dma_start3A_496 = arith.constant 0 : i32
        %dma_start3A_497 = tpu.memref_slice %arg16[%dma_start3A_495, %dma_start3A_496] : memref<1024x64xbf16, #tpu.memory_space<vmem>> -> memref<128x64xbf16, #tpu.memory_space<vmem>>
        %dma_start3A_498 = arith.constant 512 : i32
        %dma_start3A_499 = tpu.memref_slice %arg10[%dma_start3A_498] : memref<1024xi32, #tpu.memory_space<vmem>> -> memref<128xi32, #tpu.memory_space<vmem>>
        %dma_start3A_500 = arith.constant 0 : i32
        %dma_start3A_501 = arith.constant 0 : i32
        %dma_start3A_502 = tpu.memref_slice %arg4[%dma_start3A_500, %dma_start3A_501] : memref<100001x64xbf16, #tpu.memory_space<hbm>> -> memref<100001x64xbf16, #tpu.memory_space<hbm>>
        tpu.enqueue_indirect_dma source(%dma_start3A_502 : memref<100001x64xbf16, #tpu.memory_space<hbm>>) target(%dma_start3A_497 : memref<128x64xbf16, #tpu.memory_space<vmem>>) offsets(%dma_start3A_499 : memref<128xi32, #tpu.memory_space<vmem>>) semaphore(%arg26 : memref<!tpu.dma_semaphore, #tpu.memory_space<semaphore_mem>>)
        %dma_start3A_503 = arith.constant 640 : i32
        %dma_start3A_504 = arith.constant 0 : i32
        %dma_start3A_505 = tpu.memref_slice %arg16[%dma_start3A_503, %dma_start3A_504] : memref<1024x64xbf16, #tpu.memory_space<vmem>> -> memref<128x64xbf16, #tpu.memory_space<vmem>>
        %dma_start3A_506 = arith.constant 640 : i32
        %dma_start3A_507 = tpu.memref_slice %arg10[%dma_start3A_506] : memref<1024xi32, #tpu.memory_space<vmem>> -> memref<128xi32, #tpu.memory_space<vmem>>
        %dma_start3A_508 = arith.constant 0 : i32
        %dma_start3A_509 = arith.constant 0 : i32
        %dma_start3A_510 = tpu.memref_slice %arg4[%dma_start3A_508, %dma_start3A_509] : memref<100001x64xbf16, #tpu.memory_space<hbm>> -> memref<100001x64xbf16, #tpu.memory_space<hbm>>
        tpu.enqueue_indirect_dma source(%dma_start3A_510 : memref<100001x64xbf16, #tpu.memory_space<hbm>>) target(%dma_start3A_505 : memref<128x64xbf16, #tpu.memory_space<vmem>>) offsets(%dma_start3A_507 : memref<128xi32, #tpu.memory_space<vmem>>) semaphore(%arg26 : memref<!tpu.dma_semaphore, #tpu.memory_space<semaphore_mem>>)
        %dma_start3A_511 = arith.constant 768 : i32
        %dma_start3A_512 = arith.constant 0 : i32
        %dma_start3A_513 = tpu.memref_slice %arg16[%dma_start3A_511, %dma_start3A_512] : memref<1024x64xbf16, #tpu.memory_space<vmem>> -> memref<128x64xbf16, #tpu.memory_space<vmem>>
        %dma_start3A_514 = arith.constant 768 : i32
        %dma_start3A_515 = tpu.memref_slice %arg10[%dma_start3A_514] : memref<1024xi32, #tpu.memory_space<vmem>> -> memref<128xi32, #tpu.memory_space<vmem>>
        %dma_start3A_516 = arith.constant 0 : i32
        %dma_start3A_517 = arith.constant 0 : i32
        %dma_start3A_518 = tpu.memref_slice %arg4[%dma_start3A_516, %dma_start3A_517] : memref<100001x64xbf16, #tpu.memory_space<hbm>> -> memref<100001x64xbf16, #tpu.memory_space<hbm>>
        tpu.enqueue_indirect_dma source(%dma_start3A_518 : memref<100001x64xbf16, #tpu.memory_space<hbm>>) target(%dma_start3A_513 : memref<128x64xbf16, #tpu.memory_space<vmem>>) offsets(%dma_start3A_515 : memref<128xi32, #tpu.memory_space<vmem>>) semaphore(%arg26 : memref<!tpu.dma_semaphore, #tpu.memory_space<semaphore_mem>>)
        %dma_start3A_519 = arith.constant 896 : i32
        %dma_start3A_520 = arith.constant 0 : i32
        %dma_start3A_521 = tpu.memref_slice %arg16[%dma_start3A_519, %dma_start3A_520] : memref<1024x64xbf16, #tpu.memory_space<vmem>> -> memref<128x64xbf16, #tpu.memory_space<vmem>>
        %dma_start3A_522 = arith.constant 896 : i32
        %dma_start3A_523 = tpu.memref_slice %arg10[%dma_start3A_522] : memref<1024xi32, #tpu.memory_space<vmem>> -> memref<128xi32, #tpu.memory_space<vmem>>
        %dma_start3A_524 = arith.constant 0 : i32
        %dma_start3A_525 = arith.constant 0 : i32
        %dma_start3A_526 = tpu.memref_slice %arg4[%dma_start3A_524, %dma_start3A_525] : memref<100001x64xbf16, #tpu.memory_space<hbm>> -> memref<100001x64xbf16, #tpu.memory_space<hbm>>
        tpu.enqueue_indirect_dma source(%dma_start3A_526 : memref<100001x64xbf16, #tpu.memory_space<hbm>>) target(%dma_start3A_521 : memref<128x64xbf16, #tpu.memory_space<vmem>>) offsets(%dma_start3A_523 : memref<128xi32, #tpu.memory_space<vmem>>) semaphore(%arg26 : memref<!tpu.dma_semaphore, #tpu.memory_space<semaphore_mem>>)
        %mul3A_527 = arith.constant 1000 : i32
        %mul3A_528 = arith.muli %add3A_445, %mul3A_527 : i32
        %dma_start3A_529 = arith.constant 0 : i32
        %dma_start3A_530 = tpu.memref_slice %arg14[%dma_start3A_529] : memref<1024xf32, #tpu.memory_space<vmem>> -> memref<1000xf32, #tpu.memory_space<vmem>>
        %dma_start3A_531 = tpu.memref_slice %arg3[%mul3A_528] : memref<1024000xf32, #tpu.memory_space<hbm>> -> memref<1000xf32, #tpu.memory_space<hbm>>
        %dma_start3A_532 = arith.constant 0 : i32
        %dma_start3A_533 = tpu.memref_slice %arg14[%dma_start3A_532] : memref<1024xf32, #tpu.memory_space<vmem>> -> memref<1000xf32, #tpu.memory_space<vmem>>
        %dma_start3A_534 = tpu.memref_slice %arg3[%mul3A_528] : memref<1024000xf32, #tpu.memory_space<hbm>> -> memref<1000xf32, #tpu.memory_space<hbm>>
        tpu.enqueue_dma source(%dma_start3A_534 : memref<1000xf32, #tpu.memory_space<hbm>>) target(%dma_start3A_533 : memref<1000xf32, #tpu.memory_space<vmem>>) target_semaphore(%arg24 : memref<!tpu.dma_semaphore, #tpu.memory_space<semaphore_mem>>)
      } else {
      }
      %mul3A_321 = arith.constant 1000 : i32
      %mul3A_322 = arith.muli %add3A_313, %mul3A_321 : i32
      %dma_wait3A_323 = arith.constant 0 : i32
      %dma_wait3A_324 = tpu.memref_slice %arg15[%dma_wait3A_323] : memref<1024xf32, #tpu.memory_space<vmem>> -> memref<1000xf32, #tpu.memory_space<vmem>>
      %dma_wait3A_325 = tpu.memref_slice %arg3[%mul3A_322] : memref<1024000xf32, #tpu.memory_space<hbm>> -> memref<1000xf32, #tpu.memory_space<hbm>>
      %dma_wait3A_326 = arith.constant 0 : i32
      %dma_wait3A_327 = tpu.memref_slice %arg15[%dma_wait3A_326] : memref<1024xf32, #tpu.memory_space<vmem>> -> memref<1000xf32, #tpu.memory_space<vmem>>
      %dma_wait3A_328 = tpu.memref_slice %arg3[%mul3A_322] : memref<1024000xf32, #tpu.memory_space<hbm>> -> memref<1000xf32, #tpu.memory_space<hbm>>
      tpu.wait_dma2 semaphore(%arg25 : memref<!tpu.dma_semaphore, #tpu.memory_space<semaphore_mem>>) src(%dma_wait3A_328 : memref<1000xf32, #tpu.memory_space<hbm>>) dst(%dma_wait3A_327 : memref<1000xf32, #tpu.memory_space<vmem>>)
      %dma_wait3A_329 = arith.constant 0 : i32
      %dma_wait3A_330 = arith.constant 0 : i32
      %dma_wait3A_331 = tpu.memref_slice %arg17[%dma_wait3A_329, %dma_wait3A_330] : memref<1024x64xbf16, #tpu.memory_space<vmem>> -> memref<128x64xbf16, #tpu.memory_space<vmem>>
      %dma_wait3A_332 = arith.constant 0 : i32
      %dma_wait3A_333 = tpu.memref_slice %arg11[%dma_wait3A_332] : memref<1024xi32, #tpu.memory_space<vmem>> -> memref<128xi32, #tpu.memory_space<vmem>>
      %dma_wait3A_334 = arith.constant 0 : i32
      %dma_wait3A_335 = arith.constant 0 : i32
      %dma_wait3A_336 = tpu.memref_slice %arg4[%dma_wait3A_334, %dma_wait3A_335] : memref<100001x64xbf16, #tpu.memory_space<hbm>> -> memref<100001x64xbf16, #tpu.memory_space<hbm>>
      tpu.wait_indirect_dma semaphore(%arg27 : memref<!tpu.dma_semaphore, #tpu.memory_space<semaphore_mem>>) src(%dma_wait3A_336 : memref<100001x64xbf16, #tpu.memory_space<hbm>>) dst(%dma_wait3A_331 : memref<128x64xbf16, #tpu.memory_space<vmem>>)
      %dma_wait3A_337 = arith.constant 128 : i32
      %dma_wait3A_338 = arith.constant 0 : i32
      %dma_wait3A_339 = tpu.memref_slice %arg17[%dma_wait3A_337, %dma_wait3A_338] : memref<1024x64xbf16, #tpu.memory_space<vmem>> -> memref<128x64xbf16, #tpu.memory_space<vmem>>
      %dma_wait3A_340 = arith.constant 128 : i32
      %dma_wait3A_341 = tpu.memref_slice %arg11[%dma_wait3A_340] : memref<1024xi32, #tpu.memory_space<vmem>> -> memref<128xi32, #tpu.memory_space<vmem>>
      %dma_wait3A_342 = arith.constant 0 : i32
      %dma_wait3A_343 = arith.constant 0 : i32
      %dma_wait3A_344 = tpu.memref_slice %arg4[%dma_wait3A_342, %dma_wait3A_343] : memref<100001x64xbf16, #tpu.memory_space<hbm>> -> memref<100001x64xbf16, #tpu.memory_space<hbm>>
      tpu.wait_indirect_dma semaphore(%arg27 : memref<!tpu.dma_semaphore, #tpu.memory_space<semaphore_mem>>) src(%dma_wait3A_344 : memref<100001x64xbf16, #tpu.memory_space<hbm>>) dst(%dma_wait3A_339 : memref<128x64xbf16, #tpu.memory_space<vmem>>)
      %dma_wait3A_345 = arith.constant 256 : i32
      %dma_wait3A_346 = arith.constant 0 : i32
      %dma_wait3A_347 = tpu.memref_slice %arg17[%dma_wait3A_345, %dma_wait3A_346] : memref<1024x64xbf16, #tpu.memory_space<vmem>> -> memref<128x64xbf16, #tpu.memory_space<vmem>>
      %dma_wait3A_348 = arith.constant 256 : i32
      %dma_wait3A_349 = tpu.memref_slice %arg11[%dma_wait3A_348] : memref<1024xi32, #tpu.memory_space<vmem>> -> memref<128xi32, #tpu.memory_space<vmem>>
      %dma_wait3A_350 = arith.constant 0 : i32
      %dma_wait3A_351 = arith.constant 0 : i32
      %dma_wait3A_352 = tpu.memref_slice %arg4[%dma_wait3A_350, %dma_wait3A_351] : memref<100001x64xbf16, #tpu.memory_space<hbm>> -> memref<100001x64xbf16, #tpu.memory_space<hbm>>
      tpu.wait_indirect_dma semaphore(%arg27 : memref<!tpu.dma_semaphore, #tpu.memory_space<semaphore_mem>>) src(%dma_wait3A_352 : memref<100001x64xbf16, #tpu.memory_space<hbm>>) dst(%dma_wait3A_347 : memref<128x64xbf16, #tpu.memory_space<vmem>>)
      %dma_wait3A_353 = arith.constant 384 : i32
      %dma_wait3A_354 = arith.constant 0 : i32
      %dma_wait3A_355 = tpu.memref_slice %arg17[%dma_wait3A_353, %dma_wait3A_354] : memref<1024x64xbf16, #tpu.memory_space<vmem>> -> memref<128x64xbf16, #tpu.memory_space<vmem>>
      %dma_wait3A_356 = arith.constant 384 : i32
      %dma_wait3A_357 = tpu.memref_slice %arg11[%dma_wait3A_356] : memref<1024xi32, #tpu.memory_space<vmem>> -> memref<128xi32, #tpu.memory_space<vmem>>
      %dma_wait3A_358 = arith.constant 0 : i32
      %dma_wait3A_359 = arith.constant 0 : i32
      %dma_wait3A_360 = tpu.memref_slice %arg4[%dma_wait3A_358, %dma_wait3A_359] : memref<100001x64xbf16, #tpu.memory_space<hbm>> -> memref<100001x64xbf16, #tpu.memory_space<hbm>>
      tpu.wait_indirect_dma semaphore(%arg27 : memref<!tpu.dma_semaphore, #tpu.memory_space<semaphore_mem>>) src(%dma_wait3A_360 : memref<100001x64xbf16, #tpu.memory_space<hbm>>) dst(%dma_wait3A_355 : memref<128x64xbf16, #tpu.memory_space<vmem>>)
      %dma_wait3A_361 = arith.constant 512 : i32
      %dma_wait3A_362 = arith.constant 0 : i32
      %dma_wait3A_363 = tpu.memref_slice %arg17[%dma_wait3A_361, %dma_wait3A_362] : memref<1024x64xbf16, #tpu.memory_space<vmem>> -> memref<128x64xbf16, #tpu.memory_space<vmem>>
      %dma_wait3A_364 = arith.constant 512 : i32
      %dma_wait3A_365 = tpu.memref_slice %arg11[%dma_wait3A_364] : memref<1024xi32, #tpu.memory_space<vmem>> -> memref<128xi32, #tpu.memory_space<vmem>>
      %dma_wait3A_366 = arith.constant 0 : i32
      %dma_wait3A_367 = arith.constant 0 : i32
      %dma_wait3A_368 = tpu.memref_slice %arg4[%dma_wait3A_366, %dma_wait3A_367] : memref<100001x64xbf16, #tpu.memory_space<hbm>> -> memref<100001x64xbf16, #tpu.memory_space<hbm>>
      tpu.wait_indirect_dma semaphore(%arg27 : memref<!tpu.dma_semaphore, #tpu.memory_space<semaphore_mem>>) src(%dma_wait3A_368 : memref<100001x64xbf16, #tpu.memory_space<hbm>>) dst(%dma_wait3A_363 : memref<128x64xbf16, #tpu.memory_space<vmem>>)
      %dma_wait3A_369 = arith.constant 640 : i32
      %dma_wait3A_370 = arith.constant 0 : i32
      %dma_wait3A_371 = tpu.memref_slice %arg17[%dma_wait3A_369, %dma_wait3A_370] : memref<1024x64xbf16, #tpu.memory_space<vmem>> -> memref<128x64xbf16, #tpu.memory_space<vmem>>
      %dma_wait3A_372 = arith.constant 640 : i32
      %dma_wait3A_373 = tpu.memref_slice %arg11[%dma_wait3A_372] : memref<1024xi32, #tpu.memory_space<vmem>> -> memref<128xi32, #tpu.memory_space<vmem>>
      %dma_wait3A_374 = arith.constant 0 : i32
      %dma_wait3A_375 = arith.constant 0 : i32
      %dma_wait3A_376 = tpu.memref_slice %arg4[%dma_wait3A_374, %dma_wait3A_375] : memref<100001x64xbf16, #tpu.memory_space<hbm>> -> memref<100001x64xbf16, #tpu.memory_space<hbm>>
      tpu.wait_indirect_dma semaphore(%arg27 : memref<!tpu.dma_semaphore, #tpu.memory_space<semaphore_mem>>) src(%dma_wait3A_376 : memref<100001x64xbf16, #tpu.memory_space<hbm>>) dst(%dma_wait3A_371 : memref<128x64xbf16, #tpu.memory_space<vmem>>)
      %dma_wait3A_377 = arith.constant 768 : i32
      %dma_wait3A_378 = arith.constant 0 : i32
      %dma_wait3A_379 = tpu.memref_slice %arg17[%dma_wait3A_377, %dma_wait3A_378] : memref<1024x64xbf16, #tpu.memory_space<vmem>> -> memref<128x64xbf16, #tpu.memory_space<vmem>>
      %dma_wait3A_380 = arith.constant 768 : i32
      %dma_wait3A_381 = tpu.memref_slice %arg11[%dma_wait3A_380] : memref<1024xi32, #tpu.memory_space<vmem>> -> memref<128xi32, #tpu.memory_space<vmem>>
      %dma_wait3A_382 = arith.constant 0 : i32
      %dma_wait3A_383 = arith.constant 0 : i32
      %dma_wait3A_384 = tpu.memref_slice %arg4[%dma_wait3A_382, %dma_wait3A_383] : memref<100001x64xbf16, #tpu.memory_space<hbm>> -> memref<100001x64xbf16, #tpu.memory_space<hbm>>
      tpu.wait_indirect_dma semaphore(%arg27 : memref<!tpu.dma_semaphore, #tpu.memory_space<semaphore_mem>>) src(%dma_wait3A_384 : memref<100001x64xbf16, #tpu.memory_space<hbm>>) dst(%dma_wait3A_379 : memref<128x64xbf16, #tpu.memory_space<vmem>>)
      %dma_wait3A_385 = arith.constant 896 : i32
      %dma_wait3A_386 = arith.constant 0 : i32
      %dma_wait3A_387 = tpu.memref_slice %arg17[%dma_wait3A_385, %dma_wait3A_386] : memref<1024x64xbf16, #tpu.memory_space<vmem>> -> memref<128x64xbf16, #tpu.memory_space<vmem>>
      %dma_wait3A_388 = arith.constant 896 : i32
      %dma_wait3A_389 = tpu.memref_slice %arg11[%dma_wait3A_388] : memref<1024xi32, #tpu.memory_space<vmem>> -> memref<128xi32, #tpu.memory_space<vmem>>
      %dma_wait3A_390 = arith.constant 0 : i32
      %dma_wait3A_391 = arith.constant 0 : i32
      %dma_wait3A_392 = tpu.memref_slice %arg4[%dma_wait3A_390, %dma_wait3A_391] : memref<100001x64xbf16, #tpu.memory_space<hbm>> -> memref<100001x64xbf16, #tpu.memory_space<hbm>>
      tpu.wait_indirect_dma semaphore(%arg27 : memref<!tpu.dma_semaphore, #tpu.memory_space<semaphore_mem>>) src(%dma_wait3A_392 : memref<100001x64xbf16, #tpu.memory_space<hbm>>) dst(%dma_wait3A_387 : memref<128x64xbf16, #tpu.memory_space<vmem>>)
      %mul3A_393 = arith.constant 50 : i32
      %mul3A_394 = arith.muli %add3A_313, %mul3A_393 : i32
      %mul3A_395 = arith.constant 64 : i32
      %mul3A_396 = arith.muli %mul3A_394, %mul3A_395 : i32
      %dma_wait3A_397 = tpu.memref_slice %arg6[%mul3A_396] : memref<3276800xf32, #tpu.memory_space<hbm>> -> memref<3200xf32, #tpu.memory_space<hbm>>
      %dma_wait3A_398 = tpu.memref_slice %arg6[%mul3A_396] : memref<3276800xf32, #tpu.memory_space<hbm>> -> memref<3200xf32, #tpu.memory_space<hbm>>
      tpu.wait_dma2 semaphore(%arg29 : memref<!tpu.dma_semaphore, #tpu.memory_space<semaphore_mem>>) src(%arg19 : memref<3200xf32, #tpu.memory_space<vmem>>) dst(%dma_wait3A_398 : memref<3200xf32, #tpu.memory_space<hbm>>)
      %scan3A_399 = arith.constant 0 : i32
      %scan3A_400 = arith.constant 50 : i32
      %scan3A_401 = arith.addi %scan3A_399, %scan3A_400 : i32
      %scan3A_402 = arith.constant 1 : i32
      %scan3A_403:4 = scf.for %scan3A_444 = %scan3A_399 to %scan3A_401 step %scan3A_402 iter_args(%scan3A_445 = %broadcast_in_dim3A_6, %scan3A_446 = %broadcast_in_dim3A_6, %scan3A_447 = %broadcast_in_dim3A_6, %scan3A_448 = %broadcast_in_dim3A_6) -> (vector<16xf32>, vector<16xf32>, vector<16xf32>, vector<16xf32>)  : i32 {
        %mul3A_449 = arith.constant 20 : i32
        %mul3A_450 = arith.muli %scan3A_444, %mul3A_449 : i32
        %add3A_451 = arith.constant 0 : i32
        %add3A_452 = arith.addi %mul3A_450, %add3A_451 : i32
        %broadcast_in_dim3A_453 = vector.broadcast %add3A_452 : i32 to vector<16xi32>
        %gather3A = tpu.vector_load_idx %arg15[%broadcast_in_dim3A_453] : memref<1024xf32, #tpu.memory_space<vmem>>[vector<16xi32>], vector<16xf32>,
        %gather3A_454 = tpu.vector_load_idx %arg13[%broadcast_in_dim3A_453] : memref<1024xi32, #tpu.memory_space<vmem>>[vector<16xi32>], vector<16xi32>,
        %get3A = arith.index_cast %add3A_452 : i32 to index
        %get3A_455 = arith.constant 0 : index
        %get3A_456 = tpu.vector_load %arg17[%get3A, %get3A_455] {strides = array<i32>} : memref<1024x64xbf16, #tpu.memory_space<vmem>>, vector<32xbf16>,
        %bitcast3A = vector.bitcast %get3A_456 : vector<32xbf16> to vector<16xi32>
        %shift_left3A = arith.constant 16 : i32
        %shift_left3A_457 = vector.broadcast %shift_left3A : i32 to vector<16xi32>
        %shift_left3A_458 = arith.shli %bitcast3A, %shift_left3A_457 : vector<16xi32>
        %bitcast3A_459 = vector.bitcast %shift_left3A_458 : vector<16xi32> to vector<16xf32>
        %and3A = arith.andi %bitcast3A, %broadcast_in_dim3A_10 : vector<16xi32>
        %bitcast3A_460 = vector.bitcast %and3A : vector<16xi32> to vector<16xf32>
        %add3A_461 = arith.addi %gather3A_454, %add3A_17 : vector<16xi32>
        %gather3A_462 = tpu.vector_load_idx %arg20[%add3A_461] : memref<6464xf32, #tpu.memory_space<vmem>>[vector<16xi32>], vector<16xf32>,
        %add3A_463 = arith.addi %gather3A_454, %add3A_20 : vector<16xi32>
        %gather3A_464 = tpu.vector_load_idx %arg20[%add3A_463] : memref<6464xf32, #tpu.memory_space<vmem>>[vector<16xi32>], vector<16xf32>,
        %mul3A_465 = arith.mulf %bitcast3A_459, %gather3A_462 : vector<16xf32>
        %mul3A_466 = arith.mulf %mul3A_465, %gather3A : vector<16xf32>
        %add3A_467 = arith.addf %broadcast_in_dim3A_6, %mul3A_466 : vector<16xf32>
        %mul3A_468 = arith.mulf %bitcast3A_460, %gather3A_464 : vector<16xf32>
        %mul3A_469 = arith.mulf %mul3A_468, %gather3A : vector<16xf32>
        %add3A_470 = arith.addf %broadcast_in_dim3A_6, %mul3A_469 : vector<16xf32>
        %get3A_471 = arith.index_cast %add3A_452 : i32 to index
        %get3A_472 = arith.constant 32 : index
        %get3A_473 = tpu.vector_load %arg17[%get3A_471, %get3A_472] {strides = array<i32>} : memref<1024x64xbf16, #tpu.memory_space<vmem>>, vector<32xbf16>,
        %bitcast3A_474 = vector.bitcast %get3A_473 : vector<32xbf16> to vector<16xi32>
        %shift_left3A_475 = arith.constant 16 : i32
        %shift_left3A_476 = vector.broadcast %shift_left3A_475 : i32 to vector<16xi32>
        %shift_left3A_477 = arith.shli %bitcast3A_474, %shift_left3A_476 : vector<16xi32>
        %bitcast3A_478 = vector.bitcast %shift_left3A_477 : vector<16xi32> to vector<16xf32>
        %and3A_479 = arith.andi %bitcast3A_474, %broadcast_in_dim3A_10 : vector<16xi32>
        %bitcast3A_480 = vector.bitcast %and3A_479 : vector<16xi32> to vector<16xf32>
        %add3A_481 = arith.addi %gather3A_454, %add3A_23 : vector<16xi32>
        %gather3A_482 = tpu.vector_load_idx %arg20[%add3A_481] : memref<6464xf32, #tpu.memory_space<vmem>>[vector<16xi32>], vector<16xf32>,
        %add3A_483 = arith.addi %gather3A_454, %add3A_26 : vector<16xi32>
        %gather3A_484 = tpu.vector_load_idx %arg20[%add3A_483] : memref<6464xf32, #tpu.memory_space<vmem>>[vector<16xi32>], vector<16xf32>,
        %mul3A_485 = arith.mulf %bitcast3A_478, %gather3A_482 : vector<16xf32>
        %mul3A_486 = arith.mulf %mul3A_485, %gather3A : vector<16xf32>
        %add3A_487 = arith.addf %broadcast_in_dim3A_6, %mul3A_486 : vector<16xf32>
        %mul3A_488 = arith.mulf %bitcast3A_480, %gather3A_484 : vector<16xf32>
        %mul3A_489 = arith.mulf %mul3A_488, %gather3A : vector<16xf32>
        %add3A_490 = arith.addf %broadcast_in_dim3A_6, %mul3A_489 : vector<16xf32>
        %mul3A_491 = arith.constant 20 : i32
        %mul3A_492 = arith.muli %scan3A_444, %mul3A_491 : i32
        %add3A_493 = arith.constant 1 : i32
        %add3A_494 = arith.addi %mul3A_492, %add3A_493 : i32
        %broadcast_in_dim3A_495 = vector.broadcast %add3A_494 : i32 to vector<16xi32>
        %gather3A_496 = tpu.vector_load_idx %arg15[%broadcast_in_dim3A_495] : memref<1024xf32, #tpu.memory_space<vmem>>[vector<16xi32>], vector<16xf32>,
        %gather3A_497 = tpu.vector_load_idx %arg13[%broadcast_in_dim3A_495] : memref<1024xi32, #tpu.memory_space<vmem>>[vector<16xi32>], vector<16xi32>,
        %get3A_498 = arith.index_cast %add3A_494 : i32 to index
        %get3A_499 = arith.constant 0 : index
        %get3A_500 = tpu.vector_load %arg17[%get3A_498, %get3A_499] {strides = array<i32>} : memref<1024x64xbf16, #tpu.memory_space<vmem>>, vector<32xbf16>,
        %bitcast3A_501 = vector.bitcast %get3A_500 : vector<32xbf16> to vector<16xi32>
        %shift_left3A_502 = arith.constant 16 : i32
        %shift_left3A_503 = vector.broadcast %shift_left3A_502 : i32 to vector<16xi32>
        %shift_left3A_504 = arith.shli %bitcast3A_501, %shift_left3A_503 : vector<16xi32>
        %bitcast3A_505 = vector.bitcast %shift_left3A_504 : vector<16xi32> to vector<16xf32>
        %and3A_506 = arith.andi %bitcast3A_501, %broadcast_in_dim3A_10 : vector<16xi32>
        %bitcast3A_507 = vector.bitcast %and3A_506 : vector<16xi32> to vector<16xf32>
        %add3A_508 = arith.addi %gather3A_497, %add3A_17 : vector<16xi32>
        %gather3A_509 = tpu.vector_load_idx %arg20[%add3A_508] : memref<6464xf32, #tpu.memory_space<vmem>>[vector<16xi32>], vector<16xf32>,
        %add3A_510 = arith.addi %gather3A_497, %add3A_20 : vector<16xi32>
        %gather3A_511 = tpu.vector_load_idx %arg20[%add3A_510] : memref<6464xf32, #tpu.memory_space<vmem>>[vector<16xi32>], vector<16xf32>,
        %mul3A_512 = arith.mulf %bitcast3A_505, %gather3A_509 : vector<16xf32>
        %mul3A_513 = arith.mulf %mul3A_512, %gather3A_496 : vector<16xf32>
        %add3A_514 = arith.addf %add3A_467, %mul3A_513 : vector<16xf32>
        %mul3A_515 = arith.mulf %bitcast3A_507, %gather3A_511 : vector<16xf32>
        %mul3A_516 = arith.mulf %mul3A_515, %gather3A_496 : vector<16xf32>
        %add3A_517 = arith.addf %add3A_470, %mul3A_516 : vector<16xf32>
        %get3A_518 = arith.index_cast %add3A_494 : i32 to index
        %get3A_519 = arith.constant 32 : index
        %get3A_520 = tpu.vector_load %arg17[%get3A_518, %get3A_519] {strides = array<i32>} : memref<1024x64xbf16, #tpu.memory_space<vmem>>, vector<32xbf16>,
        %bitcast3A_521 = vector.bitcast %get3A_520 : vector<32xbf16> to vector<16xi32>
        %shift_left3A_522 = arith.constant 16 : i32
        %shift_left3A_523 = vector.broadcast %shift_left3A_522 : i32 to vector<16xi32>
        %shift_left3A_524 = arith.shli %bitcast3A_521, %shift_left3A_523 : vector<16xi32>
        %bitcast3A_525 = vector.bitcast %shift_left3A_524 : vector<16xi32> to vector<16xf32>
        %and3A_526 = arith.andi %bitcast3A_521, %broadcast_in_dim3A_10 : vector<16xi32>
        %bitcast3A_527 = vector.bitcast %and3A_526 : vector<16xi32> to vector<16xf32>
        %add3A_528 = arith.addi %gather3A_497, %add3A_23 : vector<16xi32>
        %gather3A_529 = tpu.vector_load_idx %arg20[%add3A_528] : memref<6464xf32, #tpu.memory_space<vmem>>[vector<16xi32>], vector<16xf32>,
        %add3A_530 = arith.addi %gather3A_497, %add3A_26 : vector<16xi32>
        %gather3A_531 = tpu.vector_load_idx %arg20[%add3A_530] : memref<6464xf32, #tpu.memory_space<vmem>>[vector<16xi32>], vector<16xf32>,
        %mul3A_532 = arith.mulf %bitcast3A_525, %gather3A_529 : vector<16xf32>
        %mul3A_533 = arith.mulf %mul3A_532, %gather3A_496 : vector<16xf32>
        %add3A_534 = arith.addf %add3A_487, %mul3A_533 : vector<16xf32>
        %mul3A_535 = arith.mulf %bitcast3A_527, %gather3A_531 : vector<16xf32>
        %mul3A_536 = arith.mulf %mul3A_535, %gather3A_496 : vector<16xf32>
        %add3A_537 = arith.addf %add3A_490, %mul3A_536 : vector<16xf32>
        %mul3A_538 = arith.constant 20 : i32
        %mul3A_539 = arith.muli %scan3A_444, %mul3A_538 : i32
        %add3A_540 = arith.constant 2 : i32
        %add3A_541 = arith.addi %mul3A_539, %add3A_540 : i32
        %broadcast_in_dim3A_542 = vector.broadcast %add3A_541 : i32 to vector<16xi32>
        %gather3A_543 = tpu.vector_load_idx %arg15[%broadcast_in_dim3A_542] : memref<1024xf32, #tpu.memory_space<vmem>>[vector<16xi32>], vector<16xf32>,
        %gather3A_544 = tpu.vector_load_idx %arg13[%broadcast_in_dim3A_542] : memref<1024xi32, #tpu.memory_space<vmem>>[vector<16xi32>], vector<16xi32>,
        %get3A_545 = arith.index_cast %add3A_541 : i32 to index
        %get3A_546 = arith.constant 0 : index
        %get3A_547 = tpu.vector_load %arg17[%get3A_545, %get3A_546] {strides = array<i32>} : memref<1024x64xbf16, #tpu.memory_space<vmem>>, vector<32xbf16>,
        %bitcast3A_548 = vector.bitcast %get3A_547 : vector<32xbf16> to vector<16xi32>
        %shift_left3A_549 = arith.constant 16 : i32
        %shift_left3A_550 = vector.broadcast %shift_left3A_549 : i32 to vector<16xi32>
        %shift_left3A_551 = arith.shli %bitcast3A_548, %shift_left3A_550 : vector<16xi32>
        %bitcast3A_552 = vector.bitcast %shift_left3A_551 : vector<16xi32> to vector<16xf32>
        %and3A_553 = arith.andi %bitcast3A_548, %broadcast_in_dim3A_10 : vector<16xi32>
        %bitcast3A_554 = vector.bitcast %and3A_553 : vector<16xi32> to vector<16xf32>
        %add3A_555 = arith.addi %gather3A_544, %add3A_17 : vector<16xi32>
        %gather3A_556 = tpu.vector_load_idx %arg20[%add3A_555] : memref<6464xf32, #tpu.memory_space<vmem>>[vector<16xi32>], vector<16xf32>,
        %add3A_557 = arith.addi %gather3A_544, %add3A_20 : vector<16xi32>
        %gather3A_558 = tpu.vector_load_idx %arg20[%add3A_557] : memref<6464xf32, #tpu.memory_space<vmem>>[vector<16xi32>], vector<16xf32>,
        %mul3A_559 = arith.mulf %bitcast3A_552, %gather3A_556 : vector<16xf32>
        %mul3A_560 = arith.mulf %mul3A_559, %gather3A_543 : vector<16xf32>
        %add3A_561 = arith.addf %add3A_514, %mul3A_560 : vector<16xf32>
        %mul3A_562 = arith.mulf %bitcast3A_554, %gather3A_558 : vector<16xf32>
        %mul3A_563 = arith.mulf %mul3A_562, %gather3A_543 : vector<16xf32>
        %add3A_564 = arith.addf %add3A_517, %mul3A_563 : vector<16xf32>
        %get3A_565 = arith.index_cast %add3A_541 : i32 to index
        %get3A_566 = arith.constant 32 : index
        %get3A_567 = tpu.vector_load %arg17[%get3A_565, %get3A_566] {strides = array<i32>} : memref<1024x64xbf16, #tpu.memory_space<vmem>>, vector<32xbf16>,
        %bitcast3A_568 = vector.bitcast %get3A_567 : vector<32xbf16> to vector<16xi32>
        %shift_left3A_569 = arith.constant 16 : i32
        %shift_left3A_570 = vector.broadcast %shift_left3A_569 : i32 to vector<16xi32>
        %shift_left3A_571 = arith.shli %bitcast3A_568, %shift_left3A_570 : vector<16xi32>
        %bitcast3A_572 = vector.bitcast %shift_left3A_571 : vector<16xi32> to vector<16xf32>
        %and3A_573 = arith.andi %bitcast3A_568, %broadcast_in_dim3A_10 : vector<16xi32>
        %bitcast3A_574 = vector.bitcast %and3A_573 : vector<16xi32> to vector<16xf32>
        %add3A_575 = arith.addi %gather3A_544, %add3A_23 : vector<16xi32>
        %gather3A_576 = tpu.vector_load_idx %arg20[%add3A_575] : memref<6464xf32, #tpu.memory_space<vmem>>[vector<16xi32>], vector<16xf32>,
        %add3A_577 = arith.addi %gather3A_544, %add3A_26 : vector<16xi32>
        %gather3A_578 = tpu.vector_load_idx %arg20[%add3A_577] : memref<6464xf32, #tpu.memory_space<vmem>>[vector<16xi32>], vector<16xf32>,
        %mul3A_579 = arith.mulf %bitcast3A_572, %gather3A_576 : vector<16xf32>
        %mul3A_580 = arith.mulf %mul3A_579, %gather3A_543 : vector<16xf32>
        %add3A_581 = arith.addf %add3A_534, %mul3A_580 : vector<16xf32>
        %mul3A_582 = arith.mulf %bitcast3A_574, %gather3A_578 : vector<16xf32>
        %mul3A_583 = arith.mulf %mul3A_582, %gather3A_543 : vector<16xf32>
        %add3A_584 = arith.addf %add3A_537, %mul3A_583 : vector<16xf32>
        %mul3A_585 = arith.constant 20 : i32
        %mul3A_586 = arith.muli %scan3A_444, %mul3A_585 : i32
        %add3A_587 = arith.constant 3 : i32
        %add3A_588 = arith.addi %mul3A_586, %add3A_587 : i32
        %broadcast_in_dim3A_589 = vector.broadcast %add3A_588 : i32 to vector<16xi32>
        %gather3A_590 = tpu.vector_load_idx %arg15[%broadcast_in_dim3A_589] : memref<1024xf32, #tpu.memory_space<vmem>>[vector<16xi32>], vector<16xf32>,
        %gather3A_591 = tpu.vector_load_idx %arg13[%broadcast_in_dim3A_589] : memref<1024xi32, #tpu.memory_space<vmem>>[vector<16xi32>], vector<16xi32>,
        %get3A_592 = arith.index_cast %add3A_588 : i32 to index
        %get3A_593 = arith.constant 0 : index
        %get3A_594 = tpu.vector_load %arg17[%get3A_592, %get3A_593] {strides = array<i32>} : memref<1024x64xbf16, #tpu.memory_space<vmem>>, vector<32xbf16>,
        %bitcast3A_595 = vector.bitcast %get3A_594 : vector<32xbf16> to vector<16xi32>
        %shift_left3A_596 = arith.constant 16 : i32
        %shift_left3A_597 = vector.broadcast %shift_left3A_596 : i32 to vector<16xi32>
        %shift_left3A_598 = arith.shli %bitcast3A_595, %shift_left3A_597 : vector<16xi32>
        %bitcast3A_599 = vector.bitcast %shift_left3A_598 : vector<16xi32> to vector<16xf32>
        %and3A_600 = arith.andi %bitcast3A_595, %broadcast_in_dim3A_10 : vector<16xi32>
        %bitcast3A_601 = vector.bitcast %and3A_600 : vector<16xi32> to vector<16xf32>
        %add3A_602 = arith.addi %gather3A_591, %add3A_17 : vector<16xi32>
        %gather3A_603 = tpu.vector_load_idx %arg20[%add3A_602] : memref<6464xf32, #tpu.memory_space<vmem>>[vector<16xi32>], vector<16xf32>,
        %add3A_604 = arith.addi %gather3A_591, %add3A_20 : vector<16xi32>
        %gather3A_605 = tpu.vector_load_idx %arg20[%add3A_604] : memref<6464xf32, #tpu.memory_space<vmem>>[vector<16xi32>], vector<16xf32>,
        %mul3A_606 = arith.mulf %bitcast3A_599, %gather3A_603 : vector<16xf32>
        %mul3A_607 = arith.mulf %mul3A_606, %gather3A_590 : vector<16xf32>
        %add3A_608 = arith.addf %add3A_561, %mul3A_607 : vector<16xf32>
        %mul3A_609 = arith.mulf %bitcast3A_601, %gather3A_605 : vector<16xf32>
        %mul3A_610 = arith.mulf %mul3A_609, %gather3A_590 : vector<16xf32>
        %add3A_611 = arith.addf %add3A_564, %mul3A_610 : vector<16xf32>
        %get3A_612 = arith.index_cast %add3A_588 : i32 to index
        %get3A_613 = arith.constant 32 : index
        %get3A_614 = tpu.vector_load %arg17[%get3A_612, %get3A_613] {strides = array<i32>} : memref<1024x64xbf16, #tpu.memory_space<vmem>>, vector<32xbf16>,
        %bitcast3A_615 = vector.bitcast %get3A_614 : vector<32xbf16> to vector<16xi32>
        %shift_left3A_616 = arith.constant 16 : i32
        %shift_left3A_617 = vector.broadcast %shift_left3A_616 : i32 to vector<16xi32>
        %shift_left3A_618 = arith.shli %bitcast3A_615, %shift_left3A_617 : vector<16xi32>
        %bitcast3A_619 = vector.bitcast %shift_left3A_618 : vector<16xi32> to vector<16xf32>
        %and3A_620 = arith.andi %bitcast3A_615, %broadcast_in_dim3A_10 : vector<16xi32>
        %bitcast3A_621 = vector.bitcast %and3A_620 : vector<16xi32> to vector<16xf32>
        %add3A_622 = arith.addi %gather3A_591, %add3A_23 : vector<16xi32>
        %gather3A_623 = tpu.vector_load_idx %arg20[%add3A_622] : memref<6464xf32, #tpu.memory_space<vmem>>[vector<16xi32>], vector<16xf32>,
        %add3A_624 = arith.addi %gather3A_591, %add3A_26 : vector<16xi32>
        %gather3A_625 = tpu.vector_load_idx %arg20[%add3A_624] : memref<6464xf32, #tpu.memory_space<vmem>>[vector<16xi32>], vector<16xf32>,
        %mul3A_626 = arith.mulf %bitcast3A_619, %gather3A_623 : vector<16xf32>
        %mul3A_627 = arith.mulf %mul3A_626, %gather3A_590 : vector<16xf32>
        %add3A_628 = arith.addf %add3A_581, %mul3A_627 : vector<16xf32>
        %mul3A_629 = arith.mulf %bitcast3A_621, %gather3A_625 : vector<16xf32>
        %mul3A_630 = arith.mulf %mul3A_629, %gather3A_590 : vector<16xf32>
        %add3A_631 = arith.addf %add3A_584, %mul3A_630 : vector<16xf32>
        %mul3A_632 = arith.constant 20 : i32
        %mul3A_633 = arith.muli %scan3A_444, %mul3A_632 : i32
        %add3A_634 = arith.constant 4 : i32
        %add3A_635 = arith.addi %mul3A_633, %add3A_634 : i32
        %broadcast_in_dim3A_636 = vector.broadcast %add3A_635 : i32 to vector<16xi32>
        %gather3A_637 = tpu.vector_load_idx %arg15[%broadcast_in_dim3A_636] : memref<1024xf32, #tpu.memory_space<vmem>>[vector<16xi32>], vector<16xf32>,
        %gather3A_638 = tpu.vector_load_idx %arg13[%broadcast_in_dim3A_636] : memref<1024xi32, #tpu.memory_space<vmem>>[vector<16xi32>], vector<16xi32>,
        %get3A_639 = arith.index_cast %add3A_635 : i32 to index
        %get3A_640 = arith.constant 0 : index
        %get3A_641 = tpu.vector_load %arg17[%get3A_639, %get3A_640] {strides = array<i32>} : memref<1024x64xbf16, #tpu.memory_space<vmem>>, vector<32xbf16>,
        %bitcast3A_642 = vector.bitcast %get3A_641 : vector<32xbf16> to vector<16xi32>
        %shift_left3A_643 = arith.constant 16 : i32
        %shift_left3A_644 = vector.broadcast %shift_left3A_643 : i32 to vector<16xi32>
        %shift_left3A_645 = arith.shli %bitcast3A_642, %shift_left3A_644 : vector<16xi32>
        %bitcast3A_646 = vector.bitcast %shift_left3A_645 : vector<16xi32> to vector<16xf32>
        %and3A_647 = arith.andi %bitcast3A_642, %broadcast_in_dim3A_10 : vector<16xi32>
        %bitcast3A_648 = vector.bitcast %and3A_647 : vector<16xi32> to vector<16xf32>
        %add3A_649 = arith.addi %gather3A_638, %add3A_17 : vector<16xi32>
        %gather3A_650 = tpu.vector_load_idx %arg20[%add3A_649] : memref<6464xf32, #tpu.memory_space<vmem>>[vector<16xi32>], vector<16xf32>,
        %add3A_651 = arith.addi %gather3A_638, %add3A_20 : vector<16xi32>
        %gather3A_652 = tpu.vector_load_idx %arg20[%add3A_651] : memref<6464xf32, #tpu.memory_space<vmem>>[vector<16xi32>], vector<16xf32>,
        %mul3A_653 = arith.mulf %bitcast3A_646, %gather3A_650 : vector<16xf32>
        %mul3A_654 = arith.mulf %mul3A_653, %gather3A_637 : vector<16xf32>
        %add3A_655 = arith.addf %add3A_608, %mul3A_654 : vector<16xf32>
        %mul3A_656 = arith.mulf %bitcast3A_648, %gather3A_652 : vector<16xf32>
        %mul3A_657 = arith.mulf %mul3A_656, %gather3A_637 : vector<16xf32>
        %add3A_658 = arith.addf %add3A_611, %mul3A_657 : vector<16xf32>
        %get3A_659 = arith.index_cast %add3A_635 : i32 to index
        %get3A_660 = arith.constant 32 : index
        %get3A_661 = tpu.vector_load %arg17[%get3A_659, %get3A_660] {strides = array<i32>} : memref<1024x64xbf16, #tpu.memory_space<vmem>>, vector<32xbf16>,
        %bitcast3A_662 = vector.bitcast %get3A_661 : vector<32xbf16> to vector<16xi32>
        %shift_left3A_663 = arith.constant 16 : i32
        %shift_left3A_664 = vector.broadcast %shift_left3A_663 : i32 to vector<16xi32>
        %shift_left3A_665 = arith.shli %bitcast3A_662, %shift_left3A_664 : vector<16xi32>
        %bitcast3A_666 = vector.bitcast %shift_left3A_665 : vector<16xi32> to vector<16xf32>
        %and3A_667 = arith.andi %bitcast3A_662, %broadcast_in_dim3A_10 : vector<16xi32>
        %bitcast3A_668 = vector.bitcast %and3A_667 : vector<16xi32> to vector<16xf32>
        %add3A_669 = arith.addi %gather3A_638, %add3A_23 : vector<16xi32>
        %gather3A_670 = tpu.vector_load_idx %arg20[%add3A_669] : memref<6464xf32, #tpu.memory_space<vmem>>[vector<16xi32>], vector<16xf32>,
        %add3A_671 = arith.addi %gather3A_638, %add3A_26 : vector<16xi32>
        %gather3A_672 = tpu.vector_load_idx %arg20[%add3A_671] : memref<6464xf32, #tpu.memory_space<vmem>>[vector<16xi32>], vector<16xf32>,
        %mul3A_673 = arith.mulf %bitcast3A_666, %gather3A_670 : vector<16xf32>
        %mul3A_674 = arith.mulf %mul3A_673, %gather3A_637 : vector<16xf32>
        %add3A_675 = arith.addf %add3A_628, %mul3A_674 : vector<16xf32>
        %mul3A_676 = arith.mulf %bitcast3A_668, %gather3A_672 : vector<16xf32>
        %mul3A_677 = arith.mulf %mul3A_676, %gather3A_637 : vector<16xf32>
        %add3A_678 = arith.addf %add3A_631, %mul3A_677 : vector<16xf32>
        %mul3A_679 = arith.constant 20 : i32
        %mul3A_680 = arith.muli %scan3A_444, %mul3A_679 : i32
        %add3A_681 = arith.constant 5 : i32
        %add3A_682 = arith.addi %mul3A_680, %add3A_681 : i32
        %broadcast_in_dim3A_683 = vector.broadcast %add3A_682 : i32 to vector<16xi32>
        %gather3A_684 = tpu.vector_load_idx %arg15[%broadcast_in_dim3A_683] : memref<1024xf32, #tpu.memory_space<vmem>>[vector<16xi32>], vector<16xf32>,
        %gather3A_685 = tpu.vector_load_idx %arg13[%broadcast_in_dim3A_683] : memref<1024xi32, #tpu.memory_space<vmem>>[vector<16xi32>], vector<16xi32>,
        %get3A_686 = arith.index_cast %add3A_682 : i32 to index
        %get3A_687 = arith.constant 0 : index
        %get3A_688 = tpu.vector_load %arg17[%get3A_686, %get3A_687] {strides = array<i32>} : memref<1024x64xbf16, #tpu.memory_space<vmem>>, vector<32xbf16>,
        %bitcast3A_689 = vector.bitcast %get3A_688 : vector<32xbf16> to vector<16xi32>
        %shift_left3A_690 = arith.constant 16 : i32
        %shift_left3A_691 = vector.broadcast %shift_left3A_690 : i32 to vector<16xi32>
        %shift_left3A_692 = arith.shli %bitcast3A_689, %shift_left3A_691 : vector<16xi32>
        %bitcast3A_693 = vector.bitcast %shift_left3A_692 : vector<16xi32> to vector<16xf32>
        %and3A_694 = arith.andi %bitcast3A_689, %broadcast_in_dim3A_10 : vector<16xi32>
        %bitcast3A_695 = vector.bitcast %and3A_694 : vector<16xi32> to vector<16xf32>
        %add3A_696 = arith.addi %gather3A_685, %add3A_17 : vector<16xi32>
        %gather3A_697 = tpu.vector_load_idx %arg20[%add3A_696] : memref<6464xf32, #tpu.memory_space<vmem>>[vector<16xi32>], vector<16xf32>,
        %add3A_698 = arith.addi %gather3A_685, %add3A_20 : vector<16xi32>
        %gather3A_699 = tpu.vector_load_idx %arg20[%add3A_698] : memref<6464xf32, #tpu.memory_space<vmem>>[vector<16xi32>], vector<16xf32>,
        %mul3A_700 = arith.mulf %bitcast3A_693, %gather3A_697 : vector<16xf32>
        %mul3A_701 = arith.mulf %mul3A_700, %gather3A_684 : vector<16xf32>
        %add3A_702 = arith.addf %add3A_655, %mul3A_701 : vector<16xf32>
        %mul3A_703 = arith.mulf %bitcast3A_695, %gather3A_699 : vector<16xf32>
        %mul3A_704 = arith.mulf %mul3A_703, %gather3A_684 : vector<16xf32>
        %add3A_705 = arith.addf %add3A_658, %mul3A_704 : vector<16xf32>
        %get3A_706 = arith.index_cast %add3A_682 : i32 to index
        %get3A_707 = arith.constant 32 : index
        %get3A_708 = tpu.vector_load %arg17[%get3A_706, %get3A_707] {strides = array<i32>} : memref<1024x64xbf16, #tpu.memory_space<vmem>>, vector<32xbf16>,
        %bitcast3A_709 = vector.bitcast %get3A_708 : vector<32xbf16> to vector<16xi32>
        %shift_left3A_710 = arith.constant 16 : i32
        %shift_left3A_711 = vector.broadcast %shift_left3A_710 : i32 to vector<16xi32>
        %shift_left3A_712 = arith.shli %bitcast3A_709, %shift_left3A_711 : vector<16xi32>
        %bitcast3A_713 = vector.bitcast %shift_left3A_712 : vector<16xi32> to vector<16xf32>
        %and3A_714 = arith.andi %bitcast3A_709, %broadcast_in_dim3A_10 : vector<16xi32>
        %bitcast3A_715 = vector.bitcast %and3A_714 : vector<16xi32> to vector<16xf32>
        %add3A_716 = arith.addi %gather3A_685, %add3A_23 : vector<16xi32>
        %gather3A_717 = tpu.vector_load_idx %arg20[%add3A_716] : memref<6464xf32, #tpu.memory_space<vmem>>[vector<16xi32>], vector<16xf32>,
        %add3A_718 = arith.addi %gather3A_685, %add3A_26 : vector<16xi32>
        %gather3A_719 = tpu.vector_load_idx %arg20[%add3A_718] : memref<6464xf32, #tpu.memory_space<vmem>>[vector<16xi32>], vector<16xf32>,
        %mul3A_720 = arith.mulf %bitcast3A_713, %gather3A_717 : vector<16xf32>
        %mul3A_721 = arith.mulf %mul3A_720, %gather3A_684 : vector<16xf32>
        %add3A_722 = arith.addf %add3A_675, %mul3A_721 : vector<16xf32>
        %mul3A_723 = arith.mulf %bitcast3A_715, %gather3A_719 : vector<16xf32>
        %mul3A_724 = arith.mulf %mul3A_723, %gather3A_684 : vector<16xf32>
        %add3A_725 = arith.addf %add3A_678, %mul3A_724 : vector<16xf32>
        %mul3A_726 = arith.constant 20 : i32
        %mul3A_727 = arith.muli %scan3A_444, %mul3A_726 : i32
        %add3A_728 = arith.constant 6 : i32
        %add3A_729 = arith.addi %mul3A_727, %add3A_728 : i32
        %broadcast_in_dim3A_730 = vector.broadcast %add3A_729 : i32 to vector<16xi32>
        %gather3A_731 = tpu.vector_load_idx %arg15[%broadcast_in_dim3A_730] : memref<1024xf32, #tpu.memory_space<vmem>>[vector<16xi32>], vector<16xf32>,
        %gather3A_732 = tpu.vector_load_idx %arg13[%broadcast_in_dim3A_730] : memref<1024xi32, #tpu.memory_space<vmem>>[vector<16xi32>], vector<16xi32>,
        %get3A_733 = arith.index_cast %add3A_729 : i32 to index
        %get3A_734 = arith.constant 0 : index
        %get3A_735 = tpu.vector_load %arg17[%get3A_733, %get3A_734] {strides = array<i32>} : memref<1024x64xbf16, #tpu.memory_space<vmem>>, vector<32xbf16>,
        %bitcast3A_736 = vector.bitcast %get3A_735 : vector<32xbf16> to vector<16xi32>
        %shift_left3A_737 = arith.constant 16 : i32
        %shift_left3A_738 = vector.broadcast %shift_left3A_737 : i32 to vector<16xi32>
        %shift_left3A_739 = arith.shli %bitcast3A_736, %shift_left3A_738 : vector<16xi32>
        %bitcast3A_740 = vector.bitcast %shift_left3A_739 : vector<16xi32> to vector<16xf32>
        %and3A_741 = arith.andi %bitcast3A_736, %broadcast_in_dim3A_10 : vector<16xi32>
        %bitcast3A_742 = vector.bitcast %and3A_741 : vector<16xi32> to vector<16xf32>
        %add3A_743 = arith.addi %gather3A_732, %add3A_17 : vector<16xi32>
        %gather3A_744 = tpu.vector_load_idx %arg20[%add3A_743] : memref<6464xf32, #tpu.memory_space<vmem>>[vector<16xi32>], vector<16xf32>,
        %add3A_745 = arith.addi %gather3A_732, %add3A_20 : vector<16xi32>
        %gather3A_746 = tpu.vector_load_idx %arg20[%add3A_745] : memref<6464xf32, #tpu.memory_space<vmem>>[vector<16xi32>], vector<16xf32>,
        %mul3A_747 = arith.mulf %bitcast3A_740, %gather3A_744 : vector<16xf32>
        %mul3A_748 = arith.mulf %mul3A_747, %gather3A_731 : vector<16xf32>
        %add3A_749 = arith.addf %add3A_702, %mul3A_748 : vector<16xf32>
        %mul3A_750 = arith.mulf %bitcast3A_742, %gather3A_746 : vector<16xf32>
        %mul3A_751 = arith.mulf %mul3A_750, %gather3A_731 : vector<16xf32>
        %add3A_752 = arith.addf %add3A_705, %mul3A_751 : vector<16xf32>
        %get3A_753 = arith.index_cast %add3A_729 : i32 to index
        %get3A_754 = arith.constant 32 : index
        %get3A_755 = tpu.vector_load %arg17[%get3A_753, %get3A_754] {strides = array<i32>} : memref<1024x64xbf16, #tpu.memory_space<vmem>>, vector<32xbf16>,
        %bitcast3A_756 = vector.bitcast %get3A_755 : vector<32xbf16> to vector<16xi32>
        %shift_left3A_757 = arith.constant 16 : i32
        %shift_left3A_758 = vector.broadcast %shift_left3A_757 : i32 to vector<16xi32>
        %shift_left3A_759 = arith.shli %bitcast3A_756, %shift_left3A_758 : vector<16xi32>
        %bitcast3A_760 = vector.bitcast %shift_left3A_759 : vector<16xi32> to vector<16xf32>
        %and3A_761 = arith.andi %bitcast3A_756, %broadcast_in_dim3A_10 : vector<16xi32>
        %bitcast3A_762 = vector.bitcast %and3A_761 : vector<16xi32> to vector<16xf32>
        %add3A_763 = arith.addi %gather3A_732, %add3A_23 : vector<16xi32>
        %gather3A_764 = tpu.vector_load_idx %arg20[%add3A_763] : memref<6464xf32, #tpu.memory_space<vmem>>[vector<16xi32>], vector<16xf32>,
        %add3A_765 = arith.addi %gather3A_732, %add3A_26 : vector<16xi32>
        %gather3A_766 = tpu.vector_load_idx %arg20[%add3A_765] : memref<6464xf32, #tpu.memory_space<vmem>>[vector<16xi32>], vector<16xf32>,
        %mul3A_767 = arith.mulf %bitcast3A_760, %gather3A_764 : vector<16xf32>
        %mul3A_768 = arith.mulf %mul3A_767, %gather3A_731 : vector<16xf32>
        %add3A_769 = arith.addf %add3A_722, %mul3A_768 : vector<16xf32>
        %mul3A_770 = arith.mulf %bitcast3A_762, %gather3A_766 : vector<16xf32>
        %mul3A_771 = arith.mulf %mul3A_770, %gather3A_731 : vector<16xf32>
        %add3A_772 = arith.addf %add3A_725, %mul3A_771 : vector<16xf32>
        %mul3A_773 = arith.constant 20 : i32
        %mul3A_774 = arith.muli %scan3A_444, %mul3A_773 : i32
        %add3A_775 = arith.constant 7 : i32
        %add3A_776 = arith.addi %mul3A_774, %add3A_775 : i32
        %broadcast_in_dim3A_777 = vector.broadcast %add3A_776 : i32 to vector<16xi32>
        %gather3A_778 = tpu.vector_load_idx %arg15[%broadcast_in_dim3A_777] : memref<1024xf32, #tpu.memory_space<vmem>>[vector<16xi32>], vector<16xf32>,
        %gather3A_779 = tpu.vector_load_idx %arg13[%broadcast_in_dim3A_777] : memref<1024xi32, #tpu.memory_space<vmem>>[vector<16xi32>], vector<16xi32>,
        %get3A_780 = arith.index_cast %add3A_776 : i32 to index
        %get3A_781 = arith.constant 0 : index
        %get3A_782 = tpu.vector_load %arg17[%get3A_780, %get3A_781] {strides = array<i32>} : memref<1024x64xbf16, #tpu.memory_space<vmem>>, vector<32xbf16>,
        %bitcast3A_783 = vector.bitcast %get3A_782 : vector<32xbf16> to vector<16xi32>
        %shift_left3A_784 = arith.constant 16 : i32
        %shift_left3A_785 = vector.broadcast %shift_left3A_784 : i32 to vector<16xi32>
        %shift_left3A_786 = arith.shli %bitcast3A_783, %shift_left3A_785 : vector<16xi32>
        %bitcast3A_787 = vector.bitcast %shift_left3A_786 : vector<16xi32> to vector<16xf32>
        %and3A_788 = arith.andi %bitcast3A_783, %broadcast_in_dim3A_10 : vector<16xi32>
        %bitcast3A_789 = vector.bitcast %and3A_788 : vector<16xi32> to vector<16xf32>
        %add3A_790 = arith.addi %gather3A_779, %add3A_17 : vector<16xi32>
        %gather3A_791 = tpu.vector_load_idx %arg20[%add3A_790] : memref<6464xf32, #tpu.memory_space<vmem>>[vector<16xi32>], vector<16xf32>,
        %add3A_792 = arith.addi %gather3A_779, %add3A_20 : vector<16xi32>
        %gather3A_793 = tpu.vector_load_idx %arg20[%add3A_792] : memref<6464xf32, #tpu.memory_space<vmem>>[vector<16xi32>], vector<16xf32>,
        %mul3A_794 = arith.mulf %bitcast3A_787, %gather3A_791 : vector<16xf32>
        %mul3A_795 = arith.mulf %mul3A_794, %gather3A_778 : vector<16xf32>
        %add3A_796 = arith.addf %add3A_749, %mul3A_795 : vector<16xf32>
        %mul3A_797 = arith.mulf %bitcast3A_789, %gather3A_793 : vector<16xf32>
        %mul3A_798 = arith.mulf %mul3A_797, %gather3A_778 : vector<16xf32>
        %add3A_799 = arith.addf %add3A_752, %mul3A_798 : vector<16xf32>
        %get3A_800 = arith.index_cast %add3A_776 : i32 to index
        %get3A_801 = arith.constant 32 : index
        %get3A_802 = tpu.vector_load %arg17[%get3A_800, %get3A_801] {strides = array<i32>} : memref<1024x64xbf16, #tpu.memory_space<vmem>>, vector<32xbf16>,
        %bitcast3A_803 = vector.bitcast %get3A_802 : vector<32xbf16> to vector<16xi32>
        %shift_left3A_804 = arith.constant 16 : i32
        %shift_left3A_805 = vector.broadcast %shift_left3A_804 : i32 to vector<16xi32>
        %shift_left3A_806 = arith.shli %bitcast3A_803, %shift_left3A_805 : vector<16xi32>
        %bitcast3A_807 = vector.bitcast %shift_left3A_806 : vector<16xi32> to vector<16xf32>
        %and3A_808 = arith.andi %bitcast3A_803, %broadcast_in_dim3A_10 : vector<16xi32>
        %bitcast3A_809 = vector.bitcast %and3A_808 : vector<16xi32> to vector<16xf32>
        %add3A_810 = arith.addi %gather3A_779, %add3A_23 : vector<16xi32>
        %gather3A_811 = tpu.vector_load_idx %arg20[%add3A_810] : memref<6464xf32, #tpu.memory_space<vmem>>[vector<16xi32>], vector<16xf32>,
        %add3A_812 = arith.addi %gather3A_779, %add3A_26 : vector<16xi32>
        %gather3A_813 = tpu.vector_load_idx %arg20[%add3A_812] : memref<6464xf32, #tpu.memory_space<vmem>>[vector<16xi32>], vector<16xf32>,
        %mul3A_814 = arith.mulf %bitcast3A_807, %gather3A_811 : vector<16xf32>
        %mul3A_815 = arith.mulf %mul3A_814, %gather3A_778 : vector<16xf32>
        %add3A_816 = arith.addf %add3A_769, %mul3A_815 : vector<16xf32>
        %mul3A_817 = arith.mulf %bitcast3A_809, %gather3A_813 : vector<16xf32>
        %mul3A_818 = arith.mulf %mul3A_817, %gather3A_778 : vector<16xf32>
        %add3A_819 = arith.addf %add3A_772, %mul3A_818 : vector<16xf32>
        %mul3A_820 = arith.constant 20 : i32
        %mul3A_821 = arith.muli %scan3A_444, %mul3A_820 : i32
        %add3A_822 = arith.constant 8 : i32
        %add3A_823 = arith.addi %mul3A_821, %add3A_822 : i32
        %broadcast_in_dim3A_824 = vector.broadcast %add3A_823 : i32 to vector<16xi32>
        %gather3A_825 = tpu.vector_load_idx %arg15[%broadcast_in_dim3A_824] : memref<1024xf32, #tpu.memory_space<vmem>>[vector<16xi32>], vector<16xf32>,
        %gather3A_826 = tpu.vector_load_idx %arg13[%broadcast_in_dim3A_824] : memref<1024xi32, #tpu.memory_space<vmem>>[vector<16xi32>], vector<16xi32>,
        %get3A_827 = arith.index_cast %add3A_823 : i32 to index
        %get3A_828 = arith.constant 0 : index
        %get3A_829 = tpu.vector_load %arg17[%get3A_827, %get3A_828] {strides = array<i32>} : memref<1024x64xbf16, #tpu.memory_space<vmem>>, vector<32xbf16>,
        %bitcast3A_830 = vector.bitcast %get3A_829 : vector<32xbf16> to vector<16xi32>
        %shift_left3A_831 = arith.constant 16 : i32
        %shift_left3A_832 = vector.broadcast %shift_left3A_831 : i32 to vector<16xi32>
        %shift_left3A_833 = arith.shli %bitcast3A_830, %shift_left3A_832 : vector<16xi32>
        %bitcast3A_834 = vector.bitcast %shift_left3A_833 : vector<16xi32> to vector<16xf32>
        %and3A_835 = arith.andi %bitcast3A_830, %broadcast_in_dim3A_10 : vector<16xi32>
        %bitcast3A_836 = vector.bitcast %and3A_835 : vector<16xi32> to vector<16xf32>
        %add3A_837 = arith.addi %gather3A_826, %add3A_17 : vector<16xi32>
        %gather3A_838 = tpu.vector_load_idx %arg20[%add3A_837] : memref<6464xf32, #tpu.memory_space<vmem>>[vector<16xi32>], vector<16xf32>,
        %add3A_839 = arith.addi %gather3A_826, %add3A_20 : vector<16xi32>
        %gather3A_840 = tpu.vector_load_idx %arg20[%add3A_839] : memref<6464xf32, #tpu.memory_space<vmem>>[vector<16xi32>], vector<16xf32>,
        %mul3A_841 = arith.mulf %bitcast3A_834, %gather3A_838 : vector<16xf32>
        %mul3A_842 = arith.mulf %mul3A_841, %gather3A_825 : vector<16xf32>
        %add3A_843 = arith.addf %add3A_796, %mul3A_842 : vector<16xf32>
        %mul3A_844 = arith.mulf %bitcast3A_836, %gather3A_840 : vector<16xf32>
        %mul3A_845 = arith.mulf %mul3A_844, %gather3A_825 : vector<16xf32>
        %add3A_846 = arith.addf %add3A_799, %mul3A_845 : vector<16xf32>
        %get3A_847 = arith.index_cast %add3A_823 : i32 to index
        %get3A_848 = arith.constant 32 : index
        %get3A_849 = tpu.vector_load %arg17[%get3A_847, %get3A_848] {strides = array<i32>} : memref<1024x64xbf16, #tpu.memory_space<vmem>>, vector<32xbf16>,
        %bitcast3A_850 = vector.bitcast %get3A_849 : vector<32xbf16> to vector<16xi32>
        %shift_left3A_851 = arith.constant 16 : i32
        %shift_left3A_852 = vector.broadcast %shift_left3A_851 : i32 to vector<16xi32>
        %shift_left3A_853 = arith.shli %bitcast3A_850, %shift_left3A_852 : vector<16xi32>
        %bitcast3A_854 = vector.bitcast %shift_left3A_853 : vector<16xi32> to vector<16xf32>
        %and3A_855 = arith.andi %bitcast3A_850, %broadcast_in_dim3A_10 : vector<16xi32>
        %bitcast3A_856 = vector.bitcast %and3A_855 : vector<16xi32> to vector<16xf32>
        %add3A_857 = arith.addi %gather3A_826, %add3A_23 : vector<16xi32>
        %gather3A_858 = tpu.vector_load_idx %arg20[%add3A_857] : memref<6464xf32, #tpu.memory_space<vmem>>[vector<16xi32>], vector<16xf32>,
        %add3A_859 = arith.addi %gather3A_826, %add3A_26 : vector<16xi32>
        %gather3A_860 = tpu.vector_load_idx %arg20[%add3A_859] : memref<6464xf32, #tpu.memory_space<vmem>>[vector<16xi32>], vector<16xf32>,
        %mul3A_861 = arith.mulf %bitcast3A_854, %gather3A_858 : vector<16xf32>
        %mul3A_862 = arith.mulf %mul3A_861, %gather3A_825 : vector<16xf32>
        %add3A_863 = arith.addf %add3A_816, %mul3A_862 : vector<16xf32>
        %mul3A_864 = arith.mulf %bitcast3A_856, %gather3A_860 : vector<16xf32>
        %mul3A_865 = arith.mulf %mul3A_864, %gather3A_825 : vector<16xf32>
        %add3A_866 = arith.addf %add3A_819, %mul3A_865 : vector<16xf32>
        %mul3A_867 = arith.constant 20 : i32
        %mul3A_868 = arith.muli %scan3A_444, %mul3A_867 : i32
        %add3A_869 = arith.constant 9 : i32
        %add3A_870 = arith.addi %mul3A_868, %add3A_869 : i32
        %broadcast_in_dim3A_871 = vector.broadcast %add3A_870 : i32 to vector<16xi32>
        %gather3A_872 = tpu.vector_load_idx %arg15[%broadcast_in_dim3A_871] : memref<1024xf32, #tpu.memory_space<vmem>>[vector<16xi32>], vector<16xf32>,
        %gather3A_873 = tpu.vector_load_idx %arg13[%broadcast_in_dim3A_871] : memref<1024xi32, #tpu.memory_space<vmem>>[vector<16xi32>], vector<16xi32>,
        %get3A_874 = arith.index_cast %add3A_870 : i32 to index
        %get3A_875 = arith.constant 0 : index
        %get3A_876 = tpu.vector_load %arg17[%get3A_874, %get3A_875] {strides = array<i32>} : memref<1024x64xbf16, #tpu.memory_space<vmem>>, vector<32xbf16>,
        %bitcast3A_877 = vector.bitcast %get3A_876 : vector<32xbf16> to vector<16xi32>
        %shift_left3A_878 = arith.constant 16 : i32
        %shift_left3A_879 = vector.broadcast %shift_left3A_878 : i32 to vector<16xi32>
        %shift_left3A_880 = arith.shli %bitcast3A_877, %shift_left3A_879 : vector<16xi32>
        %bitcast3A_881 = vector.bitcast %shift_left3A_880 : vector<16xi32> to vector<16xf32>
        %and3A_882 = arith.andi %bitcast3A_877, %broadcast_in_dim3A_10 : vector<16xi32>
        %bitcast3A_883 = vector.bitcast %and3A_882 : vector<16xi32> to vector<16xf32>
        %add3A_884 = arith.addi %gather3A_873, %add3A_17 : vector<16xi32>
        %gather3A_885 = tpu.vector_load_idx %arg20[%add3A_884] : memref<6464xf32, #tpu.memory_space<vmem>>[vector<16xi32>], vector<16xf32>,
        %add3A_886 = arith.addi %gather3A_873, %add3A_20 : vector<16xi32>
        %gather3A_887 = tpu.vector_load_idx %arg20[%add3A_886] : memref<6464xf32, #tpu.memory_space<vmem>>[vector<16xi32>], vector<16xf32>,
        %mul3A_888 = arith.mulf %bitcast3A_881, %gather3A_885 : vector<16xf32>
        %mul3A_889 = arith.mulf %mul3A_888, %gather3A_872 : vector<16xf32>
        %add3A_890 = arith.addf %add3A_843, %mul3A_889 : vector<16xf32>
        %mul3A_891 = arith.mulf %bitcast3A_883, %gather3A_887 : vector<16xf32>
        %mul3A_892 = arith.mulf %mul3A_891, %gather3A_872 : vector<16xf32>
        %add3A_893 = arith.addf %add3A_846, %mul3A_892 : vector<16xf32>
        %get3A_894 = arith.index_cast %add3A_870 : i32 to index
        %get3A_895 = arith.constant 32 : index
        %get3A_896 = tpu.vector_load %arg17[%get3A_894, %get3A_895] {strides = array<i32>} : memref<1024x64xbf16, #tpu.memory_space<vmem>>, vector<32xbf16>,
        %bitcast3A_897 = vector.bitcast %get3A_896 : vector<32xbf16> to vector<16xi32>
        %shift_left3A_898 = arith.constant 16 : i32
        %shift_left3A_899 = vector.broadcast %shift_left3A_898 : i32 to vector<16xi32>
        %shift_left3A_900 = arith.shli %bitcast3A_897, %shift_left3A_899 : vector<16xi32>
        %bitcast3A_901 = vector.bitcast %shift_left3A_900 : vector<16xi32> to vector<16xf32>
        %and3A_902 = arith.andi %bitcast3A_897, %broadcast_in_dim3A_10 : vector<16xi32>
        %bitcast3A_903 = vector.bitcast %and3A_902 : vector<16xi32> to vector<16xf32>
        %add3A_904 = arith.addi %gather3A_873, %add3A_23 : vector<16xi32>
        %gather3A_905 = tpu.vector_load_idx %arg20[%add3A_904] : memref<6464xf32, #tpu.memory_space<vmem>>[vector<16xi32>], vector<16xf32>,
        %add3A_906 = arith.addi %gather3A_873, %add3A_26 : vector<16xi32>
        %gather3A_907 = tpu.vector_load_idx %arg20[%add3A_906] : memref<6464xf32, #tpu.memory_space<vmem>>[vector<16xi32>], vector<16xf32>,
        %mul3A_908 = arith.mulf %bitcast3A_901, %gather3A_905 : vector<16xf32>
        %mul3A_909 = arith.mulf %mul3A_908, %gather3A_872 : vector<16xf32>
        %add3A_910 = arith.addf %add3A_863, %mul3A_909 : vector<16xf32>
        %mul3A_911 = arith.mulf %bitcast3A_903, %gather3A_907 : vector<16xf32>
        %mul3A_912 = arith.mulf %mul3A_911, %gather3A_872 : vector<16xf32>
        %add3A_913 = arith.addf %add3A_866, %mul3A_912 : vector<16xf32>
        %mul3A_914 = arith.constant 20 : i32
        %mul3A_915 = arith.muli %scan3A_444, %mul3A_914 : i32
        %add3A_916 = arith.constant 10 : i32
        %add3A_917 = arith.addi %mul3A_915, %add3A_916 : i32
        %broadcast_in_dim3A_918 = vector.broadcast %add3A_917 : i32 to vector<16xi32>
        %gather3A_919 = tpu.vector_load_idx %arg15[%broadcast_in_dim3A_918] : memref<1024xf32, #tpu.memory_space<vmem>>[vector<16xi32>], vector<16xf32>,
        %gather3A_920 = tpu.vector_load_idx %arg13[%broadcast_in_dim3A_918] : memref<1024xi32, #tpu.memory_space<vmem>>[vector<16xi32>], vector<16xi32>,
        %get3A_921 = arith.index_cast %add3A_917 : i32 to index
        %get3A_922 = arith.constant 0 : index
        %get3A_923 = tpu.vector_load %arg17[%get3A_921, %get3A_922] {strides = array<i32>} : memref<1024x64xbf16, #tpu.memory_space<vmem>>, vector<32xbf16>,
        %bitcast3A_924 = vector.bitcast %get3A_923 : vector<32xbf16> to vector<16xi32>
        %shift_left3A_925 = arith.constant 16 : i32
        %shift_left3A_926 = vector.broadcast %shift_left3A_925 : i32 to vector<16xi32>
        %shift_left3A_927 = arith.shli %bitcast3A_924, %shift_left3A_926 : vector<16xi32>
        %bitcast3A_928 = vector.bitcast %shift_left3A_927 : vector<16xi32> to vector<16xf32>
        %and3A_929 = arith.andi %bitcast3A_924, %broadcast_in_dim3A_10 : vector<16xi32>
        %bitcast3A_930 = vector.bitcast %and3A_929 : vector<16xi32> to vector<16xf32>
        %add3A_931 = arith.addi %gather3A_920, %add3A_17 : vector<16xi32>
        %gather3A_932 = tpu.vector_load_idx %arg20[%add3A_931] : memref<6464xf32, #tpu.memory_space<vmem>>[vector<16xi32>], vector<16xf32>,
        %add3A_933 = arith.addi %gather3A_920, %add3A_20 : vector<16xi32>
        %gather3A_934 = tpu.vector_load_idx %arg20[%add3A_933] : memref<6464xf32, #tpu.memory_space<vmem>>[vector<16xi32>], vector<16xf32>,
        %mul3A_935 = arith.mulf %bitcast3A_928, %gather3A_932 : vector<16xf32>
        %mul3A_936 = arith.mulf %mul3A_935, %gather3A_919 : vector<16xf32>
        %add3A_937 = arith.addf %add3A_890, %mul3A_936 : vector<16xf32>
        %mul3A_938 = arith.mulf %bitcast3A_930, %gather3A_934 : vector<16xf32>
        %mul3A_939 = arith.mulf %mul3A_938, %gather3A_919 : vector<16xf32>
        %add3A_940 = arith.addf %add3A_893, %mul3A_939 : vector<16xf32>
        %get3A_941 = arith.index_cast %add3A_917 : i32 to index
        %get3A_942 = arith.constant 32 : index
        %get3A_943 = tpu.vector_load %arg17[%get3A_941, %get3A_942] {strides = array<i32>} : memref<1024x64xbf16, #tpu.memory_space<vmem>>, vector<32xbf16>,
        %bitcast3A_944 = vector.bitcast %get3A_943 : vector<32xbf16> to vector<16xi32>
        %shift_left3A_945 = arith.constant 16 : i32
        %shift_left3A_946 = vector.broadcast %shift_left3A_945 : i32 to vector<16xi32>
        %shift_left3A_947 = arith.shli %bitcast3A_944, %shift_left3A_946 : vector<16xi32>
        %bitcast3A_948 = vector.bitcast %shift_left3A_947 : vector<16xi32> to vector<16xf32>
        %and3A_949 = arith.andi %bitcast3A_944, %broadcast_in_dim3A_10 : vector<16xi32>
        %bitcast3A_950 = vector.bitcast %and3A_949 : vector<16xi32> to vector<16xf32>
        %add3A_951 = arith.addi %gather3A_920, %add3A_23 : vector<16xi32>
        %gather3A_952 = tpu.vector_load_idx %arg20[%add3A_951] : memref<6464xf32, #tpu.memory_space<vmem>>[vector<16xi32>], vector<16xf32>,
        %add3A_953 = arith.addi %gather3A_920, %add3A_26 : vector<16xi32>
        %gather3A_954 = tpu.vector_load_idx %arg20[%add3A_953] : memref<6464xf32, #tpu.memory_space<vmem>>[vector<16xi32>], vector<16xf32>,
        %mul3A_955 = arith.mulf %bitcast3A_948, %gather3A_952 : vector<16xf32>
        %mul3A_956 = arith.mulf %mul3A_955, %gather3A_919 : vector<16xf32>
        %add3A_957 = arith.addf %add3A_910, %mul3A_956 : vector<16xf32>
        %mul3A_958 = arith.mulf %bitcast3A_950, %gather3A_954 : vector<16xf32>
        %mul3A_959 = arith.mulf %mul3A_958, %gather3A_919 : vector<16xf32>
        %add3A_960 = arith.addf %add3A_913, %mul3A_959 : vector<16xf32>
        %mul3A_961 = arith.constant 20 : i32
        %mul3A_962 = arith.muli %scan3A_444, %mul3A_961 : i32
        %add3A_963 = arith.constant 11 : i32
        %add3A_964 = arith.addi %mul3A_962, %add3A_963 : i32
        %broadcast_in_dim3A_965 = vector.broadcast %add3A_964 : i32 to vector<16xi32>
        %gather3A_966 = tpu.vector_load_idx %arg15[%broadcast_in_dim3A_965] : memref<1024xf32, #tpu.memory_space<vmem>>[vector<16xi32>], vector<16xf32>,
        %gather3A_967 = tpu.vector_load_idx %arg13[%broadcast_in_dim3A_965] : memref<1024xi32, #tpu.memory_space<vmem>>[vector<16xi32>], vector<16xi32>,
        %get3A_968 = arith.index_cast %add3A_964 : i32 to index
        %get3A_969 = arith.constant 0 : index
        %get3A_970 = tpu.vector_load %arg17[%get3A_968, %get3A_969] {strides = array<i32>} : memref<1024x64xbf16, #tpu.memory_space<vmem>>, vector<32xbf16>,
        %bitcast3A_971 = vector.bitcast %get3A_970 : vector<32xbf16> to vector<16xi32>
        %shift_left3A_972 = arith.constant 16 : i32
        %shift_left3A_973 = vector.broadcast %shift_left3A_972 : i32 to vector<16xi32>
        %shift_left3A_974 = arith.shli %bitcast3A_971, %shift_left3A_973 : vector<16xi32>
        %bitcast3A_975 = vector.bitcast %shift_left3A_974 : vector<16xi32> to vector<16xf32>
        %and3A_976 = arith.andi %bitcast3A_971, %broadcast_in_dim3A_10 : vector<16xi32>
        %bitcast3A_977 = vector.bitcast %and3A_976 : vector<16xi32> to vector<16xf32>
        %add3A_978 = arith.addi %gather3A_967, %add3A_17 : vector<16xi32>
        %gather3A_979 = tpu.vector_load_idx %arg20[%add3A_978] : memref<6464xf32, #tpu.memory_space<vmem>>[vector<16xi32>], vector<16xf32>,
        %add3A_980 = arith.addi %gather3A_967, %add3A_20 : vector<16xi32>
        %gather3A_981 = tpu.vector_load_idx %arg20[%add3A_980] : memref<6464xf32, #tpu.memory_space<vmem>>[vector<16xi32>], vector<16xf32>,
        %mul3A_982 = arith.mulf %bitcast3A_975, %gather3A_979 : vector<16xf32>
        %mul3A_983 = arith.mulf %mul3A_982, %gather3A_966 : vector<16xf32>
        %add3A_984 = arith.addf %add3A_937, %mul3A_983 : vector<16xf32>
        %mul3A_985 = arith.mulf %bitcast3A_977, %gather3A_981 : vector<16xf32>
        %mul3A_986 = arith.mulf %mul3A_985, %gather3A_966 : vector<16xf32>
        %add3A_987 = arith.addf %add3A_940, %mul3A_986 : vector<16xf32>
        %get3A_988 = arith.index_cast %add3A_964 : i32 to index
        %get3A_989 = arith.constant 32 : index
        %get3A_990 = tpu.vector_load %arg17[%get3A_988, %get3A_989] {strides = array<i32>} : memref<1024x64xbf16, #tpu.memory_space<vmem>>, vector<32xbf16>,
        %bitcast3A_991 = vector.bitcast %get3A_990 : vector<32xbf16> to vector<16xi32>
        %shift_left3A_992 = arith.constant 16 : i32
        %shift_left3A_993 = vector.broadcast %shift_left3A_992 : i32 to vector<16xi32>
        %shift_left3A_994 = arith.shli %bitcast3A_991, %shift_left3A_993 : vector<16xi32>
        %bitcast3A_995 = vector.bitcast %shift_left3A_994 : vector<16xi32> to vector<16xf32>
        %and3A_996 = arith.andi %bitcast3A_991, %broadcast_in_dim3A_10 : vector<16xi32>
        %bitcast3A_997 = vector.bitcast %and3A_996 : vector<16xi32> to vector<16xf32>
        %add3A_998 = arith.addi %gather3A_967, %add3A_23 : vector<16xi32>
        %gather3A_999 = tpu.vector_load_idx %arg20[%add3A_998] : memref<6464xf32, #tpu.memory_space<vmem>>[vector<16xi32>], vector<16xf32>,
        %add3A_1000 = arith.addi %gather3A_967, %add3A_26 : vector<16xi32>
        %gather3A_1001 = tpu.vector_load_idx %arg20[%add3A_1000] : memref<6464xf32, #tpu.memory_space<vmem>>[vector<16xi32>], vector<16xf32>,
        %mul3A_1002 = arith.mulf %bitcast3A_995, %gather3A_999 : vector<16xf32>
        %mul3A_1003 = arith.mulf %mul3A_1002, %gather3A_966 : vector<16xf32>
        %add3A_1004 = arith.addf %add3A_957, %mul3A_1003 : vector<16xf32>
        %mul3A_1005 = arith.mulf %bitcast3A_997, %gather3A_1001 : vector<16xf32>
        %mul3A_1006 = arith.mulf %mul3A_1005, %gather3A_966 : vector<16xf32>
        %add3A_1007 = arith.addf %add3A_960, %mul3A_1006 : vector<16xf32>
        %mul3A_1008 = arith.constant 20 : i32
        %mul3A_1009 = arith.muli %scan3A_444, %mul3A_1008 : i32
        %add3A_1010 = arith.constant 12 : i32
        %add3A_1011 = arith.addi %mul3A_1009, %add3A_1010 : i32
        %broadcast_in_dim3A_1012 = vector.broadcast %add3A_1011 : i32 to vector<16xi32>
        %gather3A_1013 = tpu.vector_load_idx %arg15[%broadcast_in_dim3A_1012] : memref<1024xf32, #tpu.memory_space<vmem>>[vector<16xi32>], vector<16xf32>,
        %gather3A_1014 = tpu.vector_load_idx %arg13[%broadcast_in_dim3A_1012] : memref<1024xi32, #tpu.memory_space<vmem>>[vector<16xi32>], vector<16xi32>,
        %get3A_1015 = arith.index_cast %add3A_1011 : i32 to index
        %get3A_1016 = arith.constant 0 : index
        %get3A_1017 = tpu.vector_load %arg17[%get3A_1015, %get3A_1016] {strides = array<i32>} : memref<1024x64xbf16, #tpu.memory_space<vmem>>, vector<32xbf16>,
        %bitcast3A_1018 = vector.bitcast %get3A_1017 : vector<32xbf16> to vector<16xi32>
        %shift_left3A_1019 = arith.constant 16 : i32
        %shift_left3A_1020 = vector.broadcast %shift_left3A_1019 : i32 to vector<16xi32>
        %shift_left3A_1021 = arith.shli %bitcast3A_1018, %shift_left3A_1020 : vector<16xi32>
        %bitcast3A_1022 = vector.bitcast %shift_left3A_1021 : vector<16xi32> to vector<16xf32>
        %and3A_1023 = arith.andi %bitcast3A_1018, %broadcast_in_dim3A_10 : vector<16xi32>
        %bitcast3A_1024 = vector.bitcast %and3A_1023 : vector<16xi32> to vector<16xf32>
        %add3A_1025 = arith.addi %gather3A_1014, %add3A_17 : vector<16xi32>
        %gather3A_1026 = tpu.vector_load_idx %arg20[%add3A_1025] : memref<6464xf32, #tpu.memory_space<vmem>>[vector<16xi32>], vector<16xf32>,
        %add3A_1027 = arith.addi %gather3A_1014, %add3A_20 : vector<16xi32>
        %gather3A_1028 = tpu.vector_load_idx %arg20[%add3A_1027] : memref<6464xf32, #tpu.memory_space<vmem>>[vector<16xi32>], vector<16xf32>,
        %mul3A_1029 = arith.mulf %bitcast3A_1022, %gather3A_1026 : vector<16xf32>
        %mul3A_1030 = arith.mulf %mul3A_1029, %gather3A_1013 : vector<16xf32>
        %add3A_1031 = arith.addf %add3A_984, %mul3A_1030 : vector<16xf32>
        %mul3A_1032 = arith.mulf %bitcast3A_1024, %gather3A_1028 : vector<16xf32>
        %mul3A_1033 = arith.mulf %mul3A_1032, %gather3A_1013 : vector<16xf32>
        %add3A_1034 = arith.addf %add3A_987, %mul3A_1033 : vector<16xf32>
        %get3A_1035 = arith.index_cast %add3A_1011 : i32 to index
        %get3A_1036 = arith.constant 32 : index
        %get3A_1037 = tpu.vector_load %arg17[%get3A_1035, %get3A_1036] {strides = array<i32>} : memref<1024x64xbf16, #tpu.memory_space<vmem>>, vector<32xbf16>,
        %bitcast3A_1038 = vector.bitcast %get3A_1037 : vector<32xbf16> to vector<16xi32>
        %shift_left3A_1039 = arith.constant 16 : i32
        %shift_left3A_1040 = vector.broadcast %shift_left3A_1039 : i32 to vector<16xi32>
        %shift_left3A_1041 = arith.shli %bitcast3A_1038, %shift_left3A_1040 : vector<16xi32>
        %bitcast3A_1042 = vector.bitcast %shift_left3A_1041 : vector<16xi32> to vector<16xf32>
        %and3A_1043 = arith.andi %bitcast3A_1038, %broadcast_in_dim3A_10 : vector<16xi32>
        %bitcast3A_1044 = vector.bitcast %and3A_1043 : vector<16xi32> to vector<16xf32>
        %add3A_1045 = arith.addi %gather3A_1014, %add3A_23 : vector<16xi32>
        %gather3A_1046 = tpu.vector_load_idx %arg20[%add3A_1045] : memref<6464xf32, #tpu.memory_space<vmem>>[vector<16xi32>], vector<16xf32>,
        %add3A_1047 = arith.addi %gather3A_1014, %add3A_26 : vector<16xi32>
        %gather3A_1048 = tpu.vector_load_idx %arg20[%add3A_1047] : memref<6464xf32, #tpu.memory_space<vmem>>[vector<16xi32>], vector<16xf32>,
        %mul3A_1049 = arith.mulf %bitcast3A_1042, %gather3A_1046 : vector<16xf32>
        %mul3A_1050 = arith.mulf %mul3A_1049, %gather3A_1013 : vector<16xf32>
        %add3A_1051 = arith.addf %add3A_1004, %mul3A_1050 : vector<16xf32>
        %mul3A_1052 = arith.mulf %bitcast3A_1044, %gather3A_1048 : vector<16xf32>
        %mul3A_1053 = arith.mulf %mul3A_1052, %gather3A_1013 : vector<16xf32>
        %add3A_1054 = arith.addf %add3A_1007, %mul3A_1053 : vector<16xf32>
        %mul3A_1055 = arith.constant 20 : i32
        %mul3A_1056 = arith.muli %scan3A_444, %mul3A_1055 : i32
        %add3A_1057 = arith.constant 13 : i32
        %add3A_1058 = arith.addi %mul3A_1056, %add3A_1057 : i32
        %broadcast_in_dim3A_1059 = vector.broadcast %add3A_1058 : i32 to vector<16xi32>
        %gather3A_1060 = tpu.vector_load_idx %arg15[%broadcast_in_dim3A_1059] : memref<1024xf32, #tpu.memory_space<vmem>>[vector<16xi32>], vector<16xf32>,
        %gather3A_1061 = tpu.vector_load_idx %arg13[%broadcast_in_dim3A_1059] : memref<1024xi32, #tpu.memory_space<vmem>>[vector<16xi32>], vector<16xi32>,
        %get3A_1062 = arith.index_cast %add3A_1058 : i32 to index
        %get3A_1063 = arith.constant 0 : index
        %get3A_1064 = tpu.vector_load %arg17[%get3A_1062, %get3A_1063] {strides = array<i32>} : memref<1024x64xbf16, #tpu.memory_space<vmem>>, vector<32xbf16>,
        %bitcast3A_1065 = vector.bitcast %get3A_1064 : vector<32xbf16> to vector<16xi32>
        %shift_left3A_1066 = arith.constant 16 : i32
        %shift_left3A_1067 = vector.broadcast %shift_left3A_1066 : i32 to vector<16xi32>
        %shift_left3A_1068 = arith.shli %bitcast3A_1065, %shift_left3A_1067 : vector<16xi32>
        %bitcast3A_1069 = vector.bitcast %shift_left3A_1068 : vector<16xi32> to vector<16xf32>
        %and3A_1070 = arith.andi %bitcast3A_1065, %broadcast_in_dim3A_10 : vector<16xi32>
        %bitcast3A_1071 = vector.bitcast %and3A_1070 : vector<16xi32> to vector<16xf32>
        %add3A_1072 = arith.addi %gather3A_1061, %add3A_17 : vector<16xi32>
        %gather3A_1073 = tpu.vector_load_idx %arg20[%add3A_1072] : memref<6464xf32, #tpu.memory_space<vmem>>[vector<16xi32>], vector<16xf32>,
        %add3A_1074 = arith.addi %gather3A_1061, %add3A_20 : vector<16xi32>
        %gather3A_1075 = tpu.vector_load_idx %arg20[%add3A_1074] : memref<6464xf32, #tpu.memory_space<vmem>>[vector<16xi32>], vector<16xf32>,
        %mul3A_1076 = arith.mulf %bitcast3A_1069, %gather3A_1073 : vector<16xf32>
        %mul3A_1077 = arith.mulf %mul3A_1076, %gather3A_1060 : vector<16xf32>
        %add3A_1078 = arith.addf %add3A_1031, %mul3A_1077 : vector<16xf32>
        %mul3A_1079 = arith.mulf %bitcast3A_1071, %gather3A_1075 : vector<16xf32>
        %mul3A_1080 = arith.mulf %mul3A_1079, %gather3A_1060 : vector<16xf32>
        %add3A_1081 = arith.addf %add3A_1034, %mul3A_1080 : vector<16xf32>
        %get3A_1082 = arith.index_cast %add3A_1058 : i32 to index
        %get3A_1083 = arith.constant 32 : index
        %get3A_1084 = tpu.vector_load %arg17[%get3A_1082, %get3A_1083] {strides = array<i32>} : memref<1024x64xbf16, #tpu.memory_space<vmem>>, vector<32xbf16>,
        %bitcast3A_1085 = vector.bitcast %get3A_1084 : vector<32xbf16> to vector<16xi32>
        %shift_left3A_1086 = arith.constant 16 : i32
        %shift_left3A_1087 = vector.broadcast %shift_left3A_1086 : i32 to vector<16xi32>
        %shift_left3A_1088 = arith.shli %bitcast3A_1085, %shift_left3A_1087 : vector<16xi32>
        %bitcast3A_1089 = vector.bitcast %shift_left3A_1088 : vector<16xi32> to vector<16xf32>
        %and3A_1090 = arith.andi %bitcast3A_1085, %broadcast_in_dim3A_10 : vector<16xi32>
        %bitcast3A_1091 = vector.bitcast %and3A_1090 : vector<16xi32> to vector<16xf32>
        %add3A_1092 = arith.addi %gather3A_1061, %add3A_23 : vector<16xi32>
        %gather3A_1093 = tpu.vector_load_idx %arg20[%add3A_1092] : memref<6464xf32, #tpu.memory_space<vmem>>[vector<16xi32>], vector<16xf32>,
        %add3A_1094 = arith.addi %gather3A_1061, %add3A_26 : vector<16xi32>
        %gather3A_1095 = tpu.vector_load_idx %arg20[%add3A_1094] : memref<6464xf32, #tpu.memory_space<vmem>>[vector<16xi32>], vector<16xf32>,
        %mul3A_1096 = arith.mulf %bitcast3A_1089, %gather3A_1093 : vector<16xf32>
        %mul3A_1097 = arith.mulf %mul3A_1096, %gather3A_1060 : vector<16xf32>
        %add3A_1098 = arith.addf %add3A_1051, %mul3A_1097 : vector<16xf32>
        %mul3A_1099 = arith.mulf %bitcast3A_1091, %gather3A_1095 : vector<16xf32>
        %mul3A_1100 = arith.mulf %mul3A_1099, %gather3A_1060 : vector<16xf32>
        %add3A_1101 = arith.addf %add3A_1054, %mul3A_1100 : vector<16xf32>
        %mul3A_1102 = arith.constant 20 : i32
        %mul3A_1103 = arith.muli %scan3A_444, %mul3A_1102 : i32
        %add3A_1104 = arith.constant 14 : i32
        %add3A_1105 = arith.addi %mul3A_1103, %add3A_1104 : i32
        %broadcast_in_dim3A_1106 = vector.broadcast %add3A_1105 : i32 to vector<16xi32>
        %gather3A_1107 = tpu.vector_load_idx %arg15[%broadcast_in_dim3A_1106] : memref<1024xf32, #tpu.memory_space<vmem>>[vector<16xi32>], vector<16xf32>,
        %gather3A_1108 = tpu.vector_load_idx %arg13[%broadcast_in_dim3A_1106] : memref<1024xi32, #tpu.memory_space<vmem>>[vector<16xi32>], vector<16xi32>,
        %get3A_1109 = arith.index_cast %add3A_1105 : i32 to index
        %get3A_1110 = arith.constant 0 : index
        %get3A_1111 = tpu.vector_load %arg17[%get3A_1109, %get3A_1110] {strides = array<i32>} : memref<1024x64xbf16, #tpu.memory_space<vmem>>, vector<32xbf16>,
        %bitcast3A_1112 = vector.bitcast %get3A_1111 : vector<32xbf16> to vector<16xi32>
        %shift_left3A_1113 = arith.constant 16 : i32
        %shift_left3A_1114 = vector.broadcast %shift_left3A_1113 : i32 to vector<16xi32>
        %shift_left3A_1115 = arith.shli %bitcast3A_1112, %shift_left3A_1114 : vector<16xi32>
        %bitcast3A_1116 = vector.bitcast %shift_left3A_1115 : vector<16xi32> to vector<16xf32>
        %and3A_1117 = arith.andi %bitcast3A_1112, %broadcast_in_dim3A_10 : vector<16xi32>
        %bitcast3A_1118 = vector.bitcast %and3A_1117 : vector<16xi32> to vector<16xf32>
        %add3A_1119 = arith.addi %gather3A_1108, %add3A_17 : vector<16xi32>
        %gather3A_1120 = tpu.vector_load_idx %arg20[%add3A_1119] : memref<6464xf32, #tpu.memory_space<vmem>>[vector<16xi32>], vector<16xf32>,
        %add3A_1121 = arith.addi %gather3A_1108, %add3A_20 : vector<16xi32>
        %gather3A_1122 = tpu.vector_load_idx %arg20[%add3A_1121] : memref<6464xf32, #tpu.memory_space<vmem>>[vector<16xi32>], vector<16xf32>,
        %mul3A_1123 = arith.mulf %bitcast3A_1116, %gather3A_1120 : vector<16xf32>
        %mul3A_1124 = arith.mulf %mul3A_1123, %gather3A_1107 : vector<16xf32>
        %add3A_1125 = arith.addf %add3A_1078, %mul3A_1124 : vector<16xf32>
        %mul3A_1126 = arith.mulf %bitcast3A_1118, %gather3A_1122 : vector<16xf32>
        %mul3A_1127 = arith.mulf %mul3A_1126, %gather3A_1107 : vector<16xf32>
        %add3A_1128 = arith.addf %add3A_1081, %mul3A_1127 : vector<16xf32>
        %get3A_1129 = arith.index_cast %add3A_1105 : i32 to index
        %get3A_1130 = arith.constant 32 : index
        %get3A_1131 = tpu.vector_load %arg17[%get3A_1129, %get3A_1130] {strides = array<i32>} : memref<1024x64xbf16, #tpu.memory_space<vmem>>, vector<32xbf16>,
        %bitcast3A_1132 = vector.bitcast %get3A_1131 : vector<32xbf16> to vector<16xi32>
        %shift_left3A_1133 = arith.constant 16 : i32
        %shift_left3A_1134 = vector.broadcast %shift_left3A_1133 : i32 to vector<16xi32>
        %shift_left3A_1135 = arith.shli %bitcast3A_1132, %shift_left3A_1134 : vector<16xi32>
        %bitcast3A_1136 = vector.bitcast %shift_left3A_1135 : vector<16xi32> to vector<16xf32>
        %and3A_1137 = arith.andi %bitcast3A_1132, %broadcast_in_dim3A_10 : vector<16xi32>
        %bitcast3A_1138 = vector.bitcast %and3A_1137 : vector<16xi32> to vector<16xf32>
        %add3A_1139 = arith.addi %gather3A_1108, %add3A_23 : vector<16xi32>
        %gather3A_1140 = tpu.vector_load_idx %arg20[%add3A_1139] : memref<6464xf32, #tpu.memory_space<vmem>>[vector<16xi32>], vector<16xf32>,
        %add3A_1141 = arith.addi %gather3A_1108, %add3A_26 : vector<16xi32>
        %gather3A_1142 = tpu.vector_load_idx %arg20[%add3A_1141] : memref<6464xf32, #tpu.memory_space<vmem>>[vector<16xi32>], vector<16xf32>,
        %mul3A_1143 = arith.mulf %bitcast3A_1136, %gather3A_1140 : vector<16xf32>
        %mul3A_1144 = arith.mulf %mul3A_1143, %gather3A_1107 : vector<16xf32>
        %add3A_1145 = arith.addf %add3A_1098, %mul3A_1144 : vector<16xf32>
        %mul3A_1146 = arith.mulf %bitcast3A_1138, %gather3A_1142 : vector<16xf32>
        %mul3A_1147 = arith.mulf %mul3A_1146, %gather3A_1107 : vector<16xf32>
        %add3A_1148 = arith.addf %add3A_1101, %mul3A_1147 : vector<16xf32>
        %mul3A_1149 = arith.constant 20 : i32
        %mul3A_1150 = arith.muli %scan3A_444, %mul3A_1149 : i32
        %add3A_1151 = arith.constant 15 : i32
        %add3A_1152 = arith.addi %mul3A_1150, %add3A_1151 : i32
        %broadcast_in_dim3A_1153 = vector.broadcast %add3A_1152 : i32 to vector<16xi32>
        %gather3A_1154 = tpu.vector_load_idx %arg15[%broadcast_in_dim3A_1153] : memref<1024xf32, #tpu.memory_space<vmem>>[vector<16xi32>], vector<16xf32>,
        %gather3A_1155 = tpu.vector_load_idx %arg13[%broadcast_in_dim3A_1153] : memref<1024xi32, #tpu.memory_space<vmem>>[vector<16xi32>], vector<16xi32>,
        %get3A_1156 = arith.index_cast %add3A_1152 : i32 to index
        %get3A_1157 = arith.constant 0 : index
        %get3A_1158 = tpu.vector_load %arg17[%get3A_1156, %get3A_1157] {strides = array<i32>} : memref<1024x64xbf16, #tpu.memory_space<vmem>>, vector<32xbf16>,
        %bitcast3A_1159 = vector.bitcast %get3A_1158 : vector<32xbf16> to vector<16xi32>
        %shift_left3A_1160 = arith.constant 16 : i32
        %shift_left3A_1161 = vector.broadcast %shift_left3A_1160 : i32 to vector<16xi32>
        %shift_left3A_1162 = arith.shli %bitcast3A_1159, %shift_left3A_1161 : vector<16xi32>
        %bitcast3A_1163 = vector.bitcast %shift_left3A_1162 : vector<16xi32> to vector<16xf32>
        %and3A_1164 = arith.andi %bitcast3A_1159, %broadcast_in_dim3A_10 : vector<16xi32>
        %bitcast3A_1165 = vector.bitcast %and3A_1164 : vector<16xi32> to vector<16xf32>
        %add3A_1166 = arith.addi %gather3A_1155, %add3A_17 : vector<16xi32>
        %gather3A_1167 = tpu.vector_load_idx %arg20[%add3A_1166] : memref<6464xf32, #tpu.memory_space<vmem>>[vector<16xi32>], vector<16xf32>,
        %add3A_1168 = arith.addi %gather3A_1155, %add3A_20 : vector<16xi32>
        %gather3A_1169 = tpu.vector_load_idx %arg20[%add3A_1168] : memref<6464xf32, #tpu.memory_space<vmem>>[vector<16xi32>], vector<16xf32>,
        %mul3A_1170 = arith.mulf %bitcast3A_1163, %gather3A_1167 : vector<16xf32>
        %mul3A_1171 = arith.mulf %mul3A_1170, %gather3A_1154 : vector<16xf32>
        %add3A_1172 = arith.addf %add3A_1125, %mul3A_1171 : vector<16xf32>
        %mul3A_1173 = arith.mulf %bitcast3A_1165, %gather3A_1169 : vector<16xf32>
        %mul3A_1174 = arith.mulf %mul3A_1173, %gather3A_1154 : vector<16xf32>
        %add3A_1175 = arith.addf %add3A_1128, %mul3A_1174 : vector<16xf32>
        %get3A_1176 = arith.index_cast %add3A_1152 : i32 to index
        %get3A_1177 = arith.constant 32 : index
        %get3A_1178 = tpu.vector_load %arg17[%get3A_1176, %get3A_1177] {strides = array<i32>} : memref<1024x64xbf16, #tpu.memory_space<vmem>>, vector<32xbf16>,
        %bitcast3A_1179 = vector.bitcast %get3A_1178 : vector<32xbf16> to vector<16xi32>
        %shift_left3A_1180 = arith.constant 16 : i32
        %shift_left3A_1181 = vector.broadcast %shift_left3A_1180 : i32 to vector<16xi32>
        %shift_left3A_1182 = arith.shli %bitcast3A_1179, %shift_left3A_1181 : vector<16xi32>
        %bitcast3A_1183 = vector.bitcast %shift_left3A_1182 : vector<16xi32> to vector<16xf32>
        %and3A_1184 = arith.andi %bitcast3A_1179, %broadcast_in_dim3A_10 : vector<16xi32>
        %bitcast3A_1185 = vector.bitcast %and3A_1184 : vector<16xi32> to vector<16xf32>
        %add3A_1186 = arith.addi %gather3A_1155, %add3A_23 : vector<16xi32>
        %gather3A_1187 = tpu.vector_load_idx %arg20[%add3A_1186] : memref<6464xf32, #tpu.memory_space<vmem>>[vector<16xi32>], vector<16xf32>,
        %add3A_1188 = arith.addi %gather3A_1155, %add3A_26 : vector<16xi32>
        %gather3A_1189 = tpu.vector_load_idx %arg20[%add3A_1188] : memref<6464xf32, #tpu.memory_space<vmem>>[vector<16xi32>], vector<16xf32>,
        %mul3A_1190 = arith.mulf %bitcast3A_1183, %gather3A_1187 : vector<16xf32>
        %mul3A_1191 = arith.mulf %mul3A_1190, %gather3A_1154 : vector<16xf32>
        %add3A_1192 = arith.addf %add3A_1145, %mul3A_1191 : vector<16xf32>
        %mul3A_1193 = arith.mulf %bitcast3A_1185, %gather3A_1189 : vector<16xf32>
        %mul3A_1194 = arith.mulf %mul3A_1193, %gather3A_1154 : vector<16xf32>
        %add3A_1195 = arith.addf %add3A_1148, %mul3A_1194 : vector<16xf32>
        %mul3A_1196 = arith.constant 20 : i32
        %mul3A_1197 = arith.muli %scan3A_444, %mul3A_1196 : i32
        %add3A_1198 = arith.constant 16 : i32
        %add3A_1199 = arith.addi %mul3A_1197, %add3A_1198 : i32
        %broadcast_in_dim3A_1200 = vector.broadcast %add3A_1199 : i32 to vector<16xi32>
        %gather3A_1201 = tpu.vector_load_idx %arg15[%broadcast_in_dim3A_1200] : memref<1024xf32, #tpu.memory_space<vmem>>[vector<16xi32>], vector<16xf32>,
        %gather3A_1202 = tpu.vector_load_idx %arg13[%broadcast_in_dim3A_1200] : memref<1024xi32, #tpu.memory_space<vmem>>[vector<16xi32>], vector<16xi32>,
        %get3A_1203 = arith.index_cast %add3A_1199 : i32 to index
        %get3A_1204 = arith.constant 0 : index
        %get3A_1205 = tpu.vector_load %arg17[%get3A_1203, %get3A_1204] {strides = array<i32>} : memref<1024x64xbf16, #tpu.memory_space<vmem>>, vector<32xbf16>,
        %bitcast3A_1206 = vector.bitcast %get3A_1205 : vector<32xbf16> to vector<16xi32>
        %shift_left3A_1207 = arith.constant 16 : i32
        %shift_left3A_1208 = vector.broadcast %shift_left3A_1207 : i32 to vector<16xi32>
        %shift_left3A_1209 = arith.shli %bitcast3A_1206, %shift_left3A_1208 : vector<16xi32>
        %bitcast3A_1210 = vector.bitcast %shift_left3A_1209 : vector<16xi32> to vector<16xf32>
        %and3A_1211 = arith.andi %bitcast3A_1206, %broadcast_in_dim3A_10 : vector<16xi32>
        %bitcast3A_1212 = vector.bitcast %and3A_1211 : vector<16xi32> to vector<16xf32>
        %add3A_1213 = arith.addi %gather3A_1202, %add3A_17 : vector<16xi32>
        %gather3A_1214 = tpu.vector_load_idx %arg20[%add3A_1213] : memref<6464xf32, #tpu.memory_space<vmem>>[vector<16xi32>], vector<16xf32>,
        %add3A_1215 = arith.addi %gather3A_1202, %add3A_20 : vector<16xi32>
        %gather3A_1216 = tpu.vector_load_idx %arg20[%add3A_1215] : memref<6464xf32, #tpu.memory_space<vmem>>[vector<16xi32>], vector<16xf32>,
        %mul3A_1217 = arith.mulf %bitcast3A_1210, %gather3A_1214 : vector<16xf32>
        %mul3A_1218 = arith.mulf %mul3A_1217, %gather3A_1201 : vector<16xf32>
        %add3A_1219 = arith.addf %add3A_1172, %mul3A_1218 : vector<16xf32>
        %mul3A_1220 = arith.mulf %bitcast3A_1212, %gather3A_1216 : vector<16xf32>
        %mul3A_1221 = arith.mulf %mul3A_1220, %gather3A_1201 : vector<16xf32>
        %add3A_1222 = arith.addf %add3A_1175, %mul3A_1221 : vector<16xf32>
        %get3A_1223 = arith.index_cast %add3A_1199 : i32 to index
        %get3A_1224 = arith.constant 32 : index
        %get3A_1225 = tpu.vector_load %arg17[%get3A_1223, %get3A_1224] {strides = array<i32>} : memref<1024x64xbf16, #tpu.memory_space<vmem>>, vector<32xbf16>,
        %bitcast3A_1226 = vector.bitcast %get3A_1225 : vector<32xbf16> to vector<16xi32>
        %shift_left3A_1227 = arith.constant 16 : i32
        %shift_left3A_1228 = vector.broadcast %shift_left3A_1227 : i32 to vector<16xi32>
        %shift_left3A_1229 = arith.shli %bitcast3A_1226, %shift_left3A_1228 : vector<16xi32>
        %bitcast3A_1230 = vector.bitcast %shift_left3A_1229 : vector<16xi32> to vector<16xf32>
        %and3A_1231 = arith.andi %bitcast3A_1226, %broadcast_in_dim3A_10 : vector<16xi32>
        %bitcast3A_1232 = vector.bitcast %and3A_1231 : vector<16xi32> to vector<16xf32>
        %add3A_1233 = arith.addi %gather3A_1202, %add3A_23 : vector<16xi32>
        %gather3A_1234 = tpu.vector_load_idx %arg20[%add3A_1233] : memref<6464xf32, #tpu.memory_space<vmem>>[vector<16xi32>], vector<16xf32>,
        %add3A_1235 = arith.addi %gather3A_1202, %add3A_26 : vector<16xi32>
        %gather3A_1236 = tpu.vector_load_idx %arg20[%add3A_1235] : memref<6464xf32, #tpu.memory_space<vmem>>[vector<16xi32>], vector<16xf32>,
        %mul3A_1237 = arith.mulf %bitcast3A_1230, %gather3A_1234 : vector<16xf32>
        %mul3A_1238 = arith.mulf %mul3A_1237, %gather3A_1201 : vector<16xf32>
        %add3A_1239 = arith.addf %add3A_1192, %mul3A_1238 : vector<16xf32>
        %mul3A_1240 = arith.mulf %bitcast3A_1232, %gather3A_1236 : vector<16xf32>
        %mul3A_1241 = arith.mulf %mul3A_1240, %gather3A_1201 : vector<16xf32>
        %add3A_1242 = arith.addf %add3A_1195, %mul3A_1241 : vector<16xf32>
        %mul3A_1243 = arith.constant 20 : i32
        %mul3A_1244 = arith.muli %scan3A_444, %mul3A_1243 : i32
        %add3A_1245 = arith.constant 17 : i32
        %add3A_1246 = arith.addi %mul3A_1244, %add3A_1245 : i32
        %broadcast_in_dim3A_1247 = vector.broadcast %add3A_1246 : i32 to vector<16xi32>
        %gather3A_1248 = tpu.vector_load_idx %arg15[%broadcast_in_dim3A_1247] : memref<1024xf32, #tpu.memory_space<vmem>>[vector<16xi32>], vector<16xf32>,
        %gather3A_1249 = tpu.vector_load_idx %arg13[%broadcast_in_dim3A_1247] : memref<1024xi32, #tpu.memory_space<vmem>>[vector<16xi32>], vector<16xi32>,
        %get3A_1250 = arith.index_cast %add3A_1246 : i32 to index
        %get3A_1251 = arith.constant 0 : index
        %get3A_1252 = tpu.vector_load %arg17[%get3A_1250, %get3A_1251] {strides = array<i32>} : memref<1024x64xbf16, #tpu.memory_space<vmem>>, vector<32xbf16>,
        %bitcast3A_1253 = vector.bitcast %get3A_1252 : vector<32xbf16> to vector<16xi32>
        %shift_left3A_1254 = arith.constant 16 : i32
        %shift_left3A_1255 = vector.broadcast %shift_left3A_1254 : i32 to vector<16xi32>
        %shift_left3A_1256 = arith.shli %bitcast3A_1253, %shift_left3A_1255 : vector<16xi32>
        %bitcast3A_1257 = vector.bitcast %shift_left3A_1256 : vector<16xi32> to vector<16xf32>
        %and3A_1258 = arith.andi %bitcast3A_1253, %broadcast_in_dim3A_10 : vector<16xi32>
        %bitcast3A_1259 = vector.bitcast %and3A_1258 : vector<16xi32> to vector<16xf32>
        %add3A_1260 = arith.addi %gather3A_1249, %add3A_17 : vector<16xi32>
        %gather3A_1261 = tpu.vector_load_idx %arg20[%add3A_1260] : memref<6464xf32, #tpu.memory_space<vmem>>[vector<16xi32>], vector<16xf32>,
        %add3A_1262 = arith.addi %gather3A_1249, %add3A_20 : vector<16xi32>
        %gather3A_1263 = tpu.vector_load_idx %arg20[%add3A_1262] : memref<6464xf32, #tpu.memory_space<vmem>>[vector<16xi32>], vector<16xf32>,
        %mul3A_1264 = arith.mulf %bitcast3A_1257, %gather3A_1261 : vector<16xf32>
        %mul3A_1265 = arith.mulf %mul3A_1264, %gather3A_1248 : vector<16xf32>
        %add3A_1266 = arith.addf %add3A_1219, %mul3A_1265 : vector<16xf32>
        %mul3A_1267 = arith.mulf %bitcast3A_1259, %gather3A_1263 : vector<16xf32>
        %mul3A_1268 = arith.mulf %mul3A_1267, %gather3A_1248 : vector<16xf32>
        %add3A_1269 = arith.addf %add3A_1222, %mul3A_1268 : vector<16xf32>
        %get3A_1270 = arith.index_cast %add3A_1246 : i32 to index
        %get3A_1271 = arith.constant 32 : index
        %get3A_1272 = tpu.vector_load %arg17[%get3A_1270, %get3A_1271] {strides = array<i32>} : memref<1024x64xbf16, #tpu.memory_space<vmem>>, vector<32xbf16>,
        %bitcast3A_1273 = vector.bitcast %get3A_1272 : vector<32xbf16> to vector<16xi32>
        %shift_left3A_1274 = arith.constant 16 : i32
        %shift_left3A_1275 = vector.broadcast %shift_left3A_1274 : i32 to vector<16xi32>
        %shift_left3A_1276 = arith.shli %bitcast3A_1273, %shift_left3A_1275 : vector<16xi32>
        %bitcast3A_1277 = vector.bitcast %shift_left3A_1276 : vector<16xi32> to vector<16xf32>
        %and3A_1278 = arith.andi %bitcast3A_1273, %broadcast_in_dim3A_10 : vector<16xi32>
        %bitcast3A_1279 = vector.bitcast %and3A_1278 : vector<16xi32> to vector<16xf32>
        %add3A_1280 = arith.addi %gather3A_1249, %add3A_23 : vector<16xi32>
        %gather3A_1281 = tpu.vector_load_idx %arg20[%add3A_1280] : memref<6464xf32, #tpu.memory_space<vmem>>[vector<16xi32>], vector<16xf32>,
        %add3A_1282 = arith.addi %gather3A_1249, %add3A_26 : vector<16xi32>
        %gather3A_1283 = tpu.vector_load_idx %arg20[%add3A_1282] : memref<6464xf32, #tpu.memory_space<vmem>>[vector<16xi32>], vector<16xf32>,
        %mul3A_1284 = arith.mulf %bitcast3A_1277, %gather3A_1281 : vector<16xf32>
        %mul3A_1285 = arith.mulf %mul3A_1284, %gather3A_1248 : vector<16xf32>
        %add3A_1286 = arith.addf %add3A_1239, %mul3A_1285 : vector<16xf32>
        %mul3A_1287 = arith.mulf %bitcast3A_1279, %gather3A_1283 : vector<16xf32>
        %mul3A_1288 = arith.mulf %mul3A_1287, %gather3A_1248 : vector<16xf32>
        %add3A_1289 = arith.addf %add3A_1242, %mul3A_1288 : vector<16xf32>
        %mul3A_1290 = arith.constant 20 : i32
        %mul3A_1291 = arith.muli %scan3A_444, %mul3A_1290 : i32
        %add3A_1292 = arith.constant 18 : i32
        %add3A_1293 = arith.addi %mul3A_1291, %add3A_1292 : i32
        %broadcast_in_dim3A_1294 = vector.broadcast %add3A_1293 : i32 to vector<16xi32>
        %gather3A_1295 = tpu.vector_load_idx %arg15[%broadcast_in_dim3A_1294] : memref<1024xf32, #tpu.memory_space<vmem>>[vector<16xi32>], vector<16xf32>,
        %gather3A_1296 = tpu.vector_load_idx %arg13[%broadcast_in_dim3A_1294] : memref<1024xi32, #tpu.memory_space<vmem>>[vector<16xi32>], vector<16xi32>,
        %get3A_1297 = arith.index_cast %add3A_1293 : i32 to index
        %get3A_1298 = arith.constant 0 : index
        %get3A_1299 = tpu.vector_load %arg17[%get3A_1297, %get3A_1298] {strides = array<i32>} : memref<1024x64xbf16, #tpu.memory_space<vmem>>, vector<32xbf16>,
        %bitcast3A_1300 = vector.bitcast %get3A_1299 : vector<32xbf16> to vector<16xi32>
        %shift_left3A_1301 = arith.constant 16 : i32
        %shift_left3A_1302 = vector.broadcast %shift_left3A_1301 : i32 to vector<16xi32>
        %shift_left3A_1303 = arith.shli %bitcast3A_1300, %shift_left3A_1302 : vector<16xi32>
        %bitcast3A_1304 = vector.bitcast %shift_left3A_1303 : vector<16xi32> to vector<16xf32>
        %and3A_1305 = arith.andi %bitcast3A_1300, %broadcast_in_dim3A_10 : vector<16xi32>
        %bitcast3A_1306 = vector.bitcast %and3A_1305 : vector<16xi32> to vector<16xf32>
        %add3A_1307 = arith.addi %gather3A_1296, %add3A_17 : vector<16xi32>
        %gather3A_1308 = tpu.vector_load_idx %arg20[%add3A_1307] : memref<6464xf32, #tpu.memory_space<vmem>>[vector<16xi32>], vector<16xf32>,
        %add3A_1309 = arith.addi %gather3A_1296, %add3A_20 : vector<16xi32>
        %gather3A_1310 = tpu.vector_load_idx %arg20[%add3A_1309] : memref<6464xf32, #tpu.memory_space<vmem>>[vector<16xi32>], vector<16xf32>,
        %mul3A_1311 = arith.mulf %bitcast3A_1304, %gather3A_1308 : vector<16xf32>
        %mul3A_1312 = arith.mulf %mul3A_1311, %gather3A_1295 : vector<16xf32>
        %add3A_1313 = arith.addf %add3A_1266, %mul3A_1312 : vector<16xf32>
        %mul3A_1314 = arith.mulf %bitcast3A_1306, %gather3A_1310 : vector<16xf32>
        %mul3A_1315 = arith.mulf %mul3A_1314, %gather3A_1295 : vector<16xf32>
        %add3A_1316 = arith.addf %add3A_1269, %mul3A_1315 : vector<16xf32>
        %get3A_1317 = arith.index_cast %add3A_1293 : i32 to index
        %get3A_1318 = arith.constant 32 : index
        %get3A_1319 = tpu.vector_load %arg17[%get3A_1317, %get3A_1318] {strides = array<i32>} : memref<1024x64xbf16, #tpu.memory_space<vmem>>, vector<32xbf16>,
        %bitcast3A_1320 = vector.bitcast %get3A_1319 : vector<32xbf16> to vector<16xi32>
        %shift_left3A_1321 = arith.constant 16 : i32
        %shift_left3A_1322 = vector.broadcast %shift_left3A_1321 : i32 to vector<16xi32>
        %shift_left3A_1323 = arith.shli %bitcast3A_1320, %shift_left3A_1322 : vector<16xi32>
        %bitcast3A_1324 = vector.bitcast %shift_left3A_1323 : vector<16xi32> to vector<16xf32>
        %and3A_1325 = arith.andi %bitcast3A_1320, %broadcast_in_dim3A_10 : vector<16xi32>
        %bitcast3A_1326 = vector.bitcast %and3A_1325 : vector<16xi32> to vector<16xf32>
        %add3A_1327 = arith.addi %gather3A_1296, %add3A_23 : vector<16xi32>
        %gather3A_1328 = tpu.vector_load_idx %arg20[%add3A_1327] : memref<6464xf32, #tpu.memory_space<vmem>>[vector<16xi32>], vector<16xf32>,
        %add3A_1329 = arith.addi %gather3A_1296, %add3A_26 : vector<16xi32>
        %gather3A_1330 = tpu.vector_load_idx %arg20[%add3A_1329] : memref<6464xf32, #tpu.memory_space<vmem>>[vector<16xi32>], vector<16xf32>,
        %mul3A_1331 = arith.mulf %bitcast3A_1324, %gather3A_1328 : vector<16xf32>
        %mul3A_1332 = arith.mulf %mul3A_1331, %gather3A_1295 : vector<16xf32>
        %add3A_1333 = arith.addf %add3A_1286, %mul3A_1332 : vector<16xf32>
        %mul3A_1334 = arith.mulf %bitcast3A_1326, %gather3A_1330 : vector<16xf32>
        %mul3A_1335 = arith.mulf %mul3A_1334, %gather3A_1295 : vector<16xf32>
        %add3A_1336 = arith.addf %add3A_1289, %mul3A_1335 : vector<16xf32>
        %mul3A_1337 = arith.constant 20 : i32
        %mul3A_1338 = arith.muli %scan3A_444, %mul3A_1337 : i32
        %add3A_1339 = arith.constant 19 : i32
        %add3A_1340 = arith.addi %mul3A_1338, %add3A_1339 : i32
        %broadcast_in_dim3A_1341 = vector.broadcast %add3A_1340 : i32 to vector<16xi32>
        %gather3A_1342 = tpu.vector_load_idx %arg15[%broadcast_in_dim3A_1341] : memref<1024xf32, #tpu.memory_space<vmem>>[vector<16xi32>], vector<16xf32>,
        %gather3A_1343 = tpu.vector_load_idx %arg13[%broadcast_in_dim3A_1341] : memref<1024xi32, #tpu.memory_space<vmem>>[vector<16xi32>], vector<16xi32>,
        %get3A_1344 = arith.index_cast %add3A_1340 : i32 to index
        %get3A_1345 = arith.constant 0 : index
        %get3A_1346 = tpu.vector_load %arg17[%get3A_1344, %get3A_1345] {strides = array<i32>} : memref<1024x64xbf16, #tpu.memory_space<vmem>>, vector<32xbf16>,
        %bitcast3A_1347 = vector.bitcast %get3A_1346 : vector<32xbf16> to vector<16xi32>
        %shift_left3A_1348 = arith.constant 16 : i32
        %shift_left3A_1349 = vector.broadcast %shift_left3A_1348 : i32 to vector<16xi32>
        %shift_left3A_1350 = arith.shli %bitcast3A_1347, %shift_left3A_1349 : vector<16xi32>
        %bitcast3A_1351 = vector.bitcast %shift_left3A_1350 : vector<16xi32> to vector<16xf32>
        %and3A_1352 = arith.andi %bitcast3A_1347, %broadcast_in_dim3A_10 : vector<16xi32>
        %bitcast3A_1353 = vector.bitcast %and3A_1352 : vector<16xi32> to vector<16xf32>
        %add3A_1354 = arith.addi %gather3A_1343, %add3A_17 : vector<16xi32>
        %gather3A_1355 = tpu.vector_load_idx %arg20[%add3A_1354] : memref<6464xf32, #tpu.memory_space<vmem>>[vector<16xi32>], vector<16xf32>,
        %add3A_1356 = arith.addi %gather3A_1343, %add3A_20 : vector<16xi32>
        %gather3A_1357 = tpu.vector_load_idx %arg20[%add3A_1356] : memref<6464xf32, #tpu.memory_space<vmem>>[vector<16xi32>], vector<16xf32>,
        %mul3A_1358 = arith.mulf %bitcast3A_1351, %gather3A_1355 : vector<16xf32>
        %mul3A_1359 = arith.mulf %mul3A_1358, %gather3A_1342 : vector<16xf32>
        %add3A_1360 = arith.addf %add3A_1313, %mul3A_1359 : vector<16xf32>
        %mul3A_1361 = arith.mulf %bitcast3A_1353, %gather3A_1357 : vector<16xf32>
        %mul3A_1362 = arith.mulf %mul3A_1361, %gather3A_1342 : vector<16xf32>
        %add3A_1363 = arith.addf %add3A_1316, %mul3A_1362 : vector<16xf32>
        %get3A_1364 = arith.index_cast %add3A_1340 : i32 to index
        %get3A_1365 = arith.constant 32 : index
        %get3A_1366 = tpu.vector_load %arg17[%get3A_1364, %get3A_1365] {strides = array<i32>} : memref<1024x64xbf16, #tpu.memory_space<vmem>>, vector<32xbf16>,
        %bitcast3A_1367 = vector.bitcast %get3A_1366 : vector<32xbf16> to vector<16xi32>
        %shift_left3A_1368 = arith.constant 16 : i32
        %shift_left3A_1369 = vector.broadcast %shift_left3A_1368 : i32 to vector<16xi32>
        %shift_left3A_1370 = arith.shli %bitcast3A_1367, %shift_left3A_1369 : vector<16xi32>
        %bitcast3A_1371 = vector.bitcast %shift_left3A_1370 : vector<16xi32> to vector<16xf32>
        %and3A_1372 = arith.andi %bitcast3A_1367, %broadcast_in_dim3A_10 : vector<16xi32>
        %bitcast3A_1373 = vector.bitcast %and3A_1372 : vector<16xi32> to vector<16xf32>
        %add3A_1374 = arith.addi %gather3A_1343, %add3A_23 : vector<16xi32>
        %gather3A_1375 = tpu.vector_load_idx %arg20[%add3A_1374] : memref<6464xf32, #tpu.memory_space<vmem>>[vector<16xi32>], vector<16xf32>,
        %add3A_1376 = arith.addi %gather3A_1343, %add3A_26 : vector<16xi32>
        %gather3A_1377 = tpu.vector_load_idx %arg20[%add3A_1376] : memref<6464xf32, #tpu.memory_space<vmem>>[vector<16xi32>], vector<16xf32>,
        %mul3A_1378 = arith.mulf %bitcast3A_1371, %gather3A_1375 : vector<16xf32>
        %mul3A_1379 = arith.mulf %mul3A_1378, %gather3A_1342 : vector<16xf32>
        %add3A_1380 = arith.addf %add3A_1333, %mul3A_1379 : vector<16xf32>
        %mul3A_1381 = arith.mulf %bitcast3A_1373, %gather3A_1377 : vector<16xf32>
        %mul3A_1382 = arith.mulf %mul3A_1381, %gather3A_1342 : vector<16xf32>
        %add3A_1383 = arith.addf %add3A_1336, %mul3A_1382 : vector<16xf32>
        %mul3A_1384 = arith.constant 64 : i32
        %mul3A_1385 = arith.muli %scan3A_444, %mul3A_1384 : i32
        %add3A_1386 = arith.constant 0 : i32
        %add3A_1387 = arith.addi %mul3A_1385, %add3A_1386 : i32
        %add3A_1388 = arith.constant 0 : i32
        %add3A_1389 = arith.addi %add3A_1387, %add3A_1388 : i32
        %broadcast_in_dim3A_1390 = vector.broadcast %add3A_1389 : i32 to vector<16xi32>
        %add3A_1391 = arith.addi %broadcast_in_dim3A_1390, %mul3A_5 : vector<16xi32>
        tpu.vector_store_idx %arg19[%add3A_1391], %add3A_1360 : memref<3200xf32, #tpu.memory_space<vmem>>[vector<16xi32>], vector<16xf32>,
        %add3A_1392 = arith.constant 0 : i32
        %add3A_1393 = arith.addi %mul3A_1385, %add3A_1392 : i32
        %add3A_1394 = arith.constant 1 : i32
        %add3A_1395 = arith.addi %add3A_1393, %add3A_1394 : i32
        %broadcast_in_dim3A_1396 = vector.broadcast %add3A_1395 : i32 to vector<16xi32>
        %add3A_1397 = arith.addi %broadcast_in_dim3A_1396, %mul3A_5 : vector<16xi32>
        tpu.vector_store_idx %arg19[%add3A_1397], %add3A_1363 : memref<3200xf32, #tpu.memory_space<vmem>>[vector<16xi32>], vector<16xf32>,
        %add3A_1398 = arith.constant 32 : i32
        %add3A_1399 = arith.addi %mul3A_1385, %add3A_1398 : i32
        %add3A_1400 = arith.constant 0 : i32
        %add3A_1401 = arith.addi %add3A_1399, %add3A_1400 : i32
        %broadcast_in_dim3A_1402 = vector.broadcast %add3A_1401 : i32 to vector<16xi32>
        %add3A_1403 = arith.addi %broadcast_in_dim3A_1402, %mul3A_5 : vector<16xi32>
        tpu.vector_store_idx %arg19[%add3A_1403], %add3A_1380 : memref<3200xf32, #tpu.memory_space<vmem>>[vector<16xi32>], vector<16xf32>,
        %add3A_1404 = arith.constant 32 : i32
        %add3A_1405 = arith.addi %mul3A_1385, %add3A_1404 : i32
        %add3A_1406 = arith.constant 1 : i32
        %add3A_1407 = arith.addi %add3A_1405, %add3A_1406 : i32
        %broadcast_in_dim3A_1408 = vector.broadcast %add3A_1407 : i32 to vector<16xi32>
        %add3A_1409 = arith.addi %broadcast_in_dim3A_1408, %mul3A_5 : vector<16xi32>
        tpu.vector_store_idx %arg19[%add3A_1409], %add3A_1383 : memref<3200xf32, #tpu.memory_space<vmem>>[vector<16xi32>], vector<16xf32>,
        %add3A_1410 = arith.addf %scan3A_445, %add3A_1360 : vector<16xf32>
        %add3A_1411 = arith.addf %scan3A_446, %add3A_1363 : vector<16xf32>
        %add3A_1412 = arith.addf %scan3A_447, %add3A_1380 : vector<16xf32>
        %add3A_1413 = arith.addf %scan3A_448, %add3A_1383 : vector<16xf32>
        scf.yield %add3A_1410, %add3A_1411, %add3A_1412, %add3A_1413 : vector<16xf32>, vector<16xf32>, vector<16xf32>, vector<16xf32>
      }
      %scan3A_404 = arith.constant 50 : i32
      %mul3A_405 = arith.constant 64 : i32
      %mul3A_406 = arith.muli %add3A_312, %mul3A_405 : i32
      %add3A_407 = arith.constant 0 : i32
      %add3A_408 = arith.addi %mul3A_406, %add3A_407 : i32
      %add3A_409 = arith.constant 0 : i32
      %add3A_410 = arith.addi %add3A_408, %add3A_409 : i32
      %broadcast_in_dim3A_411 = vector.broadcast %add3A_410 : i32 to vector<16xi32>
      %add3A_412 = arith.addi %broadcast_in_dim3A_411, %mul3A_5 : vector<16xi32>
      tpu.vector_store_idx %arg21[%add3A_412], %scan3A_403#0 : memref<2048xf32, #tpu.memory_space<vmem>>[vector<16xi32>], vector<16xf32>,
      %add3A_413 = arith.constant 0 : i32
      %add3A_414 = arith.addi %mul3A_406, %add3A_413 : i32
      %add3A_415 = arith.constant 1 : i32
      %add3A_416 = arith.addi %add3A_414, %add3A_415 : i32
      %broadcast_in_dim3A_417 = vector.broadcast %add3A_416 : i32 to vector<16xi32>
      %add3A_418 = arith.addi %broadcast_in_dim3A_417, %mul3A_5 : vector<16xi32>
      tpu.vector_store_idx %arg21[%add3A_418], %scan3A_403#1 : memref<2048xf32, #tpu.memory_space<vmem>>[vector<16xi32>], vector<16xf32>,
      %add3A_419 = arith.constant 32 : i32
      %add3A_420 = arith.addi %mul3A_406, %add3A_419 : i32
      %add3A_421 = arith.constant 0 : i32
      %add3A_422 = arith.addi %add3A_420, %add3A_421 : i32
      %broadcast_in_dim3A_423 = vector.broadcast %add3A_422 : i32 to vector<16xi32>
      %add3A_424 = arith.addi %broadcast_in_dim3A_423, %mul3A_5 : vector<16xi32>
      tpu.vector_store_idx %arg21[%add3A_424], %scan3A_403#2 : memref<2048xf32, #tpu.memory_space<vmem>>[vector<16xi32>], vector<16xf32>,
      %add3A_425 = arith.constant 32 : i32
      %add3A_426 = arith.addi %mul3A_406, %add3A_425 : i32
      %add3A_427 = arith.constant 1 : i32
      %add3A_428 = arith.addi %add3A_426, %add3A_427 : i32
      %broadcast_in_dim3A_429 = vector.broadcast %add3A_428 : i32 to vector<16xi32>
      %add3A_430 = arith.addi %broadcast_in_dim3A_429, %mul3A_5 : vector<16xi32>
      tpu.vector_store_idx %arg21[%add3A_430], %scan3A_403#3 : memref<2048xf32, #tpu.memory_space<vmem>>[vector<16xi32>], vector<16xf32>,
      %mul3A_431 = arith.constant 50 : i32
      %mul3A_432 = arith.muli %add3A_313, %mul3A_431 : i32
      %mul3A_433 = arith.constant 64 : i32
      %mul3A_434 = arith.muli %mul3A_432, %mul3A_433 : i32
      %dma_start3A_435 = tpu.memref_slice %arg6[%mul3A_434] : memref<3276800xf32, #tpu.memory_space<hbm>> -> memref<3200xf32, #tpu.memory_space<hbm>>
      %dma_start3A_436 = tpu.memref_slice %arg6[%mul3A_434] : memref<3276800xf32, #tpu.memory_space<hbm>> -> memref<3200xf32, #tpu.memory_space<hbm>>
      tpu.enqueue_dma source(%arg19 : memref<3200xf32, #tpu.memory_space<vmem>>) target(%dma_start3A_436 : memref<3200xf32, #tpu.memory_space<hbm>>) target_semaphore(%arg29 : memref<!tpu.dma_semaphore, #tpu.memory_space<semaphore_mem>>)
      %add3A_437 = arith.constant 2 : i32
      %add3A_438 = arith.addi %add3A_312, %add3A_437 : i32
      %lt3A_439 = arith.constant 32 : i32
      %lt3A_440 = arith.cmpi slt, %add3A_438, %lt3A_439 : i32
      %convert_element_type3A_441 = arith.extui %lt3A_440 : i1 to i32
      %cond3A_442 = arith.constant 0 : i32
      %cond3A_443 = arith.cmpi ne, %convert_element_type3A_441, %cond3A_442 : i32
      scf.if %cond3A_443 {
        %add3A_444 = arith.constant 2 : i32
        %add3A_445 = arith.addi %add3A_313, %add3A_444 : i32
        %mul3A_446 = arith.constant 1000 : i32
        %mul3A_447 = arith.muli %add3A_445, %mul3A_446 : i32
        %dma_start3A_448 = arith.constant 0 : i32
        %dma_start3A_449 = tpu.memref_slice %arg9[%dma_start3A_448] : memref<1024xi32, #tpu.memory_space<vmem>> -> memref<1000xi32, #tpu.memory_space<vmem>>
        %dma_start3A_450 = tpu.memref_slice %arg2[%mul3A_447] : memref<1024000xi32, #tpu.memory_space<hbm>> -> memref<1000xi32, #tpu.memory_space<hbm>>
        %dma_start3A_451 = arith.constant 0 : i32
        %dma_start3A_452 = tpu.memref_slice %arg9[%dma_start3A_451] : memref<1024xi32, #tpu.memory_space<vmem>> -> memref<1000xi32, #tpu.memory_space<vmem>>
        %dma_start3A_453 = tpu.memref_slice %arg2[%mul3A_447] : memref<1024000xi32, #tpu.memory_space<hbm>> -> memref<1000xi32, #tpu.memory_space<hbm>>
        tpu.enqueue_dma source(%dma_start3A_453 : memref<1000xi32, #tpu.memory_space<hbm>>) target(%dma_start3A_452 : memref<1000xi32, #tpu.memory_space<vmem>>) target_semaphore(%arg23 : memref<!tpu.dma_semaphore, #tpu.memory_space<semaphore_mem>>)
      } else {
      }
    }
    %scan3A_146 = arith.constant 16 : i32
    %add3A_147 = arith.constant 32 : i32
    %add3A_148 = arith.addi %mul3A_2, %add3A_147 : i32
    %sub3A = arith.constant 2 : i32
    %sub3A_149 = arith.subi %add3A_148, %sub3A : i32
    %add3A_150 = arith.constant 0 : i32
    %add3A_151 = arith.addi %sub3A_149, %add3A_150 : i32
    %mul3A_152 = arith.constant 50 : i32
    %mul3A_153 = arith.muli %add3A_151, %mul3A_152 : i32
    %mul3A_154 = arith.constant 64 : i32
    %mul3A_155 = arith.muli %mul3A_153, %mul3A_154 : i32
    %dma_wait3A_156 = tpu.memref_slice %arg6[%mul3A_155] : memref<3276800xf32, #tpu.memory_space<hbm>> -> memref<3200xf32, #tpu.memory_space<hbm>>
    %dma_wait3A_157 = tpu.memref_slice %arg6[%mul3A_155] : memref<3276800xf32, #tpu.memory_space<hbm>> -> memref<3200xf32, #tpu.memory_space<hbm>>
    tpu.wait_dma2 semaphore(%arg28 : memref<!tpu.dma_semaphore, #tpu.memory_space<semaphore_mem>>) src(%arg18 : memref<3200xf32, #tpu.memory_space<vmem>>) dst(%dma_wait3A_157 : memref<3200xf32, #tpu.memory_space<hbm>>)
    %add3A_158 = arith.constant 32 : i32
    %add3A_159 = arith.addi %mul3A_2, %add3A_158 : i32
    %sub3A_160 = arith.constant 2 : i32
    %sub3A_161 = arith.subi %add3A_159, %sub3A_160 : i32
    %add3A_162 = arith.constant 1 : i32
    %add3A_163 = arith.addi %sub3A_161, %add3A_162 : i32
    %mul3A_164 = arith.constant 50 : i32
    %mul3A_165 = arith.muli %add3A_163, %mul3A_164 : i32
    %mul3A_166 = arith.constant 64 : i32
    %mul3A_167 = arith.muli %mul3A_165, %mul3A_166 : i32
    %dma_wait3A_168 = tpu.memref_slice %arg6[%mul3A_167] : memref<3276800xf32, #tpu.memory_space<hbm>> -> memref<3200xf32, #tpu.memory_space<hbm>>
    %dma_wait3A_169 = tpu.memref_slice %arg6[%mul3A_167] : memref<3276800xf32, #tpu.memory_space<hbm>> -> memref<3200xf32, #tpu.memory_space<hbm>>
    tpu.wait_dma2 semaphore(%arg29 : memref<!tpu.dma_semaphore, #tpu.memory_space<semaphore_mem>>) src(%arg19 : memref<3200xf32, #tpu.memory_space<vmem>>) dst(%dma_wait3A_169 : memref<3200xf32, #tpu.memory_space<hbm>>)
    %mul3A_170 = arith.constant 32 : i32
    %mul3A_171 = arith.muli %add3A, %mul3A_170 : i32
    %mul3A_172 = arith.constant 64 : i32
    %mul3A_173 = arith.muli %mul3A_171, %mul3A_172 : i32
    "tpu.region"() ({
      %run_scoped3A = tpu.sem_alloc : memref<!tpu.dma_semaphore, #tpu.memory_space<semaphore_mem>>
      %dma_start3A_174 = tpu.memref_slice %arg7[%mul3A_173] : memref<65536xf32, #tpu.memory_space<hbm>> -> memref<2048xf32, #tpu.memory_space<hbm>>
      %dma_start3A_175 = tpu.memref_slice %arg7[%mul3A_173] : memref<65536xf32, #tpu.memory_space<hbm>> -> memref<2048xf32, #tpu.memory_space<hbm>>
      tpu.enqueue_dma source(%arg21 : memref<2048xf32, #tpu.memory_space<vmem>>) target(%dma_start3A_175 : memref<2048xf32, #tpu.memory_space<hbm>>) target_semaphore(%run_scoped3A : memref<!tpu.dma_semaphore, #tpu.memory_space<semaphore_mem>>)
      %dma_wait3A_176 = tpu.memref_slice %arg7[%mul3A_173] : memref<65536xf32, #tpu.memory_space<hbm>> -> memref<2048xf32, #tpu.memory_space<hbm>>
      %dma_wait3A_177 = tpu.memref_slice %arg7[%mul3A_173] : memref<65536xf32, #tpu.memory_space<hbm>> -> memref<2048xf32, #tpu.memory_space<hbm>>
      tpu.wait_dma2 semaphore(%run_scoped3A : memref<!tpu.dma_semaphore, #tpu.memory_space<semaphore_mem>>) src(%arg21 : memref<2048xf32, #tpu.memory_space<vmem>>) dst(%dma_wait3A_177 : memref<2048xf32, #tpu.memory_space<hbm>>)
      tpu.yield
    }) : () -> ()
    return
  }
}

module attributes {stable_mosaic.version = 14 : i64} {
  func.func @_head_body(%arg0: memref<1024x64xf32, #tpu.memory_space<vmem>>, %arg1: memref<8x64xf32, #tpu.memory_space<vmem>>, %arg2: memref<1x1xf32, #tpu.memory_space<vmem>>, %arg3: memref<1024x8xf32, #tpu.memory_space<vmem>>) attributes {dimension_semantics = [], scalar_prefetch = 0 : i64, scratch_operands = 0 : i64, tpu.core_type = #tpu.core_type<tc>} {
    %get3A = arith.constant 0 : index
    %get3A_0 = arith.constant 0 : index
    %get3A_1 = vector.load %arg0[%get3A, %get3A_0] : memref<1024x64xf32, #tpu.memory_space<vmem>>, vector<1024x64xf32>
    %get3A_2 = arith.constant 0 : index
    %get3A_3 = arith.constant 0 : index
    %get3A_4 = vector.load %arg1[%get3A_2, %get3A_3] : memref<8x64xf32, #tpu.memory_space<vmem>>, vector<8x64xf32>
    %transpose3A = tpu.transpose %get3A_4, [1, 0] : vector<8x64xf32> -> vector<64x8xf32>
    %dot_general3A = arith.constant dense<0.000000e+00> : vector<1024x8xf32>
    %dot_general3A_5 = tpu.matmul %get3A_1, %transpose3A, %dot_general3A {dimension_numbers = #tpu.dot_dimension_numbers<[1], [0], [0], [1], [0, 0, 1, 1], [], []>, transpose_lhs_hint = false} : vector<1024x64xf32>, vector<64x8xf32>, vector<1024x8xf32> -> vector<1024x8xf32>
    %get3A_6 = arith.constant 0 : index
    %get3A_7 = arith.constant 0 : index
    %get3A_8 = vector.load %arg2[%get3A_6, %get3A_7] : memref<1x1xf32, #tpu.memory_space<vmem>>, vector<1x1xf32>
    %get3A_9 = vector.extract %get3A_8[0, 0] : f32 from vector<1x1xf32>
    %add3A = vector.broadcast %get3A_9 : f32 to vector<1024x8xf32>
    %add3A_10 = arith.addf %dot_general3A_5, %add3A : vector<1024x8xf32>
    %logistic3A = arith.negf %add3A_10 : vector<1024x8xf32>
    %logistic3A_11 = math.exp %logistic3A : vector<1024x8xf32>
    %logistic3A_12 = arith.constant 1.000000e+00 : f32
    %logistic3A_13 = vector.broadcast %logistic3A_12 : f32 to vector<1024x8xf32>
    %logistic3A_14 = arith.addf %logistic3A_13, %logistic3A_11 : vector<1024x8xf32>
    %logistic3A_15 = arith.divf %logistic3A_13, %logistic3A_14 : vector<1024x8xf32>
    %swap3A = arith.constant 0 : index
    %swap3A_16 = arith.constant 0 : index
    %swap3A_17 = vector.load %arg3[%swap3A, %swap3A_16] : memref<1024x8xf32, #tpu.memory_space<vmem>>, vector<1024x8xf32>
    tpu.vector_store %arg3[%swap3A, %swap3A_16], %logistic3A_15 {strides = array<i32>} : memref<1024x8xf32, #tpu.memory_space<vmem>>, vector<1024x8xf32>,
    return
  }
}

</mosaic_0001>

<sc_bundles>
// kernel: kernel.4.cloned.1.call-start
scs
__scs_entry_jumppad:
0x0: {  	(pc) =	sbr.rel $0x88, $3  }
0x1: {  	(tag) =	ssettag $0x0;
	lr =	simm.s32 $0x1  }
0x2: {  	[smem:$0x3F9A] =	sst lr;
	_ =	strace $0xD0000000  }
0x3: {  	_ = 	snop  }
0x4: {  	_ = 	snop  }
0x5: {  	_ = 	snop  }
0x6: {  	_ = 	snop  }
0x7: {  	_ = 	snop  }
__scs_overlays_trampoline_lowered:
0x8: {  	[smem:$0x3FA9] =	sst s0  }
0x9: {  	[smem:$0x3FAA] =	sst s1  }
0xa: {  	[smem:$0x3FAB] =	sst s2  }
0xb: {  	[smem:$0x3FAC] =	sst s3  }
0xc: {  	[smem:$0x3FAD] =	sst s4  }
0xd: {  	[smem:$0x3FAE] =	sst s5  }
0xe: {  	[smem:$0x3FAF] =	sst s6  }
0xf: {  	[smem:$0x3FB0] =	sst s7  }
0x10: {  	[smem:$0x3FB1] =	sst s8  }
0x11: {  	[smem:$0x3FB2] =	sst s9;
	s0 =	simm.s32 @!p0 $0x0  }
0x12: {  	s1 =	sld [smem:$0x3F98];
	s0 =	simm.s32 @p0 $0x1  }
0x13: {  	[smem:$0x3FB3] =	sst s0;
	s0 =	simm.s32 @!p1 $0x0  }
0x14: {  	s2 =	sld [smem:$0x3F97];
	s0 =	simm.s32 @p1 $0x1  }
0x15: {  	[smem:$0x3FB4] =	sst s0;
	s0 =	simm.s32 @!p2 $0x0  }
0x16: {  	s3 =	sld [smem:$0x3FDB];
	s0 =	simm.s32 @p2 $0x1  }
0x17: {  	s4 =	simm.s32 $0x1BF5;
	[smem:$0x3FB6] =	sst s0  }
0x18: {  	s0 =	sld [smem:$0x3F99];
	_ =	swait.ge [sflag:s4], $0x0  }
0x19: {  	s7 =	sld [smem:$0x3F9A]  }
0x1a: {  	s8 =	sadd.s32 $0xFFFFE003, lr  }
0x1b: {  	s9 =	sadd.s32 $0xFFFFFEF7, lr;
	s5 =	simm.s32 $0xFFFFFFFF;
	p2 =	slt.u32 s8, $0xFFFFF086  }
0x1c: {  	p1 =	slt.u32 s9, $0xF7A;
	s5 =	simm.s32 @!p2 $0x0  }
0x1d: {  	s5 =	simm.s32 @p1 $0x1;
	p0 =	seq.s32 s7, s2  }
0x1e: {  	s7 =	smul.u32 @!p0 $0xF7A, s2;
	p2 =	seq.s32 @!p0 s5, $0x0  }
0x1f: {  	s9 =	smul.u32 $0xF7A, s1;
	s8 =	simm.s32 @!p0 $0x1BF5;
	p2 =	por !p2, p0  }
0x20: {  	[sflag:s8] =	ssyncset.s32 @!p0 $0xFFFFF086;
	s6 =	sadd.s32 @!p0 s3, s7;
	s7 =	simm.s32 @!p0 $0x108  }
0x21: {  	s3 =	sadd.s32 s3, s9;
	s6 =	sadd.s32 @!p0 $0x88, s6;
	s7 =	simm.s32 @p2 $0x1082  }
0x22: {  	[simem:s7], [sflag:s8] =	dma.local @!p0 [hbm:s6], $0xF7A  }
0x23: {  	s9 =	sor.u32 $0xD0000000, s2;
	s6 =	simm.s32 $0x108;
	_ =	swait.ge @!p0 [sflag:s8], $0x0  }
0x24: {  	s3 =	sadd.s32 $0x88, s3;
	s6 =	simm.s32 @!p1 $0x1082;
	[sflag:s4] =	ssyncset.s32 $0xFFFFF086  }
0x25: {  	[simem:s6], [sflag:s4] =	dma.local [hbm:s3], $0xF7A  }
0x26: {  	[smem:$0x3F9A] =	sst s1;
	(tag) =	ssettag s2;
	_ =	strace s9  }
0x27: {  	s1 =	sld [smem:$0x3FAA]  }
0x28: {  	s2 =	sld [smem:$0x3FAB]  }
0x29: {  	s4 =	sld [smem:$0x3FAD]  }
0x2a: {  	p0 =	seq.s32 s5, $0x0;
	s5 =	sld [smem:$0x3FAE]  }
0x2b: {  	s6 =	sld [smem:$0x3FAF]  }
0x2c: {  	s7 =	sld [smem:$0x3FB0]  }
0x2d: {  	s3 =	simm.s32 $0x108;
	s8 =	sld [smem:$0x3FB1]  }
0x2e: {  	s3 =	simm.s32 @!p0 $0x1082;
	s9 =	sld [smem:$0x3FB2]  }
0x2f: {  	lr =	sadd.s32 s0, s3;
	s0 =	sld [smem:$0x3FA9]  }
0x30: {  	s3 =	sld [smem:$0x3FAC]  }
0x31: {  	[smem:$0x3FB5] =	sst s10  }
0x32: {  	s10 =	sld [smem:$0x3FB3];
	_ =	sdelay $0x3  }
0x33: {  	p0 =	seq.s32 s10, $0x1;
	s10 =	sld [smem:$0x3FB5];
	_ =	sdelay $0x3  }
0x34: {  	[smem:$0x3FB5] =	sst s10  }
0x35: {  	s10 =	sld [smem:$0x3FB4];
	_ =	sdelay $0x3  }
0x36: {  	p1 =	seq.s32 s10, $0x1;
	s10 =	sld [smem:$0x3FB5];
	_ =	sdelay $0x3  }
0x37: {  	[smem:$0x3FB5] =	sst s10  }
0x38: {  	s10 =	sld [smem:$0x3FB6]  }
0x39: {  	_ = 	snop;
	(pc) =	sbr.ind lr, $3  }
0x3a: {  	_ = 	snop  }
0x3b: {  	_ = 	snop  }
0x3c: {  	p2 =	seq.s32 s10, $0x1;
	s10 =	sld [smem:$0x3FB5]  }
0x3d: {  	_ =	shalt  }
0x3e: {  	_ =	shalt  }
0x3f: {  	_ =	shalt  }
0x40: {  	_ =	shalt  }
0x41: {  	_ =	shalt  }
0x42: {  	_ =	shalt  }
0x43: {  	_ =	shalt  }
0x44: {  	_ =	shalt  }
0x45: {  	_ =	shalt  }
0x46: {  	_ =	shalt  }
0x47: {  	_ =	shalt  }
0x48: {  	_ =	shalt  }
0x49: {  	_ =	shalt  }
0x4a: {  	_ =	shalt  }
0x4b: {  	_ =	shalt  }
0x4c: {  	_ =	shalt  }
0x4d: {  	_ =	shalt  }
0x4e: {  	_ =	shalt  }
0x4f: {  	_ =	shalt  }
0x50: {  	_ =	shalt  }
0x51: {  	_ =	shalt  }
0x52: {  	_ =	shalt  }
0x53: {  	_ =	shalt  }
0x54: {  	_ =	shalt  }
0x55: {  	_ =	shalt  }
0x56: {  	_ =	shalt  }
0x57: {  	_ =	shalt  }
0x58: {  	_ =	shalt  }
0x59: {  	_ =	shalt  }
0x5a: {  	_ =	shalt  }
0x5b: {  	_ =	shalt  }
0x5c: {  	_ =	shalt  }
0x5d: {  	_ =	shalt  }
0x5e: {  	_ =	shalt  }
0x5f: {  	_ =	shalt  }
0x60: {  	_ =	shalt  }
0x61: {  	_ =	shalt  }
0x62: {  	_ =	shalt  }
0x63: {  	_ =	shalt  }
0x64: {  	_ =	shalt  }
0x65: {  	_ =	shalt  }
0x66: {  	_ =	shalt  }
0x67: {  	_ =	shalt  }
0x68: {  	_ =	shalt  }
0x69: {  	_ =	shalt  }
0x6a: {  	_ =	shalt  }
0x6b: {  	_ =	shalt  }
0x6c: {  	_ =	shalt  }
0x6d: {  	_ =	shalt  }
0x6e: {  	_ =	shalt  }
0x6f: {  	_ =	shalt  }
0x70: {  	_ =	shalt  }
0x71: {  	_ =	shalt  }
0x72: {  	_ =	shalt  }
0x73: {  	_ =	shalt  }
0x74: {  	_ =	shalt  }
0x75: {  	_ =	shalt  }
0x76: {  	_ =	shalt  }
0x77: {  	_ =	shalt  }
0x78: {  	_ =	shalt  }
0x79: {  	_ =	shalt  }
0x7a: {  	_ =	shalt  }
0x7b: {  	_ =	shalt  }
0x7c: {  	_ =	shalt  }
0x7d: {  	_ =	shalt  }
0x7e: {  	_ =	shalt  }
0x7f: {  	_ =	shalt  }
0x80: {  	_ =	shalt  }
0x81: {  	_ =	shalt  }
0x82: {  	_ =	shalt  }
0x83: {  	_ =	shalt  }
0x84: {  	_ =	shalt  }
0x85: {  	_ =	shalt  }
0x86: {  	_ =	shalt  }
0x87: {  	_ =	shalt  }
.Lfunc_end0:
.L_simem_size_0:
called_computation_lowered:
.L_overlay_start_0:
0x88: {  	s2 =	sld [smem:$0x3FD9]  }
0x89: {  	s3 =	sld [smem:$0x3FFE];
	_ =	sdelay $0x1  }
0x8a: {  	s1 =	srdreg.scid  }
0x8b: {  	s0 =	sand.u32 $0x1, s1  }
0x8c: {  	s14 =	sshll.u32 s0, $0xA;
	s2 =	sadd.s32 s3, s2  }
0x8d: {  	s2 =	sadd.s32 s2, s14  }
0x8e: {  	[smem:$0x3FC1] =	sst s2  }
0x8f: {  	_ = 	snop  }
0x90: {  	s2 =	sld [smem:$0x3FD0];
	_ =	sdelay $0x2  }
0x91: {  	s15 =	simm.s32 $0xA;
	s4 =	simm.s32 $0x10  }
0x92: {  	[smem:s4], [sflag:s15] =	dma.local [hbm:s2], $0x1  }
0x93: {  	_ =	swait.eq [sflag:s15], $0x1  }
0x94: {  	[sflag:s15] =	ssyncset.done $0x0  }
0x95: {  	[sflag:s15] =	ssyncadd.s32 $0xFFFFFFFF  }
0x96: {  	s16 =	sld [smem:$0x10];
	(tm) =	ssettm $0x1  }
0x97: {  	s17 =	sld [smem:$0x3FFB];
	_ =	sdelay $0x3  }
0x98: {  	_ =	strace s17  }
0x99: {  	s3 =	sld [smem:$0x3FFC];
	_ =	sdelay $0x3  }
0x9a: {  	_ =	strace s3  }
0x9b: {  	s3 =	sld [smem:$0x3FFD];
	_ =	sdelay $0x3  }
0x9c: {  	_ =	strace s3  }
0x9d: {  	_ =	strace $0x8FFFFFFF  }
0x9e: {  	s18 =	sld [smem:$0x3FDB];
	_ =	sdelay $0x1  }
0x9f: {  	s19 =	simm.s32 $_scs_section_size  }
0xa0: {  	s5 =	simm.s32 $_size__tile_overlayer_lowered;
	s6 =	simm.s32 $_tile_overlayer_lowered  }
0xa1: {  	s22 =	simm.s32 $0x1BFF;
	s21 =	sshll.u32 s6, $0x1;
	s3 =	sadd.s32 s19, s18  }
0xa2: {  	s7 =	simm.s32 $0x0;
	s20 =	sshll.u32 s5, $0x1;
	s5 =	sadd.s32 s21, s3  }
0xa3: {  	[timem:s7], [sflag:s22] =	dma.local [hbm:s5], s20  }
0xa4: {  	_ =	swait.ge [sflag:s22], s20  }
0xa5: {  	s4 =	ssub.s32 $0x0, s20;
	[sflag:s22] =	ssyncset.done $0x0  }
0xa6: {  	[sflag:s22] =	ssyncadd.s32 s4;
	_ =	sdelay $0x1  }
0xa7: {  	s23 =	simm.s32 $0x1B8B  }
0xa8: {  	_ =	swait.ge [sflag:s23], $0x1  }
0xa9: {  	[sflag:s23] =	ssyncset.done $0x0  }
0xaa: {  	s25 =	simm.s32 $0x1B8E;
	s24 =	sld [smem:$0x3FFE];
	[sflag:s23] =	ssyncadd.s32 $0xFFFFFFFF  }
0xab: {  	s26 =	simm.s32 $execute0_lowered;
	[smem:$0x3FD2] =	sst s25  }
0xac: {  	s5 =	sshll.u32 s26, $0x1;
	_ =	strace $0x80000046;
	[dreg:$0x1] =	wrdreg $0xFFFFFFFF  }
0xad: {  	s28 =	simm.s32 $_size_execute0_lowered;
	s3 =	sadd.s32 s3, s5;
	[dreg:$0x0] =	wrdreg $0x0  }
0xae: {  	s5 =	sshll.u32 s28, $0x1;
	[dreg:$0x2] =	wrdreg s3  }
0xaf: {  	[dreg:$0x3] =	wrdreg s5  }
0xb0: {  	[dreg:$0x4] =	wrdreg $0xC0  }
0xb1: {  	_ =	task [dreg:s7], $0x5FFFF  }
0xb2: {  	[dreg:$0x1] =	wrdreg $0xFFFFFFFF  }
0xb3: {  	[dreg:$0x0] =	wrdreg $0x60  }
0xb4: {  	[dreg:$0x2] =	wrdreg s24  }
0xb5: {  	[dreg:$0x3] =	wrdreg s16  }
0xb6: {  	[dreg:$0x4] =	wrdreg $0x9  }
0xb7: {  	_ =	task.clear_ibuf [dreg:s7], $0x5FFFF;
	_ =	strace $0x90000046  }
0xb8: {  	s29 =	simm.s32 $0x9;
	_ =	strace $0x80000048  }
0xb9: {  	_ =	swait.ge [sflag:s29], $0x1  }
0xba: {  	[sflag:s29] =	ssyncadd.s32 $0xFFFFFFFF  }
0xbb: {  	_ =	strace $0x90000048  }
0xbc: {  	_ =	sfence  }
0xbd: {  	s30 =	sld [smem:$0x0];
	_ =	sdelay $0x2  }
0xbe: {  	s31 =	sshll.u32 s1, $0xD;
	s1 =	sshrl.u32 s1, $0x2  }
0xbf: {  	s3 =	sand.u32 $0x4000, s31;
	s1 =	sadd.s32 s1, s30  }
0xc0: {  	s0 =	sor.u32 s3, s0;
	s1 =	sshll.u32 s1, $0x11  }
0xc1: {  	s0 =	sor.u32 s1, s0  }
0xc2: {  	s0 =	sadd.s32 $0x8F2B, s0  }
0xc3: {  	[sflag:s0] =	ssyncadd.remote.s32 $0x1  }
0xc4: {  	_ =	sfence.sel $0xFFFF  }
0xc5: {  	[dreg:$0x0] =	wrdreg $0xFFFFFFFF;
	(pc) =	sbr.abs _section_cstart, $3  }
0xc6: {  	[dreg:$0x1] =	wrdreg $0xFFFFFFFF  }
0xc7: {  	_ =	task.clear_ibuf [dreg:s7], $0x2FFFF;
	_ =	strace $0x9FFFFFFF  }
0xc8: {  	(tm) =	ssettm $0x7FFFFFFF  }
0xc9: {  	_ =	shalt  }
tec
execute0_lowered:
.L_overlay_start_1:
0x0: {  	(tag) =	ssettag $0x1  }
0x1: {  	s0 =	rddreg [dreg:$0x0]  }
0x2: {  	s2 =	rddreg [dreg:$0x1];
	s3 =	simm.s32 $0x0  }
0x3: {  	s1 =	srdreg.scid;
	s4 =	stileid.u32;
	s17 =	simm.s32 $0x13900  }
0x4: {  	s21 =	simm.s32 $0x80;
	s15 =	simm.s32 $0x12000;
	s16 =	simm.s32 $0x12C80  }
0x5: {  	s18 =	simm.s32 $0x2;
	s19 =	simm.s32 $0x1C00;
	s28 =	simm.s32 $0x4  }
0x6: {  	s29 =	simm.s32 $0x6;
	s30 =	simm.s32 $0x8;
	s31 =	simm.s32 $0x1400  }
0x7: {  	[smem:$0x7FF] =	sst s3;
	s1 =	sand.u32 $0x1, s1;
	s4 =	sshll.u32 s4, $0x1  }
0x8: {  	s5 =	sadd.s32 $0x20200, s0;
	s7 =	sadd.s32 $0x3F600, s0;
	s11 =	sadd.s32 $0xA1200, s0  }
0x9: {  	_ =	strace $0x80000047;
	s8 =	sor.u32 s1, s4;
	s4 =	sadd.s32 $0xE00, s0  }
0xa: {  	[dreg:$0x3] =	wrdreg s11;
	s1 =	ssub.s32 $0x2, s1;
	s6 =	sshll.u32 s8, $0x5  }
0xb: {  	s9 =	smul.u32 $0xFA0, s8;
	s12 =	sshll.u32 s8, $0x8;
	s13 =	sshrl.u32 s1, $0x1  }
0xc: {  	s14 =	smul.u32 $0x3200, s8;
	s8 =	sshllo.u32 s8, $0x5;
	s10 =	sor.u32 $0x1, s6  }
0xd: {  	s0 =	sadd.s32 s12, s0;
	s1 =	ssub.s32 s1, s13;
	s23 =	sadd.s32 s4, s9  }
0xe: {  	s13 =	simm.s32 $0x1800;
	s9 =	sadd.s32 s5, s9;
	[dreg:$0x4] =	wrdreg s23  }
0xf: {  	s22 =	smul.u32 $0x7D, s10;
	s24 =	sadd.s32 s2, s14;
	[dreg:$0x6] =	wrdreg s9  }
0x10: {  	s10 =	smul.u32 $0x190, s10;
	s0 =	sadd.s32 $0xA1600, s0;
	[dreg:$0x7] =	wrdreg s24  }
.Ltmp0:
0x11: {  	s26 =	smax.u32 s1, $0x1;
	[dreg:$0x9] =	wrdreg s0;
	(pc) =	sbr.rel .LBB2_1-.Ltmp0, $4  }
0x12: {  	s1 =	simm.s32 $0x9;
	[dreg:$0xa] =	wrdreg s26;
	s23 =	simm.s32 $0x5  }
0x13: {  	v0 =	vlaneseq.u32;
	s24 =	simm.s32 $0x7;
	s26 =	simm.s32 $0x15240;
	s11 =	sadd.s32 s4, s22  }
0x14: {  	v1 =	vimm.s32 $0x0;
	v2 =	vor.u32 $0x10, v0;
	s9 =	simm.s32 $0x0;
	s25 =	sadd.s32 s2, s10;
	[dreg:$0x5] =	wrdreg s11  }
0x15: {  	v3 =	vor.u32 $0x20, v0;
	v4 =	vor.u32 $0x30, v0;
	v5 =	vmul.u32 $0x2, v0;
	s22 =	simm.s32 $0x3;
	[dreg:$0x8] =	wrdreg s25;
	s25 =	simm.s32 $0x1000  }
.LBB2_16:
0x16: {  	_ =	swait.ge [sflag:s24], $0xC80  }
0x17: {  	[sflag:s24] =	ssyncset.done $0x0  }
0x18: {  	[sflag:s24] =	ssyncadd.s32 $0xFFFFF380  }
0x19: {  	_ =	swait.ge [sflag:s30], $0xC80  }
0x1a: {  	[sflag:s30] =	ssyncset.done $0x0  }
0x1b: {  	s1 =	simm.s32 $0x9;
	s0 =	rddreg [dreg:$0x9];
	[sflag:s30] =	ssyncadd.s32 $0xFFFFF380  }
0x1c: {  	[hbm4b:s0+s3] =	stream.linear.scatter [tilespmem:s26], [sflag:$0x9], $0x800, $0x38;
	[tilespmem:$0x15A40] =	vst v63  }
0x1d: {  	_ =	swait.ge [sflag:s1], $0x800  }
0x1e: {  	s9 =	rddreg [dreg:$0xb]  }
0x1f: {  	s20 =	rddreg [dreg:$0xa];
	s9 =	sadd.s32 $0x1, s9  }
0x20: {  	p0 =	sne.s32 s9, s20  }
.Ltmp1:
0x21: {  	_ = 	snop;
	(pc) =	sbr.rel @!p0 .LBB2_17-.Ltmp1, $3  }
0x22: {  	_ =	sdelay $0x1  }
0x23: {  	[sflag:s1] =	ssyncset.done $0x0  }
0x24: {  	[sflag:s1] =	ssyncadd.s32 $0xFFFFF800  }
.LBB2_1:
0x25: {  	[dreg:$0xb] =	wrdreg s9  }
0x26: {  	s0 =	rddreg [dreg:$0x3]  }
0x27: {  	[tilespmem:s17], [sflag:$0x9] =	stream.linear.gather [hbm4b:s0+s3], $0x1940, $0x38;
	[tilespmem:$0x15A40] =	vst v63  }
0x28: {  	_ =	swait.ge [sflag:s1], $0x1940  }
0x29: {  	[sflag:s1] =	ssyncset.done $0x0  }
0x2a: {  	s11 =	rddreg [dreg:$0x4];
	[sflag:s1] =	ssyncadd.s32 $0xFFFFE6C0  }
0x2b: {  	[tilespmem:s3], [sflag:$0x1] =	stream.linear.gather [hbm4b:s11+s3], $0x3E8, $0x38;
	[tilespmem:$0x15A40] =	vst v63  }
0x2c: {  	s14 =	simm.s32 $0x400;
	s20 =	simm.s32 $0x1;
	s12 =	rddreg [dreg:$0x5]  }
0x2d: {  	[tilespmem:s14], [sflag:$0x2] =	stream.linear.gather [hbm4b:s12+s3], $0x3E8, $0x38;
	[tilespmem:$0x15A40] =	vst v63  }
0x2e: {  	_ =	swait.ge [sflag:s20], $0x3E8  }
0x2f: {  	[sflag:s20] =	ssyncset.done $0x0  }
0x30: {  	s0 =	simm.s32 $0x0;
	[sflag:s20] =	ssyncadd.s32 $0xFFFFFC18  }
0x31: {  	v6 =	vld [tilespmem:s0+$0x0]  }
0x32: {  	s1 =	simm.s32 $0x40  }
.LBB2_2:
0x33: {  	p0 =	sne.s32 s1, $0xFC0  }
.Ltmp2:
0x34: {  	_ = 	snop;
	(pc) =	sbr.rel @p0 .LBB2_2-.Ltmp2, $4  }
0x35: {  	_ = 	snop  }
0x36: {  	s9 =	sshra.s32 s1, $0x2;
	s1 =	sadd.s32 $0x40, s1;
	v7 =	vand.u32 $0x1FFFF, v6;
	v8 =	vshrl.u32 v6, $0xB  }
0x37: {  	v6 =	vld [tilespmem:s9+$0x0];
	[tilespmem:s0+$0x800] =	vst v7;
	v7 =	vand.u32 $0x1FC0, v8  }
0x38: {  	[tilespmem:s0+$0x1000] =	vst v7;
	s0 =	smov.u32 s9  }
0x39: {  	_ =	sdelay $0x2  }
0x3a: {  	v7 =	vand.u32 $0x1FFFF, v6;
	v6 =	vshrl.u32 v6, $0xB  }
0x3b: {  	[tilespmem:s0+$0x800] =	vst v7;
	v6 =	vand.u32 $0x1FC0, v6  }
0x3c: {  	[tilespmem:s0+$0x1000] =	vst v6  }
0x3d: {  	[tilespmem:$0xBE8] =	vst v1  }
0x3e: {  	s10 =	simm.s32 $0x800;
	s1 =	simm.s32 $0x2000;
	[tilespmem:$0xBF0] =	vst v1  }
0x3f: {  	[tilespmem:s1], [sflag:$0x5] =	stream.indirect.gather [hbm4b:s7+s21], $0x20, s10, s21, $0xb8;
	[tilespmem:$0x15A40] =	vst v63  }
0x40: {  	s11 =	simm.s32 $0x880;
	s12 =	simm.s32 $0x3000  }
0x41: {  	[tilespmem:s12], [sflag:$0x5] =	stream.indirect.gather [hbm4b:s7+s21], $0x20, s11, s21, $0xb8;
	[tilespmem:$0x15A40] =	vst v63  }
0x42: {  	s14 =	simm.s32 $0x900;
	s20 =	simm.s32 $0x4000  }
0x43: {  	[tilespmem:s20], [sflag:$0x5] =	stream.indirect.gather [hbm4b:s7+s21], $0x20, s14, s21, $0xb8;
	[tilespmem:$0x15A40] =	vst v63  }
0x44: {  	s9 =	simm.s32 $0x980;
	s10 =	simm.s32 $0x5000  }
0x45: {  	[tilespmem:s10], [sflag:$0x5] =	stream.indirect.gather [hbm4b:s7+s21], $0x20, s9, s21, $0xb8;
	[tilespmem:$0x15A40] =	vst v63  }
0x46: {  	s11 =	simm.s32 $0xA00;
	s12 =	simm.s32 $0x6000  }
0x47: {  	[tilespmem:s12], [sflag:$0x5] =	stream.indirect.gather [hbm4b:s7+s21], $0x20, s11, s21, $0xb8;
	[tilespmem:$0x15A40] =	vst v63  }
0x48: {  	s14 =	simm.s32 $0xA80;
	s20 =	simm.s32 $0x7000  }
0x49: {  	[tilespmem:s20], [sflag:$0x5] =	stream.indirect.gather [hbm4b:s7+s21], $0x20, s14, s21, $0xb8;
	[tilespmem:$0x15A40] =	vst v63  }
0x4a: {  	s1 =	simm.s32 $0xB00;
	s9 =	simm.s32 $0x8000  }
0x4b: {  	[tilespmem:s9], [sflag:$0x5] =	stream.indirect.gather [hbm4b:s7+s21], $0x20, s1, s21, $0xb8;
	[tilespmem:$0x15A40] =	vst v63  }
0x4c: {  	s10 =	simm.s32 $0xB80;
	s11 =	simm.s32 $0x9000  }
0x4d: {  	[tilespmem:s11], [sflag:$0x5] =	stream.indirect.gather [hbm4b:s7+s21], $0x20, s10, s21, $0xb8;
	[tilespmem:$0x15A40] =	vst v63  }
0x4e: {  	s0 =	simm.s32 $0x0;
	s12 =	rddreg [dreg:$0x6]  }
0x4f: {  	[tilespmem:s13], [sflag:$0x3] =	stream.linear.gather [hbm4b:s12+s0], $0x3E8, $0x38;
	[tilespmem:$0x15A40] =	vst v63  }
0x50: {  	s14 =	rddreg [dreg:$0x7]  }
0x51: {  	[hbm4b:s14+s0] =	stream.linear.scatter [tilespmem:s15], [sflag:$0x7], $0xC80, $0x38;
	[tilespmem:$0x15A40] =	vst v63  }
0x52: {  	s20 =	rddreg [dreg:$0x8]  }
0x53: {  	[hbm4b:s20+s0] =	stream.linear.scatter [tilespmem:s16], [sflag:$0x8], $0xC80, $0x38;
	[tilespmem:$0x15A40] =	vst v63  }
.LBB2_4:
0x54: {  	_ =	swait.ge [sflag:s18], $0x3E8  }
0x55: {  	[sflag:s18] =	ssyncset.done $0x0  }
0x56: {  	s1 =	simm.s32 $0x0;
	[sflag:s18] =	ssyncadd.s32 $0xFFFFFC18  }
0x57: {  	v6 =	vld [tilespmem:s1+$0x400]  }
0x58: {  	s9 =	simm.s32 $0x40  }
.LBB2_5:
0x59: {  	p0 =	sne.s32 s9, $0xFC0  }
.Ltmp3:
0x5a: {  	_ = 	snop;
	(pc) =	sbr.rel @p0 .LBB2_5-.Ltmp3, $4  }
0x5b: {  	_ = 	snop  }
0x5c: {  	s10 =	sshra.s32 s9, $0x2;
	s9 =	sadd.s32 $0x40, s9;
	v7 =	vand.u32 $0x1FFFF, v6;
	v8 =	vshrl.u32 v6, $0xB  }
0x5d: {  	v6 =	vld [tilespmem:s10+$0x400];
	[tilespmem:s1+$0xC00] =	vst v7;
	v7 =	vand.u32 $0x1FC0, v8  }
0x5e: {  	[tilespmem:s1+$0x1400] =	vst v7;
	s1 =	smov.u32 s10  }
0x5f: {  	_ =	sdelay $0x2  }
0x60: {  	v7 =	vand.u32 $0x1FFFF, v6;
	v6 =	vshrl.u32 v6, $0xB  }
0x61: {  	[tilespmem:s1+$0xC00] =	vst v7;
	v6 =	vand.u32 $0x1FC0, v6  }
0x62: {  	[tilespmem:s1+$0x1400] =	vst v6  }
0x63: {  	[tilespmem:$0xFE8] =	vst v1  }
0x64: {  	s10 =	simm.s32 $0xC00;
	s9 =	simm.s32 $0xA000;
	[tilespmem:$0xFF0] =	vst v1  }
0x65: {  	[tilespmem:s9], [sflag:$0x6] =	stream.indirect.gather [hbm4b:s7+s21], $0x20, s10, s21, $0xb8;
	[tilespmem:$0x15A40] =	vst v63  }
0x66: {  	s11 =	simm.s32 $0xC80;
	s12 =	simm.s32 $0xB000  }
0x67: {  	[tilespmem:s12], [sflag:$0x6] =	stream.indirect.gather [hbm4b:s7+s21], $0x20, s11, s21, $0xb8;
	[tilespmem:$0x15A40] =	vst v63  }
0x68: {  	s14 =	simm.s32 $0xD00;
	s20 =	simm.s32 $0xC000  }
0x69: {  	[tilespmem:s20], [sflag:$0x6] =	stream.indirect.gather [hbm4b:s7+s21], $0x20, s14, s21, $0xb8;
	[tilespmem:$0x15A40] =	vst v63  }
0x6a: {  	s9 =	simm.s32 $0xD80;
	s10 =	simm.s32 $0xD000  }
0x6b: {  	[tilespmem:s10], [sflag:$0x6] =	stream.indirect.gather [hbm4b:s7+s21], $0x20, s9, s21, $0xb8;
	[tilespmem:$0x15A40] =	vst v63  }
0x6c: {  	s1 =	sshll.u32 s0, $0x1;
	s11 =	simm.s32 $0xE00;
	s10 =	simm.s32 $0xE000  }
0x6d: {  	[tilespmem:s10], [sflag:$0x6] =	stream.indirect.gather [hbm4b:s7+s21], $0x20, s11, s21, $0xb8;
	[tilespmem:$0x15A40] =	vst v63  }
0x6e: {  	s10 =	sor.u32 s6, s1  }
0x6f: {  	s12 =	simm.s32 $0xE80;
	s11 =	simm.s32 $0xF000;
	s9 =	smul.u32 $0x3E8, s10  }
0x70: {  	[tilespmem:s11], [sflag:$0x6] =	stream.indirect.gather [hbm4b:s7+s21], $0x20, s12, s21, $0xb8;
	[tilespmem:$0x15A40] =	vst v63  }
0x71: {  	s14 =	simm.s32 $0xF00;
	s12 =	simm.s32 $0x10000;
	s11 =	sadd.s32 $0x3E8, s9  }
0x72: {  	[tilespmem:s12], [sflag:$0x6] =	stream.indirect.gather [hbm4b:s7+s21], $0x20, s14, s21, $0xb8;
	[tilespmem:$0x15A40] =	vst v63  }
0x73: {  	s20 =	simm.s32 $0xF80;
	s14 =	simm.s32 $0x11000;
	s11 =	sshrl.u32 s11, $0x3  }
0x74: {  	[tilespmem:s14], [sflag:$0x6] =	stream.indirect.gather [hbm4b:s7+s21], $0x20, s20, s21, $0xb8;
	[tilespmem:$0x15A40] =	vst v63  }
0x75: {  	s11 =	sadd.s32 s5, s11  }
0x76: {  	[tilespmem:s19], [sflag:$0x4] =	stream.linear.gather [hbm4b:s11+s3], $0x3E8, $0x38;
	[tilespmem:$0x15A40] =	vst v63  }
0x77: {  	_ =	swait.ge [sflag:s22], $0x3E8  }
0x78: {  	[sflag:s22] =	ssyncset.done $0x0  }
0x79: {  	[sflag:s22] =	ssyncadd.s32 $0xFFFFFC18  }
0x7a: {  	_ =	swait.ge [sflag:s23], $0x1000  }
0x7b: {  	[sflag:s23] =	ssyncset.done $0x0  }
0x7c: {  	[sflag:s23] =	ssyncadd.s32 $0xFFFFF000  }
0x7d: {  	_ =	swait.ge [sflag:s23], $0x1000  }
0x7e: {  	[sflag:s23] =	ssyncset.done $0x0  }
0x7f: {  	[sflag:s23] =	ssyncadd.s32 $0xFFFFF000  }
0x80: {  	_ =	swait.ge [sflag:s23], $0x1000  }
0x81: {  	[sflag:s23] =	ssyncset.done $0x0  }
0x82: {  	[sflag:s23] =	ssyncadd.s32 $0xFFFFF000  }
0x83: {  	_ =	swait.ge [sflag:s23], $0x1000  }
0x84: {  	[sflag:s23] =	ssyncset.done $0x0  }
0x85: {  	[sflag:s23] =	ssyncadd.s32 $0xFFFFF000  }
0x86: {  	_ =	swait.ge [sflag:s23], $0x1000  }
0x87: {  	[sflag:s23] =	ssyncset.done $0x0  }
0x88: {  	[sflag:s23] =	ssyncadd.s32 $0xFFFFF000  }
0x89: {  	_ =	swait.ge [sflag:s23], $0x1000  }
0x8a: {  	[sflag:s23] =	ssyncset.done $0x0  }
0x8b: {  	[sflag:s23] =	ssyncadd.s32 $0xFFFFF000  }
0x8c: {  	_ =	swait.ge [sflag:s23], $0x1000  }
0x8d: {  	[sflag:s23] =	ssyncset.done $0x0  }
0x8e: {  	[sflag:s23] =	ssyncadd.s32 $0xFFFFF000  }
0x8f: {  	_ =	swait.ge [sflag:s23], $0x1000  }
0x90: {  	[sflag:s23] =	ssyncset.done $0x0  }
0x91: {  	s10 =	smul.u32 $0x190, s10;
	[sflag:s23] =	ssyncadd.s32 $0xFFFFF000  }
0x92: {  	_ =	swait.ge [sflag:s24], $0xC80  }
0x93: {  	v8 =	vimm.f32 $0.0e+00;
	s12 =	simm.s32 $0x2140;
	s14 =	sadd.s32 s2, s10;
	[sflag:s24] =	ssyncset.done $0x0  }
0x94: {  	v9 =	vimm.f32 $0.0e+00;
	v7 =	vimm.f32 $0.0e+00;
	v6 =	vimm.f32 $0.0e+00;
	s10 =	simm.s32 $0x13;
	s11 =	simm.s32 $0x21;
	[sflag:s24] =	ssyncadd.s32 $0xFFFFF380  }
.LBB2_7:
0x95: {  	s20 =	sadd.s32 $0xFFFFFFED, s10  }
0x96: {  	v18 =	vld [tilespmem:s12+$0xFFFFFEC0];
	v10 =	vmov s20  }
0x97: {  	v19 =	vld [tilespmem:s12+$0xFFFFFED0];
	v10 =	vand.u32 $0xFFFFFFFC, v10  }
0x98: {  	v24 =	vld [tilespmem:s12+$0xFFFFFEE0];
	s20 =	sadd.s32 $0xFFFFFFEE, s10;
	v10 =	vbroadcast v10, $0x0  }
0x99: {  	v26 =	vld [tilespmem:s12+$0xFFFFFEF0];
	v12 =	vmov s20;
	s20 =	sadd.s32 $0xFFFFFFEF, s10  }
0x9a: {  	v32 =	vld [tilespmem:s12+$0xFFFFFF00];
	v17 =	vmov s20;
	s20 =	sadd.s32 $0xFFFFFFF0, s10  }
0x9b: {  	v34 =	vld [tilespmem:s12+$0xFFFFFF10];
	v25 =	vmov s20  }
0x9c: {  	v51 =	vld [tilespmem:s12+$0xFFFFFF20];
	v12 =	vand.u32 $0xFFFFFFFD, v12  }
0x9d: {  	v39 =	vld [tilespmem:s12+$0xFFFFFF30];
	v12 =	vbroadcast v12, $0x0;
	s20 =	sadd.s32 $0xFFFFFFF1, s10  }
0x9e: {  	v17 =	vand.u32 $0xFFFFFFFE, v17;
	v31 =	vmov s20;
	s20 =	sadd.s32 $0xFFFFFFF2, s10;
	v11 =	vld.idx.msk [tilespmem:v10+s25+$0x0], $0xffff  }
0x9f: {  	v17 =	vbroadcast v17, $0x0;
	v38 =	vmov s20;
	s20 =	sadd.s32 $0xFFFFFFF3, s10;
	v10 =	vld.idx.msk [tilespmem:v10+s13+$0x0], $0xffff  }
0xa0: {  	v31 =	vand.u32 $0xFFFFFFFC, v31;
	v42 =	vmov s20;
	v30 =	vld.idx.msk [tilespmem:v25+s25+$0x0], $0xffff  }
0xa1: {  	v31 =	vbroadcast v31, $0x0;
	v42 =	vand.u32 $0xFFFFFFFE, v42;
	v25 =	vld.idx.msk [tilespmem:v25+s13+$0x0], $0xffff  }
0xa2: {  	v38 =	vand.u32 $0xFFFFFFFD, v38;
	v57 =	vbroadcast v42, $0x0;
	v42 =	vld [tilespmem:s12+$0xFFFFFFA0]  }
0xa3: {  	v38 =	vbroadcast v38, $0x0;
	v16 =	vld.idx.msk [tilespmem:v12+s25+$0x0], $0xffff  }
0xa4: {  	v12 =	vld.idx.msk [tilespmem:v12+s13+$0x0], $0xffff  }
0xa5: {  	v23 =	vld.idx.msk [tilespmem:v17+s25+$0x0], $0xffff  }
0xa6: {  	v17 =	vld.idx.msk [tilespmem:v17+s13+$0x0], $0xffff;
	v13 =	vadd.s32 v0, v11  }
0xa7: {  	v37 =	vld.idx.msk [tilespmem:v31+s25+$0x0], $0xffff;
	v14 =	vadd.s32 v2, v11  }
0xa8: {  	v31 =	vld.idx.msk [tilespmem:v31+s13+$0x0], $0xffff;
	v15 =	vadd.s32 v3, v11  }
0xa9: {  	v11 =	vadd.s32 v4, v11;
	v41 =	vld.idx.msk [tilespmem:v38+s25+$0x0], $0xffff  }
0xaa: {  	v20 =	vadd.s32 v0, v16;
	v47 =	vld.idx.msk [tilespmem:v57+s25+$0x0], $0xffff  }
0xab: {  	v21 =	vadd.s32 v2, v16;
	v13 =	vld.idx.msk [tilespmem:v13+s17+$0x0], $0xffff  }
0xac: {  	v22 =	vadd.s32 v3, v16;
	v14 =	vld.idx.msk [tilespmem:v14+s17+$0x0], $0xffff  }
0xad: {  	v16 =	vadd.s32 v4, v16;
	v15 =	vld.idx.msk [tilespmem:v15+s17+$0x0], $0xffff  }
0xae: {  	v27 =	vadd.s32 v0, v23;
	v11 =	vld.idx.msk [tilespmem:v11+s17+$0x0], $0xffff  }
0xaf: {  	v28 =	vadd.s32 v2, v23;
	v20 =	vld.idx.msk [tilespmem:v20+s17+$0x0], $0xffff  }
0xb0: {  	v33 =	vshll.u32 v18, $0x10;
	v18 =	vand.u32 $0xFFFF0000, v18;
	v29 =	vadd.s32 v3, v23;
	v21 =	vld.idx.msk [tilespmem:v21+s17+$0x0], $0xffff  }
0xb1: {  	v35 =	vshll.u32 v19, $0x10;
	v19 =	vand.u32 $0xFFFF0000, v19;
	v23 =	vadd.s32 v4, v23;
	v22 =	vld.idx.msk [tilespmem:v22+s17+$0x0], $0xffff  }
0xb2: {  	v52 =	vshll.u32 v24, $0x10;
	v49 =	vadd.s32 v0, v30;
	v54 =	vadd.s32 v0, v37;
	v16 =	vld.idx.msk [tilespmem:v16+s17+$0x0], $0xffff  }
0xb3: {  	v55 =	vadd.s32 v2, v37;
	v40 =	vadd.s32 v3, v37;
	v37 =	vadd.s32 v4, v37;
	v27 =	vld.idx.msk [tilespmem:v27+s17+$0x0], $0xffff  }
0xb4: {  	v24 =	vand.u32 $0xFFFF0000, v24;
	v56 =	vshll.u32 v26, $0x10;
	v50 =	vadd.s32 v2, v30;
	v28 =	vld.idx.msk [tilespmem:v28+s17+$0x0], $0xffff  }
0xb5: {  	v26 =	vand.u32 $0xFFFF0000, v26;
	v59 =	vshll.u32 v32, $0x10;
	v60 =	vand.u32 $0xFFFF0000, v32;
	v48 =	vld.idx.msk [tilespmem:v29+s17+$0x0], $0xffff  }
0xb6: {  	v62 =	vshll.u32 v34, $0x10;
	v34 =	vand.u32 $0xFFFF0000, v34;
	v36 =	vadd.s32 v3, v30;
	v23 =	vld.idx.msk [tilespmem:v23+s17+$0x0], $0xffff  }
0xb7: {  	v30 =	vadd.s32 v4, v30;
	v61 =	vadd.s32 v0, v41;
	v63 =	vadd.s32 v2, v41;
	v29 =	vld.idx.msk [tilespmem:v49+s17+$0x0], $0xffff  }
0xb8: {  	v46 =	vadd.s32 v3, v41;
	v37 =	vld.idx.msk [tilespmem:v37+s17+$0x0], $0xffff;
	v13 =	vmul.f32 v33, v13;
	v14 =	vmul.f32 v18, v14  }
0xb9: {  	v41 =	vadd.s32 v4, v41;
	v15 =	vmul.f32 v35, v15;
	v33 =	vld.idx.msk [tilespmem:v50+s17+$0x0], $0xffff;
	v11 =	vmul.f32 v19, v11  }
0xba: {  	v49 =	vshll.u32 v51, $0x10;
	v18 =	vld.idx.msk [tilespmem:v38+s13+$0x0], $0xffff;
	v19 =	vmul.f32 v52, v20;
	v53 =	vmul.f32 v24, v21  }
0xbb: {  	s20 =	sadd.s32 $0xFFFFFFF4, s10;
	v51 =	vand.u32 $0xFFFF0000, v51;
	v38 =	vld [tilespmem:s12+$0xFFFFFF60];
	v22 =	vmul.f32 v56, v22;
	v16 =	vmul.f32 v26, v16  }
0xbc: {  	v50 =	vmov s20;
	v35 =	vld [tilespmem:s12+$0xFFFFFF80];
	v13 =	vmul.f32 v13, v10;
	v14 =	vmul.f32 v14, v10  }
0xbd: {  	v21 =	vld.idx.msk [tilespmem:v36+s17+$0x0], $0xffff;
	v52 =	vshll.u32 v39, $0x10;
	v15 =	vmul.f32 v15, v10;
	v10 =	vmul.f32 v11, v10  }
0xbe: {  	v36 =	vld [tilespmem:s12+$0xFFFFFF40];
	v56 =	vand.u32 $0xFFFF0000, v39;
	v28 =	vmul.f32 v60, v28;
	v44 =	vmul.f32 v62, v48  }
0xbf: {  	v26 =	vld.idx.msk [tilespmem:v57+s13+$0x0], $0xffff;
	v57 =	vadd.s32 v3, v47;
	v48 =	vmul.f32 v34, v23;
	v19 =	vmul.f32 v19, v12  }
0xc0: {  	v11 =	vld.idx.msk [tilespmem:v30+s17+$0x0], $0xffff;
	v30 =	vadd.s32 v4, v47;
	v20 =	vmul.f32 v53, v12;
	v58 =	vmul.f32 v22, v12  }
0xc1: {  	s20 =	sadd.s32 $0xFFFFFFF5, s10;
	v24 =	vld.idx.msk [tilespmem:v54+s17+$0x0], $0xffff;
	v12 =	vmul.f32 v16, v12;
	v16 =	vmul.f32 v59, v27;
	v53 =	vadd.s32 v0, v47  }
0xc2: {  	v23 =	vld.idx.msk [tilespmem:v63+s17+$0x0], $0xffff;
	v59 =	vmov s20;
	v13 =	vadd.f32 $0.0e+00, v13;
	v14 =	vadd.f32 $0.0e+00, v14  }
0xc3: {  	v34 =	vld [tilespmem:s12+$0xFFFFFF90];
	v15 =	vadd.f32 $0.0e+00, v15;
	v10 =	vadd.f32 $0.0e+00, v10;
	v45 =	vmul.f32 v28, v17  }
0xc4: {  	v22 =	vld [tilespmem:s12+$0xFFFFFF50];
	v16 =	vmul.f32 v16, v17;
	v13 =	vadd.f32 v19, v13;
	v14 =	vadd.f32 v20, v14  }
0xc5: {  	v19 =	vld.idx.msk [tilespmem:v55+s17+$0x0], $0xffff;
	v15 =	vadd.f32 v58, v15;
	v10 =	vadd.f32 v12, v10;
	v12 =	vmul.f32 v44, v17  }
0xc6: {  	v54 =	vmul.f32 v52, v21;
	v21 =	vld.idx.msk [tilespmem:v41+s17+$0x0], $0xffff;
	v55 =	vadd.s32 v2, v47;
	v41 =	vand.u32 $0xFFFFFFFC, v59  }
0xc7: {  	v20 =	vld.idx.msk [tilespmem:v61+s17+$0x0], $0xffff;
	v60 =	vshll.u32 v36, $0x10;
	v61 =	vand.u32 $0xFFFF0000, v36;
	v11 =	vmul.f32 v56, v11  }
0xc8: {  	v27 =	vld.idx.msk [tilespmem:v40+s17+$0x0], $0xffff;
	v13 =	vadd.f32 v16, v13;
	v12 =	vadd.f32 v12, v15;
	v16 =	vmul.f32 v48, v17  }
0xc9: {  	s20 =	sadd.s32 $0xFFFFFFF6, s10;
	v58 =	vld.idx.msk [tilespmem:v50+s25+$0x0], $0xffff;
	v15 =	vmul.f32 v49, v29;
	v17 =	vmul.f32 v51, v33;
	v62 =	vshll.u32 v22, $0x10  }
0xca: {  	v28 =	vld.idx.msk [tilespmem:v46+s17+$0x0], $0xffff;
	v22 =	vand.u32 $0xFFFF0000, v22;
	v48 =	vmov s20;
	v11 =	vmul.f32 v11, v25  }
0xcb: {  	v32 =	vld.idx.msk [tilespmem:v50+s13+$0x0], $0xffff;
	v22 =	vmul.f32 v22, v37;
	v39 =	vand.u32 $0xFFFFFFFD, v48;
	v15 =	vmul.f32 v15, v25  }
0xcc: {  	v29 =	vld [tilespmem:s12+$0xFFFFFF70];
	v10 =	vadd.f32 v16, v10;
	v17 =	vmul.f32 v17, v25;
	v16 =	vmul.f32 v54, v25  }
0xcd: {  	v14 =	vadd.f32 v45, v14;
	v51 =	vbroadcast v39, $0x0;
	v25 =	vld.idx.msk [tilespmem:v55+s17+$0x0], $0xffff;
	v19 =	vmul.f32 v61, v19  }
0xce: {  	v63 =	vadd.s32 v0, v58;
	v45 =	vadd.s32 v2, v58;
	v13 =	vadd.f32 v15, v13;
	v15 =	vld.idx.msk [tilespmem:v53+s17+$0x0], $0xffff  }
0xcf: {  	v12 =	vadd.f32 v16, v12;
	v16 =	vmul.f32 v60, v24;
	v24 =	vmul.f32 v62, v27;
	v27 =	vld.idx.msk [tilespmem:v57+s17+$0x0], $0xffff  }
0xd0: {  	v46 =	vadd.s32 v3, v58;
	v14 =	vadd.f32 v17, v14;
	v17 =	vbroadcast v41, $0x0;
	v41 =	vld [tilespmem:s12+$0x0]  }
0xd1: {  	v52 =	vmul.f32 v22, v31;
	v10 =	vadd.f32 v11, v10;
	v11 =	vmul.f32 v16, v31;
	v16 =	vld.idx.msk [tilespmem:v30+s17+$0x0], $0xffff  }
0xd2: {  	v19 =	vmul.f32 v19, v31;
	v24 =	vmul.f32 v24, v31;
	v31 =	vld [tilespmem:s12+$0xFFFFFFB0]  }
0xd3: {  	v49 =	vshll.u32 v38, $0x10;
	v10 =	vadd.f32 v52, v10;
	v52 =	vld [tilespmem:s12+$0xFFFFFFE0]  }
0xd4: {  	v44 =	vshll.u32 v34, $0x10;
	v50 =	vmul.f32 v49, v20;
	v20 =	vld.idx.msk [tilespmem:v63+s17+$0x0], $0xffff  }
0xd5: {  	s20 =	sadd.s32 $0xFFFFFFF7, s10;
	v48 =	vshll.u32 v42, $0x10;
	v54 =	vand.u32 $0xFFFF0000, v38;
	v40 =	vadd.s32 v4, v58;
	v53 =	vld.idx.msk [tilespmem:v45+s17+$0x0], $0xffff  }
0xd6: {  	v23 =	vmul.f32 v54, v23;
	v62 =	vmov s20;
	v55 =	vshll.u32 v29, $0x10;
	v57 =	vld.idx.msk [tilespmem:v46+s17+$0x0], $0xffff  }
0xd7: {  	v29 =	vand.u32 $0xFFFF0000, v29;
	v38 =	vand.u32 $0xFFFFFFFE, v62;
	v56 =	vmul.f32 v55, v28;
	v61 =	vld.idx.msk [tilespmem:v51+s25+$0x0], $0xffff  }
0xd8: {  	s20 =	sadd.s32 $0xFFFFFFF8, s10;
	v21 =	vmul.f32 v29, v21;
	v11 =	vadd.f32 v11, v13;
	v13 =	vmul.f32 v50, v18;
	v29 =	vld.idx.msk [tilespmem:v51+s13+$0x0], $0xffff  }
0xd9: {  	v54 =	vmov s20;
	v38 =	vbroadcast v38, $0x0;
	v12 =	vadd.f32 v24, v12;
	v47 =	vld.idx.msk [tilespmem:v17+s25+$0x0], $0xffff  }
0xda: {  	v24 =	vmul.f32 v56, v18;
	v63 =	vshll.u32 v35, $0x10;
	v11 =	vadd.f32 v13, v11;
	v13 =	vld.idx.msk [tilespmem:v40+s17+$0x0], $0xffff  }
0xdb: {  	v23 =	vmul.f32 v23, v18;
	v14 =	vadd.f32 v19, v14;
	v15 =	vmul.f32 v63, v15;
	v17 =	vld.idx.msk [tilespmem:v17+s13+$0x0], $0xffff  }
0xdc: {  	v18 =	vmul.f32 v21, v18;
	v21 =	vmul.f32 v44, v27;
	v40 =	vld [tilespmem:s12+$0xFFFFFFC0];
	v12 =	vadd.f32 v24, v12  }
0xdd: {  	v24 =	vld [tilespmem:s12+$0xFFFFFFD0];
	v15 =	vmul.f32 v15, v26;
	v45 =	vadd.s32 v0, v61;
	v20 =	vmul.f32 v48, v20  }
0xde: {  	v35 =	vand.u32 $0xFFFF0000, v35;
	v62 =	vld.idx.msk [tilespmem:v54+s25+$0x0], $0xffff;
	v21 =	vmul.f32 v21, v26;
	v46 =	vadd.s32 v2, v61  }
0xdf: {  	v50 =	vld.idx.msk [tilespmem:v38+s25+$0x0], $0xffff;
	v11 =	vadd.f32 v15, v11;
	v49 =	vadd.s32 v3, v61;
	v20 =	vmul.f32 v20, v32  }
0xe0: {  	v51 =	vand.u32 $0xFFFF0000, v42;
	v14 =	vadd.f32 v23, v14;
	v12 =	vadd.f32 v21, v12;
	v21 =	vld [tilespmem:s12+$0xFFFFFFF0]  }
0xe1: {  	s20 =	sadd.s32 $0xFFFFFFF9, s10;
	v43 =	vmul.f32 v35, v25;
	v58 =	vadd.s32 v0, v47;
	v11 =	vadd.f32 v20, v11;
	v20 =	vld.idx.msk [tilespmem:v38+s13+$0x0], $0xffff  }
0xe2: {  	v63 =	vmov s20;
	v22 =	vmul.f32 v51, v53;
	v59 =	vadd.s32 v2, v47;
	v27 =	vld.idx.msk [tilespmem:v45+s17+$0x0], $0xffff  }
0xe3: {  	v10 =	vadd.f32 v18, v10;
	v23 =	vmul.f32 v43, v26;
	v60 =	vadd.s32 v3, v47;
	v18 =	vld.idx.msk [tilespmem:v46+s17+$0x0], $0xffff  }
0xe4: {  	v36 =	vadd.s32 v4, v61;
	v37 =	vadd.s32 v4, v47;
	v55 =	vmul.f32 v22, v32;
	v22 =	vld.idx.msk [tilespmem:v49+s17+$0x0], $0xffff  }
0xe5: {  	v47 =	vand.u32 $0xFFFF0000, v34;
	v44 =	vshll.u32 v24, $0x10;
	v45 =	vand.u32 $0xFFFF0000, v24;
	v24 =	vld [tilespmem:s12+$0x10]  }
0xe6: {  	v14 =	vadd.f32 v23, v14;
	v48 =	vadd.s32 v2, v62;
	v16 =	vmul.f32 v47, v16;
	v30 =	vld.idx.msk [tilespmem:v58+s17+$0x0], $0xffff  }
0xe7: {  	v53 =	vshll.u32 v31, $0x10;
	v23 =	vand.u32 $0xFFFF0000, v52;
	v34 =	vadd.s32 v4, v50;
	v19 =	vld.idx.msk [tilespmem:v59+s17+$0x0], $0xffff  }
0xe8: {  	v16 =	vmul.f32 v16, v26;
	v26 =	vmul.f32 v53, v57;
	v57 =	vadd.s32 v0, v50;
	v25 =	vld.idx.msk [tilespmem:v60+s17+$0x0], $0xffff  }
0xe9: {  	v42 =	vand.u32 $0xFFFF0000, v40;
	v51 =	vadd.s32 v3, v62;
	v46 =	vadd.s32 v0, v62;
	v15 =	vld.idx.msk [tilespmem:v37+s17+$0x0], $0xffff  }
0xea: {  	v35 =	vadd.s32 v4, v62;
	v47 =	vshll.u32 v52, $0x10;
	v58 =	vand.u32 $0xFFFF0000, v31;
	v31 =	vld.idx.msk [tilespmem:v36+s17+$0x0], $0xffff  }
0xeb: {  	v14 =	vadd.f32 v55, v14;
	v59 =	vadd.s32 v2, v50;
	v13 =	vmul.f32 v58, v13;
	v58 =	vld.idx.msk [tilespmem:v48+s17+$0x0], $0xffff  }
0xec: {  	s20 =	sadd.s32 $0xFFFFFFFA, s10;
	v61 =	vadd.s32 v3, v50;
	v56 =	vmul.f32 v26, v32;
	v36 =	vand.u32 $0xFFFFFFFC, v63;
	v34 =	vld.idx.msk [tilespmem:v34+s17+$0x0], $0xffff  }
0xed: {  	v53 =	vmov s20;
	v36 =	vbroadcast v36, $0x0;
	v13 =	vmul.f32 v13, v32;
	v26 =	vld.idx.msk [tilespmem:v57+s17+$0x0], $0xffff  }
0xee: {  	v60 =	vshll.u32 v40, $0x10;
	v50 =	vmul.f32 v47, v27;
	v18 =	vmul.f32 v23, v18;
	v55 =	vld.idx.msk [tilespmem:v46+s17+$0x0], $0xffff  }
0xef: {  	v10 =	vadd.f32 v16, v10;
	v27 =	vld.idx.msk [tilespmem:v51+s17+$0x0], $0xffff;
	v16 =	vmul.f32 v60, v30;
	v43 =	vmul.f32 v42, v19  }
0xf0: {  	v63 =	vand.u32 $0xFFFF0000, v41;
	v33 =	vld.idx.msk [tilespmem:v59+s17+$0x0], $0xffff;
	v19 =	vmul.f32 v44, v25;
	v15 =	vmul.f32 v45, v15  }
0xf1: {  	v10 =	vadd.f32 v13, v10;
	v25 =	vld.idx.msk [tilespmem:v35+s17+$0x0], $0xffff;
	v16 =	vmul.f32 v16, v17;
	v13 =	vmul.f32 v43, v17  }
0xf2: {  	v12 =	vadd.f32 v56, v12;
	v19 =	vmul.f32 v19, v17;
	v49 =	vmul.f32 v15, v17;
	v17 =	vld.idx.msk [tilespmem:v54+s13+$0x0], $0xffff  }
0xf3: {  	v57 =	vshll.u32 v21, $0x10;
	v21 =	vand.u32 $0xFFFF0000, v21;
	v30 =	vand.u32 $0xFFFFFFFD, v53;
	v52 =	vld.idx.msk [tilespmem:v36+s25+$0x0], $0xffff  }
0xf4: {  	s20 =	sadd.s32 $0xFFFFFFFB, s10;
	v47 =	vshll.u32 v24, $0x10;
	v24 =	vand.u32 $0xFFFF0000, v24;
	v56 =	vbroadcast v30, $0x0;
	v54 =	vld [tilespmem:s12+$0x20]  }
0xf5: {  	v18 =	vmul.f32 v18, v29;
	v21 =	vmul.f32 v21, v31;
	v42 =	vmov s20;
	v31 =	vld.idx.msk [tilespmem:v36+s13+$0x0], $0xffff  }
0xf6: {  	v59 =	vshll.u32 v41, $0x10;
	v15 =	vmul.f32 v50, v29;
	v43 =	vld [tilespmem:s12+$0x40];
	v36 =	vand.u32 $0xFFFFFFFE, v42  }
0xf7: {  	v21 =	vmul.f32 v21, v29;
	v45 =	vbroadcast v36, $0x0;
	v11 =	vadd.f32 v16, v11;
	v16 =	vld.idx.msk [tilespmem:v61+s17+$0x0], $0xffff  }
0xf8: {  	v24 =	vmul.f32 v24, v34;
	v13 =	vadd.f32 v13, v14;
	v14 =	vmul.f32 v57, v22;
	v22 =	vld [tilespmem:s12+$0x30]  }
0xf9: {  	v12 =	vadd.f32 v19, v12;
	v10 =	vadd.f32 v49, v10;
	v61 =	vmul.f32 v59, v26;
	v49 =	vld [tilespmem:s12+$0x50]  }
0xfa: {  	v11 =	vadd.f32 v15, v11;
	v13 =	vadd.f32 v18, v13;
	v14 =	vmul.f32 v14, v29;
	v41 =	vld.idx.msk [tilespmem:v56+s25+$0x0], $0xffff  }
0xfb: {  	v18 =	vmul.f32 v61, v20;
	v48 =	vshll.u32 v54, $0x10;
	v54 =	vand.u32 $0xFFFF0000, v54;
	v23 =	vld.idx.msk [tilespmem:v56+s13+$0x0], $0xffff  }
0xfc: {  	s20 =	sadd.s32 $0xFFFFFFFC, s10;
	v29 =	vmul.f32 v63, v33;
	v10 =	vadd.f32 v21, v10;
	v15 =	vmul.f32 v54, v58;
	v58 =	vld [tilespmem:s12+$0x60]  }
0xfd: {  	v63 =	vmov s20;
	v60 =	vadd.s32 v0, v52;
	v62 =	vadd.s32 v2, v52;
	v36 =	vld.idx.msk [tilespmem:v45+s25+$0x0], $0xffff  }
0xfe: {  	v40 =	vadd.s32 v3, v52;
	v28 =	vadd.s32 v4, v52;
	v39 =	vshll.u32 v43, $0x10;
	v21 =	vld.idx.msk [tilespmem:v45+s13+$0x0], $0xffff  }
0xff: {  	v46 =	vmul.f32 v29, v20;
	v16 =	vmul.f32 v47, v16;
	v61 =	vand.u32 $0xFFFF0000, v22;
	v47 =	vld [tilespmem:s12+$0x80]  }
0x100: {  	v19 =	vmul.f32 v48, v55;
	v55 =	vshll.u32 v22, $0x10;
	v38 =	vmul.f32 v61, v25;
	v25 =	vld [tilespmem:s12+$0x70]  }
0x101: {  	v12 =	vadd.f32 v14, v12;
	v11 =	vadd.f32 v18, v11;
	v57 =	vmul.f32 v55, v27;
	v55 =	vld [tilespmem:s12+$0x90]  }
0x102: {  	s20 =	sadd.s32 $0xFFFFFFFD, s10;
	v30 =	vand.u32 $0xFFFF0000, v49;
	v13 =	vadd.f32 v46, v13;
	v19 =	vmul.f32 v19, v17;
	v45 =	vld.idx.msk [tilespmem:v63+s25+$0x0], $0xffff  }
0x103: {  	v15 =	vmul.f32 v15, v17;
	v46 =	vmov s20;
	v44 =	vld.idx.msk [tilespmem:v60+s17+$0x0], $0xffff;
	v51 =	vadd.s32 v0, v41  }
0x104: {  	s20 =	sadd.s32 $0xFFFFFFFE, s10;
	v16 =	vmul.f32 v16, v20;
	v20 =	vmul.f32 v24, v20;
	v26 =	vld.idx.msk [tilespmem:v62+s17+$0x0], $0xffff;
	v53 =	vadd.s32 v2, v41  }
0x105: {  	v35 =	vand.u32 $0xFFFFFFFC, v46;
	v37 =	vmov s20;
	v50 =	vld.idx.msk [tilespmem:v40+s17+$0x0], $0xffff;
	v56 =	vadd.s32 v3, v41  }
0x106: {  	v52 =	vld.idx.msk [tilespmem:v28+s17+$0x0], $0xffff;
	v59 =	vadd.s32 v4, v41;
	v11 =	vadd.f32 v19, v11;
	v13 =	vadd.f32 v15, v13  }
0x107: {  	v15 =	vmul.f32 v38, v17;
	v41 =	vand.u32 $0xFFFF0000, v43;
	v43 =	vshll.u32 v49, $0x10;
	v38 =	vld [tilespmem:s12+$0xA0]  }
0x108: {  	v12 =	vadd.f32 v16, v12;
	v16 =	vmul.f32 v57, v17;
	v40 =	vadd.s32 v0, v36;
	v60 =	vld.idx.msk [tilespmem:v51+s17+$0x0], $0xffff  }
0x109: {  	v10 =	vadd.f32 v20, v10;
	v54 =	vshll.u32 v58, $0x10;
	v42 =	vadd.s32 v2, v36;
	v62 =	vld.idx.msk [tilespmem:v53+s17+$0x0], $0xffff  }
0x10a: {  	v24 =	vand.u32 $0xFFFF0000, v58;
	v12 =	vadd.f32 v16, v12;
	v57 =	vadd.s32 v0, v45;
	v16 =	vld.idx.msk [tilespmem:v56+s17+$0x0], $0xffff  }
0x10b: {  	v10 =	vadd.f32 v15, v10;
	v34 =	vadd.s32 v4, v45;
	v14 =	vmul.f32 v39, v44;
	v27 =	vld.idx.msk [tilespmem:v59+s17+$0x0], $0xffff  }
0x10c: {  	v17 =	vmul.f32 v41, v26;
	v44 =	vadd.s32 v3, v36;
	v26 =	vmul.f32 v43, v50;
	v43 =	vld [tilespmem:s12+$0xB0]  }
0x10d: {  	v36 =	vadd.s32 v4, v36;
	v48 =	vmul.f32 v30, v52;
	v50 =	vbroadcast v35, $0x0;
	v49 =	vld.idx.msk [tilespmem:v40+s17+$0x0], $0xffff  }
0x10e: {  	v59 =	vadd.s32 v2, v45;
	v35 =	vand.u32 $0xFFFFFFFD, v37;
	v14 =	vmul.f32 v14, v31;
	v53 =	vld.idx.msk [tilespmem:v42+s17+$0x0], $0xffff  }
0x10f: {  	v41 =	vshll.u32 v47, $0x10;
	v51 =	vmul.f32 v17, v31;
	v52 =	vmul.f32 v26, v31;
	v39 =	vld.idx.msk [tilespmem:v57+s17+$0x0], $0xffff  }
0x110: {  	v15 =	vmul.f32 v48, v31;
	v40 =	vbroadcast v35, $0x0;
	v42 =	vand.u32 $0xFFFF0000, v47;
	v47 =	vld.idx.msk [tilespmem:v34+s17+$0x0], $0xffff  }
0x111: {  	s20 =	sadd.s32 $0xFFFFFFFF, s10;
	v31 =	vand.u32 $0xFFFF0000, v55;
	v11 =	vadd.f32 v14, v11;
	v13 =	vadd.f32 v51, v13;
	v56 =	vld.idx.msk [tilespmem:v44+s17+$0x0], $0xffff  }
0x112: {  	v12 =	vadd.f32 v52, v12;
	v10 =	vadd.f32 v15, v10;
	v52 =	vmov s20;
	v58 =	vld.idx.msk [tilespmem:v36+s17+$0x0], $0xffff  }
0x113: {  	v57 =	vshll.u32 v38, $0x10;
	v19 =	vmul.f32 v54, v60;
	v22 =	vmul.f32 v24, v62;
	v17 =	vld.idx.msk [tilespmem:v59+s17+$0x0], $0xffff  }
0x114: {  	v62 =	vshll.u32 v25, $0x10;
	v25 =	vand.u32 $0xFFFF0000, v25;
	v35 =	vand.u32 $0xFFFFFFFE, v52;
	v36 =	vld.idx.msk [tilespmem:v50+s25+$0x0], $0xffff  }
0x115: {  	v59 =	vand.u32 $0xFFFF0000, v38;
	v16 =	vmul.f32 v62, v16;
	v25 =	vmul.f32 v25, v27;
	v20 =	vld.idx.msk [tilespmem:v50+s13+$0x0], $0xffff  }
0x116: {  	v27 =	vbroadcast v35, $0x0;
	v62 =	vshll.u32 v43, $0x10;
	v35 =	vld [tilespmem:s12+$0x110];
	v60 =	vmul.f32 v19, v23  }
0x117: {  	v61 =	vmul.f32 v22, v23;
	v22 =	vld.idx.msk [tilespmem:v63+s13+$0x0], $0xffff;
	v63 =	vadd.s32 v3, v45;
	v18 =	vmul.f32 v41, v49  }
0x118: {  	v44 =	vmul.f32 v42, v53;
	v49 =	vshll.u32 v55, $0x10;
	v53 =	vld [tilespmem:s12+$0xC0];
	v16 =	vmul.f32 v16, v23  }
0x119: {  	v42 =	vld [tilespmem:s12+$0xE0];
	v23 =	vmul.f32 v25, v23;
	v11 =	vadd.f32 v60, v11;
	v18 =	vmul.f32 v18, v21  }
0x11a: {  	v13 =	vadd.f32 v61, v13;
	v15 =	vmul.f32 v57, v39;
	v14 =	vmul.f32 v31, v58;
	v58 =	vld [tilespmem:s12+$0xD0]  }
0x11b: {  	v51 =	vld.idx.msk [tilespmem:v40+s25+$0x0], $0xffff;
	v39 =	vand.u32 $0xFFFF0000, v43;
	v12 =	vadd.f32 v16, v12;
	v46 =	vadd.s32 v0, v36  }
0x11c: {  	v19 =	vld.idx.msk [tilespmem:v40+s13+$0x0], $0xffff;
	v16 =	vmul.f32 v44, v21;
	v24 =	vmul.f32 v49, v56;
	v48 =	vadd.s32 v2, v36  }
0x11d: {  	v10 =	vadd.f32 v23, v10;
	v17 =	vmul.f32 v59, v17;
	v50 =	vadd.s32 v3, v36;
	v45 =	vld.idx.msk [tilespmem:v63+s17+$0x0], $0xffff  }
0x11e: {  	v23 =	vmul.f32 v39, v47;
	v33 =	vadd.s32 v4, v36;
	v54 =	vmul.f32 v24, v21;
	v41 =	vld.idx.msk [tilespmem:v27+s25+$0x0], $0xffff  }
0x11f: {  	v14 =	vmul.f32 v14, v21;
	v49 =	vshll.u32 v58, $0x10;
	v21 =	vand.u32 $0xFFFF0000, v58;
	v58 =	vld [tilespmem:s12+$0x100]  }
0x120: {  	v11 =	vadd.f32 v18, v11;
	v13 =	vadd.f32 v16, v13;
	v61 =	vadd.s32 v0, v51;
	v55 =	vld.idx.msk [tilespmem:v46+s17+$0x0], $0xffff  }
0x121: {  	v37 =	vmul.f32 v15, v22;
	v17 =	vmul.f32 v17, v22;
	v36 =	vadd.s32 v2, v51;
	v56 =	vld.idx.msk [tilespmem:v48+s17+$0x0], $0xffff  }
0x122: {  	v44 =	vadd.s32 v4, v51;
	v12 =	vadd.f32 v54, v12;
	v10 =	vadd.f32 v14, v10;
	v60 =	vld.idx.msk [tilespmem:v50+s17+$0x0], $0xffff  }
0x123: {  	v40 =	vadd.s32 v3, v51;
	v11 =	vadd.f32 v37, v11;
	v13 =	vadd.f32 v17, v13;
	v63 =	vld.idx.msk [tilespmem:v33+s17+$0x0], $0xffff  }
0x124: {  	v33 =	vmov s10;
	v46 =	vshll.u32 v53, $0x10;
	v48 =	vand.u32 $0xFFFF0000, v53;
	v50 =	vld [tilespmem:s12+$0xF0]  }
0x125: {  	v38 =	vmul.f32 v62, v45;
	v45 =	vmul.f32 v23, v22;
	v52 =	vadd.s32 v0, v41;
	v43 =	vld.idx.msk [tilespmem:v61+s17+$0x0], $0xffff  }
0x126: {  	v54 =	vadd.s32 v2, v41;
	v57 =	vadd.s32 v3, v41;
	v29 =	vadd.s32 v4, v41;
	v47 =	vld.idx.msk [tilespmem:v36+s17+$0x0], $0xffff  }
0x127: {  	v17 =	vld.idx.msk [tilespmem:v44+s17+$0x0], $0xffff;
	v61 =	vand.u32 $0xFFFF0000, v42;
	v44 =	vshll.u32 v35, $0x10;
	v15 =	vmul.f32 v38, v22  }
0x128: {  	v51 =	vld.idx.msk [tilespmem:v40+s17+$0x0], $0xffff;
	v10 =	vadd.f32 v45, v10;
	v22 =	vmul.f32 v46, v55;
	v16 =	vmul.f32 v48, v56  }
0x129: {  	v12 =	vadd.f32 v15, v12;
	v18 =	vmul.f32 v49, v60;
	v55 =	vld.idx.msk [tilespmem:v33+s25+$0x0], $0xffff;
	v21 =	vmul.f32 v21, v63  }
0x12a: {  	v41 =	vld [tilespmem:s12+$0x120];
	v56 =	vshll.u32 v42, $0x10;
	v30 =	vshll.u32 v50, $0x10;
	v53 =	vmul.f32 v22, v20  }
0x12b: {  	v34 =	vand.u32 $0xFFFF0000, v50;
	v16 =	vmul.f32 v16, v20;
	v18 =	vmul.f32 v18, v20  }
0x12c: {  	v27 =	vld.idx.msk [tilespmem:v27+s13+$0x0], $0xffff;
	v15 =	vand.u32 $0xFFFF0000, v58;
	v14 =	vmul.f32 v56, v43;
	v59 =	vmul.f32 v21, v20  }
0x12d: {  	v49 =	vld [tilespmem:s12+$0x130];
	v50 =	vand.u32 $0xFFFF0000, v35;
	v20 =	vmul.f32 v61, v47;
	v23 =	vmul.f32 v30, v51  }
0x12e: {  	s20 =	sadd.s32 $0xFFFFFFDF, s11;
	v60 =	vld.idx.msk [tilespmem:v52+s17+$0x0], $0xffff;
	v17 =	vmul.f32 v34, v17;
	v43 =	vshll.u32 v58, $0x10;
	v63 =	vadd.s32 v0, v55  }
0x12f: {  	v62 =	vld.idx.msk [tilespmem:v54+s17+$0x0], $0xffff;
	v51 =	vshll.u32 v41, $0x10;
	v58 =	vor.u32 s20, v5;
	v37 =	vadd.s32 v2, v55  }
0x130: {  	v36 =	vld.idx.msk [tilespmem:v57+s17+$0x0], $0xffff;
	v11 =	vadd.f32 v53, v11;
	v13 =	vadd.f32 v16, v13;
	v42 =	vadd.s32 v3, v55  }
0x131: {  	v39 =	vld.idx.msk [tilespmem:v29+s17+$0x0], $0xffff;
	v12 =	vadd.f32 v18, v12;
	v14 =	vmul.f32 v14, v19;
	v28 =	vadd.s32 v4, v55  }
0x132: {  	v45 =	vld.idx.msk [tilespmem:v33+s13+$0x0], $0xffff;
	s20 =	sadd.s32 $0xFFFFFFE0, s11;
	v10 =	vadd.f32 v59, v10;
	v38 =	vmul.f32 v20, v19;
	v40 =	vmul.f32 v23, v19  }
0x133: {  	v17 =	vmul.f32 v17, v19;
	v59 =	vor.u32 s20, v5;
	v55 =	vand.u32 $0xFFFF0000, v41;
	v22 =	vld.idx.msk [tilespmem:v63+s17+$0x0], $0xffff  }
0x134: {  	v57 =	vshll.u32 v49, $0x10;
	v11 =	vadd.f32 v14, v11;
	v18 =	vmul.f32 v43, v60;
	v47 =	vld.idx.msk [tilespmem:v37+s17+$0x0], $0xffff  }
0x135: {  	v15 =	vmul.f32 v15, v62;
	v13 =	vadd.f32 v38, v13;
	v46 =	vmul.f32 v44, v36;
	v23 =	vld.idx.msk [tilespmem:v42+s17+$0x0], $0xffff  }
0x136: {  	v12 =	vadd.f32 v40, v12;
	v16 =	vmul.f32 v50, v39;
	v48 =	vmul.f32 v18, v27;
	v53 =	vld.idx.msk [tilespmem:v28+s17+$0x0], $0xffff  }
0x137: {  	s20 =	sadd.s32 $0xFFFFFFFF, s11;
	v10 =	vadd.f32 v17, v10;
	v15 =	vmul.f32 v15, v27;
	v14 =	vmul.f32 v46, v27  }
0x138: {  	v60 =	vor.u32 s20, v5;
	v54 =	vmul.f32 v16, v27;
	v52 =	vmul.f32 v51, v22  }
0x139: {  	v18 =	vand.u32 $0xFFFF0000, v49;
	v13 =	vadd.f32 v15, v13;
	v15 =	vmul.f32 v55, v47  }
0x13a: {  	v11 =	vadd.f32 v48, v11;
	v17 =	vmul.f32 v57, v23;
	v56 =	vmul.f32 v52, v45  }
0x13b: {  	v62 =	vor.u32 s11, v5;
	v18 =	vmul.f32 v18, v53;
	v15 =	vmul.f32 v15, v45  }
0x13c: {  	p0 =	sne.s32 s10, $0x3E7;
	v12 =	vadd.f32 v14, v12;
	v61 =	vmul.f32 v17, v45;
	v11 =	vadd.f32 v56, v11  }
.Ltmp4:
0x13d: {  	v10 =	vadd.f32 v54, v10;
	v63 =	vmul.f32 v18, v45;
	v13 =	vadd.f32 v15, v13;
	(pc) =	sbr.rel @p0 .LBB2_7-.Ltmp4, $4  }
0x13e: {  	v12 =	vadd.f32 v61, v12;
	[tilespmem:v58+s15+$0x0] =	vst.idx.msk $0xffff, v11  }
0x13f: {  	v10 =	vadd.f32 v63, v10;
	[tilespmem:v59+s15+$0x0] =	vst.idx.msk $0xffff, v13  }
0x140: {  	v9 =	vadd.f32 v11, v9;
	v8 =	vadd.f32 v13, v8;
	[tilespmem:v60+s15+$0x0] =	vst.idx.msk $0xffff, v12  }
0x141: {  	s10 =	sadd.s32 $0x14, s10;
	s12 =	sadd.s32 $0x280, s12;
	s11 =	sadd.s32 $0x40, s11;
	v7 =	vadd.f32 v12, v7;
	v6 =	vadd.f32 v10, v6;
	[tilespmem:v62+s15+$0x0] =	vst.idx.msk $0xffff, v10  }
0x142: {  	s10 =	sshll.u32 s0, $0x7  }
0x143: {  	v10 =	vor.u32 s10, v5;
	s11 =	sor.u32 $0x1, s10  }
0x144: {  	s20 =	sor.u32 $0x20, s10;
	v11 =	vor.u32 s11, v5  }
0x145: {  	s10 =	sor.u32 $0x21, s10;
	v12 =	vor.u32 s20, v5  }
0x146: {  	v13 =	vor.u32 s10, v5;
	_ =	sdelay $0x1  }
0x147: {  	p0 =	seq.s32 s0, $0xF;
	[tilespmem:v10+s26+$0x0] =	vst.idx.msk $0xffff, v9  }
.Ltmp5:
0x148: {  	[tilespmem:v11+s26+$0x0] =	vst.idx.msk $0xffff, v8;
	(pc) =	sbr.rel @p0 .LBB2_12-.Ltmp5, $4  }
0x149: {  	[tilespmem:v12+s26+$0x0] =	vst.idx.msk $0xffff, v7  }
0x14a: {  	[tilespmem:v13+s26+$0x0] =	vst.idx.msk $0xffff, v6  }
0x14b: {  	[hbm4b:s14+s3] =	stream.linear.scatter [tilespmem:s15], [sflag:$0x7], $0xC80, $0x38;
	[tilespmem:$0x15A40] =	vst v63  }
0x14c: {  	s1 =	sor.u32 $0x1, s1;
	s14 =	smov.u32 s8  }
0x14d: {  	s9 =	sshrl.u32 s9, $0x3  }
0x14e: {  	s9 =	sadd.s32 s4, s9  }
0x14f: {  	s10 =	simm.s32 $0x0;
	s20 =	simm.s32 $0x1;
	s9 =	sadd.s32 $0xFA, s9  }
0x150: {  	[tilespmem:s10], [sflag:$0x1] =	stream.linear.gather [hbm4b:s9+s10], $0x3E8, $0x38;
	[tilespmem:$0x15A40] =	vst v63  }
0x151: {  	_ =	swait.ge [sflag:s20], $0x3E8  }
0x152: {  	[sflag:s20] =	ssyncset.done $0x0  }
0x153: {  	s9 =	simm.s32 $0x0;
	[sflag:s20] =	ssyncadd.s32 $0xFFFFFC18  }
0x154: {  	v6 =	vld [tilespmem:s9+$0x0]  }
0x155: {  	s10 =	simm.s32 $0x40  }
.LBB2_10:
0x156: {  	p1 =	sne.s32 s10, $0xFC0  }
.Ltmp6:
0x157: {  	_ = 	snop;
	(pc) =	sbr.rel @p1 .LBB2_10-.Ltmp6, $4  }
0x158: {  	_ = 	snop  }
0x159: {  	s11 =	sshra.s32 s10, $0x2;
	s10 =	sadd.s32 $0x40, s10;
	v7 =	vand.u32 $0x1FFFF, v6;
	v8 =	vshrl.u32 v6, $0xB  }
0x15a: {  	v6 =	vld [tilespmem:s11+$0x0];
	[tilespmem:s9+$0x800] =	vst v7;
	v7 =	vand.u32 $0x1FC0, v8  }
0x15b: {  	[tilespmem:s9+$0x1000] =	vst v7;
	s9 =	smov.u32 s11  }
0x15c: {  	_ =	sdelay $0x2  }
0x15d: {  	v7 =	vand.u32 $0x1FFFF, v6;
	v6 =	vshrl.u32 v6, $0xB  }
0x15e: {  	[tilespmem:s9+$0x800] =	vst v7;
	v6 =	vand.u32 $0x1FC0, v6  }
0x15f: {  	[tilespmem:s9+$0x1000] =	vst v6  }
0x160: {  	[tilespmem:$0xBE8] =	vst v1  }
0x161: {  	s20 =	simm.s32 $0x800;
	s10 =	simm.s32 $0x2000;
	[tilespmem:$0xBF0] =	vst v1  }
0x162: {  	[tilespmem:s10], [sflag:$0x5] =	stream.indirect.gather [hbm4b:s7+s21], $0x20, s20, s21, $0xb8;
	[tilespmem:$0x15A40] =	vst v63  }
0x163: {  	s11 =	simm.s32 $0x880;
	s12 =	simm.s32 $0x3000  }
0x164: {  	[tilespmem:s12], [sflag:$0x5] =	stream.indirect.gather [hbm4b:s7+s21], $0x20, s11, s21, $0xb8;
	[tilespmem:$0x15A40] =	vst v63  }
0x165: {  	s14 =	simm.s32 $0x900;
	s20 =	simm.s32 $0x4000  }
0x166: {  	[tilespmem:s20], [sflag:$0x5] =	stream.indirect.gather [hbm4b:s7+s21], $0x20, s14, s21, $0xb8;
	[tilespmem:$0x15A40] =	vst v63  }
0x167: {  	s11 =	simm.s32 $0x980;
	s12 =	simm.s32 $0x5000  }
0x168: {  	[tilespmem:s12], [sflag:$0x5] =	stream.indirect.gather [hbm4b:s7+s21], $0x20, s11, s21, $0xb8;
	[tilespmem:$0x15A40] =	vst v63  }
0x169: {  	s14 =	simm.s32 $0xA00;
	s20 =	simm.s32 $0x6000  }
0x16a: {  	[tilespmem:s20], [sflag:$0x5] =	stream.indirect.gather [hbm4b:s7+s21], $0x20, s14, s21, $0xb8;
	[tilespmem:$0x15A40] =	vst v63  }
0x16b: {  	s14 =	sor.u32 s6, s1  }
0x16c: {  	s10 =	simm.s32 $0xA80;
	s11 =	simm.s32 $0x7000;
	s12 =	smul.u32 $0x3E8, s14  }
0x16d: {  	[tilespmem:s11], [sflag:$0x5] =	stream.indirect.gather [hbm4b:s7+s21], $0x20, s10, s21, $0xb8;
	[tilespmem:$0x15A40] =	vst v63  }
0x16e: {  	s20 =	simm.s32 $0xB00;
	s11 =	simm.s32 $0x8000;
	s9 =	sadd.s32 $0x3E8, s12  }
0x16f: {  	[tilespmem:s11], [sflag:$0x5] =	stream.indirect.gather [hbm4b:s7+s21], $0x20, s20, s21, $0xb8;
	[tilespmem:$0x15A40] =	vst v63  }
0x170: {  	s12 =	simm.s32 $0xB80;
	s20 =	simm.s32 $0x9000;
	s9 =	sshrl.u32 s9, $0x3  }
0x171: {  	[tilespmem:s20], [sflag:$0x5] =	stream.indirect.gather [hbm4b:s7+s21], $0x20, s12, s21, $0xb8;
	[tilespmem:$0x15A40] =	vst v63  }
0x172: {  	s9 =	sadd.s32 s5, s9  }
0x173: {  	[tilespmem:s13], [sflag:$0x3] =	stream.linear.gather [hbm4b:s9+s3], $0x3E8, $0x38;
	[tilespmem:$0x15A40] =	vst v63  }
.LBB2_12:
0x174: {  	_ =	swait.ge [sflag:s28], $0x3E8  }
0x175: {  	[sflag:s28] =	ssyncset.done $0x0  }
0x176: {  	[sflag:s28] =	ssyncadd.s32 $0xFFFFFC18  }
0x177: {  	_ =	swait.ge [sflag:s29], $0x1000  }
0x178: {  	[sflag:s29] =	ssyncset.done $0x0  }
0x179: {  	[sflag:s29] =	ssyncadd.s32 $0xFFFFF000  }
0x17a: {  	_ =	swait.ge [sflag:s29], $0x1000  }
0x17b: {  	[sflag:s29] =	ssyncset.done $0x0  }
0x17c: {  	[sflag:s29] =	ssyncadd.s32 $0xFFFFF000  }
0x17d: {  	_ =	swait.ge [sflag:s29], $0x1000  }
0x17e: {  	[sflag:s29] =	ssyncset.done $0x0  }
0x17f: {  	[sflag:s29] =	ssyncadd.s32 $0xFFFFF000  }
0x180: {  	_ =	swait.ge [sflag:s29], $0x1000  }
0x181: {  	[sflag:s29] =	ssyncset.done $0x0  }
0x182: {  	[sflag:s29] =	ssyncadd.s32 $0xFFFFF000  }
0x183: {  	_ =	swait.ge [sflag:s29], $0x1000  }
0x184: {  	[sflag:s29] =	ssyncset.done $0x0  }
0x185: {  	[sflag:s29] =	ssyncadd.s32 $0xFFFFF000  }
0x186: {  	_ =	swait.ge [sflag:s29], $0x1000  }
0x187: {  	[sflag:s29] =	ssyncset.done $0x0  }
0x188: {  	[sflag:s29] =	ssyncadd.s32 $0xFFFFF000  }
0x189: {  	_ =	swait.ge [sflag:s29], $0x1000  }
0x18a: {  	[sflag:s29] =	ssyncset.done $0x0  }
0x18b: {  	[sflag:s29] =	ssyncadd.s32 $0xFFFFF000  }
0x18c: {  	_ =	swait.ge [sflag:s29], $0x1000  }
0x18d: {  	[sflag:s29] =	ssyncset.done $0x0  }
0x18e: {  	[sflag:s29] =	ssyncadd.s32 $0xFFFFF000  }
0x18f: {  	s9 =	smul.u32 $0x190, s14;
	_ =	swait.ge [sflag:s30], $0xC80  }
0x190: {  	v6 =	vimm.f32 $0.0e+00;
	s10 =	simm.s32 $0x13;
	s11 =	simm.s32 $0x21;
	[sflag:s30] =	ssyncset.done $0x0  }
0x191: {  	s12 =	simm.s32 $0xA140;
	v7 =	vimm.f32 $0.0e+00;
	v8 =	vimm.f32 $0.0e+00;
	v9 =	vimm.f32 $0.0e+00;
	s9 =	sadd.s32 s2, s9;
	[sflag:s30] =	ssyncadd.s32 $0xFFFFF380  }
.LBB2_13:
0x192: {  	s20 =	sadd.s32 $0xFFFFFFED, s10  }
0x193: {  	v18 =	vld [tilespmem:s12+$0xFFFFFEC0];
	v10 =	vmov s20  }
0x194: {  	v19 =	vld [tilespmem:s12+$0xFFFFFED0];
	v10 =	vand.u32 $0xFFFFFFFC, v10  }
0x195: {  	v24 =	vld [tilespmem:s12+$0xFFFFFEE0];
	s20 =	sadd.s32 $0xFFFFFFEE, s10;
	v10 =	vbroadcast v10, $0x0  }
0x196: {  	v26 =	vld [tilespmem:s12+$0xFFFFFEF0];
	v12 =	vmov s20;
	s20 =	sadd.s32 $0xFFFFFFEF, s10  }
0x197: {  	v32 =	vld [tilespmem:s12+$0xFFFFFF00];
	v17 =	vmov s20;
	s20 =	sadd.s32 $0xFFFFFFF0, s10  }
0x198: {  	v34 =	vld [tilespmem:s12+$0xFFFFFF10];
	v25 =	vmov s20  }
0x199: {  	v51 =	vld [tilespmem:s12+$0xFFFFFF20];
	v12 =	vand.u32 $0xFFFFFFFD, v12  }
0x19a: {  	v39 =	vld [tilespmem:s12+$0xFFFFFF30];
	v12 =	vbroadcast v12, $0x0;
	s20 =	sadd.s32 $0xFFFFFFF1, s10  }
0x19b: {  	v17 =	vand.u32 $0xFFFFFFFE, v17;
	v31 =	vmov s20;
	s20 =	sadd.s32 $0xFFFFFFF2, s10;
	v11 =	vld.idx.msk [tilespmem:v10+s31+$0x0], $0xffff  }
0x19c: {  	v17 =	vbroadcast v17, $0x0;
	v38 =	vmov s20;
	s20 =	sadd.s32 $0xFFFFFFF3, s10;
	v10 =	vld.idx.msk [tilespmem:v10+s19+$0x0], $0xffff  }
0x19d: {  	v31 =	vand.u32 $0xFFFFFFFC, v31;
	v42 =	vmov s20;
	v30 =	vld.idx.msk [tilespmem:v25+s31+$0x0], $0xffff  }
0x19e: {  	v31 =	vbroadcast v31, $0x0;
	v42 =	vand.u32 $0xFFFFFFFE, v42;
	v25 =	vld.idx.msk [tilespmem:v25+s19+$0x0], $0xffff  }
0x19f: {  	v38 =	vand.u32 $0xFFFFFFFD, v38;
	v57 =	vbroadcast v42, $0x0;
	v42 =	vld [tilespmem:s12+$0xFFFFFFA0]  }
0x1a0: {  	v38 =	vbroadcast v38, $0x0;
	v16 =	vld.idx.msk [tilespmem:v12+s31+$0x0], $0xffff  }
0x1a1: {  	v12 =	vld.idx.msk [tilespmem:v12+s19+$0x0], $0xffff  }
0x1a2: {  	v23 =	vld.idx.msk [tilespmem:v17+s31+$0x0], $0xffff  }
0x1a3: {  	v17 =	vld.idx.msk [tilespmem:v17+s19+$0x0], $0xffff;
	v13 =	vadd.s32 v0, v11  }
0x1a4: {  	v37 =	vld.idx.msk [tilespmem:v31+s31+$0x0], $0xffff;
	v14 =	vadd.s32 v2, v11  }
0x1a5: {  	v31 =	vld.idx.msk [tilespmem:v31+s19+$0x0], $0xffff;
	v15 =	vadd.s32 v3, v11  }
0x1a6: {  	v11 =	vadd.s32 v4, v11;
	v41 =	vld.idx.msk [tilespmem:v38+s31+$0x0], $0xffff  }
0x1a7: {  	v20 =	vadd.s32 v0, v16;
	v47 =	vld.idx.msk [tilespmem:v57+s31+$0x0], $0xffff  }
0x1a8: {  	v21 =	vadd.s32 v2, v16;
	v13 =	vld.idx.msk [tilespmem:v13+s17+$0x0], $0xffff  }
0x1a9: {  	v22 =	vadd.s32 v3, v16;
	v14 =	vld.idx.msk [tilespmem:v14+s17+$0x0], $0xffff  }
0x1aa: {  	v16 =	vadd.s32 v4, v16;
	v15 =	vld.idx.msk [tilespmem:v15+s17+$0x0], $0xffff  }
0x1ab: {  	v27 =	vadd.s32 v0, v23;
	v11 =	vld.idx.msk [tilespmem:v11+s17+$0x0], $0xffff  }
0x1ac: {  	v28 =	vadd.s32 v2, v23;
	v20 =	vld.idx.msk [tilespmem:v20+s17+$0x0], $0xffff  }
0x1ad: {  	v33 =	vshll.u32 v18, $0x10;
	v18 =	vand.u32 $0xFFFF0000, v18;
	v29 =	vadd.s32 v3, v23;
	v21 =	vld.idx.msk [tilespmem:v21+s17+$0x0], $0xffff  }
0x1ae: {  	v35 =	vshll.u32 v19, $0x10;
	v19 =	vand.u32 $0xFFFF0000, v19;
	v23 =	vadd.s32 v4, v23;
	v22 =	vld.idx.msk [tilespmem:v22+s17+$0x0], $0xffff  }
0x1af: {  	v52 =	vshll.u32 v24, $0x10;
	v49 =	vadd.s32 v0, v30;
	v54 =	vadd.s32 v0, v37;
	v16 =	vld.idx.msk [tilespmem:v16+s17+$0x0], $0xffff  }
0x1b0: {  	v55 =	vadd.s32 v2, v37;
	v40 =	vadd.s32 v3, v37;
	v37 =	vadd.s32 v4, v37;
	v27 =	vld.idx.msk [tilespmem:v27+s17+$0x0], $0xffff  }
0x1b1: {  	v24 =	vand.u32 $0xFFFF0000, v24;
	v56 =	vshll.u32 v26, $0x10;
	v50 =	vadd.s32 v2, v30;
	v28 =	vld.idx.msk [tilespmem:v28+s17+$0x0], $0xffff  }
0x1b2: {  	v26 =	vand.u32 $0xFFFF0000, v26;
	v59 =	vshll.u32 v32, $0x10;
	v60 =	vand.u32 $0xFFFF0000, v32;
	v48 =	vld.idx.msk [tilespmem:v29+s17+$0x0], $0xffff  }
0x1b3: {  	v62 =	vshll.u32 v34, $0x10;
	v34 =	vand.u32 $0xFFFF0000, v34;
	v36 =	vadd.s32 v3, v30;
	v23 =	vld.idx.msk [tilespmem:v23+s17+$0x0], $0xffff  }
0x1b4: {  	v30 =	vadd.s32 v4, v30;
	v61 =	vadd.s32 v0, v41;
	v63 =	vadd.s32 v2, v41;
	v29 =	vld.idx.msk [tilespmem:v49+s17+$0x0], $0xffff  }
0x1b5: {  	v46 =	vadd.s32 v3, v41;
	v37 =	vld.idx.msk [tilespmem:v37+s17+$0x0], $0xffff;
	v13 =	vmul.f32 v33, v13;
	v14 =	vmul.f32 v18, v14  }
0x1b6: {  	v41 =	vadd.s32 v4, v41;
	v15 =	vmul.f32 v35, v15;
	v33 =	vld.idx.msk [tilespmem:v50+s17+$0x0], $0xffff;
	v11 =	vmul.f32 v19, v11  }
0x1b7: {  	v49 =	vshll.u32 v51, $0x10;
	v18 =	vld.idx.msk [tilespmem:v38+s19+$0x0], $0xffff;
	v19 =	vmul.f32 v52, v20;
	v53 =	vmul.f32 v24, v21  }
0x1b8: {  	s20 =	sadd.s32 $0xFFFFFFF4, s10;
	v51 =	vand.u32 $0xFFFF0000, v51;
	v38 =	vld [tilespmem:s12+$0xFFFFFF60];
	v22 =	vmul.f32 v56, v22;
	v16 =	vmul.f32 v26, v16  }
0x1b9: {  	v50 =	vmov s20;
	v35 =	vld [tilespmem:s12+$0xFFFFFF80];
	v13 =	vmul.f32 v13, v10;
	v14 =	vmul.f32 v14, v10  }
0x1ba: {  	v21 =	vld.idx.msk [tilespmem:v36+s17+$0x0], $0xffff;
	v52 =	vshll.u32 v39, $0x10;
	v15 =	vmul.f32 v15, v10;
	v10 =	vmul.f32 v11, v10  }
0x1bb: {  	v36 =	vld [tilespmem:s12+$0xFFFFFF40];
	v56 =	vand.u32 $0xFFFF0000, v39;
	v28 =	vmul.f32 v60, v28;
	v44 =	vmul.f32 v62, v48  }
0x1bc: {  	v26 =	vld.idx.msk [tilespmem:v57+s19+$0x0], $0xffff;
	v57 =	vadd.s32 v3, v47;
	v48 =	vmul.f32 v34, v23;
	v19 =	vmul.f32 v19, v12  }
0x1bd: {  	v11 =	vld.idx.msk [tilespmem:v30+s17+$0x0], $0xffff;
	v30 =	vadd.s32 v4, v47;
	v20 =	vmul.f32 v53, v12;
	v58 =	vmul.f32 v22, v12  }
0x1be: {  	s20 =	sadd.s32 $0xFFFFFFF5, s10;
	v24 =	vld.idx.msk [tilespmem:v54+s17+$0x0], $0xffff;
	v12 =	vmul.f32 v16, v12;
	v16 =	vmul.f32 v59, v27;
	v53 =	vadd.s32 v0, v47  }
0x1bf: {  	v23 =	vld.idx.msk [tilespmem:v63+s17+$0x0], $0xffff;
	v59 =	vmov s20;
	v13 =	vadd.f32 $0.0e+00, v13;
	v14 =	vadd.f32 $0.0e+00, v14  }
0x1c0: {  	v34 =	vld [tilespmem:s12+$0xFFFFFF90];
	v15 =	vadd.f32 $0.0e+00, v15;
	v10 =	vadd.f32 $0.0e+00, v10;
	v45 =	vmul.f32 v28, v17  }
0x1c1: {  	v22 =	vld [tilespmem:s12+$0xFFFFFF50];
	v16 =	vmul.f32 v16, v17;
	v13 =	vadd.f32 v19, v13;
	v14 =	vadd.f32 v20, v14  }
0x1c2: {  	v19 =	vld.idx.msk [tilespmem:v55+s17+$0x0], $0xffff;
	v15 =	vadd.f32 v58, v15;
	v10 =	vadd.f32 v12, v10;
	v12 =	vmul.f32 v44, v17  }
0x1c3: {  	v54 =	vmul.f32 v52, v21;
	v21 =	vld.idx.msk [tilespmem:v41+s17+$0x0], $0xffff;
	v55 =	vadd.s32 v2, v47;
	v41 =	vand.u32 $0xFFFFFFFC, v59  }
0x1c4: {  	v20 =	vld.idx.msk [tilespmem:v61+s17+$0x0], $0xffff;
	v60 =	vshll.u32 v36, $0x10;
	v61 =	vand.u32 $0xFFFF0000, v36;
	v11 =	vmul.f32 v56, v11  }
0x1c5: {  	v27 =	vld.idx.msk [tilespmem:v40+s17+$0x0], $0xffff;
	v13 =	vadd.f32 v16, v13;
	v12 =	vadd.f32 v12, v15;
	v16 =	vmul.f32 v48, v17  }
0x1c6: {  	s20 =	sadd.s32 $0xFFFFFFF6, s10;
	v58 =	vld.idx.msk [tilespmem:v50+s31+$0x0], $0xffff;
	v15 =	vmul.f32 v49, v29;
	v17 =	vmul.f32 v51, v33;
	v62 =	vshll.u32 v22, $0x10  }
0x1c7: {  	v28 =	vld.idx.msk [tilespmem:v46+s17+$0x0], $0xffff;
	v22 =	vand.u32 $0xFFFF0000, v22;
	v48 =	vmov s20;
	v11 =	vmul.f32 v11, v25  }
0x1c8: {  	v32 =	vld.idx.msk [tilespmem:v50+s19+$0x0], $0xffff;
	v22 =	vmul.f32 v22, v37;
	v39 =	vand.u32 $0xFFFFFFFD, v48;
	v15 =	vmul.f32 v15, v25  }
0x1c9: {  	v29 =	vld [tilespmem:s12+$0xFFFFFF70];
	v10 =	vadd.f32 v16, v10;
	v17 =	vmul.f32 v17, v25;
	v16 =	vmul.f32 v54, v25  }
0x1ca: {  	v14 =	vadd.f32 v45, v14;
	v51 =	vbroadcast v39, $0x0;
	v25 =	vld.idx.msk [tilespmem:v55+s17+$0x0], $0xffff;
	v19 =	vmul.f32 v61, v19  }
0x1cb: {  	v63 =	vadd.s32 v0, v58;
	v45 =	vadd.s32 v2, v58;
	v13 =	vadd.f32 v15, v13;
	v15 =	vld.idx.msk [tilespmem:v53+s17+$0x0], $0xffff  }
0x1cc: {  	v12 =	vadd.f32 v16, v12;
	v16 =	vmul.f32 v60, v24;
	v24 =	vmul.f32 v62, v27;
	v27 =	vld.idx.msk [tilespmem:v57+s17+$0x0], $0xffff  }
0x1cd: {  	v46 =	vadd.s32 v3, v58;
	v14 =	vadd.f32 v17, v14;
	v17 =	vbroadcast v41, $0x0;
	v41 =	vld [tilespmem:s12+$0x0]  }
0x1ce: {  	v52 =	vmul.f32 v22, v31;
	v10 =	vadd.f32 v11, v10;
	v11 =	vmul.f32 v16, v31;
	v16 =	vld.idx.msk [tilespmem:v30+s17+$0x0], $0xffff  }
0x1cf: {  	v19 =	vmul.f32 v19, v31;
	v24 =	vmul.f32 v24, v31;
	v31 =	vld [tilespmem:s12+$0xFFFFFFB0]  }
0x1d0: {  	v49 =	vshll.u32 v38, $0x10;
	v10 =	vadd.f32 v52, v10;
	v52 =	vld [tilespmem:s12+$0xFFFFFFE0]  }
0x1d1: {  	v44 =	vshll.u32 v34, $0x10;
	v50 =	vmul.f32 v49, v20;
	v20 =	vld.idx.msk [tilespmem:v63+s17+$0x0], $0xffff  }
0x1d2: {  	s20 =	sadd.s32 $0xFFFFFFF7, s10;
	v48 =	vshll.u32 v42, $0x10;
	v54 =	vand.u32 $0xFFFF0000, v38;
	v40 =	vadd.s32 v4, v58;
	v53 =	vld.idx.msk [tilespmem:v45+s17+$0x0], $0xffff  }
0x1d3: {  	v23 =	vmul.f32 v54, v23;
	v62 =	vmov s20;
	v55 =	vshll.u32 v29, $0x10;
	v57 =	vld.idx.msk [tilespmem:v46+s17+$0x0], $0xffff  }
0x1d4: {  	v29 =	vand.u32 $0xFFFF0000, v29;
	v38 =	vand.u32 $0xFFFFFFFE, v62;
	v56 =	vmul.f32 v55, v28;
	v61 =	vld.idx.msk [tilespmem:v51+s31+$0x0], $0xffff  }
0x1d5: {  	s20 =	sadd.s32 $0xFFFFFFF8, s10;
	v21 =	vmul.f32 v29, v21;
	v11 =	vadd.f32 v11, v13;
	v13 =	vmul.f32 v50, v18;
	v29 =	vld.idx.msk [tilespmem:v51+s19+$0x0], $0xffff  }
0x1d6: {  	v54 =	vmov s20;
	v38 =	vbroadcast v38, $0x0;
	v12 =	vadd.f32 v24, v12;
	v47 =	vld.idx.msk [tilespmem:v17+s31+$0x0], $0xffff  }
0x1d7: {  	v24 =	vmul.f32 v56, v18;
	v63 =	vshll.u32 v35, $0x10;
	v11 =	vadd.f32 v13, v11;
	v13 =	vld.idx.msk [tilespmem:v40+s17+$0x0], $0xffff  }
0x1d8: {  	v23 =	vmul.f32 v23, v18;
	v14 =	vadd.f32 v19, v14;
	v15 =	vmul.f32 v63, v15;
	v17 =	vld.idx.msk [tilespmem:v17+s19+$0x0], $0xffff  }
0x1d9: {  	v18 =	vmul.f32 v21, v18;
	v21 =	vmul.f32 v44, v27;
	v40 =	vld [tilespmem:s12+$0xFFFFFFC0];
	v12 =	vadd.f32 v24, v12  }
0x1da: {  	v24 =	vld [tilespmem:s12+$0xFFFFFFD0];
	v15 =	vmul.f32 v15, v26;
	v45 =	vadd.s32 v0, v61;
	v20 =	vmul.f32 v48, v20  }
0x1db: {  	v35 =	vand.u32 $0xFFFF0000, v35;
	v62 =	vld.idx.msk [tilespmem:v54+s31+$0x0], $0xffff;
	v21 =	vmul.f32 v21, v26;
	v46 =	vadd.s32 v2, v61  }
0x1dc: {  	v50 =	vld.idx.msk [tilespmem:v38+s31+$0x0], $0xffff;
	v11 =	vadd.f32 v15, v11;
	v49 =	vadd.s32 v3, v61;
	v20 =	vmul.f32 v20, v32  }
0x1dd: {  	v51 =	vand.u32 $0xFFFF0000, v42;
	v14 =	vadd.f32 v23, v14;
	v12 =	vadd.f32 v21, v12;
	v21 =	vld [tilespmem:s12+$0xFFFFFFF0]  }
0x1de: {  	s20 =	sadd.s32 $0xFFFFFFF9, s10;
	v43 =	vmul.f32 v35, v25;
	v58 =	vadd.s32 v0, v47;
	v11 =	vadd.f32 v20, v11;
	v20 =	vld.idx.msk [tilespmem:v38+s19+$0x0], $0xffff  }
0x1df: {  	v63 =	vmov s20;
	v22 =	vmul.f32 v51, v53;
	v59 =	vadd.s32 v2, v47;
	v27 =	vld.idx.msk [tilespmem:v45+s17+$0x0], $0xffff  }
0x1e0: {  	v10 =	vadd.f32 v18, v10;
	v23 =	vmul.f32 v43, v26;
	v60 =	vadd.s32 v3, v47;
	v18 =	vld.idx.msk [tilespmem:v46+s17+$0x0], $0xffff  }
0x1e1: {  	v36 =	vadd.s32 v4, v61;
	v37 =	vadd.s32 v4, v47;
	v55 =	vmul.f32 v22, v32;
	v22 =	vld.idx.msk [tilespmem:v49+s17+$0x0], $0xffff  }
0x1e2: {  	v47 =	vand.u32 $0xFFFF0000, v34;
	v44 =	vshll.u32 v24, $0x10;
	v45 =	vand.u32 $0xFFFF0000, v24;
	v24 =	vld [tilespmem:s12+$0x10]  }
0x1e3: {  	v14 =	vadd.f32 v23, v14;
	v48 =	vadd.s32 v2, v62;
	v16 =	vmul.f32 v47, v16;
	v30 =	vld.idx.msk [tilespmem:v58+s17+$0x0], $0xffff  }
0x1e4: {  	v53 =	vshll.u32 v31, $0x10;
	v23 =	vand.u32 $0xFFFF0000, v52;
	v34 =	vadd.s32 v4, v50;
	v19 =	vld.idx.msk [tilespmem:v59+s17+$0x0], $0xffff  }
0x1e5: {  	v16 =	vmul.f32 v16, v26;
	v26 =	vmul.f32 v53, v57;
	v57 =	vadd.s32 v0, v50;
	v25 =	vld.idx.msk [tilespmem:v60+s17+$0x0], $0xffff  }
0x1e6: {  	v42 =	vand.u32 $0xFFFF0000, v40;
	v51 =	vadd.s32 v3, v62;
	v46 =	vadd.s32 v0, v62;
	v15 =	vld.idx.msk [tilespmem:v37+s17+$0x0], $0xffff  }
0x1e7: {  	v35 =	vadd.s32 v4, v62;
	v47 =	vshll.u32 v52, $0x10;
	v58 =	vand.u32 $0xFFFF0000, v31;
	v31 =	vld.idx.msk [tilespmem:v36+s17+$0x0], $0xffff  }
0x1e8: {  	v14 =	vadd.f32 v55, v14;
	v59 =	vadd.s32 v2, v50;
	v13 =	vmul.f32 v58, v13;
	v58 =	vld.idx.msk [tilespmem:v48+s17+$0x0], $0xffff  }
0x1e9: {  	s20 =	sadd.s32 $0xFFFFFFFA, s10;
	v61 =	vadd.s32 v3, v50;
	v56 =	vmul.f32 v26, v32;
	v36 =	vand.u32 $0xFFFFFFFC, v63;
	v34 =	vld.idx.msk [tilespmem:v34+s17+$0x0], $0xffff  }
0x1ea: {  	v53 =	vmov s20;
	v36 =	vbroadcast v36, $0x0;
	v13 =	vmul.f32 v13, v32;
	v26 =	vld.idx.msk [tilespmem:v57+s17+$0x0], $0xffff  }
0x1eb: {  	v60 =	vshll.u32 v40, $0x10;
	v50 =	vmul.f32 v47, v27;
	v18 =	vmul.f32 v23, v18;
	v55 =	vld.idx.msk [tilespmem:v46+s17+$0x0], $0xffff  }
0x1ec: {  	v10 =	vadd.f32 v16, v10;
	v27 =	vld.idx.msk [tilespmem:v51+s17+$0x0], $0xffff;
	v16 =	vmul.f32 v60, v30;
	v43 =	vmul.f32 v42, v19  }
0x1ed: {  	v63 =	vand.u32 $0xFFFF0000, v41;
	v33 =	vld.idx.msk [tilespmem:v59+s17+$0x0], $0xffff;
	v19 =	vmul.f32 v44, v25;
	v15 =	vmul.f32 v45, v15  }
0x1ee: {  	v10 =	vadd.f32 v13, v10;
	v25 =	vld.idx.msk [tilespmem:v35+s17+$0x0], $0xffff;
	v16 =	vmul.f32 v16, v17;
	v13 =	vmul.f32 v43, v17  }
0x1ef: {  	v12 =	vadd.f32 v56, v12;
	v19 =	vmul.f32 v19, v17;
	v49 =	vmul.f32 v15, v17;
	v17 =	vld.idx.msk [tilespmem:v54+s19+$0x0], $0xffff  }
0x1f0: {  	v57 =	vshll.u32 v21, $0x10;
	v21 =	vand.u32 $0xFFFF0000, v21;
	v30 =	vand.u32 $0xFFFFFFFD, v53;
	v52 =	vld.idx.msk [tilespmem:v36+s31+$0x0], $0xffff  }
0x1f1: {  	s20 =	sadd.s32 $0xFFFFFFFB, s10;
	v47 =	vshll.u32 v24, $0x10;
	v24 =	vand.u32 $0xFFFF0000, v24;
	v56 =	vbroadcast v30, $0x0;
	v54 =	vld [tilespmem:s12+$0x20]  }
0x1f2: {  	v18 =	vmul.f32 v18, v29;
	v21 =	vmul.f32 v21, v31;
	v42 =	vmov s20;
	v31 =	vld.idx.msk [tilespmem:v36+s19+$0x0], $0xffff  }
0x1f3: {  	v59 =	vshll.u32 v41, $0x10;
	v15 =	vmul.f32 v50, v29;
	v43 =	vld [tilespmem:s12+$0x40];
	v36 =	vand.u32 $0xFFFFFFFE, v42  }
0x1f4: {  	v21 =	vmul.f32 v21, v29;
	v45 =	vbroadcast v36, $0x0;
	v11 =	vadd.f32 v16, v11;
	v16 =	vld.idx.msk [tilespmem:v61+s17+$0x0], $0xffff  }
0x1f5: {  	v24 =	vmul.f32 v24, v34;
	v13 =	vadd.f32 v13, v14;
	v14 =	vmul.f32 v57, v22;
	v22 =	vld [tilespmem:s12+$0x30]  }
0x1f6: {  	v12 =	vadd.f32 v19, v12;
	v10 =	vadd.f32 v49, v10;
	v61 =	vmul.f32 v59, v26;
	v49 =	vld [tilespmem:s12+$0x50]  }
0x1f7: {  	v11 =	vadd.f32 v15, v11;
	v13 =	vadd.f32 v18, v13;
	v14 =	vmul.f32 v14, v29;
	v41 =	vld.idx.msk [tilespmem:v56+s31+$0x0], $0xffff  }
0x1f8: {  	v18 =	vmul.f32 v61, v20;
	v48 =	vshll.u32 v54, $0x10;
	v54 =	vand.u32 $0xFFFF0000, v54;
	v23 =	vld.idx.msk [tilespmem:v56+s19+$0x0], $0xffff  }
0x1f9: {  	s20 =	sadd.s32 $0xFFFFFFFC, s10;
	v29 =	vmul.f32 v63, v33;
	v10 =	vadd.f32 v21, v10;
	v15 =	vmul.f32 v54, v58;
	v58 =	vld [tilespmem:s12+$0x60]  }
0x1fa: {  	v63 =	vmov s20;
	v60 =	vadd.s32 v0, v52;
	v62 =	vadd.s32 v2, v52;
	v36 =	vld.idx.msk [tilespmem:v45+s31+$0x0], $0xffff  }
0x1fb: {  	v40 =	vadd.s32 v3, v52;
	v28 =	vadd.s32 v4, v52;
	v39 =	vshll.u32 v43, $0x10;
	v21 =	vld.idx.msk [tilespmem:v45+s19+$0x0], $0xffff  }
0x1fc: {  	v46 =	vmul.f32 v29, v20;
	v16 =	vmul.f32 v47, v16;
	v61 =	vand.u32 $0xFFFF0000, v22;
	v47 =	vld [tilespmem:s12+$0x80]  }
0x1fd: {  	v19 =	vmul.f32 v48, v55;
	v55 =	vshll.u32 v22, $0x10;
	v38 =	vmul.f32 v61, v25;
	v25 =	vld [tilespmem:s12+$0x70]  }
0x1fe: {  	v12 =	vadd.f32 v14, v12;
	v11 =	vadd.f32 v18, v11;
	v57 =	vmul.f32 v55, v27;
	v55 =	vld [tilespmem:s12+$0x90]  }
0x1ff: {  	s20 =	sadd.s32 $0xFFFFFFFD, s10;
	v30 =	vand.u32 $0xFFFF0000, v49;
	v13 =	vadd.f32 v46, v13;
	v19 =	vmul.f32 v19, v17;
	v45 =	vld.idx.msk [tilespmem:v63+s31+$0x0], $0xffff  }
0x200: {  	v15 =	vmul.f32 v15, v17;
	v46 =	vmov s20;
	v44 =	vld.idx.msk [tilespmem:v60+s17+$0x0], $0xffff;
	v51 =	vadd.s32 v0, v41  }
0x201: {  	s20 =	sadd.s32 $0xFFFFFFFE, s10;
	v16 =	vmul.f32 v16, v20;
	v20 =	vmul.f32 v24, v20;
	v26 =	vld.idx.msk [tilespmem:v62+s17+$0x0], $0xffff;
	v53 =	vadd.s32 v2, v41  }
0x202: {  	v35 =	vand.u32 $0xFFFFFFFC, v46;
	v37 =	vmov s20;
	v50 =	vld.idx.msk [tilespmem:v40+s17+$0x0], $0xffff;
	v56 =	vadd.s32 v3, v41  }
0x203: {  	v52 =	vld.idx.msk [tilespmem:v28+s17+$0x0], $0xffff;
	v59 =	vadd.s32 v4, v41;
	v11 =	vadd.f32 v19, v11;
	v13 =	vadd.f32 v15, v13  }
0x204: {  	v15 =	vmul.f32 v38, v17;
	v41 =	vand.u32 $0xFFFF0000, v43;
	v43 =	vshll.u32 v49, $0x10;
	v38 =	vld [tilespmem:s12+$0xA0]  }
0x205: {  	v12 =	vadd.f32 v16, v12;
	v16 =	vmul.f32 v57, v17;
	v40 =	vadd.s32 v0, v36;
	v60 =	vld.idx.msk [tilespmem:v51+s17+$0x0], $0xffff  }
0x206: {  	v10 =	vadd.f32 v20, v10;
	v54 =	vshll.u32 v58, $0x10;
	v42 =	vadd.s32 v2, v36;
	v62 =	vld.idx.msk [tilespmem:v53+s17+$0x0], $0xffff  }
0x207: {  	v24 =	vand.u32 $0xFFFF0000, v58;
	v12 =	vadd.f32 v16, v12;
	v57 =	vadd.s32 v0, v45;
	v16 =	vld.idx.msk [tilespmem:v56+s17+$0x0], $0xffff  }
0x208: {  	v10 =	vadd.f32 v15, v10;
	v34 =	vadd.s32 v4, v45;
	v14 =	vmul.f32 v39, v44;
	v27 =	vld.idx.msk [tilespmem:v59+s17+$0x0], $0xffff  }
0x209: {  	v17 =	vmul.f32 v41, v26;
	v44 =	vadd.s32 v3, v36;
	v26 =	vmul.f32 v43, v50;
	v43 =	vld [tilespmem:s12+$0xB0]  }
0x20a: {  	v36 =	vadd.s32 v4, v36;
	v48 =	vmul.f32 v30, v52;
	v50 =	vbroadcast v35, $0x0;
	v49 =	vld.idx.msk [tilespmem:v40+s17+$0x0], $0xffff  }
0x20b: {  	v59 =	vadd.s32 v2, v45;
	v35 =	vand.u32 $0xFFFFFFFD, v37;
	v14 =	vmul.f32 v14, v31;
	v53 =	vld.idx.msk [tilespmem:v42+s17+$0x0], $0xffff  }
0x20c: {  	v41 =	vshll.u32 v47, $0x10;
	v51 =	vmul.f32 v17, v31;
	v52 =	vmul.f32 v26, v31;
	v39 =	vld.idx.msk [tilespmem:v57+s17+$0x0], $0xffff  }
0x20d: {  	v15 =	vmul.f32 v48, v31;
	v40 =	vbroadcast v35, $0x0;
	v42 =	vand.u32 $0xFFFF0000, v47;
	v47 =	vld.idx.msk [tilespmem:v34+s17+$0x0], $0xffff  }
0x20e: {  	s20 =	sadd.s32 $0xFFFFFFFF, s10;
	v31 =	vand.u32 $0xFFFF0000, v55;
	v11 =	vadd.f32 v14, v11;
	v13 =	vadd.f32 v51, v13;
	v56 =	vld.idx.msk [tilespmem:v44+s17+$0x0], $0xffff  }
0x20f: {  	v12 =	vadd.f32 v52, v12;
	v10 =	vadd.f32 v15, v10;
	v52 =	vmov s20;
	v58 =	vld.idx.msk [tilespmem:v36+s17+$0x0], $0xffff  }
0x210: {  	v57 =	vshll.u32 v38, $0x10;
	v19 =	vmul.f32 v54, v60;
	v22 =	vmul.f32 v24, v62;
	v17 =	vld.idx.msk [tilespmem:v59+s17+$0x0], $0xffff  }
0x211: {  	v62 =	vshll.u32 v25, $0x10;
	v25 =	vand.u32 $0xFFFF0000, v25;
	v35 =	vand.u32 $0xFFFFFFFE, v52;
	v36 =	vld.idx.msk [tilespmem:v50+s31+$0x0], $0xffff  }
0x212: {  	v59 =	vand.u32 $0xFFFF0000, v38;
	v16 =	vmul.f32 v62, v16;
	v25 =	vmul.f32 v25, v27;
	v20 =	vld.idx.msk [tilespmem:v50+s19+$0x0], $0xffff  }
0x213: {  	v27 =	vbroadcast v35, $0x0;
	v62 =	vshll.u32 v43, $0x10;
	v35 =	vld [tilespmem:s12+$0x110];
	v60 =	vmul.f32 v19, v23  }
0x214: {  	v61 =	vmul.f32 v22, v23;
	v22 =	vld.idx.msk [tilespmem:v63+s19+$0x0], $0xffff;
	v63 =	vadd.s32 v3, v45;
	v18 =	vmul.f32 v41, v49  }
0x215: {  	v44 =	vmul.f32 v42, v53;
	v49 =	vshll.u32 v55, $0x10;
	v53 =	vld [tilespmem:s12+$0xC0];
	v16 =	vmul.f32 v16, v23  }
0x216: {  	v42 =	vld [tilespmem:s12+$0xE0];
	v23 =	vmul.f32 v25, v23;
	v11 =	vadd.f32 v60, v11;
	v18 =	vmul.f32 v18, v21  }
0x217: {  	v13 =	vadd.f32 v61, v13;
	v15 =	vmul.f32 v57, v39;
	v14 =	vmul.f32 v31, v58;
	v58 =	vld [tilespmem:s12+$0xD0]  }
0x218: {  	v51 =	vld.idx.msk [tilespmem:v40+s31+$0x0], $0xffff;
	v39 =	vand.u32 $0xFFFF0000, v43;
	v12 =	vadd.f32 v16, v12;
	v46 =	vadd.s32 v0, v36  }
0x219: {  	v19 =	vld.idx.msk [tilespmem:v40+s19+$0x0], $0xffff;
	v16 =	vmul.f32 v44, v21;
	v24 =	vmul.f32 v49, v56;
	v48 =	vadd.s32 v2, v36  }
0x21a: {  	v10 =	vadd.f32 v23, v10;
	v17 =	vmul.f32 v59, v17;
	v50 =	vadd.s32 v3, v36;
	v45 =	vld.idx.msk [tilespmem:v63+s17+$0x0], $0xffff  }
0x21b: {  	v23 =	vmul.f32 v39, v47;
	v33 =	vadd.s32 v4, v36;
	v54 =	vmul.f32 v24, v21;
	v41 =	vld.idx.msk [tilespmem:v27+s31+$0x0], $0xffff  }
0x21c: {  	v14 =	vmul.f32 v14, v21;
	v49 =	vshll.u32 v58, $0x10;
	v21 =	vand.u32 $0xFFFF0000, v58;
	v58 =	vld [tilespmem:s12+$0x100]  }
0x21d: {  	v11 =	vadd.f32 v18, v11;
	v13 =	vadd.f32 v16, v13;
	v61 =	vadd.s32 v0, v51;
	v55 =	vld.idx.msk [tilespmem:v46+s17+$0x0], $0xffff  }
0x21e: {  	v37 =	vmul.f32 v15, v22;
	v17 =	vmul.f32 v17, v22;
	v36 =	vadd.s32 v2, v51;
	v56 =	vld.idx.msk [tilespmem:v48+s17+$0x0], $0xffff  }
0x21f: {  	v44 =	vadd.s32 v4, v51;
	v12 =	vadd.f32 v54, v12;
	v10 =	vadd.f32 v14, v10;
	v60 =	vld.idx.msk [tilespmem:v50+s17+$0x0], $0xffff  }
0x220: {  	v40 =	vadd.s32 v3, v51;
	v11 =	vadd.f32 v37, v11;
	v13 =	vadd.f32 v17, v13;
	v63 =	vld.idx.msk [tilespmem:v33+s17+$0x0], $0xffff  }
0x221: {  	v33 =	vmov s10;
	v46 =	vshll.u32 v53, $0x10;
	v48 =	vand.u32 $0xFFFF0000, v53;
	v50 =	vld [tilespmem:s12+$0xF0]  }
0x222: {  	v38 =	vmul.f32 v62, v45;
	v45 =	vmul.f32 v23, v22;
	v52 =	vadd.s32 v0, v41;
	v43 =	vld.idx.msk [tilespmem:v61+s17+$0x0], $0xffff  }
0x223: {  	v54 =	vadd.s32 v2, v41;
	v57 =	vadd.s32 v3, v41;
	v29 =	vadd.s32 v4, v41;
	v47 =	vld.idx.msk [tilespmem:v36+s17+$0x0], $0xffff  }
0x224: {  	v17 =	vld.idx.msk [tilespmem:v44+s17+$0x0], $0xffff;
	v61 =	vand.u32 $0xFFFF0000, v42;
	v44 =	vshll.u32 v35, $0x10;
	v15 =	vmul.f32 v38, v22  }
0x225: {  	v51 =	vld.idx.msk [tilespmem:v40+s17+$0x0], $0xffff;
	v10 =	vadd.f32 v45, v10;
	v22 =	vmul.f32 v46, v55;
	v16 =	vmul.f32 v48, v56  }
0x226: {  	v12 =	vadd.f32 v15, v12;
	v18 =	vmul.f32 v49, v60;
	v55 =	vld.idx.msk [tilespmem:v33+s31+$0x0], $0xffff;
	v21 =	vmul.f32 v21, v63  }
0x227: {  	v41 =	vld [tilespmem:s12+$0x120];
	v56 =	vshll.u32 v42, $0x10;
	v30 =	vshll.u32 v50, $0x10;
	v53 =	vmul.f32 v22, v20  }
0x228: {  	v34 =	vand.u32 $0xFFFF0000, v50;
	v16 =	vmul.f32 v16, v20;
	v18 =	vmul.f32 v18, v20  }
0x229: {  	v27 =	vld.idx.msk [tilespmem:v27+s19+$0x0], $0xffff;
	v15 =	vand.u32 $0xFFFF0000, v58;
	v14 =	vmul.f32 v56, v43;
	v59 =	vmul.f32 v21, v20  }
0x22a: {  	v49 =	vld [tilespmem:s12+$0x130];
	v50 =	vand.u32 $0xFFFF0000, v35;
	v20 =	vmul.f32 v61, v47;
	v23 =	vmul.f32 v30, v51  }
0x22b: {  	s20 =	sadd.s32 $0xFFFFFFDF, s11;
	v60 =	vld.idx.msk [tilespmem:v52+s17+$0x0], $0xffff;
	v17 =	vmul.f32 v34, v17;
	v43 =	vshll.u32 v58, $0x10;
	v63 =	vadd.s32 v0, v55  }
0x22c: {  	v62 =	vld.idx.msk [tilespmem:v54+s17+$0x0], $0xffff;
	v51 =	vshll.u32 v41, $0x10;
	v58 =	vor.u32 s20, v5;
	v37 =	vadd.s32 v2, v55  }
0x22d: {  	v36 =	vld.idx.msk [tilespmem:v57+s17+$0x0], $0xffff;
	v11 =	vadd.f32 v53, v11;
	v13 =	vadd.f32 v16, v13;
	v42 =	vadd.s32 v3, v55  }
0x22e: {  	v39 =	vld.idx.msk [tilespmem:v29+s17+$0x0], $0xffff;
	v12 =	vadd.f32 v18, v12;
	v14 =	vmul.f32 v14, v19;
	v28 =	vadd.s32 v4, v55  }
0x22f: {  	v45 =	vld.idx.msk [tilespmem:v33+s19+$0x0], $0xffff;
	s20 =	sadd.s32 $0xFFFFFFE0, s11;
	v10 =	vadd.f32 v59, v10;
	v38 =	vmul.f32 v20, v19;
	v40 =	vmul.f32 v23, v19  }
0x230: {  	v17 =	vmul.f32 v17, v19;
	v59 =	vor.u32 s20, v5;
	v55 =	vand.u32 $0xFFFF0000, v41;
	v22 =	vld.idx.msk [tilespmem:v63+s17+$0x0], $0xffff  }
0x231: {  	v57 =	vshll.u32 v49, $0x10;
	v11 =	vadd.f32 v14, v11;
	v18 =	vmul.f32 v43, v60;
	v47 =	vld.idx.msk [tilespmem:v37+s17+$0x0], $0xffff  }
0x232: {  	v15 =	vmul.f32 v15, v62;
	v13 =	vadd.f32 v38, v13;
	v46 =	vmul.f32 v44, v36;
	v23 =	vld.idx.msk [tilespmem:v42+s17+$0x0], $0xffff  }
0x233: {  	v12 =	vadd.f32 v40, v12;
	v16 =	vmul.f32 v50, v39;
	v48 =	vmul.f32 v18, v27;
	v53 =	vld.idx.msk [tilespmem:v28+s17+$0x0], $0xffff  }
0x234: {  	s20 =	sadd.s32 $0xFFFFFFFF, s11;
	v10 =	vadd.f32 v17, v10;
	v15 =	vmul.f32 v15, v27;
	v14 =	vmul.f32 v46, v27  }
0x235: {  	v60 =	vor.u32 s20, v5;
	v54 =	vmul.f32 v16, v27;
	v52 =	vmul.f32 v51, v22  }
0x236: {  	v18 =	vand.u32 $0xFFFF0000, v49;
	v13 =	vadd.f32 v15, v13;
	v15 =	vmul.f32 v55, v47  }
0x237: {  	v11 =	vadd.f32 v48, v11;
	v17 =	vmul.f32 v57, v23;
	v56 =	vmul.f32 v52, v45  }
0x238: {  	v62 =	vor.u32 s11, v5;
	v18 =	vmul.f32 v18, v53;
	v15 =	vmul.f32 v15, v45  }
0x239: {  	p1 =	sne.s32 s10, $0x3E7;
	v12 =	vadd.f32 v14, v12;
	v61 =	vmul.f32 v17, v45;
	v11 =	vadd.f32 v56, v11  }
.Ltmp7:
0x23a: {  	v10 =	vadd.f32 v54, v10;
	v63 =	vmul.f32 v18, v45;
	v13 =	vadd.f32 v15, v13;
	(pc) =	sbr.rel @p1 .LBB2_13-.Ltmp7, $4  }
0x23b: {  	v12 =	vadd.f32 v61, v12;
	[tilespmem:v58+s16+$0x0] =	vst.idx.msk $0xffff, v11  }
0x23c: {  	v10 =	vadd.f32 v63, v10;
	[tilespmem:v59+s16+$0x0] =	vst.idx.msk $0xffff, v13  }
0x23d: {  	v9 =	vadd.f32 v11, v9;
	v8 =	vadd.f32 v13, v8;
	[tilespmem:v60+s16+$0x0] =	vst.idx.msk $0xffff, v12  }
0x23e: {  	s10 =	sadd.s32 $0x14, s10;
	s12 =	sadd.s32 $0x280, s12;
	s11 =	sadd.s32 $0x40, s11;
	v7 =	vadd.f32 v12, v7;
	v6 =	vadd.f32 v10, v6;
	[tilespmem:v62+s16+$0x0] =	vst.idx.msk $0xffff, v10  }
0x23f: {  	s1 =	sshll.u32 s1, $0x6  }
0x240: {  	v10 =	vor.u32 s1, v5;
	s10 =	sor.u32 $0x1, s1  }
0x241: {  	s20 =	sor.u32 $0x20, s1;
	v11 =	vor.u32 s10, v5  }
0x242: {  	s1 =	sor.u32 $0x21, s1;
	v12 =	vor.u32 s20, v5  }
0x243: {  	v13 =	vor.u32 s1, v5;
	_ =	sdelay $0x1  }
.Ltmp8:
0x244: {  	[tilespmem:v10+s26+$0x0] =	vst.idx.msk $0xffff, v9;
	(pc) =	sbr.rel @p0 .LBB2_16-.Ltmp8, $4  }
0x245: {  	[tilespmem:v11+s26+$0x0] =	vst.idx.msk $0xffff, v8  }
0x246: {  	[tilespmem:v12+s26+$0x0] =	vst.idx.msk $0xffff, v7  }
0x247: {  	[tilespmem:v13+s26+$0x0] =	vst.idx.msk $0xffff, v6  }
0x248: {  	[hbm4b:s9+s3] =	stream.linear.scatter [tilespmem:s16], [sflag:$0x8], $0xC80, $0x38;
	[tilespmem:$0x15A40] =	vst v63  }
0x249: {  	s1 =	smul.u32 $0x3E8, s14  }
.Ltmp9:
0x24a: {  	_ = 	snop;
	(pc) =	sbr.rel .LBB2_4-.Ltmp9, $4  }
0x24b: {  	s1 =	sshrl.u32 s1, $0x3  }
0x24c: {  	s1 =	sadd.s32 s4, s1  }
0x24d: {  	s9 =	simm.s32 $0x400;
	s0 =	sadd.s32 $0x1, s0;
	s1 =	sadd.s32 $0xFA, s1  }
0x24e: {  	[tilespmem:s9], [sflag:$0x2] =	stream.linear.gather [hbm4b:s1+s3], $0x3E8, $0x38;
	[tilespmem:$0x15A40] =	vst v63  }
.LBB2_17:
0x24f: {  	_ =	sfence.sel $0x180000  }
0x250: {  	[bflag:$0x0] =	sbarrier.arrive $0xFFFF  }
0x251: {  	_ =	strace $0x90000047  }
0x252: {  	s0 =	stileid.u32;
	[bflag:$0x2] =	sbarrier.arrive $0xFFFF  }
0x253: {  	p0 =	sne.s32 s0, $0x0;
	s0 =	rddreg [dreg:$0x2]  }
0x254: {  	s0 =	sadd.s32 @!p0 $0x100000, s0  }
0x255: {  	[sflag:s0] =	ssyncadd.tile.s32 @!p0 $0x1;
	_ =	shalt  }
.Lfunc_end2:
_tile_overlayer_lowered:
.L_overlay_start_2:
0x256: {  	(tag) =	ssettag $0x2  }
0x257: {  	s0 =	rddreg [dreg:$0x0];
	s2 =	stileid.u32  }
0x258: {  	s1 =	rddreg [dreg:$0x1];
	p0 =	sne.s32 s2, $0x0  }
0x259: {  	s3 =	rddreg [dreg:$0x2];
	[bflag:$0x3] =	sbarrier.arrive $0xFFFF;
	s2 =	simm.s32 @!p0 $0x1C09  }
0x25a: {  	[timem:s3], [sflag:s2] =	dma.local @!p0 [hbm:s0], s1  }
0x25b: {  	s0 =	simm.s32 @!p0 $0x9  }
0x25c: {  	_ =	swait.ge @!p0 [sflag:s0], s1  }
0x25d: {  	s1 =	ssub.s32 @!p0 $0x0, s1;
	[sflag:s0] =	ssyncset.done @!p0 $0x0  }
0x25e: {  	[sflag:s0] =	ssyncadd.s32 @!p0 s1  }
0x25f: {  	[bflag:$0x3] =	sbarrier.arrive $0xFFFF  }
0x260: {  	_ =	shalt  }

</sc_bundles>
